<compile_context>
chip_gen: v7x
topology: tpu7x:2x2x1
jax: 0.10.2.dev20260603
libtpu: 0.0.44.dev20260713+nightly
codegen_flags: <defaults>
</compile_context>

<pallas_src>
import functools

import jax
import jax.numpy as jnp
from jax import lax
from jax.experimental import pallas as pl
from jax.experimental.pallas import tpu as pltpu
from jax.experimental.pallas import tpu_sc as plsc

N = 10000
E = 320000
IN = 128
HID = 256
OUT = 128

NTILE = 16
EPT = E // NTILE
CHUNK = 128
EPTP = 20480
NCH = EPTP // CHUNK
NPAD = 10240
ROWS_PT = NPAD // NTILE

_mesh = plsc.VectorSubcoreMesh(core_axis_name="c", subcore_axis_name="s")


NHIST = 4
DEG_BPB = 8
DEG_ITC = 2 * DEG_BPB
DEG_NBT = 10


@functools.partial(
    pl.kernel,
    out_type=jax.ShapeDtypeStruct((2 * NPAD,), jnp.float32),
    mesh=_mesh,
    scratch_types=[
        pltpu.VMEM((DEG_BPB, CHUNK), jnp.int32),
        pltpu.VMEM((DEG_BPB, CHUNK), jnp.int32),
        pltpu.VMEM((CHUNK,), jnp.float32),
        pltpu.VMEM((NHIST, ROWS_PT), jnp.float32),
        pltpu.VMEM((ROWS_PT,), jnp.float32),
        pltpu.VMEM_SHARED((NPAD,), jnp.float32),
        pltpu.VMEM_SHARED((NPAD,), jnp.float32),
        pltpu.VMEM_SHARED((NPAD,), jnp.float32),
        pltpu.VMEM_SHARED((NPAD,), jnp.float32),
        pltpu.SemaphoreType.DMA,
        pltpu.SemaphoreType.DMA,
        pltpu.SemaphoreType.DMA,
        pltpu.SemaphoreType.DMA,
        pltpu.SemaphoreType.DMA,
        pltpu.SemaphoreType.DMA,
    ],
)
def _deg(edges4_hbm, z_hbm, out_hbm, a_i, b_i, ones_v, part_v, red_v,
         h0, h1, h2, h3, sem_a, sem_b, ss0, ss1, ss2, ss3):
    c = lax.axis_index("c")
    s = lax.axis_index("s")
    hists = (h0, h1, h2, h3)
    ssems = (ss0, ss1, ss2, ss3)
    for k in range(CHUNK // 16):
        ones_v[pl.ds(k * 16, 16)] = jnp.ones((16,), jnp.float32)
    stripe = s * ROWS_PT
    for j in range(NHIST):
        pltpu.sync_copy(z_hbm.at[pl.ds(stripe, ROWS_PT)],
                        hists[j].at[pl.ds(stripe, ROWS_PT)])
    plsc.subcore_barrier()

    def idx_block(buf, row0, sem):
        return pltpu.make_async_copy(edges4_hbm.at[c, s].at[pl.ds(row0,
                                                                  DEG_BPB)],
                                     buf, sem)

    def scat(idx_slice, j):
        return pltpu.make_async_copy(ones_v, hists[j].at[idx_slice],
                                     ssems[j])

    idx_block(a_i, 0, sem_a).start()
    slices = ([a_i.at[i] for i in range(DEG_BPB)]
              + [b_i.at[i] for i in range(DEG_BPB)])

    def body(k, carry):
        g0 = k * DEG_ITC
        idx_block(a_i, g0, sem_a).wait()
        for h in range(DEG_ITC):
            g = g0 + h
            j = h % NHIST
            pd = slices[h - NHIST] if h >= NHIST else slices[DEG_ITC
                                                             - NHIST + h]

            @pl.when(jnp.logical_and(g >= NHIST, g - NHIST < NCH))
            def _(pd=pd, j=j):
                scat(pd, j).wait()

            if h == NHIST:
                idx_block(b_i, g0 + DEG_BPB, sem_b).start()
            if h == DEG_BPB:
                idx_block(b_i, g0 + DEG_BPB, sem_b).wait()
            if h == DEG_BPB + NHIST:
                @pl.when(k + 1 < DEG_NBT)
                def _():
                    idx_block(a_i, g0 + DEG_ITC, sem_a).start()

            ps = slices[h]

            @pl.when(g < NCH)
            def _(ps=ps, j=j):
                scat(ps, j).start(add=True)

        return carry

    lax.fori_loop(0, DEG_NBT, body, 0)
    for t in range(NHIST):
        scat(slices[DEG_ITC - NHIST + t], (NCH - NHIST + t) % NHIST).wait()
    plsc.subcore_barrier()
    for j in range(NHIST):
        pltpu.sync_copy(hists[j].at[pl.ds(stripe, ROWS_PT)],
                        part_v.at[j])

    def red(i, carry):
        sl = pl.ds(i * 16, 16)
        red_v[sl] = (part_v[0, sl] + part_v[1, sl]
                     + part_v[2, sl] + part_v[3, sl])
        return carry

    lax.fori_loop(0, ROWS_PT // 16, red, 0)
    pltpu.sync_copy(red_v, out_hbm.at[pl.ds(c * NPAD + stripe, ROWS_PT)])


BPB = 8
ITC = 2 * BPB


def _edge_pipeline(tab, acc_sh, src3, dst3, p, nch, nbt,
                   a_s, a_d, b_s, b_d, rows_v, sem_a, sem_b, gsems, ssems):

    def idx_block(bufs, bufd, row0, sem):
        return (pltpu.make_async_copy(src3.at[p, pl.ds(row0, BPB)],
                                      bufs, sem),
                pltpu.make_async_copy(dst3.at[p, pl.ds(row0, BPB)],
                                      bufd, sem))

    def start_block(bufs, bufd, row0, sem):
        x, y = idx_block(bufs, bufd, row0, sem)
        x.start()
        y.start()

    def wait_block(bufs, bufd, row0, sem):
        x, y = idx_block(bufs, bufd, row0, sem)
        x.wait()
        y.wait()

    def gath(s_slice, r):
        return pltpu.make_async_copy(tab.at[s_slice], rows_v.at[r],
                                     gsems[r])

    def scat(d_slice, r):
        return pltpu.make_async_copy(rows_v.at[r], acc_sh.at[d_slice],
                                     ssems[r])

    start_block(a_s, a_d, 0, sem_a)
    slices = ([(a_s.at[i], a_d.at[i]) for i in range(BPB)]
              + [(b_s.at[i], b_d.at[i]) for i in range(BPB)])

    def body(k, carry):
        g0 = k * ITC
        wait_block(a_s, a_d, g0, sem_a)
        for h in range(ITC):
            g = g0 + h
            r = h % 2
            if h == 2:
                start_block(b_s, b_d, g0 + BPB, sem_b)
            if h == BPB:
                wait_block(b_s, b_d, g0 + BPB, sem_b)
            if h == BPB + 2:
                @pl.when(k + 1 < nbt)
                def _():
                    start_block(a_s, a_d, g0 + ITC, sem_a)

            ps = slices[h][0]

            @pl.when(g < nch)
            def _(ps=ps, r=r):
                gath(ps, r).start()

            qs, qd = slices[h - 1] if h >= 1 else slices[ITC - 1]
            rq = (h - 1) % 2

            @pl.when(jnp.logical_and(g >= 1, g - 1 < nch))
            def _(qs=qs, qd=qd, rq=rq):
                gath(qs, rq).wait()
                d = scat(qd, rq)
                d.start(add=True)
                d.wait()

        return carry

    lax.fori_loop(0, nbt, body, 0)
    qs, qd = slices[ITC - 1]
    gath(qs, (ITC - 1) % 2).wait()
    d = scat(qd, (ITC - 1) % 2)
    d.start(add=True)
    d.wait()


NCHT = EPTP // CHUNK
NBT1 = 10
NCHP1 = NBT1 * ITC


@functools.partial(
    pl.kernel,
    out_type=jax.ShapeDtypeStruct((2 * NPAD, HID // 2), jnp.float32),
    mesh=_mesh,
    scratch_types=[
        pltpu.VMEM((BPB, CHUNK), jnp.int32),
        pltpu.VMEM((BPB, CHUNK), jnp.int32),
        pltpu.VMEM((BPB, CHUNK), jnp.int32),
        pltpu.VMEM((BPB, CHUNK), jnp.int32),
        pltpu.VMEM((2, CHUNK, HID // 2), jnp.float32),
        pltpu.VMEM_SHARED((NPAD, HID // 2), jnp.float32),
        pltpu.SemaphoreType.DMA,
        pltpu.SemaphoreType.DMA,
        pltpu.SemaphoreType.DMA,
        pltpu.SemaphoreType.DMA,
        pltpu.SemaphoreType.DMA,
        pltpu.SemaphoreType.DMA,
    ],
)
def _agg_l1(h_hbm, src3_hbm, dst3_hbm, z_hbm, out_hbm,
            a_s, a_d, b_s, b_d, rows_v, acc_sh,
            sem_a, sem_b, gs0, gs1, ss0, ss1):
    c = lax.axis_index("c")
    s = lax.axis_index("s")
    r0 = s * ROWS_PT
    pltpu.sync_copy(z_hbm.at[pl.ds(r0, ROWS_PT)],
                    acc_sh.at[pl.ds(r0, ROWS_PT)])
    plsc.subcore_barrier()
    _edge_pipeline(h_hbm.at[c], acc_sh, src3_hbm, dst3_hbm, s, NCHT, NBT1,
                   a_s, a_d, b_s, b_d, rows_v, sem_a, sem_b,
                   (gs0, gs1), (ss0, ss1))
    plsc.subcore_barrier()
    pltpu.sync_copy(acc_sh.at[pl.ds(r0, ROWS_PT)],
                    out_hbm.at[pl.ds(c * NPAD + r0, ROWS_PT)])


NPART = 2 * NTILE
EPT2 = E // NPART
EPT2P = 10240
NCHT2 = EPT2P // CHUNK
NBT2 = 5
NCHP2 = NBT2 * ITC


@functools.partial(
    pl.kernel,
    out_type=jax.ShapeDtypeStruct((2 * NPAD, OUT), jnp.float32),
    mesh=_mesh,
    scratch_types=[
        pltpu.VMEM((BPB, CHUNK), jnp.int32),
        pltpu.VMEM((BPB, CHUNK), jnp.int32),
        pltpu.VMEM((BPB, CHUNK), jnp.int32),
        pltpu.VMEM((BPB, CHUNK), jnp.int32),
        pltpu.VMEM((2, CHUNK, OUT), jnp.float32),
        pltpu.VMEM_SHARED((NPAD, OUT), jnp.float32),
        pltpu.SemaphoreType.DMA,
        pltpu.SemaphoreType.DMA,
        pltpu.SemaphoreType.DMA,
        pltpu.SemaphoreType.DMA,
        pltpu.SemaphoreType.DMA,
        pltpu.SemaphoreType.DMA,
    ],
)
def _agg_l2(h_hbm, src3_hbm, dst3_hbm, z_hbm, out_hbm,
            a_s, a_d, b_s, b_d, rows_v, acc_sh,
            sem_a, sem_b, gs0, gs1, ss0, ss1):
    c = lax.axis_index("c")
    s = lax.axis_index("s")
    r0 = s * ROWS_PT
    pltpu.sync_copy(z_hbm.at[pl.ds(r0, ROWS_PT)],
                    acc_sh.at[pl.ds(r0, ROWS_PT)])
    plsc.subcore_barrier()
    _edge_pipeline(h_hbm, acc_sh, src3_hbm, dst3_hbm, c * NTILE + s,
                   NCHT2, NBT2, a_s, a_d, b_s, b_d, rows_v, sem_a, sem_b,
                   (gs0, gs1), (ss0, ss1))
    plsc.subcore_barrier()
    pltpu.sync_copy(acc_sh.at[pl.ds(r0, ROWS_PT)],
                    out_hbm.at[pl.ds(c * NPAD + r0, ROWS_PT)])


_BLKP = 640
_BLK = 1000


def _b1_body(x_ref, w_ref, deg_ref, out_ref):
    h = jnp.dot(x_ref[...], w_ref[...], preferred_element_type=jnp.float32)
    ns = lax.rsqrt(jnp.maximum(deg_ref[...], 1.0))
    out_ref[0] = h[:, :HID // 2] * ns
    out_ref[1] = h[:, HID // 2:] * ns


def _b1(x, w1, deg_out):
    return pl.pallas_call(
        _b1_body,
        grid=(NPAD // _BLKP,),
        in_specs=[
            pl.BlockSpec((_BLKP, IN), lambda i: (i, 0)),
            pl.BlockSpec((IN, HID), lambda i: (0, 0)),
            pl.BlockSpec((_BLKP, 1), lambda i: (i, 0)),
        ],
        out_specs=pl.BlockSpec((2, _BLKP, HID // 2), lambda i: (0, i, 0)),
        out_shape=jax.ShapeDtypeStruct((2, NPAD, HID // 2), jnp.float32),
    )(x, w1, deg_out)


def _b2_body(a_ref, di_ref, do_ref, b1_ref, w2a_ref, w2b_ref, out_ref):
    nd = lax.rsqrt(jnp.maximum(di_ref[...], 1.0))
    ns = lax.rsqrt(jnp.maximum(do_ref[...], 1.0))
    b = b1_ref[...]
    u0 = jnp.maximum(a_ref[0] * nd + b[:, :HID // 2], 0.0)
    u1 = jnp.maximum(a_ref[1] * nd + b[:, HID // 2:], 0.0)
    h2 = (jnp.dot(u0, w2a_ref[...], preferred_element_type=jnp.float32)
          + jnp.dot(u1, w2b_ref[...], preferred_element_type=jnp.float32))
    out_ref[...] = h2 * ns


def _b2(agg1, deg_in, deg_out, b1, w2a, w2b):
    return pl.pallas_call(
        _b2_body,
        grid=(NPAD // _BLKP,),
        in_specs=[
            pl.BlockSpec((2, _BLKP, HID // 2), lambda i: (0, i, 0)),
            pl.BlockSpec((_BLKP, 1), lambda i: (i, 0)),
            pl.BlockSpec((_BLKP, 1), lambda i: (i, 0)),
            pl.BlockSpec((1, HID), lambda i: (0, 0)),
            pl.BlockSpec((HID // 2, OUT), lambda i: (0, 0)),
            pl.BlockSpec((HID // 2, OUT), lambda i: (0, 0)),
        ],
        out_specs=pl.BlockSpec((_BLKP, OUT), lambda i: (i, 0)),
        out_shape=jax.ShapeDtypeStruct((NPAD, OUT), jnp.float32),
    )(agg1, deg_in, deg_out, b1, w2a, w2b)


def _b3_body(a_ref, di_ref, b2_ref, out_ref):
    nd = lax.rsqrt(jnp.maximum(di_ref[...], 1.0))
    out_ref[...] = (a_ref[0] + a_ref[1]) * nd + b2_ref[...]


def _b3(agg2, deg_in, b2):
    return pl.pallas_call(
        _b3_body,
        grid=(N // _BLK,),
        in_specs=[
            pl.BlockSpec((2, _BLK, OUT), lambda i: (0, i, 0)),
            pl.BlockSpec((_BLK, 1), lambda i: (i, 0)),
            pl.BlockSpec((1, OUT), lambda i: (0, 0)),
        ],
        out_specs=pl.BlockSpec((_BLK, OUT), lambda i: (i, 0)),
        out_shape=jax.ShapeDtypeStruct((N, OUT), jnp.float32),
    )(agg2, deg_in, b2)


def kernel(features, edge_index, W1, b1, W2, b2):
    src = edge_index[0].astype(jnp.int32)
    dst = edge_index[1].astype(jnp.int32)

    pad1 = jnp.broadcast_to(N + (jnp.arange(EPTP - EPT, dtype=jnp.int32)
                                 % (NPAD - N)), (NTILE, EPTP - EPT))
    src3_l1 = jnp.concatenate([src.reshape(NTILE, EPT), pad1],
                              axis=1).reshape(NTILE, NCHT, CHUNK)
    dst3_l1 = jnp.concatenate([dst.reshape(NTILE, EPT), pad1],
                              axis=1).reshape(NTILE, NCHT, CHUNK)
    pad2 = jnp.broadcast_to(N + (jnp.arange(EPT2P - EPT2, dtype=jnp.int32)
                                 % (NPAD - N)), (NPART, EPT2P - EPT2))
    src3_l2 = jnp.concatenate([src.reshape(NPART, EPT2), pad2],
                              axis=1).reshape(NPART, NCHT2, CHUNK)
    dst3_l2 = jnp.concatenate([dst.reshape(NPART, EPT2), pad2],
                              axis=1).reshape(NPART, NCHT2, CHUNK)

    degs = _deg(jnp.stack([src3_l1, dst3_l1]),
                jnp.zeros((NPAD,), jnp.float32))
    deg_out = degs[0:NPAD].reshape(NPAD, 1)
    deg_in = degs[NPAD:].reshape(NPAD, 1)

    xp = jnp.pad(features, ((0, NPAD - N), (0, 0)))
    h1 = _b1(xp, W1, deg_out)
    agg1 = _agg_l1(h1, src3_l1, dst3_l1,
                   jnp.zeros((NPAD, HID // 2), jnp.float32))

    h2 = _b2(agg1.reshape(2, NPAD, HID // 2), deg_in, deg_out,
             b1.reshape(1, HID), W2[:HID // 2], W2[HID // 2:])
    agg2 = _agg_l2(h2, src3_l2, dst3_l2, jnp.zeros((NPAD, OUT), jnp.float32))

    return _b3(agg2.reshape(2, NPAD, OUT), deg_in, b2.reshape(1, OUT))

# --- scband reference (transcript-rebuilt; emitter-appended) ---
"""Pipeline reference for scband-gcnmodel-15642270892450 (READ-ONLY COPY).

The authoritative reference and input builder live on the scoring server;
editing this copy changes nothing except your own understanding.
"""

import jax, jax.numpy as jnp
import numpy as np

N_NODES = 10000
N_EDGES = 320000
IN_SIZE = 128
HID_SIZE = 256
OUT_SIZE = 128


def setup_inputs(seed: int = 0) -> dict:
    key = jax.random.key(seed)
    k1, k2, k3, k4, k5, k6 = jax.random.split(key, 6)
    features = jax.random.normal(k1, (N_NODES, IN_SIZE), dtype=jnp.float32)
    edge_index = jax.random.randint(k2, (2, N_EDGES), 0, N_NODES, dtype=jnp.int64)
    # GraphConv layer 1 params (glorot-like init)
    W1 = jax.random.normal(k3, (IN_SIZE, HID_SIZE), dtype=jnp.float32) * (1.0 / np.sqrt(IN_SIZE))
    b1 = jnp.zeros((HID_SIZE,), dtype=jnp.float32)
    # GraphConv layer 2 params
    W2 = jax.random.normal(k4, (HID_SIZE, OUT_SIZE), dtype=jnp.float32) * (1.0 / np.sqrt(HID_SIZE))
    b2 = jnp.zeros((OUT_SIZE,), dtype=jnp.float32)
    return {"features": features, "edge_index": edge_index, "W1": W1, "b1": b1, "W2": W2, "b2": b2}


def _gcn_layer(x, W, b, src, dst, n_nodes, activation=None):
    # DGL GraphConv with norm='both': h' = D_dst^{-1/2} A D_src^{-1/2} (x W) + b
    ones = jnp.ones((src.shape[0],), dtype=jnp.float32)
    deg_out = jax.ops.segment_sum(ones, src, num_segments=n_nodes)
    deg_in = jax.ops.segment_sum(ones, dst, num_segments=n_nodes)
    norm_src = jax.lax.rsqrt(jnp.clip(deg_out, 1.0, None))
    norm_dst = jax.lax.rsqrt(jnp.clip(deg_in, 1.0, None))
    h = x @ W                      # dense projection
    h = h * norm_src[:, None]      # source-side normalization
    msg = jnp.take(h, src, axis=0)  # gather over edges
    agg = jax.ops.segment_sum(msg, dst, num_segments=n_nodes)  # scatter-add
    out = agg * norm_dst[:, None] + b
    if activation is not None:
        out = activation(out)
    return out


def reference(features, edge_index, W1, b1, W2, b2):
    src = edge_index[0]
    dst = edge_index[1]
    h = _gcn_layer(features, W1, b1, src, dst, N_NODES, activation=jax.nn.relu)
    # dropout is identity at inference time
    h = _gcn_layer(h, W2, b2, src, dst, N_NODES, activation=None)
    return h

if __name__ == "__main__":
    import jax
    _d = setup_inputs()
    print(jax.jit(kernel)(*tuple(_d.values())))

</pallas_src>

<mosaic_0001>
#map = affine_map<(d0, d1) -> (0, 0, 0)>
#map1 = affine_map<(d0, d1) -> (0, 0)>
module attributes {stable_mosaic.version = 14 : i64} {
  func.func @_agg_l1(%arg0: i32, %arg1: i32, %arg2: memref<2x10240x128xf32, #tpu.memory_space<hbm>>, %arg3: memref<16x160x128xi32, #tpu.memory_space<hbm>>, %arg4: memref<16x160x128xi32, #tpu.memory_space<hbm>>, %arg5: memref<10240x128xf32, #tpu.memory_space<hbm>>, %arg6: memref<20480x128xf32, #tpu.memory_space<hbm>>, %arg7: memref<8x128xi32, #tpu.memory_space<vmem>>, %arg8: memref<8x128xi32, #tpu.memory_space<vmem>>, %arg9: memref<8x128xi32, #tpu.memory_space<vmem>>, %arg10: memref<8x128xi32, #tpu.memory_space<vmem>>, %arg11: memref<2x128x128xf32, #tpu.memory_space<vmem>>, %arg12: memref<10240x128xf32, #tpu.memory_space<vmem_shared>>, %arg13: memref<!tpu.dma_semaphore, #tpu.memory_space<semaphore_mem>>, %arg14: memref<!tpu.dma_semaphore, #tpu.memory_space<semaphore_mem>>, %arg15: memref<!tpu.dma_semaphore, #tpu.memory_space<semaphore_mem>>, %arg16: memref<!tpu.dma_semaphore, #tpu.memory_space<semaphore_mem>>, %arg17: memref<!tpu.dma_semaphore, #tpu.memory_space<semaphore_mem>>, %arg18: memref<!tpu.dma_semaphore, #tpu.memory_space<semaphore_mem>>) attributes {dimension_semantics = [#tpu.dimension_semantics<core_parallel>, #tpu.dimension_semantics<subcore_parallel>], iteration_bounds = array<i64: 2, 16>, scalar_prefetch = 0 : i64, scratch_operands = 12 : i64, tpu.core_type = #tpu.core_type<sc_vector_subcore>, window_params = [{transform_indices = #map}, {transform_indices = #map}, {transform_indices = #map}, {transform_indices = #map1}, {transform_indices = #map1}]} {
    %mul3A = arith.constant 640 : i32
    %mul3A_0 = arith.muli %arg1, %mul3A : i32
    "tpu.region"() ({
      %run_scoped3A = tpu.sem_alloc : memref<!tpu.dma_semaphore, #tpu.memory_space<semaphore_mem>>
      %dma_start3A_95 = arith.constant 0 : i32
      %dma_start3A_96 = tpu.memref_slice %arg12[%mul3A_0, %dma_start3A_95] : memref<10240x128xf32, #tpu.memory_space<vmem_shared>> -> memref<640x128xf32, #tpu.memory_space<vmem_shared>>
      %dma_start3A_97 = arith.constant 0 : i32
      %dma_start3A_98 = tpu.memref_slice %arg5[%mul3A_0, %dma_start3A_97] : memref<10240x128xf32, #tpu.memory_space<hbm>> -> memref<640x128xf32, #tpu.memory_space<hbm>>
      tpu.enqueue_dma source(%dma_start3A_98 : memref<640x128xf32, #tpu.memory_space<hbm>>) target(%dma_start3A_96 : memref<640x128xf32, #tpu.memory_space<vmem_shared>>) target_semaphore(%run_scoped3A : memref<!tpu.dma_semaphore, #tpu.memory_space<semaphore_mem>>)
      %dma_wait3A_99 = arith.constant 0 : i32
      %dma_wait3A_100 = tpu.memref_slice %arg12[%mul3A_0, %dma_wait3A_99] : memref<10240x128xf32, #tpu.memory_space<vmem_shared>> -> memref<640x128xf32, #tpu.memory_space<vmem_shared>>
      %dma_wait3A_101 = arith.constant 0 : i32
      %dma_wait3A_102 = tpu.memref_slice %arg5[%mul3A_0, %dma_wait3A_101] : memref<10240x128xf32, #tpu.memory_space<hbm>> -> memref<640x128xf32, #tpu.memory_space<hbm>>
      tpu.wait_dma2 semaphore(%run_scoped3A : memref<!tpu.dma_semaphore, #tpu.memory_space<semaphore_mem>>) src(%dma_wait3A_102 : memref<640x128xf32, #tpu.memory_space<hbm>>) dst(%dma_wait3A_100 : memref<640x128xf32, #tpu.memory_space<vmem_shared>>)
      tpu.yield
    }) : () -> ()
    %barrier3A = arith.constant 0 : index
    tpu.barrier barrier_id(%barrier3A)
    %dma_start3A = arith.constant 0 : i32
    %dma_start3A_1 = arith.constant 0 : i32
    %dma_start3A_2 = tpu.memref_slice %arg3[%arg1, %dma_start3A, %dma_start3A_1] : memref<16x160x128xi32, #tpu.memory_space<hbm>> -> memref<1x8x128xi32, #tpu.memory_space<hbm>>
    %dma_start3A_3 = tpu.memref_squeeze %dma_start3A_2 : memref<1x8x128xi32, #tpu.memory_space<hbm>> -> memref<8x128xi32, #tpu.memory_space<hbm>>
    %dma_start3A_4 = arith.constant 0 : i32
    %dma_start3A_5 = arith.constant 0 : i32
    %dma_start3A_6 = tpu.memref_slice %arg3[%arg1, %dma_start3A_4, %dma_start3A_5] : memref<16x160x128xi32, #tpu.memory_space<hbm>> -> memref<1x8x128xi32, #tpu.memory_space<hbm>>
    %dma_start3A_7 = tpu.memref_squeeze %dma_start3A_6 : memref<1x8x128xi32, #tpu.memory_space<hbm>> -> memref<8x128xi32, #tpu.memory_space<hbm>>
    tpu.enqueue_dma source(%dma_start3A_7 : memref<8x128xi32, #tpu.memory_space<hbm>>) target(%arg7 : memref<8x128xi32, #tpu.memory_space<vmem>>) target_semaphore(%arg13 : memref<!tpu.dma_semaphore, #tpu.memory_space<semaphore_mem>>)
    %dma_start3A_8 = arith.constant 0 : i32
    %dma_start3A_9 = arith.constant 0 : i32
    %dma_start3A_10 = tpu.memref_slice %arg4[%arg1, %dma_start3A_8, %dma_start3A_9] : memref<16x160x128xi32, #tpu.memory_space<hbm>> -> memref<1x8x128xi32, #tpu.memory_space<hbm>>
    %dma_start3A_11 = tpu.memref_squeeze %dma_start3A_10 : memref<1x8x128xi32, #tpu.memory_space<hbm>> -> memref<8x128xi32, #tpu.memory_space<hbm>>
    %dma_start3A_12 = arith.constant 0 : i32
    %dma_start3A_13 = arith.constant 0 : i32
    %dma_start3A_14 = tpu.memref_slice %arg4[%arg1, %dma_start3A_12, %dma_start3A_13] : memref<16x160x128xi32, #tpu.memory_space<hbm>> -> memref<1x8x128xi32, #tpu.memory_space<hbm>>
    %dma_start3A_15 = tpu.memref_squeeze %dma_start3A_14 : memref<1x8x128xi32, #tpu.memory_space<hbm>> -> memref<8x128xi32, #tpu.memory_space<hbm>>
    tpu.enqueue_dma source(%dma_start3A_15 : memref<8x128xi32, #tpu.memory_space<hbm>>) target(%arg8 : memref<8x128xi32, #tpu.memory_space<vmem>>) target_semaphore(%arg13 : memref<!tpu.dma_semaphore, #tpu.memory_space<semaphore_mem>>)
    %scan3A = arith.constant 0 : i32
    %scan3A_16 = arith.constant 0 : i32
    %scan3A_17 = arith.constant 7 : i32
    %scan3A_18 = arith.constant 7 : i32
    %scan3A_19 = arith.constant 1 : i32
    %scan3A_20 = arith.constant 0 : i32
    %scan3A_21 = arith.constant 2 : i32
    %scan3A_22 = arith.constant 1 : i32
    %scan3A_23 = arith.constant 3 : i32
    %scan3A_24 = arith.constant 2 : i32
    %scan3A_25 = arith.constant 4 : i32
    %scan3A_26 = arith.constant 3 : i32
    %scan3A_27 = arith.constant 5 : i32
    %scan3A_28 = arith.constant 4 : i32
    %scan3A_29 = arith.constant 6 : i32
    %scan3A_30 = arith.constant 5 : i32
    %scan3A_31 = arith.constant 7 : i32
    %scan3A_32 = arith.constant 6 : i32
    %scan3A_33 = arith.constant 0 : i32
    %scan3A_34 = arith.constant 7 : i32
    %scan3A_35 = arith.constant 1 : i32
    %scan3A_36 = arith.constant 0 : i32
    %scan3A_37 = arith.constant 2 : i32
    %scan3A_38 = arith.constant 1 : i32
    %scan3A_39 = arith.constant 3 : i32
    %scan3A_40 = arith.constant 2 : i32
    %scan3A_41 = arith.constant 4 : i32
    %scan3A_42 = arith.constant 3 : i32
    %scan3A_43 = arith.constant 5 : i32
    %scan3A_44 = arith.constant 4 : i32
    %scan3A_45 = arith.constant 6 : i32
    %scan3A_46 = arith.constant 5 : i32
    %scan3A_47 = arith.constant 6 : i32
    %scan3A_48 = arith.constant 0 : i32
    %scan3A_49 = arith.constant 10 : i32
    %scan3A_50 = arith.addi %scan3A_48, %scan3A_49 : i32
    %scan3A_51 = arith.constant 1 : i32
    scf.for %scan3A_95 = %scan3A_48 to %scan3A_50 step %scan3A_51  : i32 {
      %mul3A_96 = arith.constant 16 : i32
      %mul3A_97 = arith.muli %scan3A_95, %mul3A_96 : i32
      %dma_wait3A_98 = arith.constant 0 : i32
      %dma_wait3A_99 = tpu.memref_slice %arg3[%arg1, %mul3A_97, %dma_wait3A_98] : memref<16x160x128xi32, #tpu.memory_space<hbm>> -> memref<1x8x128xi32, #tpu.memory_space<hbm>>
      %dma_wait3A_100 = tpu.memref_squeeze %dma_wait3A_99 : memref<1x8x128xi32, #tpu.memory_space<hbm>> -> memref<8x128xi32, #tpu.memory_space<hbm>>
      %dma_wait3A_101 = arith.constant 0 : i32
      %dma_wait3A_102 = tpu.memref_slice %arg3[%arg1, %mul3A_97, %dma_wait3A_101] : memref<16x160x128xi32, #tpu.memory_space<hbm>> -> memref<1x8x128xi32, #tpu.memory_space<hbm>>
      %dma_wait3A_103 = tpu.memref_squeeze %dma_wait3A_102 : memref<1x8x128xi32, #tpu.memory_space<hbm>> -> memref<8x128xi32, #tpu.memory_space<hbm>>
      tpu.wait_dma2 semaphore(%arg13 : memref<!tpu.dma_semaphore, #tpu.memory_space<semaphore_mem>>) src(%dma_wait3A_103 : memref<8x128xi32, #tpu.memory_space<hbm>>) dst(%arg7 : memref<8x128xi32, #tpu.memory_space<vmem>>)
      %dma_wait3A_104 = arith.constant 0 : i32
      %dma_wait3A_105 = tpu.memref_slice %arg4[%arg1, %mul3A_97, %dma_wait3A_104] : memref<16x160x128xi32, #tpu.memory_space<hbm>> -> memref<1x8x128xi32, #tpu.memory_space<hbm>>
      %dma_wait3A_106 = tpu.memref_squeeze %dma_wait3A_105 : memref<1x8x128xi32, #tpu.memory_space<hbm>> -> memref<8x128xi32, #tpu.memory_space<hbm>>
      %dma_wait3A_107 = arith.constant 0 : i32
      %dma_wait3A_108 = tpu.memref_slice %arg4[%arg1, %mul3A_97, %dma_wait3A_107] : memref<16x160x128xi32, #tpu.memory_space<hbm>> -> memref<1x8x128xi32, #tpu.memory_space<hbm>>
      %dma_wait3A_109 = tpu.memref_squeeze %dma_wait3A_108 : memref<1x8x128xi32, #tpu.memory_space<hbm>> -> memref<8x128xi32, #tpu.memory_space<hbm>>
      tpu.wait_dma2 semaphore(%arg13 : memref<!tpu.dma_semaphore, #tpu.memory_space<semaphore_mem>>) src(%dma_wait3A_109 : memref<8x128xi32, #tpu.memory_space<hbm>>) dst(%arg8 : memref<8x128xi32, #tpu.memory_space<vmem>>)
      %add3A_110 = arith.constant 0 : i32
      %add3A_111 = arith.addi %mul3A_97, %add3A_110 : i32
      %lt3A = arith.constant 160 : i32
      %lt3A_112 = arith.cmpi slt, %add3A_111, %lt3A : i32
      %convert_element_type3A = arith.extui %lt3A_112 : i1 to i32
      %cond3A = arith.constant 0 : i32
      %cond3A_113 = arith.cmpi ne, %convert_element_type3A, %cond3A : i32
      scf.if %cond3A_113 {
        %dma_start3A_411 = arith.constant 0 : i32
        %dma_start3A_412 = arith.constant 0 : i32
        %dma_start3A_413 = arith.constant 0 : i32
        %dma_start3A_414 = tpu.memref_slice %arg11[%dma_start3A_411, %dma_start3A_412, %dma_start3A_413] : memref<2x128x128xf32, #tpu.memory_space<vmem>> -> memref<1x128x128xf32, #tpu.memory_space<vmem>>
        %dma_start3A_415 = tpu.memref_squeeze %dma_start3A_414 : memref<1x128x128xf32, #tpu.memory_space<vmem>> -> memref<128x128xf32, #tpu.memory_space<vmem>>
        %dma_start3A_416 = arith.constant 0 : i32
        %dma_start3A_417 = tpu.memref_slice %arg7[%scan3A_16, %dma_start3A_416] : memref<8x128xi32, #tpu.memory_space<vmem>> -> memref<1x128xi32, #tpu.memory_space<vmem>>
        %dma_start3A_418 = tpu.memref_squeeze %dma_start3A_417 : memref<1x128xi32, #tpu.memory_space<vmem>> -> memref<128xi32, #tpu.memory_space<vmem>>
        %dma_start3A_419 = arith.constant 0 : i32
        %dma_start3A_420 = arith.constant 0 : i32
        %dma_start3A_421 = tpu.memref_slice %arg2[%arg0, %dma_start3A_419, %dma_start3A_420] : memref<2x10240x128xf32, #tpu.memory_space<hbm>> -> memref<1x10240x128xf32, #tpu.memory_space<hbm>>
        %dma_start3A_422 = tpu.memref_squeeze %dma_start3A_421 : memref<1x10240x128xf32, #tpu.memory_space<hbm>> -> memref<10240x128xf32, #tpu.memory_space<hbm>>
        %dma_start3A_423 = arith.constant 0 : i32
        %dma_start3A_424 = arith.constant 0 : i32
        %dma_start3A_425 = tpu.memref_slice %dma_start3A_422[%dma_start3A_423, %dma_start3A_424] : memref<10240x128xf32, #tpu.memory_space<hbm>> -> memref<10240x128xf32, #tpu.memory_space<hbm>>
        tpu.enqueue_indirect_dma source(%dma_start3A_425 : memref<10240x128xf32, #tpu.memory_space<hbm>>) target(%dma_start3A_415 : memref<128x128xf32, #tpu.memory_space<vmem>>) offsets(%dma_start3A_418 : memref<128xi32, #tpu.memory_space<vmem>>) semaphore(%arg15 : memref<!tpu.dma_semaphore, #tpu.memory_space<semaphore_mem>>)
      } else {
      }
      %ge3A = arith.constant 1 : i32
      %ge3A_114 = arith.cmpi sge, %add3A_111, %ge3A : i32
      %sub3A = arith.constant 1 : i32
      %sub3A_115 = arith.subi %add3A_111, %sub3A : i32
      %lt3A_116 = arith.constant 160 : i32
      %lt3A_117 = arith.cmpi slt, %sub3A_115, %lt3A_116 : i32
      %and3A = arith.andi %ge3A_114, %lt3A_117 : i1
      %convert_element_type3A_118 = arith.extui %and3A : i1 to i32
      %cond3A_119 = arith.constant 0 : i32
      %cond3A_120 = arith.cmpi ne, %convert_element_type3A_118, %cond3A_119 : i32
      scf.if %cond3A_120 {
        %dma_wait3A_411 = arith.constant 1 : i32
        %dma_wait3A_412 = arith.constant 0 : i32
        %dma_wait3A_413 = arith.constant 0 : i32
        %dma_wait3A_414 = tpu.memref_slice %arg11[%dma_wait3A_411, %dma_wait3A_412, %dma_wait3A_413] : memref<2x128x128xf32, #tpu.memory_space<vmem>> -> memref<1x128x128xf32, #tpu.memory_space<vmem>>
        %dma_wait3A_415 = tpu.memref_squeeze %dma_wait3A_414 : memref<1x128x128xf32, #tpu.memory_space<vmem>> -> memref<128x128xf32, #tpu.memory_space<vmem>>
        %dma_wait3A_416 = arith.constant 0 : i32
        %dma_wait3A_417 = tpu.memref_slice %arg9[%scan3A_17, %dma_wait3A_416] : memref<8x128xi32, #tpu.memory_space<vmem>> -> memref<1x128xi32, #tpu.memory_space<vmem>>
        %dma_wait3A_418 = tpu.memref_squeeze %dma_wait3A_417 : memref<1x128xi32, #tpu.memory_space<vmem>> -> memref<128xi32, #tpu.memory_space<vmem>>
        %dma_wait3A_419 = arith.constant 0 : i32
        %dma_wait3A_420 = arith.constant 0 : i32
        %dma_wait3A_421 = tpu.memref_slice %arg2[%arg0, %dma_wait3A_419, %dma_wait3A_420] : memref<2x10240x128xf32, #tpu.memory_space<hbm>> -> memref<1x10240x128xf32, #tpu.memory_space<hbm>>
        %dma_wait3A_422 = tpu.memref_squeeze %dma_wait3A_421 : memref<1x10240x128xf32, #tpu.memory_space<hbm>> -> memref<10240x128xf32, #tpu.memory_space<hbm>>
        %dma_wait3A_423 = arith.constant 0 : i32
        %dma_wait3A_424 = arith.constant 0 : i32
        %dma_wait3A_425 = tpu.memref_slice %dma_wait3A_422[%dma_wait3A_423, %dma_wait3A_424] : memref<10240x128xf32, #tpu.memory_space<hbm>> -> memref<10240x128xf32, #tpu.memory_space<hbm>>
        tpu.wait_indirect_dma semaphore(%arg16 : memref<!tpu.dma_semaphore, #tpu.memory_space<semaphore_mem>>) src(%dma_wait3A_425 : memref<10240x128xf32, #tpu.memory_space<hbm>>) dst(%dma_wait3A_415 : memref<128x128xf32, #tpu.memory_space<vmem>>)
        %dma_start3A_426 = arith.constant 1 : i32
        %dma_start3A_427 = arith.constant 0 : i32
        %dma_start3A_428 = arith.constant 0 : i32
        %dma_start3A_429 = tpu.memref_slice %arg11[%dma_start3A_426, %dma_start3A_427, %dma_start3A_428] : memref<2x128x128xf32, #tpu.memory_space<vmem>> -> memref<1x128x128xf32, #tpu.memory_space<vmem>>
        %dma_start3A_430 = tpu.memref_squeeze %dma_start3A_429 : memref<1x128x128xf32, #tpu.memory_space<vmem>> -> memref<128x128xf32, #tpu.memory_space<vmem>>
        %dma_start3A_431 = arith.constant 0 : i32
        %dma_start3A_432 = tpu.memref_slice %arg10[%scan3A_18, %dma_start3A_431] : memref<8x128xi32, #tpu.memory_space<vmem>> -> memref<1x128xi32, #tpu.memory_space<vmem>>
        %dma_start3A_433 = tpu.memref_squeeze %dma_start3A_432 : memref<1x128xi32, #tpu.memory_space<vmem>> -> memref<128xi32, #tpu.memory_space<vmem>>
        %dma_start3A_434 = arith.constant 0 : i32
        %dma_start3A_435 = arith.constant 0 : i32
        %dma_start3A_436 = tpu.memref_slice %arg12[%dma_start3A_434, %dma_start3A_435] : memref<10240x128xf32, #tpu.memory_space<vmem_shared>> -> memref<10240x128xf32, #tpu.memory_space<vmem_shared>>
        tpu.enqueue_indirect_dma source(%dma_start3A_430 : memref<128x128xf32, #tpu.memory_space<vmem>>) target(%dma_start3A_436 : memref<10240x128xf32, #tpu.memory_space<vmem_shared>>) offsets(%dma_start3A_433 : memref<128xi32, #tpu.memory_space<vmem>>) semaphore(%arg18 : memref<!tpu.dma_semaphore, #tpu.memory_space<semaphore_mem>>) {add = true}
        %dma_wait3A_437 = arith.constant 1 : i32
        %dma_wait3A_438 = arith.constant 0 : i32
        %dma_wait3A_439 = arith.constant 0 : i32
        %dma_wait3A_440 = tpu.memref_slice %arg11[%dma_wait3A_437, %dma_wait3A_438, %dma_wait3A_439] : memref<2x128x128xf32, #tpu.memory_space<vmem>> -> memref<1x128x128xf32, #tpu.memory_space<vmem>>
        %dma_wait3A_441 = tpu.memref_squeeze %dma_wait3A_440 : memref<1x128x128xf32, #tpu.memory_space<vmem>> -> memref<128x128xf32, #tpu.memory_space<vmem>>
        %dma_wait3A_442 = arith.constant 0 : i32
        %dma_wait3A_443 = tpu.memref_slice %arg10[%scan3A_18, %dma_wait3A_442] : memref<8x128xi32, #tpu.memory_space<vmem>> -> memref<1x128xi32, #tpu.memory_space<vmem>>
        %dma_wait3A_444 = tpu.memref_squeeze %dma_wait3A_443 : memref<1x128xi32, #tpu.memory_space<vmem>> -> memref<128xi32, #tpu.memory_space<vmem>>
        %dma_wait3A_445 = arith.constant 0 : i32
        %dma_wait3A_446 = arith.constant 0 : i32
        %dma_wait3A_447 = tpu.memref_slice %arg12[%dma_wait3A_445, %dma_wait3A_446] : memref<10240x128xf32, #tpu.memory_space<vmem_shared>> -> memref<10240x128xf32, #tpu.memory_space<vmem_shared>>
        tpu.wait_indirect_dma semaphore(%arg18 : memref<!tpu.dma_semaphore, #tpu.memory_space<semaphore_mem>>) src(%dma_wait3A_441 : memref<128x128xf32, #tpu.memory_space<vmem>>) dst(%dma_wait3A_447 : memref<10240x128xf32, #tpu.memory_space<vmem_shared>>)
      } else {
      }
      %add3A_121 = arith.constant 1 : i32
      %add3A_122 = arith.addi %mul3A_97, %add3A_121 : i32
      %lt3A_123 = arith.constant 160 : i32
      %lt3A_124 = arith.cmpi slt, %add3A_122, %lt3A_123 : i32
      %convert_element_type3A_125 = arith.extui %lt3A_124 : i1 to i32
      %cond3A_126 = arith.constant 0 : i32
      %cond3A_127 = arith.cmpi ne, %convert_element_type3A_125, %cond3A_126 : i32
      scf.if %cond3A_127 {
        %dma_start3A_411 = arith.constant 1 : i32
        %dma_start3A_412 = arith.constant 0 : i32
        %dma_start3A_413 = arith.constant 0 : i32
        %dma_start3A_414 = tpu.memref_slice %arg11[%dma_start3A_411, %dma_start3A_412, %dma_start3A_413] : memref<2x128x128xf32, #tpu.memory_space<vmem>> -> memref<1x128x128xf32, #tpu.memory_space<vmem>>
        %dma_start3A_415 = tpu.memref_squeeze %dma_start3A_414 : memref<1x128x128xf32, #tpu.memory_space<vmem>> -> memref<128x128xf32, #tpu.memory_space<vmem>>
        %dma_start3A_416 = arith.constant 0 : i32
        %dma_start3A_417 = tpu.memref_slice %arg7[%scan3A_19, %dma_start3A_416] : memref<8x128xi32, #tpu.memory_space<vmem>> -> memref<1x128xi32, #tpu.memory_space<vmem>>
        %dma_start3A_418 = tpu.memref_squeeze %dma_start3A_417 : memref<1x128xi32, #tpu.memory_space<vmem>> -> memref<128xi32, #tpu.memory_space<vmem>>
        %dma_start3A_419 = arith.constant 0 : i32
        %dma_start3A_420 = arith.constant 0 : i32
        %dma_start3A_421 = tpu.memref_slice %arg2[%arg0, %dma_start3A_419, %dma_start3A_420] : memref<2x10240x128xf32, #tpu.memory_space<hbm>> -> memref<1x10240x128xf32, #tpu.memory_space<hbm>>
        %dma_start3A_422 = tpu.memref_squeeze %dma_start3A_421 : memref<1x10240x128xf32, #tpu.memory_space<hbm>> -> memref<10240x128xf32, #tpu.memory_space<hbm>>
        %dma_start3A_423 = arith.constant 0 : i32
        %dma_start3A_424 = arith.constant 0 : i32
        %dma_start3A_425 = tpu.memref_slice %dma_start3A_422[%dma_start3A_423, %dma_start3A_424] : memref<10240x128xf32, #tpu.memory_space<hbm>> -> memref<10240x128xf32, #tpu.memory_space<hbm>>
        tpu.enqueue_indirect_dma source(%dma_start3A_425 : memref<10240x128xf32, #tpu.memory_space<hbm>>) target(%dma_start3A_415 : memref<128x128xf32, #tpu.memory_space<vmem>>) offsets(%dma_start3A_418 : memref<128xi32, #tpu.memory_space<vmem>>) semaphore(%arg16 : memref<!tpu.dma_semaphore, #tpu.memory_space<semaphore_mem>>)
      } else {
      }
      %ge3A_128 = arith.constant 1 : i32
      %ge3A_129 = arith.cmpi sge, %add3A_122, %ge3A_128 : i32
      %sub3A_130 = arith.constant 1 : i32
      %sub3A_131 = arith.subi %add3A_122, %sub3A_130 : i32
      %lt3A_132 = arith.constant 160 : i32
      %lt3A_133 = arith.cmpi slt, %sub3A_131, %lt3A_132 : i32
      %and3A_134 = arith.andi %ge3A_129, %lt3A_133 : i1
      %convert_element_type3A_135 = arith.extui %and3A_134 : i1 to i32
      %cond3A_136 = arith.constant 0 : i32
      %cond3A_137 = arith.cmpi ne, %convert_element_type3A_135, %cond3A_136 : i32
      scf.if %cond3A_137 {
        %dma_wait3A_411 = arith.constant 0 : i32
        %dma_wait3A_412 = arith.constant 0 : i32
        %dma_wait3A_413 = arith.constant 0 : i32
        %dma_wait3A_414 = tpu.memref_slice %arg11[%dma_wait3A_411, %dma_wait3A_412, %dma_wait3A_413] : memref<2x128x128xf32, #tpu.memory_space<vmem>> -> memref<1x128x128xf32, #tpu.memory_space<vmem>>
        %dma_wait3A_415 = tpu.memref_squeeze %dma_wait3A_414 : memref<1x128x128xf32, #tpu.memory_space<vmem>> -> memref<128x128xf32, #tpu.memory_space<vmem>>
        %dma_wait3A_416 = arith.constant 0 : i32
        %dma_wait3A_417 = tpu.memref_slice %arg7[%scan3A_16, %dma_wait3A_416] : memref<8x128xi32, #tpu.memory_space<vmem>> -> memref<1x128xi32, #tpu.memory_space<vmem>>
        %dma_wait3A_418 = tpu.memref_squeeze %dma_wait3A_417 : memref<1x128xi32, #tpu.memory_space<vmem>> -> memref<128xi32, #tpu.memory_space<vmem>>
        %dma_wait3A_419 = arith.constant 0 : i32
        %dma_wait3A_420 = arith.constant 0 : i32
        %dma_wait3A_421 = tpu.memref_slice %arg2[%arg0, %dma_wait3A_419, %dma_wait3A_420] : memref<2x10240x128xf32, #tpu.memory_space<hbm>> -> memref<1x10240x128xf32, #tpu.memory_space<hbm>>
        %dma_wait3A_422 = tpu.memref_squeeze %dma_wait3A_421 : memref<1x10240x128xf32, #tpu.memory_space<hbm>> -> memref<10240x128xf32, #tpu.memory_space<hbm>>
        %dma_wait3A_423 = arith.constant 0 : i32
        %dma_wait3A_424 = arith.constant 0 : i32
        %dma_wait3A_425 = tpu.memref_slice %dma_wait3A_422[%dma_wait3A_423, %dma_wait3A_424] : memref<10240x128xf32, #tpu.memory_space<hbm>> -> memref<10240x128xf32, #tpu.memory_space<hbm>>
        tpu.wait_indirect_dma semaphore(%arg15 : memref<!tpu.dma_semaphore, #tpu.memory_space<semaphore_mem>>) src(%dma_wait3A_425 : memref<10240x128xf32, #tpu.memory_space<hbm>>) dst(%dma_wait3A_415 : memref<128x128xf32, #tpu.memory_space<vmem>>)
        %dma_start3A_426 = arith.constant 0 : i32
        %dma_start3A_427 = arith.constant 0 : i32
        %dma_start3A_428 = arith.constant 0 : i32
        %dma_start3A_429 = tpu.memref_slice %arg11[%dma_start3A_426, %dma_start3A_427, %dma_start3A_428] : memref<2x128x128xf32, #tpu.memory_space<vmem>> -> memref<1x128x128xf32, #tpu.memory_space<vmem>>
        %dma_start3A_430 = tpu.memref_squeeze %dma_start3A_429 : memref<1x128x128xf32, #tpu.memory_space<vmem>> -> memref<128x128xf32, #tpu.memory_space<vmem>>
        %dma_start3A_431 = arith.constant 0 : i32
        %dma_start3A_432 = tpu.memref_slice %arg8[%scan3A_20, %dma_start3A_431] : memref<8x128xi32, #tpu.memory_space<vmem>> -> memref<1x128xi32, #tpu.memory_space<vmem>>
        %dma_start3A_433 = tpu.memref_squeeze %dma_start3A_432 : memref<1x128xi32, #tpu.memory_space<vmem>> -> memref<128xi32, #tpu.memory_space<vmem>>
        %dma_start3A_434 = arith.constant 0 : i32
        %dma_start3A_435 = arith.constant 0 : i32
        %dma_start3A_436 = tpu.memref_slice %arg12[%dma_start3A_434, %dma_start3A_435] : memref<10240x128xf32, #tpu.memory_space<vmem_shared>> -> memref<10240x128xf32, #tpu.memory_space<vmem_shared>>
        tpu.enqueue_indirect_dma source(%dma_start3A_430 : memref<128x128xf32, #tpu.memory_space<vmem>>) target(%dma_start3A_436 : memref<10240x128xf32, #tpu.memory_space<vmem_shared>>) offsets(%dma_start3A_433 : memref<128xi32, #tpu.memory_space<vmem>>) semaphore(%arg17 : memref<!tpu.dma_semaphore, #tpu.memory_space<semaphore_mem>>) {add = true}
        %dma_wait3A_437 = arith.constant 0 : i32
        %dma_wait3A_438 = arith.constant 0 : i32
        %dma_wait3A_439 = arith.constant 0 : i32
        %dma_wait3A_440 = tpu.memref_slice %arg11[%dma_wait3A_437, %dma_wait3A_438, %dma_wait3A_439] : memref<2x128x128xf32, #tpu.memory_space<vmem>> -> memref<1x128x128xf32, #tpu.memory_space<vmem>>
        %dma_wait3A_441 = tpu.memref_squeeze %dma_wait3A_440 : memref<1x128x128xf32, #tpu.memory_space<vmem>> -> memref<128x128xf32, #tpu.memory_space<vmem>>
        %dma_wait3A_442 = arith.constant 0 : i32
        %dma_wait3A_443 = tpu.memref_slice %arg8[%scan3A_20, %dma_wait3A_442] : memref<8x128xi32, #tpu.memory_space<vmem>> -> memref<1x128xi32, #tpu.memory_space<vmem>>
        %dma_wait3A_444 = tpu.memref_squeeze %dma_wait3A_443 : memref<1x128xi32, #tpu.memory_space<vmem>> -> memref<128xi32, #tpu.memory_space<vmem>>
        %dma_wait3A_445 = arith.constant 0 : i32
        %dma_wait3A_446 = arith.constant 0 : i32
        %dma_wait3A_447 = tpu.memref_slice %arg12[%dma_wait3A_445, %dma_wait3A_446] : memref<10240x128xf32, #tpu.memory_space<vmem_shared>> -> memref<10240x128xf32, #tpu.memory_space<vmem_shared>>
        tpu.wait_indirect_dma semaphore(%arg17 : memref<!tpu.dma_semaphore, #tpu.memory_space<semaphore_mem>>) src(%dma_wait3A_441 : memref<128x128xf32, #tpu.memory_space<vmem>>) dst(%dma_wait3A_447 : memref<10240x128xf32, #tpu.memory_space<vmem_shared>>)
      } else {
      }
      %add3A_138 = arith.constant 2 : i32
      %add3A_139 = arith.addi %mul3A_97, %add3A_138 : i32
      %add3A_140 = arith.constant 8 : i32
      %add3A_141 = arith.addi %mul3A_97, %add3A_140 : i32
      %dma_start3A_142 = arith.constant 0 : i32
      %dma_start3A_143 = tpu.memref_slice %arg3[%arg1, %add3A_141, %dma_start3A_142] : memref<16x160x128xi32, #tpu.memory_space<hbm>> -> memref<1x8x128xi32, #tpu.memory_space<hbm>>
      %dma_start3A_144 = tpu.memref_squeeze %dma_start3A_143 : memref<1x8x128xi32, #tpu.memory_space<hbm>> -> memref<8x128xi32, #tpu.memory_space<hbm>>
      %dma_start3A_145 = arith.constant 0 : i32
      %dma_start3A_146 = tpu.memref_slice %arg3[%arg1, %add3A_141, %dma_start3A_145] : memref<16x160x128xi32, #tpu.memory_space<hbm>> -> memref<1x8x128xi32, #tpu.memory_space<hbm>>
      %dma_start3A_147 = tpu.memref_squeeze %dma_start3A_146 : memref<1x8x128xi32, #tpu.memory_space<hbm>> -> memref<8x128xi32, #tpu.memory_space<hbm>>
      tpu.enqueue_dma source(%dma_start3A_147 : memref<8x128xi32, #tpu.memory_space<hbm>>) target(%arg9 : memref<8x128xi32, #tpu.memory_space<vmem>>) target_semaphore(%arg14 : memref<!tpu.dma_semaphore, #tpu.memory_space<semaphore_mem>>)
      %dma_start3A_148 = arith.constant 0 : i32
      %dma_start3A_149 = tpu.memref_slice %arg4[%arg1, %add3A_141, %dma_start3A_148] : memref<16x160x128xi32, #tpu.memory_space<hbm>> -> memref<1x8x128xi32, #tpu.memory_space<hbm>>
      %dma_start3A_150 = tpu.memref_squeeze %dma_start3A_149 : memref<1x8x128xi32, #tpu.memory_space<hbm>> -> memref<8x128xi32, #tpu.memory_space<hbm>>
      %dma_start3A_151 = arith.constant 0 : i32
      %dma_start3A_152 = tpu.memref_slice %arg4[%arg1, %add3A_141, %dma_start3A_151] : memref<16x160x128xi32, #tpu.memory_space<hbm>> -> memref<1x8x128xi32, #tpu.memory_space<hbm>>
      %dma_start3A_153 = tpu.memref_squeeze %dma_start3A_152 : memref<1x8x128xi32, #tpu.memory_space<hbm>> -> memref<8x128xi32, #tpu.memory_space<hbm>>
      tpu.enqueue_dma source(%dma_start3A_153 : memref<8x128xi32, #tpu.memory_space<hbm>>) target(%arg10 : memref<8x128xi32, #tpu.memory_space<vmem>>) target_semaphore(%arg14 : memref<!tpu.dma_semaphore, #tpu.memory_space<semaphore_mem>>)
      %lt3A_154 = arith.constant 160 : i32
      %lt3A_155 = arith.cmpi slt, %add3A_139, %lt3A_154 : i32
      %convert_element_type3A_156 = arith.extui %lt3A_155 : i1 to i32
      %cond3A_157 = arith.constant 0 : i32
      %cond3A_158 = arith.cmpi ne, %convert_element_type3A_156, %cond3A_157 : i32
      scf.if %cond3A_158 {
        %dma_start3A_411 = arith.constant 0 : i32
        %dma_start3A_412 = arith.constant 0 : i32
        %dma_start3A_413 = arith.constant 0 : i32
        %dma_start3A_414 = tpu.memref_slice %arg11[%dma_start3A_411, %dma_start3A_412, %dma_start3A_413] : memref<2x128x128xf32, #tpu.memory_space<vmem>> -> memref<1x128x128xf32, #tpu.memory_space<vmem>>
        %dma_start3A_415 = tpu.memref_squeeze %dma_start3A_414 : memref<1x128x128xf32, #tpu.memory_space<vmem>> -> memref<128x128xf32, #tpu.memory_space<vmem>>
        %dma_start3A_416 = arith.constant 0 : i32
        %dma_start3A_417 = tpu.memref_slice %arg7[%scan3A_21, %dma_start3A_416] : memref<8x128xi32, #tpu.memory_space<vmem>> -> memref<1x128xi32, #tpu.memory_space<vmem>>
        %dma_start3A_418 = tpu.memref_squeeze %dma_start3A_417 : memref<1x128xi32, #tpu.memory_space<vmem>> -> memref<128xi32, #tpu.memory_space<vmem>>
        %dma_start3A_419 = arith.constant 0 : i32
        %dma_start3A_420 = arith.constant 0 : i32
        %dma_start3A_421 = tpu.memref_slice %arg2[%arg0, %dma_start3A_419, %dma_start3A_420] : memref<2x10240x128xf32, #tpu.memory_space<hbm>> -> memref<1x10240x128xf32, #tpu.memory_space<hbm>>
        %dma_start3A_422 = tpu.memref_squeeze %dma_start3A_421 : memref<1x10240x128xf32, #tpu.memory_space<hbm>> -> memref<10240x128xf32, #tpu.memory_space<hbm>>
        %dma_start3A_423 = arith.constant 0 : i32
        %dma_start3A_424 = arith.constant 0 : i32
        %dma_start3A_425 = tpu.memref_slice %dma_start3A_422[%dma_start3A_423, %dma_start3A_424] : memref<10240x128xf32, #tpu.memory_space<hbm>> -> memref<10240x128xf32, #tpu.memory_space<hbm>>
        tpu.enqueue_indirect_dma source(%dma_start3A_425 : memref<10240x128xf32, #tpu.memory_space<hbm>>) target(%dma_start3A_415 : memref<128x128xf32, #tpu.memory_space<vmem>>) offsets(%dma_start3A_418 : memref<128xi32, #tpu.memory_space<vmem>>) semaphore(%arg15 : memref<!tpu.dma_semaphore, #tpu.memory_space<semaphore_mem>>)
      } else {
      }
      %ge3A_159 = arith.constant 1 : i32
      %ge3A_160 = arith.cmpi sge, %add3A_139, %ge3A_159 : i32
      %sub3A_161 = arith.constant 1 : i32
      %sub3A_162 = arith.subi %add3A_139, %sub3A_161 : i32
      %lt3A_163 = arith.constant 160 : i32
      %lt3A_164 = arith.cmpi slt, %sub3A_162, %lt3A_163 : i32
      %and3A_165 = arith.andi %ge3A_160, %lt3A_164 : i1
      %convert_element_type3A_166 = arith.extui %and3A_165 : i1 to i32
      %cond3A_167 = arith.constant 0 : i32
      %cond3A_168 = arith.cmpi ne, %convert_element_type3A_166, %cond3A_167 : i32
      scf.if %cond3A_168 {
        %dma_wait3A_411 = arith.constant 1 : i32
        %dma_wait3A_412 = arith.constant 0 : i32
        %dma_wait3A_413 = arith.constant 0 : i32
        %dma_wait3A_414 = tpu.memref_slice %arg11[%dma_wait3A_411, %dma_wait3A_412, %dma_wait3A_413] : memref<2x128x128xf32, #tpu.memory_space<vmem>> -> memref<1x128x128xf32, #tpu.memory_space<vmem>>
        %dma_wait3A_415 = tpu.memref_squeeze %dma_wait3A_414 : memref<1x128x128xf32, #tpu.memory_space<vmem>> -> memref<128x128xf32, #tpu.memory_space<vmem>>
        %dma_wait3A_416 = arith.constant 0 : i32
        %dma_wait3A_417 = tpu.memref_slice %arg7[%scan3A_19, %dma_wait3A_416] : memref<8x128xi32, #tpu.memory_space<vmem>> -> memref<1x128xi32, #tpu.memory_space<vmem>>
        %dma_wait3A_418 = tpu.memref_squeeze %dma_wait3A_417 : memref<1x128xi32, #tpu.memory_space<vmem>> -> memref<128xi32, #tpu.memory_space<vmem>>
        %dma_wait3A_419 = arith.constant 0 : i32
        %dma_wait3A_420 = arith.constant 0 : i32
        %dma_wait3A_421 = tpu.memref_slice %arg2[%arg0, %dma_wait3A_419, %dma_wait3A_420] : memref<2x10240x128xf32, #tpu.memory_space<hbm>> -> memref<1x10240x128xf32, #tpu.memory_space<hbm>>
        %dma_wait3A_422 = tpu.memref_squeeze %dma_wait3A_421 : memref<1x10240x128xf32, #tpu.memory_space<hbm>> -> memref<10240x128xf32, #tpu.memory_space<hbm>>
        %dma_wait3A_423 = arith.constant 0 : i32
        %dma_wait3A_424 = arith.constant 0 : i32
        %dma_wait3A_425 = tpu.memref_slice %dma_wait3A_422[%dma_wait3A_423, %dma_wait3A_424] : memref<10240x128xf32, #tpu.memory_space<hbm>> -> memref<10240x128xf32, #tpu.memory_space<hbm>>
        tpu.wait_indirect_dma semaphore(%arg16 : memref<!tpu.dma_semaphore, #tpu.memory_space<semaphore_mem>>) src(%dma_wait3A_425 : memref<10240x128xf32, #tpu.memory_space<hbm>>) dst(%dma_wait3A_415 : memref<128x128xf32, #tpu.memory_space<vmem>>)
        %dma_start3A_426 = arith.constant 1 : i32
        %dma_start3A_427 = arith.constant 0 : i32
        %dma_start3A_428 = arith.constant 0 : i32
        %dma_start3A_429 = tpu.memref_slice %arg11[%dma_start3A_426, %dma_start3A_427, %dma_start3A_428] : memref<2x128x128xf32, #tpu.memory_space<vmem>> -> memref<1x128x128xf32, #tpu.memory_space<vmem>>
        %dma_start3A_430 = tpu.memref_squeeze %dma_start3A_429 : memref<1x128x128xf32, #tpu.memory_space<vmem>> -> memref<128x128xf32, #tpu.memory_space<vmem>>
        %dma_start3A_431 = arith.constant 0 : i32
        %dma_start3A_432 = tpu.memref_slice %arg8[%scan3A_22, %dma_start3A_431] : memref<8x128xi32, #tpu.memory_space<vmem>> -> memref<1x128xi32, #tpu.memory_space<vmem>>
        %dma_start3A_433 = tpu.memref_squeeze %dma_start3A_432 : memref<1x128xi32, #tpu.memory_space<vmem>> -> memref<128xi32, #tpu.memory_space<vmem>>
        %dma_start3A_434 = arith.constant 0 : i32
        %dma_start3A_435 = arith.constant 0 : i32
        %dma_start3A_436 = tpu.memref_slice %arg12[%dma_start3A_434, %dma_start3A_435] : memref<10240x128xf32, #tpu.memory_space<vmem_shared>> -> memref<10240x128xf32, #tpu.memory_space<vmem_shared>>
        tpu.enqueue_indirect_dma source(%dma_start3A_430 : memref<128x128xf32, #tpu.memory_space<vmem>>) target(%dma_start3A_436 : memref<10240x128xf32, #tpu.memory_space<vmem_shared>>) offsets(%dma_start3A_433 : memref<128xi32, #tpu.memory_space<vmem>>) semaphore(%arg18 : memref<!tpu.dma_semaphore, #tpu.memory_space<semaphore_mem>>) {add = true}
        %dma_wait3A_437 = arith.constant 1 : i32
        %dma_wait3A_438 = arith.constant 0 : i32
        %dma_wait3A_439 = arith.constant 0 : i32
        %dma_wait3A_440 = tpu.memref_slice %arg11[%dma_wait3A_437, %dma_wait3A_438, %dma_wait3A_439] : memref<2x128x128xf32, #tpu.memory_space<vmem>> -> memref<1x128x128xf32, #tpu.memory_space<vmem>>
        %dma_wait3A_441 = tpu.memref_squeeze %dma_wait3A_440 : memref<1x128x128xf32, #tpu.memory_space<vmem>> -> memref<128x128xf32, #tpu.memory_space<vmem>>
        %dma_wait3A_442 = arith.constant 0 : i32
        %dma_wait3A_443 = tpu.memref_slice %arg8[%scan3A_22, %dma_wait3A_442] : memref<8x128xi32, #tpu.memory_space<vmem>> -> memref<1x128xi32, #tpu.memory_space<vmem>>
        %dma_wait3A_444 = tpu.memref_squeeze %dma_wait3A_443 : memref<1x128xi32, #tpu.memory_space<vmem>> -> memref<128xi32, #tpu.memory_space<vmem>>
        %dma_wait3A_445 = arith.constant 0 : i32
        %dma_wait3A_446 = arith.constant 0 : i32
        %dma_wait3A_447 = tpu.memref_slice %arg12[%dma_wait3A_445, %dma_wait3A_446] : memref<10240x128xf32, #tpu.memory_space<vmem_shared>> -> memref<10240x128xf32, #tpu.memory_space<vmem_shared>>
        tpu.wait_indirect_dma semaphore(%arg18 : memref<!tpu.dma_semaphore, #tpu.memory_space<semaphore_mem>>) src(%dma_wait3A_441 : memref<128x128xf32, #tpu.memory_space<vmem>>) dst(%dma_wait3A_447 : memref<10240x128xf32, #tpu.memory_space<vmem_shared>>)
      } else {
      }
      %add3A_169 = arith.constant 3 : i32
      %add3A_170 = arith.addi %mul3A_97, %add3A_169 : i32
      %lt3A_171 = arith.constant 160 : i32
      %lt3A_172 = arith.cmpi slt, %add3A_170, %lt3A_171 : i32
      %convert_element_type3A_173 = arith.extui %lt3A_172 : i1 to i32
      %cond3A_174 = arith.constant 0 : i32
      %cond3A_175 = arith.cmpi ne, %convert_element_type3A_173, %cond3A_174 : i32
      scf.if %cond3A_175 {
        %dma_start3A_411 = arith.constant 1 : i32
        %dma_start3A_412 = arith.constant 0 : i32
        %dma_start3A_413 = arith.constant 0 : i32
        %dma_start3A_414 = tpu.memref_slice %arg11[%dma_start3A_411, %dma_start3A_412, %dma_start3A_413] : memref<2x128x128xf32, #tpu.memory_space<vmem>> -> memref<1x128x128xf32, #tpu.memory_space<vmem>>
        %dma_start3A_415 = tpu.memref_squeeze %dma_start3A_414 : memref<1x128x128xf32, #tpu.memory_space<vmem>> -> memref<128x128xf32, #tpu.memory_space<vmem>>
        %dma_start3A_416 = arith.constant 0 : i32
        %dma_start3A_417 = tpu.memref_slice %arg7[%scan3A_23, %dma_start3A_416] : memref<8x128xi32, #tpu.memory_space<vmem>> -> memref<1x128xi32, #tpu.memory_space<vmem>>
        %dma_start3A_418 = tpu.memref_squeeze %dma_start3A_417 : memref<1x128xi32, #tpu.memory_space<vmem>> -> memref<128xi32, #tpu.memory_space<vmem>>
        %dma_start3A_419 = arith.constant 0 : i32
        %dma_start3A_420 = arith.constant 0 : i32
        %dma_start3A_421 = tpu.memref_slice %arg2[%arg0, %dma_start3A_419, %dma_start3A_420] : memref<2x10240x128xf32, #tpu.memory_space<hbm>> -> memref<1x10240x128xf32, #tpu.memory_space<hbm>>
        %dma_start3A_422 = tpu.memref_squeeze %dma_start3A_421 : memref<1x10240x128xf32, #tpu.memory_space<hbm>> -> memref<10240x128xf32, #tpu.memory_space<hbm>>
        %dma_start3A_423 = arith.constant 0 : i32
        %dma_start3A_424 = arith.constant 0 : i32
        %dma_start3A_425 = tpu.memref_slice %dma_start3A_422[%dma_start3A_423, %dma_start3A_424] : memref<10240x128xf32, #tpu.memory_space<hbm>> -> memref<10240x128xf32, #tpu.memory_space<hbm>>
        tpu.enqueue_indirect_dma source(%dma_start3A_425 : memref<10240x128xf32, #tpu.memory_space<hbm>>) target(%dma_start3A_415 : memref<128x128xf32, #tpu.memory_space<vmem>>) offsets(%dma_start3A_418 : memref<128xi32, #tpu.memory_space<vmem>>) semaphore(%arg16 : memref<!tpu.dma_semaphore, #tpu.memory_space<semaphore_mem>>)
      } else {
      }
      %ge3A_176 = arith.constant 1 : i32
      %ge3A_177 = arith.cmpi sge, %add3A_170, %ge3A_176 : i32
      %sub3A_178 = arith.constant 1 : i32
      %sub3A_179 = arith.subi %add3A_170, %sub3A_178 : i32
      %lt3A_180 = arith.constant 160 : i32
      %lt3A_181 = arith.cmpi slt, %sub3A_179, %lt3A_180 : i32
      %and3A_182 = arith.andi %ge3A_177, %lt3A_181 : i1
      %convert_element_type3A_183 = arith.extui %and3A_182 : i1 to i32
      %cond3A_184 = arith.constant 0 : i32
      %cond3A_185 = arith.cmpi ne, %convert_element_type3A_183, %cond3A_184 : i32
      scf.if %cond3A_185 {
        %dma_wait3A_411 = arith.constant 0 : i32
        %dma_wait3A_412 = arith.constant 0 : i32
        %dma_wait3A_413 = arith.constant 0 : i32
        %dma_wait3A_414 = tpu.memref_slice %arg11[%dma_wait3A_411, %dma_wait3A_412, %dma_wait3A_413] : memref<2x128x128xf32, #tpu.memory_space<vmem>> -> memref<1x128x128xf32, #tpu.memory_space<vmem>>
        %dma_wait3A_415 = tpu.memref_squeeze %dma_wait3A_414 : memref<1x128x128xf32, #tpu.memory_space<vmem>> -> memref<128x128xf32, #tpu.memory_space<vmem>>
        %dma_wait3A_416 = arith.constant 0 : i32
        %dma_wait3A_417 = tpu.memref_slice %arg7[%scan3A_21, %dma_wait3A_416] : memref<8x128xi32, #tpu.memory_space<vmem>> -> memref<1x128xi32, #tpu.memory_space<vmem>>
        %dma_wait3A_418 = tpu.memref_squeeze %dma_wait3A_417 : memref<1x128xi32, #tpu.memory_space<vmem>> -> memref<128xi32, #tpu.memory_space<vmem>>
        %dma_wait3A_419 = arith.constant 0 : i32
        %dma_wait3A_420 = arith.constant 0 : i32
        %dma_wait3A_421 = tpu.memref_slice %arg2[%arg0, %dma_wait3A_419, %dma_wait3A_420] : memref<2x10240x128xf32, #tpu.memory_space<hbm>> -> memref<1x10240x128xf32, #tpu.memory_space<hbm>>
        %dma_wait3A_422 = tpu.memref_squeeze %dma_wait3A_421 : memref<1x10240x128xf32, #tpu.memory_space<hbm>> -> memref<10240x128xf32, #tpu.memory_space<hbm>>
        %dma_wait3A_423 = arith.constant 0 : i32
        %dma_wait3A_424 = arith.constant 0 : i32
        %dma_wait3A_425 = tpu.memref_slice %dma_wait3A_422[%dma_wait3A_423, %dma_wait3A_424] : memref<10240x128xf32, #tpu.memory_space<hbm>> -> memref<10240x128xf32, #tpu.memory_space<hbm>>
        tpu.wait_indirect_dma semaphore(%arg15 : memref<!tpu.dma_semaphore, #tpu.memory_space<semaphore_mem>>) src(%dma_wait3A_425 : memref<10240x128xf32, #tpu.memory_space<hbm>>) dst(%dma_wait3A_415 : memref<128x128xf32, #tpu.memory_space<vmem>>)
        %dma_start3A_426 = arith.constant 0 : i32
        %dma_start3A_427 = arith.constant 0 : i32
        %dma_start3A_428 = arith.constant 0 : i32
        %dma_start3A_429 = tpu.memref_slice %arg11[%dma_start3A_426, %dma_start3A_427, %dma_start3A_428] : memref<2x128x128xf32, #tpu.memory_space<vmem>> -> memref<1x128x128xf32, #tpu.memory_space<vmem>>
        %dma_start3A_430 = tpu.memref_squeeze %dma_start3A_429 : memref<1x128x128xf32, #tpu.memory_space<vmem>> -> memref<128x128xf32, #tpu.memory_space<vmem>>
        %dma_start3A_431 = arith.constant 0 : i32
        %dma_start3A_432 = tpu.memref_slice %arg8[%scan3A_24, %dma_start3A_431] : memref<8x128xi32, #tpu.memory_space<vmem>> -> memref<1x128xi32, #tpu.memory_space<vmem>>
        %dma_start3A_433 = tpu.memref_squeeze %dma_start3A_432 : memref<1x128xi32, #tpu.memory_space<vmem>> -> memref<128xi32, #tpu.memory_space<vmem>>
        %dma_start3A_434 = arith.constant 0 : i32
        %dma_start3A_435 = arith.constant 0 : i32
        %dma_start3A_436 = tpu.memref_slice %arg12[%dma_start3A_434, %dma_start3A_435] : memref<10240x128xf32, #tpu.memory_space<vmem_shared>> -> memref<10240x128xf32, #tpu.memory_space<vmem_shared>>
        tpu.enqueue_indirect_dma source(%dma_start3A_430 : memref<128x128xf32, #tpu.memory_space<vmem>>) target(%dma_start3A_436 : memref<10240x128xf32, #tpu.memory_space<vmem_shared>>) offsets(%dma_start3A_433 : memref<128xi32, #tpu.memory_space<vmem>>) semaphore(%arg17 : memref<!tpu.dma_semaphore, #tpu.memory_space<semaphore_mem>>) {add = true}
        %dma_wait3A_437 = arith.constant 0 : i32
        %dma_wait3A_438 = arith.constant 0 : i32
        %dma_wait3A_439 = arith.constant 0 : i32
        %dma_wait3A_440 = tpu.memref_slice %arg11[%dma_wait3A_437, %dma_wait3A_438, %dma_wait3A_439] : memref<2x128x128xf32, #tpu.memory_space<vmem>> -> memref<1x128x128xf32, #tpu.memory_space<vmem>>
        %dma_wait3A_441 = tpu.memref_squeeze %dma_wait3A_440 : memref<1x128x128xf32, #tpu.memory_space<vmem>> -> memref<128x128xf32, #tpu.memory_space<vmem>>
        %dma_wait3A_442 = arith.constant 0 : i32
        %dma_wait3A_443 = tpu.memref_slice %arg8[%scan3A_24, %dma_wait3A_442] : memref<8x128xi32, #tpu.memory_space<vmem>> -> memref<1x128xi32, #tpu.memory_space<vmem>>
        %dma_wait3A_444 = tpu.memref_squeeze %dma_wait3A_443 : memref<1x128xi32, #tpu.memory_space<vmem>> -> memref<128xi32, #tpu.memory_space<vmem>>
        %dma_wait3A_445 = arith.constant 0 : i32
        %dma_wait3A_446 = arith.constant 0 : i32
        %dma_wait3A_447 = tpu.memref_slice %arg12[%dma_wait3A_445, %dma_wait3A_446] : memref<10240x128xf32, #tpu.memory_space<vmem_shared>> -> memref<10240x128xf32, #tpu.memory_space<vmem_shared>>
        tpu.wait_indirect_dma semaphore(%arg17 : memref<!tpu.dma_semaphore, #tpu.memory_space<semaphore_mem>>) src(%dma_wait3A_441 : memref<128x128xf32, #tpu.memory_space<vmem>>) dst(%dma_wait3A_447 : memref<10240x128xf32, #tpu.memory_space<vmem_shared>>)
      } else {
      }
      %add3A_186 = arith.constant 4 : i32
      %add3A_187 = arith.addi %mul3A_97, %add3A_186 : i32
      %lt3A_188 = arith.constant 160 : i32
      %lt3A_189 = arith.cmpi slt, %add3A_187, %lt3A_188 : i32
      %convert_element_type3A_190 = arith.extui %lt3A_189 : i1 to i32
      %cond3A_191 = arith.constant 0 : i32
      %cond3A_192 = arith.cmpi ne, %convert_element_type3A_190, %cond3A_191 : i32
      scf.if %cond3A_192 {
        %dma_start3A_411 = arith.constant 0 : i32
        %dma_start3A_412 = arith.constant 0 : i32
        %dma_start3A_413 = arith.constant 0 : i32
        %dma_start3A_414 = tpu.memref_slice %arg11[%dma_start3A_411, %dma_start3A_412, %dma_start3A_413] : memref<2x128x128xf32, #tpu.memory_space<vmem>> -> memref<1x128x128xf32, #tpu.memory_space<vmem>>
        %dma_start3A_415 = tpu.memref_squeeze %dma_start3A_414 : memref<1x128x128xf32, #tpu.memory_space<vmem>> -> memref<128x128xf32, #tpu.memory_space<vmem>>
        %dma_start3A_416 = arith.constant 0 : i32
        %dma_start3A_417 = tpu.memref_slice %arg7[%scan3A_25, %dma_start3A_416] : memref<8x128xi32, #tpu.memory_space<vmem>> -> memref<1x128xi32, #tpu.memory_space<vmem>>
        %dma_start3A_418 = tpu.memref_squeeze %dma_start3A_417 : memref<1x128xi32, #tpu.memory_space<vmem>> -> memref<128xi32, #tpu.memory_space<vmem>>
        %dma_start3A_419 = arith.constant 0 : i32
        %dma_start3A_420 = arith.constant 0 : i32
        %dma_start3A_421 = tpu.memref_slice %arg2[%arg0, %dma_start3A_419, %dma_start3A_420] : memref<2x10240x128xf32, #tpu.memory_space<hbm>> -> memref<1x10240x128xf32, #tpu.memory_space<hbm>>
        %dma_start3A_422 = tpu.memref_squeeze %dma_start3A_421 : memref<1x10240x128xf32, #tpu.memory_space<hbm>> -> memref<10240x128xf32, #tpu.memory_space<hbm>>
        %dma_start3A_423 = arith.constant 0 : i32
        %dma_start3A_424 = arith.constant 0 : i32
        %dma_start3A_425 = tpu.memref_slice %dma_start3A_422[%dma_start3A_423, %dma_start3A_424] : memref<10240x128xf32, #tpu.memory_space<hbm>> -> memref<10240x128xf32, #tpu.memory_space<hbm>>
        tpu.enqueue_indirect_dma source(%dma_start3A_425 : memref<10240x128xf32, #tpu.memory_space<hbm>>) target(%dma_start3A_415 : memref<128x128xf32, #tpu.memory_space<vmem>>) offsets(%dma_start3A_418 : memref<128xi32, #tpu.memory_space<vmem>>) semaphore(%arg15 : memref<!tpu.dma_semaphore, #tpu.memory_space<semaphore_mem>>)
      } else {
      }
      %ge3A_193 = arith.constant 1 : i32
      %ge3A_194 = arith.cmpi sge, %add3A_187, %ge3A_193 : i32
      %sub3A_195 = arith.constant 1 : i32
      %sub3A_196 = arith.subi %add3A_187, %sub3A_195 : i32
      %lt3A_197 = arith.constant 160 : i32
      %lt3A_198 = arith.cmpi slt, %sub3A_196, %lt3A_197 : i32
      %and3A_199 = arith.andi %ge3A_194, %lt3A_198 : i1
      %convert_element_type3A_200 = arith.extui %and3A_199 : i1 to i32
      %cond3A_201 = arith.constant 0 : i32
      %cond3A_202 = arith.cmpi ne, %convert_element_type3A_200, %cond3A_201 : i32
      scf.if %cond3A_202 {
        %dma_wait3A_411 = arith.constant 1 : i32
        %dma_wait3A_412 = arith.constant 0 : i32
        %dma_wait3A_413 = arith.constant 0 : i32
        %dma_wait3A_414 = tpu.memref_slice %arg11[%dma_wait3A_411, %dma_wait3A_412, %dma_wait3A_413] : memref<2x128x128xf32, #tpu.memory_space<vmem>> -> memref<1x128x128xf32, #tpu.memory_space<vmem>>
        %dma_wait3A_415 = tpu.memref_squeeze %dma_wait3A_414 : memref<1x128x128xf32, #tpu.memory_space<vmem>> -> memref<128x128xf32, #tpu.memory_space<vmem>>
        %dma_wait3A_416 = arith.constant 0 : i32
        %dma_wait3A_417 = tpu.memref_slice %arg7[%scan3A_23, %dma_wait3A_416] : memref<8x128xi32, #tpu.memory_space<vmem>> -> memref<1x128xi32, #tpu.memory_space<vmem>>
        %dma_wait3A_418 = tpu.memref_squeeze %dma_wait3A_417 : memref<1x128xi32, #tpu.memory_space<vmem>> -> memref<128xi32, #tpu.memory_space<vmem>>
        %dma_wait3A_419 = arith.constant 0 : i32
        %dma_wait3A_420 = arith.constant 0 : i32
        %dma_wait3A_421 = tpu.memref_slice %arg2[%arg0, %dma_wait3A_419, %dma_wait3A_420] : memref<2x10240x128xf32, #tpu.memory_space<hbm>> -> memref<1x10240x128xf32, #tpu.memory_space<hbm>>
        %dma_wait3A_422 = tpu.memref_squeeze %dma_wait3A_421 : memref<1x10240x128xf32, #tpu.memory_space<hbm>> -> memref<10240x128xf32, #tpu.memory_space<hbm>>
        %dma_wait3A_423 = arith.constant 0 : i32
        %dma_wait3A_424 = arith.constant 0 : i32
        %dma_wait3A_425 = tpu.memref_slice %dma_wait3A_422[%dma_wait3A_423, %dma_wait3A_424] : memref<10240x128xf32, #tpu.memory_space<hbm>> -> memref<10240x128xf32, #tpu.memory_space<hbm>>
        tpu.wait_indirect_dma semaphore(%arg16 : memref<!tpu.dma_semaphore, #tpu.memory_space<semaphore_mem>>) src(%dma_wait3A_425 : memref<10240x128xf32, #tpu.memory_space<hbm>>) dst(%dma_wait3A_415 : memref<128x128xf32, #tpu.memory_space<vmem>>)
        %dma_start3A_426 = arith.constant 1 : i32
        %dma_start3A_427 = arith.constant 0 : i32
        %dma_start3A_428 = arith.constant 0 : i32
        %dma_start3A_429 = tpu.memref_slice %arg11[%dma_start3A_426, %dma_start3A_427, %dma_start3A_428] : memref<2x128x128xf32, #tpu.memory_space<vmem>> -> memref<1x128x128xf32, #tpu.memory_space<vmem>>
        %dma_start3A_430 = tpu.memref_squeeze %dma_start3A_429 : memref<1x128x128xf32, #tpu.memory_space<vmem>> -> memref<128x128xf32, #tpu.memory_space<vmem>>
        %dma_start3A_431 = arith.constant 0 : i32
        %dma_start3A_432 = tpu.memref_slice %arg8[%scan3A_26, %dma_start3A_431] : memref<8x128xi32, #tpu.memory_space<vmem>> -> memref<1x128xi32, #tpu.memory_space<vmem>>
        %dma_start3A_433 = tpu.memref_squeeze %dma_start3A_432 : memref<1x128xi32, #tpu.memory_space<vmem>> -> memref<128xi32, #tpu.memory_space<vmem>>
        %dma_start3A_434 = arith.constant 0 : i32
        %dma_start3A_435 = arith.constant 0 : i32
        %dma_start3A_436 = tpu.memref_slice %arg12[%dma_start3A_434, %dma_start3A_435] : memref<10240x128xf32, #tpu.memory_space<vmem_shared>> -> memref<10240x128xf32, #tpu.memory_space<vmem_shared>>
        tpu.enqueue_indirect_dma source(%dma_start3A_430 : memref<128x128xf32, #tpu.memory_space<vmem>>) target(%dma_start3A_436 : memref<10240x128xf32, #tpu.memory_space<vmem_shared>>) offsets(%dma_start3A_433 : memref<128xi32, #tpu.memory_space<vmem>>) semaphore(%arg18 : memref<!tpu.dma_semaphore, #tpu.memory_space<semaphore_mem>>) {add = true}
        %dma_wait3A_437 = arith.constant 1 : i32
        %dma_wait3A_438 = arith.constant 0 : i32
        %dma_wait3A_439 = arith.constant 0 : i32
        %dma_wait3A_440 = tpu.memref_slice %arg11[%dma_wait3A_437, %dma_wait3A_438, %dma_wait3A_439] : memref<2x128x128xf32, #tpu.memory_space<vmem>> -> memref<1x128x128xf32, #tpu.memory_space<vmem>>
        %dma_wait3A_441 = tpu.memref_squeeze %dma_wait3A_440 : memref<1x128x128xf32, #tpu.memory_space<vmem>> -> memref<128x128xf32, #tpu.memory_space<vmem>>
        %dma_wait3A_442 = arith.constant 0 : i32
        %dma_wait3A_443 = tpu.memref_slice %arg8[%scan3A_26, %dma_wait3A_442] : memref<8x128xi32, #tpu.memory_space<vmem>> -> memref<1x128xi32, #tpu.memory_space<vmem>>
        %dma_wait3A_444 = tpu.memref_squeeze %dma_wait3A_443 : memref<1x128xi32, #tpu.memory_space<vmem>> -> memref<128xi32, #tpu.memory_space<vmem>>
        %dma_wait3A_445 = arith.constant 0 : i32
        %dma_wait3A_446 = arith.constant 0 : i32
        %dma_wait3A_447 = tpu.memref_slice %arg12[%dma_wait3A_445, %dma_wait3A_446] : memref<10240x128xf32, #tpu.memory_space<vmem_shared>> -> memref<10240x128xf32, #tpu.memory_space<vmem_shared>>
        tpu.wait_indirect_dma semaphore(%arg18 : memref<!tpu.dma_semaphore, #tpu.memory_space<semaphore_mem>>) src(%dma_wait3A_441 : memref<128x128xf32, #tpu.memory_space<vmem>>) dst(%dma_wait3A_447 : memref<10240x128xf32, #tpu.memory_space<vmem_shared>>)
      } else {
      }
      %add3A_203 = arith.constant 5 : i32
      %add3A_204 = arith.addi %mul3A_97, %add3A_203 : i32
      %lt3A_205 = arith.constant 160 : i32
      %lt3A_206 = arith.cmpi slt, %add3A_204, %lt3A_205 : i32
      %convert_element_type3A_207 = arith.extui %lt3A_206 : i1 to i32
      %cond3A_208 = arith.constant 0 : i32
      %cond3A_209 = arith.cmpi ne, %convert_element_type3A_207, %cond3A_208 : i32
      scf.if %cond3A_209 {
        %dma_start3A_411 = arith.constant 1 : i32
        %dma_start3A_412 = arith.constant 0 : i32
        %dma_start3A_413 = arith.constant 0 : i32
        %dma_start3A_414 = tpu.memref_slice %arg11[%dma_start3A_411, %dma_start3A_412, %dma_start3A_413] : memref<2x128x128xf32, #tpu.memory_space<vmem>> -> memref<1x128x128xf32, #tpu.memory_space<vmem>>
        %dma_start3A_415 = tpu.memref_squeeze %dma_start3A_414 : memref<1x128x128xf32, #tpu.memory_space<vmem>> -> memref<128x128xf32, #tpu.memory_space<vmem>>
        %dma_start3A_416 = arith.constant 0 : i32
        %dma_start3A_417 = tpu.memref_slice %arg7[%scan3A_27, %dma_start3A_416] : memref<8x128xi32, #tpu.memory_space<vmem>> -> memref<1x128xi32, #tpu.memory_space<vmem>>
        %dma_start3A_418 = tpu.memref_squeeze %dma_start3A_417 : memref<1x128xi32, #tpu.memory_space<vmem>> -> memref<128xi32, #tpu.memory_space<vmem>>
        %dma_start3A_419 = arith.constant 0 : i32
        %dma_start3A_420 = arith.constant 0 : i32
        %dma_start3A_421 = tpu.memref_slice %arg2[%arg0, %dma_start3A_419, %dma_start3A_420] : memref<2x10240x128xf32, #tpu.memory_space<hbm>> -> memref<1x10240x128xf32, #tpu.memory_space<hbm>>
        %dma_start3A_422 = tpu.memref_squeeze %dma_start3A_421 : memref<1x10240x128xf32, #tpu.memory_space<hbm>> -> memref<10240x128xf32, #tpu.memory_space<hbm>>
        %dma_start3A_423 = arith.constant 0 : i32
        %dma_start3A_424 = arith.constant 0 : i32
        %dma_start3A_425 = tpu.memref_slice %dma_start3A_422[%dma_start3A_423, %dma_start3A_424] : memref<10240x128xf32, #tpu.memory_space<hbm>> -> memref<10240x128xf32, #tpu.memory_space<hbm>>
        tpu.enqueue_indirect_dma source(%dma_start3A_425 : memref<10240x128xf32, #tpu.memory_space<hbm>>) target(%dma_start3A_415 : memref<128x128xf32, #tpu.memory_space<vmem>>) offsets(%dma_start3A_418 : memref<128xi32, #tpu.memory_space<vmem>>) semaphore(%arg16 : memref<!tpu.dma_semaphore, #tpu.memory_space<semaphore_mem>>)
      } else {
      }
      %ge3A_210 = arith.constant 1 : i32
      %ge3A_211 = arith.cmpi sge, %add3A_204, %ge3A_210 : i32
      %sub3A_212 = arith.constant 1 : i32
      %sub3A_213 = arith.subi %add3A_204, %sub3A_212 : i32
      %lt3A_214 = arith.constant 160 : i32
      %lt3A_215 = arith.cmpi slt, %sub3A_213, %lt3A_214 : i32
      %and3A_216 = arith.andi %ge3A_211, %lt3A_215 : i1
      %convert_element_type3A_217 = arith.extui %and3A_216 : i1 to i32
      %cond3A_218 = arith.constant 0 : i32
      %cond3A_219 = arith.cmpi ne, %convert_element_type3A_217, %cond3A_218 : i32
      scf.if %cond3A_219 {
        %dma_wait3A_411 = arith.constant 0 : i32
        %dma_wait3A_412 = arith.constant 0 : i32
        %dma_wait3A_413 = arith.constant 0 : i32
        %dma_wait3A_414 = tpu.memref_slice %arg11[%dma_wait3A_411, %dma_wait3A_412, %dma_wait3A_413] : memref<2x128x128xf32, #tpu.memory_space<vmem>> -> memref<1x128x128xf32, #tpu.memory_space<vmem>>
        %dma_wait3A_415 = tpu.memref_squeeze %dma_wait3A_414 : memref<1x128x128xf32, #tpu.memory_space<vmem>> -> memref<128x128xf32, #tpu.memory_space<vmem>>
        %dma_wait3A_416 = arith.constant 0 : i32
        %dma_wait3A_417 = tpu.memref_slice %arg7[%scan3A_25, %dma_wait3A_416] : memref<8x128xi32, #tpu.memory_space<vmem>> -> memref<1x128xi32, #tpu.memory_space<vmem>>
        %dma_wait3A_418 = tpu.memref_squeeze %dma_wait3A_417 : memref<1x128xi32, #tpu.memory_space<vmem>> -> memref<128xi32, #tpu.memory_space<vmem>>
        %dma_wait3A_419 = arith.constant 0 : i32
        %dma_wait3A_420 = arith.constant 0 : i32
        %dma_wait3A_421 = tpu.memref_slice %arg2[%arg0, %dma_wait3A_419, %dma_wait3A_420] : memref<2x10240x128xf32, #tpu.memory_space<hbm>> -> memref<1x10240x128xf32, #tpu.memory_space<hbm>>
        %dma_wait3A_422 = tpu.memref_squeeze %dma_wait3A_421 : memref<1x10240x128xf32, #tpu.memory_space<hbm>> -> memref<10240x128xf32, #tpu.memory_space<hbm>>
        %dma_wait3A_423 = arith.constant 0 : i32
        %dma_wait3A_424 = arith.constant 0 : i32
        %dma_wait3A_425 = tpu.memref_slice %dma_wait3A_422[%dma_wait3A_423, %dma_wait3A_424] : memref<10240x128xf32, #tpu.memory_space<hbm>> -> memref<10240x128xf32, #tpu.memory_space<hbm>>
        tpu.wait_indirect_dma semaphore(%arg15 : memref<!tpu.dma_semaphore, #tpu.memory_space<semaphore_mem>>) src(%dma_wait3A_425 : memref<10240x128xf32, #tpu.memory_space<hbm>>) dst(%dma_wait3A_415 : memref<128x128xf32, #tpu.memory_space<vmem>>)
        %dma_start3A_426 = arith.constant 0 : i32
        %dma_start3A_427 = arith.constant 0 : i32
        %dma_start3A_428 = arith.constant 0 : i32
        %dma_start3A_429 = tpu.memref_slice %arg11[%dma_start3A_426, %dma_start3A_427, %dma_start3A_428] : memref<2x128x128xf32, #tpu.memory_space<vmem>> -> memref<1x128x128xf32, #tpu.memory_space<vmem>>
        %dma_start3A_430 = tpu.memref_squeeze %dma_start3A_429 : memref<1x128x128xf32, #tpu.memory_space<vmem>> -> memref<128x128xf32, #tpu.memory_space<vmem>>
        %dma_start3A_431 = arith.constant 0 : i32
        %dma_start3A_432 = tpu.memref_slice %arg8[%scan3A_28, %dma_start3A_431] : memref<8x128xi32, #tpu.memory_space<vmem>> -> memref<1x128xi32, #tpu.memory_space<vmem>>
        %dma_start3A_433 = tpu.memref_squeeze %dma_start3A_432 : memref<1x128xi32, #tpu.memory_space<vmem>> -> memref<128xi32, #tpu.memory_space<vmem>>
        %dma_start3A_434 = arith.constant 0 : i32
        %dma_start3A_435 = arith.constant 0 : i32
        %dma_start3A_436 = tpu.memref_slice %arg12[%dma_start3A_434, %dma_start3A_435] : memref<10240x128xf32, #tpu.memory_space<vmem_shared>> -> memref<10240x128xf32, #tpu.memory_space<vmem_shared>>
        tpu.enqueue_indirect_dma source(%dma_start3A_430 : memref<128x128xf32, #tpu.memory_space<vmem>>) target(%dma_start3A_436 : memref<10240x128xf32, #tpu.memory_space<vmem_shared>>) offsets(%dma_start3A_433 : memref<128xi32, #tpu.memory_space<vmem>>) semaphore(%arg17 : memref<!tpu.dma_semaphore, #tpu.memory_space<semaphore_mem>>) {add = true}
        %dma_wait3A_437 = arith.constant 0 : i32
        %dma_wait3A_438 = arith.constant 0 : i32
        %dma_wait3A_439 = arith.constant 0 : i32
        %dma_wait3A_440 = tpu.memref_slice %arg11[%dma_wait3A_437, %dma_wait3A_438, %dma_wait3A_439] : memref<2x128x128xf32, #tpu.memory_space<vmem>> -> memref<1x128x128xf32, #tpu.memory_space<vmem>>
        %dma_wait3A_441 = tpu.memref_squeeze %dma_wait3A_440 : memref<1x128x128xf32, #tpu.memory_space<vmem>> -> memref<128x128xf32, #tpu.memory_space<vmem>>
        %dma_wait3A_442 = arith.constant 0 : i32
        %dma_wait3A_443 = tpu.memref_slice %arg8[%scan3A_28, %dma_wait3A_442] : memref<8x128xi32, #tpu.memory_space<vmem>> -> memref<1x128xi32, #tpu.memory_space<vmem>>
        %dma_wait3A_444 = tpu.memref_squeeze %dma_wait3A_443 : memref<1x128xi32, #tpu.memory_space<vmem>> -> memref<128xi32, #tpu.memory_space<vmem>>
        %dma_wait3A_445 = arith.constant 0 : i32
        %dma_wait3A_446 = arith.constant 0 : i32
        %dma_wait3A_447 = tpu.memref_slice %arg12[%dma_wait3A_445, %dma_wait3A_446] : memref<10240x128xf32, #tpu.memory_space<vmem_shared>> -> memref<10240x128xf32, #tpu.memory_space<vmem_shared>>
        tpu.wait_indirect_dma semaphore(%arg17 : memref<!tpu.dma_semaphore, #tpu.memory_space<semaphore_mem>>) src(%dma_wait3A_441 : memref<128x128xf32, #tpu.memory_space<vmem>>) dst(%dma_wait3A_447 : memref<10240x128xf32, #tpu.memory_space<vmem_shared>>)
      } else {
      }
      %add3A_220 = arith.constant 6 : i32
      %add3A_221 = arith.addi %mul3A_97, %add3A_220 : i32
      %lt3A_222 = arith.constant 160 : i32
      %lt3A_223 = arith.cmpi slt, %add3A_221, %lt3A_222 : i32
      %convert_element_type3A_224 = arith.extui %lt3A_223 : i1 to i32
      %cond3A_225 = arith.constant 0 : i32
      %cond3A_226 = arith.cmpi ne, %convert_element_type3A_224, %cond3A_225 : i32
      scf.if %cond3A_226 {
        %dma_start3A_411 = arith.constant 0 : i32
        %dma_start3A_412 = arith.constant 0 : i32
        %dma_start3A_413 = arith.constant 0 : i32
        %dma_start3A_414 = tpu.memref_slice %arg11[%dma_start3A_411, %dma_start3A_412, %dma_start3A_413] : memref<2x128x128xf32, #tpu.memory_space<vmem>> -> memref<1x128x128xf32, #tpu.memory_space<vmem>>
        %dma_start3A_415 = tpu.memref_squeeze %dma_start3A_414 : memref<1x128x128xf32, #tpu.memory_space<vmem>> -> memref<128x128xf32, #tpu.memory_space<vmem>>
        %dma_start3A_416 = arith.constant 0 : i32
        %dma_start3A_417 = tpu.memref_slice %arg7[%scan3A_29, %dma_start3A_416] : memref<8x128xi32, #tpu.memory_space<vmem>> -> memref<1x128xi32, #tpu.memory_space<vmem>>
        %dma_start3A_418 = tpu.memref_squeeze %dma_start3A_417 : memref<1x128xi32, #tpu.memory_space<vmem>> -> memref<128xi32, #tpu.memory_space<vmem>>
        %dma_start3A_419 = arith.constant 0 : i32
        %dma_start3A_420 = arith.constant 0 : i32
        %dma_start3A_421 = tpu.memref_slice %arg2[%arg0, %dma_start3A_419, %dma_start3A_420] : memref<2x10240x128xf32, #tpu.memory_space<hbm>> -> memref<1x10240x128xf32, #tpu.memory_space<hbm>>
        %dma_start3A_422 = tpu.memref_squeeze %dma_start3A_421 : memref<1x10240x128xf32, #tpu.memory_space<hbm>> -> memref<10240x128xf32, #tpu.memory_space<hbm>>
        %dma_start3A_423 = arith.constant 0 : i32
        %dma_start3A_424 = arith.constant 0 : i32
        %dma_start3A_425 = tpu.memref_slice %dma_start3A_422[%dma_start3A_423, %dma_start3A_424] : memref<10240x128xf32, #tpu.memory_space<hbm>> -> memref<10240x128xf32, #tpu.memory_space<hbm>>
        tpu.enqueue_indirect_dma source(%dma_start3A_425 : memref<10240x128xf32, #tpu.memory_space<hbm>>) target(%dma_start3A_415 : memref<128x128xf32, #tpu.memory_space<vmem>>) offsets(%dma_start3A_418 : memref<128xi32, #tpu.memory_space<vmem>>) semaphore(%arg15 : memref<!tpu.dma_semaphore, #tpu.memory_space<semaphore_mem>>)
      } else {
      }
      %ge3A_227 = arith.constant 1 : i32
      %ge3A_228 = arith.cmpi sge, %add3A_221, %ge3A_227 : i32
      %sub3A_229 = arith.constant 1 : i32
      %sub3A_230 = arith.subi %add3A_221, %sub3A_229 : i32
      %lt3A_231 = arith.constant 160 : i32
      %lt3A_232 = arith.cmpi slt, %sub3A_230, %lt3A_231 : i32
      %and3A_233 = arith.andi %ge3A_228, %lt3A_232 : i1
      %convert_element_type3A_234 = arith.extui %and3A_233 : i1 to i32
      %cond3A_235 = arith.constant 0 : i32
      %cond3A_236 = arith.cmpi ne, %convert_element_type3A_234, %cond3A_235 : i32
      scf.if %cond3A_236 {
        %dma_wait3A_411 = arith.constant 1 : i32
        %dma_wait3A_412 = arith.constant 0 : i32
        %dma_wait3A_413 = arith.constant 0 : i32
        %dma_wait3A_414 = tpu.memref_slice %arg11[%dma_wait3A_411, %dma_wait3A_412, %dma_wait3A_413] : memref<2x128x128xf32, #tpu.memory_space<vmem>> -> memref<1x128x128xf32, #tpu.memory_space<vmem>>
        %dma_wait3A_415 = tpu.memref_squeeze %dma_wait3A_414 : memref<1x128x128xf32, #tpu.memory_space<vmem>> -> memref<128x128xf32, #tpu.memory_space<vmem>>
        %dma_wait3A_416 = arith.constant 0 : i32
        %dma_wait3A_417 = tpu.memref_slice %arg7[%scan3A_27, %dma_wait3A_416] : memref<8x128xi32, #tpu.memory_space<vmem>> -> memref<1x128xi32, #tpu.memory_space<vmem>>
        %dma_wait3A_418 = tpu.memref_squeeze %dma_wait3A_417 : memref<1x128xi32, #tpu.memory_space<vmem>> -> memref<128xi32, #tpu.memory_space<vmem>>
        %dma_wait3A_419 = arith.constant 0 : i32
        %dma_wait3A_420 = arith.constant 0 : i32
        %dma_wait3A_421 = tpu.memref_slice %arg2[%arg0, %dma_wait3A_419, %dma_wait3A_420] : memref<2x10240x128xf32, #tpu.memory_space<hbm>> -> memref<1x10240x128xf32, #tpu.memory_space<hbm>>
        %dma_wait3A_422 = tpu.memref_squeeze %dma_wait3A_421 : memref<1x10240x128xf32, #tpu.memory_space<hbm>> -> memref<10240x128xf32, #tpu.memory_space<hbm>>
        %dma_wait3A_423 = arith.constant 0 : i32
        %dma_wait3A_424 = arith.constant 0 : i32
        %dma_wait3A_425 = tpu.memref_slice %dma_wait3A_422[%dma_wait3A_423, %dma_wait3A_424] : memref<10240x128xf32, #tpu.memory_space<hbm>> -> memref<10240x128xf32, #tpu.memory_space<hbm>>
        tpu.wait_indirect_dma semaphore(%arg16 : memref<!tpu.dma_semaphore, #tpu.memory_space<semaphore_mem>>) src(%dma_wait3A_425 : memref<10240x128xf32, #tpu.memory_space<hbm>>) dst(%dma_wait3A_415 : memref<128x128xf32, #tpu.memory_space<vmem>>)
        %dma_start3A_426 = arith.constant 1 : i32
        %dma_start3A_427 = arith.constant 0 : i32
        %dma_start3A_428 = arith.constant 0 : i32
        %dma_start3A_429 = tpu.memref_slice %arg11[%dma_start3A_426, %dma_start3A_427, %dma_start3A_428] : memref<2x128x128xf32, #tpu.memory_space<vmem>> -> memref<1x128x128xf32, #tpu.memory_space<vmem>>
        %dma_start3A_430 = tpu.memref_squeeze %dma_start3A_429 : memref<1x128x128xf32, #tpu.memory_space<vmem>> -> memref<128x128xf32, #tpu.memory_space<vmem>>
        %dma_start3A_431 = arith.constant 0 : i32
        %dma_start3A_432 = tpu.memref_slice %arg8[%scan3A_30, %dma_start3A_431] : memref<8x128xi32, #tpu.memory_space<vmem>> -> memref<1x128xi32, #tpu.memory_space<vmem>>
        %dma_start3A_433 = tpu.memref_squeeze %dma_start3A_432 : memref<1x128xi32, #tpu.memory_space<vmem>> -> memref<128xi32, #tpu.memory_space<vmem>>
        %dma_start3A_434 = arith.constant 0 : i32
        %dma_start3A_435 = arith.constant 0 : i32
        %dma_start3A_436 = tpu.memref_slice %arg12[%dma_start3A_434, %dma_start3A_435] : memref<10240x128xf32, #tpu.memory_space<vmem_shared>> -> memref<10240x128xf32, #tpu.memory_space<vmem_shared>>
        tpu.enqueue_indirect_dma source(%dma_start3A_430 : memref<128x128xf32, #tpu.memory_space<vmem>>) target(%dma_start3A_436 : memref<10240x128xf32, #tpu.memory_space<vmem_shared>>) offsets(%dma_start3A_433 : memref<128xi32, #tpu.memory_space<vmem>>) semaphore(%arg18 : memref<!tpu.dma_semaphore, #tpu.memory_space<semaphore_mem>>) {add = true}
        %dma_wait3A_437 = arith.constant 1 : i32
        %dma_wait3A_438 = arith.constant 0 : i32
        %dma_wait3A_439 = arith.constant 0 : i32
        %dma_wait3A_440 = tpu.memref_slice %arg11[%dma_wait3A_437, %dma_wait3A_438, %dma_wait3A_439] : memref<2x128x128xf32, #tpu.memory_space<vmem>> -> memref<1x128x128xf32, #tpu.memory_space<vmem>>
        %dma_wait3A_441 = tpu.memref_squeeze %dma_wait3A_440 : memref<1x128x128xf32, #tpu.memory_space<vmem>> -> memref<128x128xf32, #tpu.memory_space<vmem>>
        %dma_wait3A_442 = arith.constant 0 : i32
        %dma_wait3A_443 = tpu.memref_slice %arg8[%scan3A_30, %dma_wait3A_442] : memref<8x128xi32, #tpu.memory_space<vmem>> -> memref<1x128xi32, #tpu.memory_space<vmem>>
        %dma_wait3A_444 = tpu.memref_squeeze %dma_wait3A_443 : memref<1x128xi32, #tpu.memory_space<vmem>> -> memref<128xi32, #tpu.memory_space<vmem>>
        %dma_wait3A_445 = arith.constant 0 : i32
        %dma_wait3A_446 = arith.constant 0 : i32
        %dma_wait3A_447 = tpu.memref_slice %arg12[%dma_wait3A_445, %dma_wait3A_446] : memref<10240x128xf32, #tpu.memory_space<vmem_shared>> -> memref<10240x128xf32, #tpu.memory_space<vmem_shared>>
        tpu.wait_indirect_dma semaphore(%arg18 : memref<!tpu.dma_semaphore, #tpu.memory_space<semaphore_mem>>) src(%dma_wait3A_441 : memref<128x128xf32, #tpu.memory_space<vmem>>) dst(%dma_wait3A_447 : memref<10240x128xf32, #tpu.memory_space<vmem_shared>>)
      } else {
      }
      %add3A_237 = arith.constant 7 : i32
      %add3A_238 = arith.addi %mul3A_97, %add3A_237 : i32
      %lt3A_239 = arith.constant 160 : i32
      %lt3A_240 = arith.cmpi slt, %add3A_238, %lt3A_239 : i32
      %convert_element_type3A_241 = arith.extui %lt3A_240 : i1 to i32
      %cond3A_242 = arith.constant 0 : i32
      %cond3A_243 = arith.cmpi ne, %convert_element_type3A_241, %cond3A_242 : i32
      scf.if %cond3A_243 {
        %dma_start3A_411 = arith.constant 1 : i32
        %dma_start3A_412 = arith.constant 0 : i32
        %dma_start3A_413 = arith.constant 0 : i32
        %dma_start3A_414 = tpu.memref_slice %arg11[%dma_start3A_411, %dma_start3A_412, %dma_start3A_413] : memref<2x128x128xf32, #tpu.memory_space<vmem>> -> memref<1x128x128xf32, #tpu.memory_space<vmem>>
        %dma_start3A_415 = tpu.memref_squeeze %dma_start3A_414 : memref<1x128x128xf32, #tpu.memory_space<vmem>> -> memref<128x128xf32, #tpu.memory_space<vmem>>
        %dma_start3A_416 = arith.constant 0 : i32
        %dma_start3A_417 = tpu.memref_slice %arg7[%scan3A_31, %dma_start3A_416] : memref<8x128xi32, #tpu.memory_space<vmem>> -> memref<1x128xi32, #tpu.memory_space<vmem>>
        %dma_start3A_418 = tpu.memref_squeeze %dma_start3A_417 : memref<1x128xi32, #tpu.memory_space<vmem>> -> memref<128xi32, #tpu.memory_space<vmem>>
        %dma_start3A_419 = arith.constant 0 : i32
        %dma_start3A_420 = arith.constant 0 : i32
        %dma_start3A_421 = tpu.memref_slice %arg2[%arg0, %dma_start3A_419, %dma_start3A_420] : memref<2x10240x128xf32, #tpu.memory_space<hbm>> -> memref<1x10240x128xf32, #tpu.memory_space<hbm>>
        %dma_start3A_422 = tpu.memref_squeeze %dma_start3A_421 : memref<1x10240x128xf32, #tpu.memory_space<hbm>> -> memref<10240x128xf32, #tpu.memory_space<hbm>>
        %dma_start3A_423 = arith.constant 0 : i32
        %dma_start3A_424 = arith.constant 0 : i32
        %dma_start3A_425 = tpu.memref_slice %dma_start3A_422[%dma_start3A_423, %dma_start3A_424] : memref<10240x128xf32, #tpu.memory_space<hbm>> -> memref<10240x128xf32, #tpu.memory_space<hbm>>
        tpu.enqueue_indirect_dma source(%dma_start3A_425 : memref<10240x128xf32, #tpu.memory_space<hbm>>) target(%dma_start3A_415 : memref<128x128xf32, #tpu.memory_space<vmem>>) offsets(%dma_start3A_418 : memref<128xi32, #tpu.memory_space<vmem>>) semaphore(%arg16 : memref<!tpu.dma_semaphore, #tpu.memory_space<semaphore_mem>>)
      } else {
      }
      %ge3A_244 = arith.constant 1 : i32
      %ge3A_245 = arith.cmpi sge, %add3A_238, %ge3A_244 : i32
      %sub3A_246 = arith.constant 1 : i32
      %sub3A_247 = arith.subi %add3A_238, %sub3A_246 : i32
      %lt3A_248 = arith.constant 160 : i32
      %lt3A_249 = arith.cmpi slt, %sub3A_247, %lt3A_248 : i32
      %and3A_250 = arith.andi %ge3A_245, %lt3A_249 : i1
      %convert_element_type3A_251 = arith.extui %and3A_250 : i1 to i32
      %cond3A_252 = arith.constant 0 : i32
      %cond3A_253 = arith.cmpi ne, %convert_element_type3A_251, %cond3A_252 : i32
      scf.if %cond3A_253 {
        %dma_wait3A_411 = arith.constant 0 : i32
        %dma_wait3A_412 = arith.constant 0 : i32
        %dma_wait3A_413 = arith.constant 0 : i32
        %dma_wait3A_414 = tpu.memref_slice %arg11[%dma_wait3A_411, %dma_wait3A_412, %dma_wait3A_413] : memref<2x128x128xf32, #tpu.memory_space<vmem>> -> memref<1x128x128xf32, #tpu.memory_space<vmem>>
        %dma_wait3A_415 = tpu.memref_squeeze %dma_wait3A_414 : memref<1x128x128xf32, #tpu.memory_space<vmem>> -> memref<128x128xf32, #tpu.memory_space<vmem>>
        %dma_wait3A_416 = arith.constant 0 : i32
        %dma_wait3A_417 = tpu.memref_slice %arg7[%scan3A_29, %dma_wait3A_416] : memref<8x128xi32, #tpu.memory_space<vmem>> -> memref<1x128xi32, #tpu.memory_space<vmem>>
        %dma_wait3A_418 = tpu.memref_squeeze %dma_wait3A_417 : memref<1x128xi32, #tpu.memory_space<vmem>> -> memref<128xi32, #tpu.memory_space<vmem>>
        %dma_wait3A_419 = arith.constant 0 : i32
        %dma_wait3A_420 = arith.constant 0 : i32
        %dma_wait3A_421 = tpu.memref_slice %arg2[%arg0, %dma_wait3A_419, %dma_wait3A_420] : memref<2x10240x128xf32, #tpu.memory_space<hbm>> -> memref<1x10240x128xf32, #tpu.memory_space<hbm>>
        %dma_wait3A_422 = tpu.memref_squeeze %dma_wait3A_421 : memref<1x10240x128xf32, #tpu.memory_space<hbm>> -> memref<10240x128xf32, #tpu.memory_space<hbm>>
        %dma_wait3A_423 = arith.constant 0 : i32
        %dma_wait3A_424 = arith.constant 0 : i32
        %dma_wait3A_425 = tpu.memref_slice %dma_wait3A_422[%dma_wait3A_423, %dma_wait3A_424] : memref<10240x128xf32, #tpu.memory_space<hbm>> -> memref<10240x128xf32, #tpu.memory_space<hbm>>
        tpu.wait_indirect_dma semaphore(%arg15 : memref<!tpu.dma_semaphore, #tpu.memory_space<semaphore_mem>>) src(%dma_wait3A_425 : memref<10240x128xf32, #tpu.memory_space<hbm>>) dst(%dma_wait3A_415 : memref<128x128xf32, #tpu.memory_space<vmem>>)
        %dma_start3A_426 = arith.constant 0 : i32
        %dma_start3A_427 = arith.constant 0 : i32
        %dma_start3A_428 = arith.constant 0 : i32
        %dma_start3A_429 = tpu.memref_slice %arg11[%dma_start3A_426, %dma_start3A_427, %dma_start3A_428] : memref<2x128x128xf32, #tpu.memory_space<vmem>> -> memref<1x128x128xf32, #tpu.memory_space<vmem>>
        %dma_start3A_430 = tpu.memref_squeeze %dma_start3A_429 : memref<1x128x128xf32, #tpu.memory_space<vmem>> -> memref<128x128xf32, #tpu.memory_space<vmem>>
        %dma_start3A_431 = arith.constant 0 : i32
        %dma_start3A_432 = tpu.memref_slice %arg8[%scan3A_32, %dma_start3A_431] : memref<8x128xi32, #tpu.memory_space<vmem>> -> memref<1x128xi32, #tpu.memory_space<vmem>>
        %dma_start3A_433 = tpu.memref_squeeze %dma_start3A_432 : memref<1x128xi32, #tpu.memory_space<vmem>> -> memref<128xi32, #tpu.memory_space<vmem>>
        %dma_start3A_434 = arith.constant 0 : i32
        %dma_start3A_435 = arith.constant 0 : i32
        %dma_start3A_436 = tpu.memref_slice %arg12[%dma_start3A_434, %dma_start3A_435] : memref<10240x128xf32, #tpu.memory_space<vmem_shared>> -> memref<10240x128xf32, #tpu.memory_space<vmem_shared>>
        tpu.enqueue_indirect_dma source(%dma_start3A_430 : memref<128x128xf32, #tpu.memory_space<vmem>>) target(%dma_start3A_436 : memref<10240x128xf32, #tpu.memory_space<vmem_shared>>) offsets(%dma_start3A_433 : memref<128xi32, #tpu.memory_space<vmem>>) semaphore(%arg17 : memref<!tpu.dma_semaphore, #tpu.memory_space<semaphore_mem>>) {add = true}
        %dma_wait3A_437 = arith.constant 0 : i32
        %dma_wait3A_438 = arith.constant 0 : i32
        %dma_wait3A_439 = arith.constant 0 : i32
        %dma_wait3A_440 = tpu.memref_slice %arg11[%dma_wait3A_437, %dma_wait3A_438, %dma_wait3A_439] : memref<2x128x128xf32, #tpu.memory_space<vmem>> -> memref<1x128x128xf32, #tpu.memory_space<vmem>>
        %dma_wait3A_441 = tpu.memref_squeeze %dma_wait3A_440 : memref<1x128x128xf32, #tpu.memory_space<vmem>> -> memref<128x128xf32, #tpu.memory_space<vmem>>
        %dma_wait3A_442 = arith.constant 0 : i32
        %dma_wait3A_443 = tpu.memref_slice %arg8[%scan3A_32, %dma_wait3A_442] : memref<8x128xi32, #tpu.memory_space<vmem>> -> memref<1x128xi32, #tpu.memory_space<vmem>>
        %dma_wait3A_444 = tpu.memref_squeeze %dma_wait3A_443 : memref<1x128xi32, #tpu.memory_space<vmem>> -> memref<128xi32, #tpu.memory_space<vmem>>
        %dma_wait3A_445 = arith.constant 0 : i32
        %dma_wait3A_446 = arith.constant 0 : i32
        %dma_wait3A_447 = tpu.memref_slice %arg12[%dma_wait3A_445, %dma_wait3A_446] : memref<10240x128xf32, #tpu.memory_space<vmem_shared>> -> memref<10240x128xf32, #tpu.memory_space<vmem_shared>>
        tpu.wait_indirect_dma semaphore(%arg17 : memref<!tpu.dma_semaphore, #tpu.memory_space<semaphore_mem>>) src(%dma_wait3A_441 : memref<128x128xf32, #tpu.memory_space<vmem>>) dst(%dma_wait3A_447 : memref<10240x128xf32, #tpu.memory_space<vmem_shared>>)
      } else {
      }
      %add3A_254 = arith.constant 8 : i32
      %add3A_255 = arith.addi %mul3A_97, %add3A_254 : i32
      %add3A_256 = arith.constant 8 : i32
      %add3A_257 = arith.addi %mul3A_97, %add3A_256 : i32
      %dma_wait3A_258 = arith.constant 0 : i32
      %dma_wait3A_259 = tpu.memref_slice %arg3[%arg1, %add3A_257, %dma_wait3A_258] : memref<16x160x128xi32, #tpu.memory_space<hbm>> -> memref<1x8x128xi32, #tpu.memory_space<hbm>>
      %dma_wait3A_260 = tpu.memref_squeeze %dma_wait3A_259 : memref<1x8x128xi32, #tpu.memory_space<hbm>> -> memref<8x128xi32, #tpu.memory_space<hbm>>
      %dma_wait3A_261 = arith.constant 0 : i32
      %dma_wait3A_262 = tpu.memref_slice %arg3[%arg1, %add3A_257, %dma_wait3A_261] : memref<16x160x128xi32, #tpu.memory_space<hbm>> -> memref<1x8x128xi32, #tpu.memory_space<hbm>>
      %dma_wait3A_263 = tpu.memref_squeeze %dma_wait3A_262 : memref<1x8x128xi32, #tpu.memory_space<hbm>> -> memref<8x128xi32, #tpu.memory_space<hbm>>
      tpu.wait_dma2 semaphore(%arg14 : memref<!tpu.dma_semaphore, #tpu.memory_space<semaphore_mem>>) src(%dma_wait3A_263 : memref<8x128xi32, #tpu.memory_space<hbm>>) dst(%arg9 : memref<8x128xi32, #tpu.memory_space<vmem>>)
      %dma_wait3A_264 = arith.constant 0 : i32
      %dma_wait3A_265 = tpu.memref_slice %arg4[%arg1, %add3A_257, %dma_wait3A_264] : memref<16x160x128xi32, #tpu.memory_space<hbm>> -> memref<1x8x128xi32, #tpu.memory_space<hbm>>
      %dma_wait3A_266 = tpu.memref_squeeze %dma_wait3A_265 : memref<1x8x128xi32, #tpu.memory_space<hbm>> -> memref<8x128xi32, #tpu.memory_space<hbm>>
      %dma_wait3A_267 = arith.constant 0 : i32
      %dma_wait3A_268 = tpu.memref_slice %arg4[%arg1, %add3A_257, %dma_wait3A_267] : memref<16x160x128xi32, #tpu.memory_space<hbm>> -> memref<1x8x128xi32, #tpu.memory_space<hbm>>
      %dma_wait3A_269 = tpu.memref_squeeze %dma_wait3A_268 : memref<1x8x128xi32, #tpu.memory_space<hbm>> -> memref<8x128xi32, #tpu.memory_space<hbm>>
      tpu.wait_dma2 semaphore(%arg14 : memref<!tpu.dma_semaphore, #tpu.memory_space<semaphore_mem>>) src(%dma_wait3A_269 : memref<8x128xi32, #tpu.memory_space<hbm>>) dst(%arg10 : memref<8x128xi32, #tpu.memory_space<vmem>>)
      %lt3A_270 = arith.constant 160 : i32
      %lt3A_271 = arith.cmpi slt, %add3A_255, %lt3A_270 : i32
      %convert_element_type3A_272 = arith.extui %lt3A_271 : i1 to i32
      %cond3A_273 = arith.constant 0 : i32
      %cond3A_274 = arith.cmpi ne, %convert_element_type3A_272, %cond3A_273 : i32
      scf.if %cond3A_274 {
        %dma_start3A_411 = arith.constant 0 : i32
        %dma_start3A_412 = arith.constant 0 : i32
        %dma_start3A_413 = arith.constant 0 : i32
        %dma_start3A_414 = tpu.memref_slice %arg11[%dma_start3A_411, %dma_start3A_412, %dma_start3A_413] : memref<2x128x128xf32, #tpu.memory_space<vmem>> -> memref<1x128x128xf32, #tpu.memory_space<vmem>>
        %dma_start3A_415 = tpu.memref_squeeze %dma_start3A_414 : memref<1x128x128xf32, #tpu.memory_space<vmem>> -> memref<128x128xf32, #tpu.memory_space<vmem>>
        %dma_start3A_416 = arith.constant 0 : i32
        %dma_start3A_417 = tpu.memref_slice %arg9[%scan3A_33, %dma_start3A_416] : memref<8x128xi32, #tpu.memory_space<vmem>> -> memref<1x128xi32, #tpu.memory_space<vmem>>
        %dma_start3A_418 = tpu.memref_squeeze %dma_start3A_417 : memref<1x128xi32, #tpu.memory_space<vmem>> -> memref<128xi32, #tpu.memory_space<vmem>>
        %dma_start3A_419 = arith.constant 0 : i32
        %dma_start3A_420 = arith.constant 0 : i32
        %dma_start3A_421 = tpu.memref_slice %arg2[%arg0, %dma_start3A_419, %dma_start3A_420] : memref<2x10240x128xf32, #tpu.memory_space<hbm>> -> memref<1x10240x128xf32, #tpu.memory_space<hbm>>
        %dma_start3A_422 = tpu.memref_squeeze %dma_start3A_421 : memref<1x10240x128xf32, #tpu.memory_space<hbm>> -> memref<10240x128xf32, #tpu.memory_space<hbm>>
        %dma_start3A_423 = arith.constant 0 : i32
        %dma_start3A_424 = arith.constant 0 : i32
        %dma_start3A_425 = tpu.memref_slice %dma_start3A_422[%dma_start3A_423, %dma_start3A_424] : memref<10240x128xf32, #tpu.memory_space<hbm>> -> memref<10240x128xf32, #tpu.memory_space<hbm>>
        tpu.enqueue_indirect_dma source(%dma_start3A_425 : memref<10240x128xf32, #tpu.memory_space<hbm>>) target(%dma_start3A_415 : memref<128x128xf32, #tpu.memory_space<vmem>>) offsets(%dma_start3A_418 : memref<128xi32, #tpu.memory_space<vmem>>) semaphore(%arg15 : memref<!tpu.dma_semaphore, #tpu.memory_space<semaphore_mem>>)
      } else {
      }
      %ge3A_275 = arith.constant 1 : i32
      %ge3A_276 = arith.cmpi sge, %add3A_255, %ge3A_275 : i32
      %sub3A_277 = arith.constant 1 : i32
      %sub3A_278 = arith.subi %add3A_255, %sub3A_277 : i32
      %lt3A_279 = arith.constant 160 : i32
      %lt3A_280 = arith.cmpi slt, %sub3A_278, %lt3A_279 : i32
      %and3A_281 = arith.andi %ge3A_276, %lt3A_280 : i1
      %convert_element_type3A_282 = arith.extui %and3A_281 : i1 to i32
      %cond3A_283 = arith.constant 0 : i32
      %cond3A_284 = arith.cmpi ne, %convert_element_type3A_282, %cond3A_283 : i32
      scf.if %cond3A_284 {
        %dma_wait3A_411 = arith.constant 1 : i32
        %dma_wait3A_412 = arith.constant 0 : i32
        %dma_wait3A_413 = arith.constant 0 : i32
        %dma_wait3A_414 = tpu.memref_slice %arg11[%dma_wait3A_411, %dma_wait3A_412, %dma_wait3A_413] : memref<2x128x128xf32, #tpu.memory_space<vmem>> -> memref<1x128x128xf32, #tpu.memory_space<vmem>>
        %dma_wait3A_415 = tpu.memref_squeeze %dma_wait3A_414 : memref<1x128x128xf32, #tpu.memory_space<vmem>> -> memref<128x128xf32, #tpu.memory_space<vmem>>
        %dma_wait3A_416 = arith.constant 0 : i32
        %dma_wait3A_417 = tpu.memref_slice %arg7[%scan3A_31, %dma_wait3A_416] : memref<8x128xi32, #tpu.memory_space<vmem>> -> memref<1x128xi32, #tpu.memory_space<vmem>>
        %dma_wait3A_418 = tpu.memref_squeeze %dma_wait3A_417 : memref<1x128xi32, #tpu.memory_space<vmem>> -> memref<128xi32, #tpu.memory_space<vmem>>
        %dma_wait3A_419 = arith.constant 0 : i32
        %dma_wait3A_420 = arith.constant 0 : i32
        %dma_wait3A_421 = tpu.memref_slice %arg2[%arg0, %dma_wait3A_419, %dma_wait3A_420] : memref<2x10240x128xf32, #tpu.memory_space<hbm>> -> memref<1x10240x128xf32, #tpu.memory_space<hbm>>
        %dma_wait3A_422 = tpu.memref_squeeze %dma_wait3A_421 : memref<1x10240x128xf32, #tpu.memory_space<hbm>> -> memref<10240x128xf32, #tpu.memory_space<hbm>>
        %dma_wait3A_423 = arith.constant 0 : i32
        %dma_wait3A_424 = arith.constant 0 : i32
        %dma_wait3A_425 = tpu.memref_slice %dma_wait3A_422[%dma_wait3A_423, %dma_wait3A_424] : memref<10240x128xf32, #tpu.memory_space<hbm>> -> memref<10240x128xf32, #tpu.memory_space<hbm>>
        tpu.wait_indirect_dma semaphore(%arg16 : memref<!tpu.dma_semaphore, #tpu.memory_space<semaphore_mem>>) src(%dma_wait3A_425 : memref<10240x128xf32, #tpu.memory_space<hbm>>) dst(%dma_wait3A_415 : memref<128x128xf32, #tpu.memory_space<vmem>>)
        %dma_start3A_426 = arith.constant 1 : i32
        %dma_start3A_427 = arith.constant 0 : i32
        %dma_start3A_428 = arith.constant 0 : i32
        %dma_start3A_429 = tpu.memref_slice %arg11[%dma_start3A_426, %dma_start3A_427, %dma_start3A_428] : memref<2x128x128xf32, #tpu.memory_space<vmem>> -> memref<1x128x128xf32, #tpu.memory_space<vmem>>
        %dma_start3A_430 = tpu.memref_squeeze %dma_start3A_429 : memref<1x128x128xf32, #tpu.memory_space<vmem>> -> memref<128x128xf32, #tpu.memory_space<vmem>>
        %dma_start3A_431 = arith.constant 0 : i32
        %dma_start3A_432 = tpu.memref_slice %arg8[%scan3A_34, %dma_start3A_431] : memref<8x128xi32, #tpu.memory_space<vmem>> -> memref<1x128xi32, #tpu.memory_space<vmem>>
        %dma_start3A_433 = tpu.memref_squeeze %dma_start3A_432 : memref<1x128xi32, #tpu.memory_space<vmem>> -> memref<128xi32, #tpu.memory_space<vmem>>
        %dma_start3A_434 = arith.constant 0 : i32
        %dma_start3A_435 = arith.constant 0 : i32
        %dma_start3A_436 = tpu.memref_slice %arg12[%dma_start3A_434, %dma_start3A_435] : memref<10240x128xf32, #tpu.memory_space<vmem_shared>> -> memref<10240x128xf32, #tpu.memory_space<vmem_shared>>
        tpu.enqueue_indirect_dma source(%dma_start3A_430 : memref<128x128xf32, #tpu.memory_space<vmem>>) target(%dma_start3A_436 : memref<10240x128xf32, #tpu.memory_space<vmem_shared>>) offsets(%dma_start3A_433 : memref<128xi32, #tpu.memory_space<vmem>>) semaphore(%arg18 : memref<!tpu.dma_semaphore, #tpu.memory_space<semaphore_mem>>) {add = true}
        %dma_wait3A_437 = arith.constant 1 : i32
        %dma_wait3A_438 = arith.constant 0 : i32
        %dma_wait3A_439 = arith.constant 0 : i32
        %dma_wait3A_440 = tpu.memref_slice %arg11[%dma_wait3A_437, %dma_wait3A_438, %dma_wait3A_439] : memref<2x128x128xf32, #tpu.memory_space<vmem>> -> memref<1x128x128xf32, #tpu.memory_space<vmem>>
        %dma_wait3A_441 = tpu.memref_squeeze %dma_wait3A_440 : memref<1x128x128xf32, #tpu.memory_space<vmem>> -> memref<128x128xf32, #tpu.memory_space<vmem>>
        %dma_wait3A_442 = arith.constant 0 : i32
        %dma_wait3A_443 = tpu.memref_slice %arg8[%scan3A_34, %dma_wait3A_442] : memref<8x128xi32, #tpu.memory_space<vmem>> -> memref<1x128xi32, #tpu.memory_space<vmem>>
        %dma_wait3A_444 = tpu.memref_squeeze %dma_wait3A_443 : memref<1x128xi32, #tpu.memory_space<vmem>> -> memref<128xi32, #tpu.memory_space<vmem>>
        %dma_wait3A_445 = arith.constant 0 : i32
        %dma_wait3A_446 = arith.constant 0 : i32
        %dma_wait3A_447 = tpu.memref_slice %arg12[%dma_wait3A_445, %dma_wait3A_446] : memref<10240x128xf32, #tpu.memory_space<vmem_shared>> -> memref<10240x128xf32, #tpu.memory_space<vmem_shared>>
        tpu.wait_indirect_dma semaphore(%arg18 : memref<!tpu.dma_semaphore, #tpu.memory_space<semaphore_mem>>) src(%dma_wait3A_441 : memref<128x128xf32, #tpu.memory_space<vmem>>) dst(%dma_wait3A_447 : memref<10240x128xf32, #tpu.memory_space<vmem_shared>>)
      } else {
      }
      %add3A_285 = arith.constant 9 : i32
      %add3A_286 = arith.addi %mul3A_97, %add3A_285 : i32
      %lt3A_287 = arith.constant 160 : i32
      %lt3A_288 = arith.cmpi slt, %add3A_286, %lt3A_287 : i32
      %convert_element_type3A_289 = arith.extui %lt3A_288 : i1 to i32
      %cond3A_290 = arith.constant 0 : i32
      %cond3A_291 = arith.cmpi ne, %convert_element_type3A_289, %cond3A_290 : i32
      scf.if %cond3A_291 {
        %dma_start3A_411 = arith.constant 1 : i32
        %dma_start3A_412 = arith.constant 0 : i32
        %dma_start3A_413 = arith.constant 0 : i32
        %dma_start3A_414 = tpu.memref_slice %arg11[%dma_start3A_411, %dma_start3A_412, %dma_start3A_413] : memref<2x128x128xf32, #tpu.memory_space<vmem>> -> memref<1x128x128xf32, #tpu.memory_space<vmem>>
        %dma_start3A_415 = tpu.memref_squeeze %dma_start3A_414 : memref<1x128x128xf32, #tpu.memory_space<vmem>> -> memref<128x128xf32, #tpu.memory_space<vmem>>
        %dma_start3A_416 = arith.constant 0 : i32
        %dma_start3A_417 = tpu.memref_slice %arg9[%scan3A_35, %dma_start3A_416] : memref<8x128xi32, #tpu.memory_space<vmem>> -> memref<1x128xi32, #tpu.memory_space<vmem>>
        %dma_start3A_418 = tpu.memref_squeeze %dma_start3A_417 : memref<1x128xi32, #tpu.memory_space<vmem>> -> memref<128xi32, #tpu.memory_space<vmem>>
        %dma_start3A_419 = arith.constant 0 : i32
        %dma_start3A_420 = arith.constant 0 : i32
        %dma_start3A_421 = tpu.memref_slice %arg2[%arg0, %dma_start3A_419, %dma_start3A_420] : memref<2x10240x128xf32, #tpu.memory_space<hbm>> -> memref<1x10240x128xf32, #tpu.memory_space<hbm>>
        %dma_start3A_422 = tpu.memref_squeeze %dma_start3A_421 : memref<1x10240x128xf32, #tpu.memory_space<hbm>> -> memref<10240x128xf32, #tpu.memory_space<hbm>>
        %dma_start3A_423 = arith.constant 0 : i32
        %dma_start3A_424 = arith.constant 0 : i32
        %dma_start3A_425 = tpu.memref_slice %dma_start3A_422[%dma_start3A_423, %dma_start3A_424] : memref<10240x128xf32, #tpu.memory_space<hbm>> -> memref<10240x128xf32, #tpu.memory_space<hbm>>
        tpu.enqueue_indirect_dma source(%dma_start3A_425 : memref<10240x128xf32, #tpu.memory_space<hbm>>) target(%dma_start3A_415 : memref<128x128xf32, #tpu.memory_space<vmem>>) offsets(%dma_start3A_418 : memref<128xi32, #tpu.memory_space<vmem>>) semaphore(%arg16 : memref<!tpu.dma_semaphore, #tpu.memory_space<semaphore_mem>>)
      } else {
      }
      %ge3A_292 = arith.constant 1 : i32
      %ge3A_293 = arith.cmpi sge, %add3A_286, %ge3A_292 : i32
      %sub3A_294 = arith.constant 1 : i32
      %sub3A_295 = arith.subi %add3A_286, %sub3A_294 : i32
      %lt3A_296 = arith.constant 160 : i32
      %lt3A_297 = arith.cmpi slt, %sub3A_295, %lt3A_296 : i32
      %and3A_298 = arith.andi %ge3A_293, %lt3A_297 : i1
      %convert_element_type3A_299 = arith.extui %and3A_298 : i1 to i32
      %cond3A_300 = arith.constant 0 : i32
      %cond3A_301 = arith.cmpi ne, %convert_element_type3A_299, %cond3A_300 : i32
      scf.if %cond3A_301 {
        %dma_wait3A_411 = arith.constant 0 : i32
        %dma_wait3A_412 = arith.constant 0 : i32
        %dma_wait3A_413 = arith.constant 0 : i32
        %dma_wait3A_414 = tpu.memref_slice %arg11[%dma_wait3A_411, %dma_wait3A_412, %dma_wait3A_413] : memref<2x128x128xf32, #tpu.memory_space<vmem>> -> memref<1x128x128xf32, #tpu.memory_space<vmem>>
        %dma_wait3A_415 = tpu.memref_squeeze %dma_wait3A_414 : memref<1x128x128xf32, #tpu.memory_space<vmem>> -> memref<128x128xf32, #tpu.memory_space<vmem>>
        %dma_wait3A_416 = arith.constant 0 : i32
        %dma_wait3A_417 = tpu.memref_slice %arg9[%scan3A_33, %dma_wait3A_416] : memref<8x128xi32, #tpu.memory_space<vmem>> -> memref<1x128xi32, #tpu.memory_space<vmem>>
        %dma_wait3A_418 = tpu.memref_squeeze %dma_wait3A_417 : memref<1x128xi32, #tpu.memory_space<vmem>> -> memref<128xi32, #tpu.memory_space<vmem>>
        %dma_wait3A_419 = arith.constant 0 : i32
        %dma_wait3A_420 = arith.constant 0 : i32
        %dma_wait3A_421 = tpu.memref_slice %arg2[%arg0, %dma_wait3A_419, %dma_wait3A_420] : memref<2x10240x128xf32, #tpu.memory_space<hbm>> -> memref<1x10240x128xf32, #tpu.memory_space<hbm>>
        %dma_wait3A_422 = tpu.memref_squeeze %dma_wait3A_421 : memref<1x10240x128xf32, #tpu.memory_space<hbm>> -> memref<10240x128xf32, #tpu.memory_space<hbm>>
        %dma_wait3A_423 = arith.constant 0 : i32
        %dma_wait3A_424 = arith.constant 0 : i32
        %dma_wait3A_425 = tpu.memref_slice %dma_wait3A_422[%dma_wait3A_423, %dma_wait3A_424] : memref<10240x128xf32, #tpu.memory_space<hbm>> -> memref<10240x128xf32, #tpu.memory_space<hbm>>
        tpu.wait_indirect_dma semaphore(%arg15 : memref<!tpu.dma_semaphore, #tpu.memory_space<semaphore_mem>>) src(%dma_wait3A_425 : memref<10240x128xf32, #tpu.memory_space<hbm>>) dst(%dma_wait3A_415 : memref<128x128xf32, #tpu.memory_space<vmem>>)
        %dma_start3A_426 = arith.constant 0 : i32
        %dma_start3A_427 = arith.constant 0 : i32
        %dma_start3A_428 = arith.constant 0 : i32
        %dma_start3A_429 = tpu.memref_slice %arg11[%dma_start3A_426, %dma_start3A_427, %dma_start3A_428] : memref<2x128x128xf32, #tpu.memory_space<vmem>> -> memref<1x128x128xf32, #tpu.memory_space<vmem>>
        %dma_start3A_430 = tpu.memref_squeeze %dma_start3A_429 : memref<1x128x128xf32, #tpu.memory_space<vmem>> -> memref<128x128xf32, #tpu.memory_space<vmem>>
        %dma_start3A_431 = arith.constant 0 : i32
        %dma_start3A_432 = tpu.memref_slice %arg10[%scan3A_36, %dma_start3A_431] : memref<8x128xi32, #tpu.memory_space<vmem>> -> memref<1x128xi32, #tpu.memory_space<vmem>>
        %dma_start3A_433 = tpu.memref_squeeze %dma_start3A_432 : memref<1x128xi32, #tpu.memory_space<vmem>> -> memref<128xi32, #tpu.memory_space<vmem>>
        %dma_start3A_434 = arith.constant 0 : i32
        %dma_start3A_435 = arith.constant 0 : i32
        %dma_start3A_436 = tpu.memref_slice %arg12[%dma_start3A_434, %dma_start3A_435] : memref<10240x128xf32, #tpu.memory_space<vmem_shared>> -> memref<10240x128xf32, #tpu.memory_space<vmem_shared>>
        tpu.enqueue_indirect_dma source(%dma_start3A_430 : memref<128x128xf32, #tpu.memory_space<vmem>>) target(%dma_start3A_436 : memref<10240x128xf32, #tpu.memory_space<vmem_shared>>) offsets(%dma_start3A_433 : memref<128xi32, #tpu.memory_space<vmem>>) semaphore(%arg17 : memref<!tpu.dma_semaphore, #tpu.memory_space<semaphore_mem>>) {add = true}
        %dma_wait3A_437 = arith.constant 0 : i32
        %dma_wait3A_438 = arith.constant 0 : i32
        %dma_wait3A_439 = arith.constant 0 : i32
        %dma_wait3A_440 = tpu.memref_slice %arg11[%dma_wait3A_437, %dma_wait3A_438, %dma_wait3A_439] : memref<2x128x128xf32, #tpu.memory_space<vmem>> -> memref<1x128x128xf32, #tpu.memory_space<vmem>>
        %dma_wait3A_441 = tpu.memref_squeeze %dma_wait3A_440 : memref<1x128x128xf32, #tpu.memory_space<vmem>> -> memref<128x128xf32, #tpu.memory_space<vmem>>
        %dma_wait3A_442 = arith.constant 0 : i32
        %dma_wait3A_443 = tpu.memref_slice %arg10[%scan3A_36, %dma_wait3A_442] : memref<8x128xi32, #tpu.memory_space<vmem>> -> memref<1x128xi32, #tpu.memory_space<vmem>>
        %dma_wait3A_444 = tpu.memref_squeeze %dma_wait3A_443 : memref<1x128xi32, #tpu.memory_space<vmem>> -> memref<128xi32, #tpu.memory_space<vmem>>
        %dma_wait3A_445 = arith.constant 0 : i32
        %dma_wait3A_446 = arith.constant 0 : i32
        %dma_wait3A_447 = tpu.memref_slice %arg12[%dma_wait3A_445, %dma_wait3A_446] : memref<10240x128xf32, #tpu.memory_space<vmem_shared>> -> memref<10240x128xf32, #tpu.memory_space<vmem_shared>>
        tpu.wait_indirect_dma semaphore(%arg17 : memref<!tpu.dma_semaphore, #tpu.memory_space<semaphore_mem>>) src(%dma_wait3A_441 : memref<128x128xf32, #tpu.memory_space<vmem>>) dst(%dma_wait3A_447 : memref<10240x128xf32, #tpu.memory_space<vmem_shared>>)
      } else {
      }
      %add3A_302 = arith.constant 10 : i32
      %add3A_303 = arith.addi %mul3A_97, %add3A_302 : i32
      %add3A_304 = arith.constant 1 : i32
      %add3A_305 = arith.addi %scan3A_95, %add3A_304 : i32
      %lt3A_306 = arith.constant 10 : i32
      %lt3A_307 = arith.cmpi slt, %add3A_305, %lt3A_306 : i32
      %convert_element_type3A_308 = arith.extui %lt3A_307 : i1 to i32
      %cond3A_309 = arith.constant 0 : i32
      %cond3A_310 = arith.cmpi ne, %convert_element_type3A_308, %cond3A_309 : i32
      scf.if %cond3A_310 {
        %add3A_411 = arith.constant 16 : i32
        %add3A_412 = arith.addi %mul3A_97, %add3A_411 : i32
        %dma_start3A_413 = arith.constant 0 : i32
        %dma_start3A_414 = tpu.memref_slice %arg3[%arg1, %add3A_412, %dma_start3A_413] : memref<16x160x128xi32, #tpu.memory_space<hbm>> -> memref<1x8x128xi32, #tpu.memory_space<hbm>>
        %dma_start3A_415 = tpu.memref_squeeze %dma_start3A_414 : memref<1x8x128xi32, #tpu.memory_space<hbm>> -> memref<8x128xi32, #tpu.memory_space<hbm>>
        %dma_start3A_416 = arith.constant 0 : i32
        %dma_start3A_417 = tpu.memref_slice %arg3[%arg1, %add3A_412, %dma_start3A_416] : memref<16x160x128xi32, #tpu.memory_space<hbm>> -> memref<1x8x128xi32, #tpu.memory_space<hbm>>
        %dma_start3A_418 = tpu.memref_squeeze %dma_start3A_417 : memref<1x8x128xi32, #tpu.memory_space<hbm>> -> memref<8x128xi32, #tpu.memory_space<hbm>>
        tpu.enqueue_dma source(%dma_start3A_418 : memref<8x128xi32, #tpu.memory_space<hbm>>) target(%arg7 : memref<8x128xi32, #tpu.memory_space<vmem>>) target_semaphore(%arg13 : memref<!tpu.dma_semaphore, #tpu.memory_space<semaphore_mem>>)
        %dma_start3A_419 = arith.constant 0 : i32
        %dma_start3A_420 = tpu.memref_slice %arg4[%arg1, %add3A_412, %dma_start3A_419] : memref<16x160x128xi32, #tpu.memory_space<hbm>> -> memref<1x8x128xi32, #tpu.memory_space<hbm>>
        %dma_start3A_421 = tpu.memref_squeeze %dma_start3A_420 : memref<1x8x128xi32, #tpu.memory_space<hbm>> -> memref<8x128xi32, #tpu.memory_space<hbm>>
        %dma_start3A_422 = arith.constant 0 : i32
        %dma_start3A_423 = tpu.memref_slice %arg4[%arg1, %add3A_412, %dma_start3A_422] : memref<16x160x128xi32, #tpu.memory_space<hbm>> -> memref<1x8x128xi32, #tpu.memory_space<hbm>>
        %dma_start3A_424 = tpu.memref_squeeze %dma_start3A_423 : memref<1x8x128xi32, #tpu.memory_space<hbm>> -> memref<8x128xi32, #tpu.memory_space<hbm>>
        tpu.enqueue_dma source(%dma_start3A_424 : memref<8x128xi32, #tpu.memory_space<hbm>>) target(%arg8 : memref<8x128xi32, #tpu.memory_space<vmem>>) target_semaphore(%arg13 : memref<!tpu.dma_semaphore, #tpu.memory_space<semaphore_mem>>)
      } else {
      }
      %lt3A_311 = arith.constant 160 : i32
      %lt3A_312 = arith.cmpi slt, %add3A_303, %lt3A_311 : i32
      %convert_element_type3A_313 = arith.extui %lt3A_312 : i1 to i32
      %cond3A_314 = arith.constant 0 : i32
      %cond3A_315 = arith.cmpi ne, %convert_element_type3A_313, %cond3A_314 : i32
      scf.if %cond3A_315 {
        %dma_start3A_411 = arith.constant 0 : i32
        %dma_start3A_412 = arith.constant 0 : i32
        %dma_start3A_413 = arith.constant 0 : i32
        %dma_start3A_414 = tpu.memref_slice %arg11[%dma_start3A_411, %dma_start3A_412, %dma_start3A_413] : memref<2x128x128xf32, #tpu.memory_space<vmem>> -> memref<1x128x128xf32, #tpu.memory_space<vmem>>
        %dma_start3A_415 = tpu.memref_squeeze %dma_start3A_414 : memref<1x128x128xf32, #tpu.memory_space<vmem>> -> memref<128x128xf32, #tpu.memory_space<vmem>>
        %dma_start3A_416 = arith.constant 0 : i32
        %dma_start3A_417 = tpu.memref_slice %arg9[%scan3A_37, %dma_start3A_416] : memref<8x128xi32, #tpu.memory_space<vmem>> -> memref<1x128xi32, #tpu.memory_space<vmem>>
        %dma_start3A_418 = tpu.memref_squeeze %dma_start3A_417 : memref<1x128xi32, #tpu.memory_space<vmem>> -> memref<128xi32, #tpu.memory_space<vmem>>
        %dma_start3A_419 = arith.constant 0 : i32
        %dma_start3A_420 = arith.constant 0 : i32
        %dma_start3A_421 = tpu.memref_slice %arg2[%arg0, %dma_start3A_419, %dma_start3A_420] : memref<2x10240x128xf32, #tpu.memory_space<hbm>> -> memref<1x10240x128xf32, #tpu.memory_space<hbm>>
        %dma_start3A_422 = tpu.memref_squeeze %dma_start3A_421 : memref<1x10240x128xf32, #tpu.memory_space<hbm>> -> memref<10240x128xf32, #tpu.memory_space<hbm>>
        %dma_start3A_423 = arith.constant 0 : i32
        %dma_start3A_424 = arith.constant 0 : i32
        %dma_start3A_425 = tpu.memref_slice %dma_start3A_422[%dma_start3A_423, %dma_start3A_424] : memref<10240x128xf32, #tpu.memory_space<hbm>> -> memref<10240x128xf32, #tpu.memory_space<hbm>>
        tpu.enqueue_indirect_dma source(%dma_start3A_425 : memref<10240x128xf32, #tpu.memory_space<hbm>>) target(%dma_start3A_415 : memref<128x128xf32, #tpu.memory_space<vmem>>) offsets(%dma_start3A_418 : memref<128xi32, #tpu.memory_space<vmem>>) semaphore(%arg15 : memref<!tpu.dma_semaphore, #tpu.memory_space<semaphore_mem>>)
      } else {
      }
      %ge3A_316 = arith.constant 1 : i32
      %ge3A_317 = arith.cmpi sge, %add3A_303, %ge3A_316 : i32
      %sub3A_318 = arith.constant 1 : i32
      %sub3A_319 = arith.subi %add3A_303, %sub3A_318 : i32
      %lt3A_320 = arith.constant 160 : i32
      %lt3A_321 = arith.cmpi slt, %sub3A_319, %lt3A_320 : i32
      %and3A_322 = arith.andi %ge3A_317, %lt3A_321 : i1
      %convert_element_type3A_323 = arith.extui %and3A_322 : i1 to i32
      %cond3A_324 = arith.constant 0 : i32
      %cond3A_325 = arith.cmpi ne, %convert_element_type3A_323, %cond3A_324 : i32
      scf.if %cond3A_325 {
        %dma_wait3A_411 = arith.constant 1 : i32
        %dma_wait3A_412 = arith.constant 0 : i32
        %dma_wait3A_413 = arith.constant 0 : i32
        %dma_wait3A_414 = tpu.memref_slice %arg11[%dma_wait3A_411, %dma_wait3A_412, %dma_wait3A_413] : memref<2x128x128xf32, #tpu.memory_space<vmem>> -> memref<1x128x128xf32, #tpu.memory_space<vmem>>
        %dma_wait3A_415 = tpu.memref_squeeze %dma_wait3A_414 : memref<1x128x128xf32, #tpu.memory_space<vmem>> -> memref<128x128xf32, #tpu.memory_space<vmem>>
        %dma_wait3A_416 = arith.constant 0 : i32
        %dma_wait3A_417 = tpu.memref_slice %arg9[%scan3A_35, %dma_wait3A_416] : memref<8x128xi32, #tpu.memory_space<vmem>> -> memref<1x128xi32, #tpu.memory_space<vmem>>
        %dma_wait3A_418 = tpu.memref_squeeze %dma_wait3A_417 : memref<1x128xi32, #tpu.memory_space<vmem>> -> memref<128xi32, #tpu.memory_space<vmem>>
        %dma_wait3A_419 = arith.constant 0 : i32
        %dma_wait3A_420 = arith.constant 0 : i32
        %dma_wait3A_421 = tpu.memref_slice %arg2[%arg0, %dma_wait3A_419, %dma_wait3A_420] : memref<2x10240x128xf32, #tpu.memory_space<hbm>> -> memref<1x10240x128xf32, #tpu.memory_space<hbm>>
        %dma_wait3A_422 = tpu.memref_squeeze %dma_wait3A_421 : memref<1x10240x128xf32, #tpu.memory_space<hbm>> -> memref<10240x128xf32, #tpu.memory_space<hbm>>
        %dma_wait3A_423 = arith.constant 0 : i32
        %dma_wait3A_424 = arith.constant 0 : i32
        %dma_wait3A_425 = tpu.memref_slice %dma_wait3A_422[%dma_wait3A_423, %dma_wait3A_424] : memref<10240x128xf32, #tpu.memory_space<hbm>> -> memref<10240x128xf32, #tpu.memory_space<hbm>>
        tpu.wait_indirect_dma semaphore(%arg16 : memref<!tpu.dma_semaphore, #tpu.memory_space<semaphore_mem>>) src(%dma_wait3A_425 : memref<10240x128xf32, #tpu.memory_space<hbm>>) dst(%dma_wait3A_415 : memref<128x128xf32, #tpu.memory_space<vmem>>)
        %dma_start3A_426 = arith.constant 1 : i32
        %dma_start3A_427 = arith.constant 0 : i32
        %dma_start3A_428 = arith.constant 0 : i32
        %dma_start3A_429 = tpu.memref_slice %arg11[%dma_start3A_426, %dma_start3A_427, %dma_start3A_428] : memref<2x128x128xf32, #tpu.memory_space<vmem>> -> memref<1x128x128xf32, #tpu.memory_space<vmem>>
        %dma_start3A_430 = tpu.memref_squeeze %dma_start3A_429 : memref<1x128x128xf32, #tpu.memory_space<vmem>> -> memref<128x128xf32, #tpu.memory_space<vmem>>
        %dma_start3A_431 = arith.constant 0 : i32
        %dma_start3A_432 = tpu.memref_slice %arg10[%scan3A_38, %dma_start3A_431] : memref<8x128xi32, #tpu.memory_space<vmem>> -> memref<1x128xi32, #tpu.memory_space<vmem>>
        %dma_start3A_433 = tpu.memref_squeeze %dma_start3A_432 : memref<1x128xi32, #tpu.memory_space<vmem>> -> memref<128xi32, #tpu.memory_space<vmem>>
        %dma_start3A_434 = arith.constant 0 : i32
        %dma_start3A_435 = arith.constant 0 : i32
        %dma_start3A_436 = tpu.memref_slice %arg12[%dma_start3A_434, %dma_start3A_435] : memref<10240x128xf32, #tpu.memory_space<vmem_shared>> -> memref<10240x128xf32, #tpu.memory_space<vmem_shared>>
        tpu.enqueue_indirect_dma source(%dma_start3A_430 : memref<128x128xf32, #tpu.memory_space<vmem>>) target(%dma_start3A_436 : memref<10240x128xf32, #tpu.memory_space<vmem_shared>>) offsets(%dma_start3A_433 : memref<128xi32, #tpu.memory_space<vmem>>) semaphore(%arg18 : memref<!tpu.dma_semaphore, #tpu.memory_space<semaphore_mem>>) {add = true}
        %dma_wait3A_437 = arith.constant 1 : i32
        %dma_wait3A_438 = arith.constant 0 : i32
        %dma_wait3A_439 = arith.constant 0 : i32
        %dma_wait3A_440 = tpu.memref_slice %arg11[%dma_wait3A_437, %dma_wait3A_438, %dma_wait3A_439] : memref<2x128x128xf32, #tpu.memory_space<vmem>> -> memref<1x128x128xf32, #tpu.memory_space<vmem>>
        %dma_wait3A_441 = tpu.memref_squeeze %dma_wait3A_440 : memref<1x128x128xf32, #tpu.memory_space<vmem>> -> memref<128x128xf32, #tpu.memory_space<vmem>>
        %dma_wait3A_442 = arith.constant 0 : i32
        %dma_wait3A_443 = tpu.memref_slice %arg10[%scan3A_38, %dma_wait3A_442] : memref<8x128xi32, #tpu.memory_space<vmem>> -> memref<1x128xi32, #tpu.memory_space<vmem>>
        %dma_wait3A_444 = tpu.memref_squeeze %dma_wait3A_443 : memref<1x128xi32, #tpu.memory_space<vmem>> -> memref<128xi32, #tpu.memory_space<vmem>>
        %dma_wait3A_445 = arith.constant 0 : i32
        %dma_wait3A_446 = arith.constant 0 : i32
        %dma_wait3A_447 = tpu.memref_slice %arg12[%dma_wait3A_445, %dma_wait3A_446] : memref<10240x128xf32, #tpu.memory_space<vmem_shared>> -> memref<10240x128xf32, #tpu.memory_space<vmem_shared>>
        tpu.wait_indirect_dma semaphore(%arg18 : memref<!tpu.dma_semaphore, #tpu.memory_space<semaphore_mem>>) src(%dma_wait3A_441 : memref<128x128xf32, #tpu.memory_space<vmem>>) dst(%dma_wait3A_447 : memref<10240x128xf32, #tpu.memory_space<vmem_shared>>)
      } else {
      }
      %add3A_326 = arith.constant 11 : i32
      %add3A_327 = arith.addi %mul3A_97, %add3A_326 : i32
      %lt3A_328 = arith.constant 160 : i32
      %lt3A_329 = arith.cmpi slt, %add3A_327, %lt3A_328 : i32
      %convert_element_type3A_330 = arith.extui %lt3A_329 : i1 to i32
      %cond3A_331 = arith.constant 0 : i32
      %cond3A_332 = arith.cmpi ne, %convert_element_type3A_330, %cond3A_331 : i32
      scf.if %cond3A_332 {
        %dma_start3A_411 = arith.constant 1 : i32
        %dma_start3A_412 = arith.constant 0 : i32
        %dma_start3A_413 = arith.constant 0 : i32
        %dma_start3A_414 = tpu.memref_slice %arg11[%dma_start3A_411, %dma_start3A_412, %dma_start3A_413] : memref<2x128x128xf32, #tpu.memory_space<vmem>> -> memref<1x128x128xf32, #tpu.memory_space<vmem>>
        %dma_start3A_415 = tpu.memref_squeeze %dma_start3A_414 : memref<1x128x128xf32, #tpu.memory_space<vmem>> -> memref<128x128xf32, #tpu.memory_space<vmem>>
        %dma_start3A_416 = arith.constant 0 : i32
        %dma_start3A_417 = tpu.memref_slice %arg9[%scan3A_39, %dma_start3A_416] : memref<8x128xi32, #tpu.memory_space<vmem>> -> memref<1x128xi32, #tpu.memory_space<vmem>>
        %dma_start3A_418 = tpu.memref_squeeze %dma_start3A_417 : memref<1x128xi32, #tpu.memory_space<vmem>> -> memref<128xi32, #tpu.memory_space<vmem>>
        %dma_start3A_419 = arith.constant 0 : i32
        %dma_start3A_420 = arith.constant 0 : i32
        %dma_start3A_421 = tpu.memref_slice %arg2[%arg0, %dma_start3A_419, %dma_start3A_420] : memref<2x10240x128xf32, #tpu.memory_space<hbm>> -> memref<1x10240x128xf32, #tpu.memory_space<hbm>>
        %dma_start3A_422 = tpu.memref_squeeze %dma_start3A_421 : memref<1x10240x128xf32, #tpu.memory_space<hbm>> -> memref<10240x128xf32, #tpu.memory_space<hbm>>
        %dma_start3A_423 = arith.constant 0 : i32
        %dma_start3A_424 = arith.constant 0 : i32
        %dma_start3A_425 = tpu.memref_slice %dma_start3A_422[%dma_start3A_423, %dma_start3A_424] : memref<10240x128xf32, #tpu.memory_space<hbm>> -> memref<10240x128xf32, #tpu.memory_space<hbm>>
        tpu.enqueue_indirect_dma source(%dma_start3A_425 : memref<10240x128xf32, #tpu.memory_space<hbm>>) target(%dma_start3A_415 : memref<128x128xf32, #tpu.memory_space<vmem>>) offsets(%dma_start3A_418 : memref<128xi32, #tpu.memory_space<vmem>>) semaphore(%arg16 : memref<!tpu.dma_semaphore, #tpu.memory_space<semaphore_mem>>)
      } else {
      }
      %ge3A_333 = arith.constant 1 : i32
      %ge3A_334 = arith.cmpi sge, %add3A_327, %ge3A_333 : i32
      %sub3A_335 = arith.constant 1 : i32
      %sub3A_336 = arith.subi %add3A_327, %sub3A_335 : i32
      %lt3A_337 = arith.constant 160 : i32
      %lt3A_338 = arith.cmpi slt, %sub3A_336, %lt3A_337 : i32
      %and3A_339 = arith.andi %ge3A_334, %lt3A_338 : i1
      %convert_element_type3A_340 = arith.extui %and3A_339 : i1 to i32
      %cond3A_341 = arith.constant 0 : i32
      %cond3A_342 = arith.cmpi ne, %convert_element_type3A_340, %cond3A_341 : i32
      scf.if %cond3A_342 {
        %dma_wait3A_411 = arith.constant 0 : i32
        %dma_wait3A_412 = arith.constant 0 : i32
        %dma_wait3A_413 = arith.constant 0 : i32
        %dma_wait3A_414 = tpu.memref_slice %arg11[%dma_wait3A_411, %dma_wait3A_412, %dma_wait3A_413] : memref<2x128x128xf32, #tpu.memory_space<vmem>> -> memref<1x128x128xf32, #tpu.memory_space<vmem>>
        %dma_wait3A_415 = tpu.memref_squeeze %dma_wait3A_414 : memref<1x128x128xf32, #tpu.memory_space<vmem>> -> memref<128x128xf32, #tpu.memory_space<vmem>>
        %dma_wait3A_416 = arith.constant 0 : i32
        %dma_wait3A_417 = tpu.memref_slice %arg9[%scan3A_37, %dma_wait3A_416] : memref<8x128xi32, #tpu.memory_space<vmem>> -> memref<1x128xi32, #tpu.memory_space<vmem>>
        %dma_wait3A_418 = tpu.memref_squeeze %dma_wait3A_417 : memref<1x128xi32, #tpu.memory_space<vmem>> -> memref<128xi32, #tpu.memory_space<vmem>>
        %dma_wait3A_419 = arith.constant 0 : i32
        %dma_wait3A_420 = arith.constant 0 : i32
        %dma_wait3A_421 = tpu.memref_slice %arg2[%arg0, %dma_wait3A_419, %dma_wait3A_420] : memref<2x10240x128xf32, #tpu.memory_space<hbm>> -> memref<1x10240x128xf32, #tpu.memory_space<hbm>>
        %dma_wait3A_422 = tpu.memref_squeeze %dma_wait3A_421 : memref<1x10240x128xf32, #tpu.memory_space<hbm>> -> memref<10240x128xf32, #tpu.memory_space<hbm>>
        %dma_wait3A_423 = arith.constant 0 : i32
        %dma_wait3A_424 = arith.constant 0 : i32
        %dma_wait3A_425 = tpu.memref_slice %dma_wait3A_422[%dma_wait3A_423, %dma_wait3A_424] : memref<10240x128xf32, #tpu.memory_space<hbm>> -> memref<10240x128xf32, #tpu.memory_space<hbm>>
        tpu.wait_indirect_dma semaphore(%arg15 : memref<!tpu.dma_semaphore, #tpu.memory_space<semaphore_mem>>) src(%dma_wait3A_425 : memref<10240x128xf32, #tpu.memory_space<hbm>>) dst(%dma_wait3A_415 : memref<128x128xf32, #tpu.memory_space<vmem>>)
        %dma_start3A_426 = arith.constant 0 : i32
        %dma_start3A_427 = arith.constant 0 : i32
        %dma_start3A_428 = arith.constant 0 : i32
        %dma_start3A_429 = tpu.memref_slice %arg11[%dma_start3A_426, %dma_start3A_427, %dma_start3A_428] : memref<2x128x128xf32, #tpu.memory_space<vmem>> -> memref<1x128x128xf32, #tpu.memory_space<vmem>>
        %dma_start3A_430 = tpu.memref_squeeze %dma_start3A_429 : memref<1x128x128xf32, #tpu.memory_space<vmem>> -> memref<128x128xf32, #tpu.memory_space<vmem>>
        %dma_start3A_431 = arith.constant 0 : i32
        %dma_start3A_432 = tpu.memref_slice %arg10[%scan3A_40, %dma_start3A_431] : memref<8x128xi32, #tpu.memory_space<vmem>> -> memref<1x128xi32, #tpu.memory_space<vmem>>
        %dma_start3A_433 = tpu.memref_squeeze %dma_start3A_432 : memref<1x128xi32, #tpu.memory_space<vmem>> -> memref<128xi32, #tpu.memory_space<vmem>>
        %dma_start3A_434 = arith.constant 0 : i32
        %dma_start3A_435 = arith.constant 0 : i32
        %dma_start3A_436 = tpu.memref_slice %arg12[%dma_start3A_434, %dma_start3A_435] : memref<10240x128xf32, #tpu.memory_space<vmem_shared>> -> memref<10240x128xf32, #tpu.memory_space<vmem_shared>>
        tpu.enqueue_indirect_dma source(%dma_start3A_430 : memref<128x128xf32, #tpu.memory_space<vmem>>) target(%dma_start3A_436 : memref<10240x128xf32, #tpu.memory_space<vmem_shared>>) offsets(%dma_start3A_433 : memref<128xi32, #tpu.memory_space<vmem>>) semaphore(%arg17 : memref<!tpu.dma_semaphore, #tpu.memory_space<semaphore_mem>>) {add = true}
        %dma_wait3A_437 = arith.constant 0 : i32
        %dma_wait3A_438 = arith.constant 0 : i32
        %dma_wait3A_439 = arith.constant 0 : i32
        %dma_wait3A_440 = tpu.memref_slice %arg11[%dma_wait3A_437, %dma_wait3A_438, %dma_wait3A_439] : memref<2x128x128xf32, #tpu.memory_space<vmem>> -> memref<1x128x128xf32, #tpu.memory_space<vmem>>
        %dma_wait3A_441 = tpu.memref_squeeze %dma_wait3A_440 : memref<1x128x128xf32, #tpu.memory_space<vmem>> -> memref<128x128xf32, #tpu.memory_space<vmem>>
        %dma_wait3A_442 = arith.constant 0 : i32
        %dma_wait3A_443 = tpu.memref_slice %arg10[%scan3A_40, %dma_wait3A_442] : memref<8x128xi32, #tpu.memory_space<vmem>> -> memref<1x128xi32, #tpu.memory_space<vmem>>
        %dma_wait3A_444 = tpu.memref_squeeze %dma_wait3A_443 : memref<1x128xi32, #tpu.memory_space<vmem>> -> memref<128xi32, #tpu.memory_space<vmem>>
        %dma_wait3A_445 = arith.constant 0 : i32
        %dma_wait3A_446 = arith.constant 0 : i32
        %dma_wait3A_447 = tpu.memref_slice %arg12[%dma_wait3A_445, %dma_wait3A_446] : memref<10240x128xf32, #tpu.memory_space<vmem_shared>> -> memref<10240x128xf32, #tpu.memory_space<vmem_shared>>
        tpu.wait_indirect_dma semaphore(%arg17 : memref<!tpu.dma_semaphore, #tpu.memory_space<semaphore_mem>>) src(%dma_wait3A_441 : memref<128x128xf32, #tpu.memory_space<vmem>>) dst(%dma_wait3A_447 : memref<10240x128xf32, #tpu.memory_space<vmem_shared>>)
      } else {
      }
      %add3A_343 = arith.constant 12 : i32
      %add3A_344 = arith.addi %mul3A_97, %add3A_343 : i32
      %lt3A_345 = arith.constant 160 : i32
      %lt3A_346 = arith.cmpi slt, %add3A_344, %lt3A_345 : i32
      %convert_element_type3A_347 = arith.extui %lt3A_346 : i1 to i32
      %cond3A_348 = arith.constant 0 : i32
      %cond3A_349 = arith.cmpi ne, %convert_element_type3A_347, %cond3A_348 : i32
      scf.if %cond3A_349 {
        %dma_start3A_411 = arith.constant 0 : i32
        %dma_start3A_412 = arith.constant 0 : i32
        %dma_start3A_413 = arith.constant 0 : i32
        %dma_start3A_414 = tpu.memref_slice %arg11[%dma_start3A_411, %dma_start3A_412, %dma_start3A_413] : memref<2x128x128xf32, #tpu.memory_space<vmem>> -> memref<1x128x128xf32, #tpu.memory_space<vmem>>
        %dma_start3A_415 = tpu.memref_squeeze %dma_start3A_414 : memref<1x128x128xf32, #tpu.memory_space<vmem>> -> memref<128x128xf32, #tpu.memory_space<vmem>>
        %dma_start3A_416 = arith.constant 0 : i32
        %dma_start3A_417 = tpu.memref_slice %arg9[%scan3A_41, %dma_start3A_416] : memref<8x128xi32, #tpu.memory_space<vmem>> -> memref<1x128xi32, #tpu.memory_space<vmem>>
        %dma_start3A_418 = tpu.memref_squeeze %dma_start3A_417 : memref<1x128xi32, #tpu.memory_space<vmem>> -> memref<128xi32, #tpu.memory_space<vmem>>
        %dma_start3A_419 = arith.constant 0 : i32
        %dma_start3A_420 = arith.constant 0 : i32
        %dma_start3A_421 = tpu.memref_slice %arg2[%arg0, %dma_start3A_419, %dma_start3A_420] : memref<2x10240x128xf32, #tpu.memory_space<hbm>> -> memref<1x10240x128xf32, #tpu.memory_space<hbm>>
        %dma_start3A_422 = tpu.memref_squeeze %dma_start3A_421 : memref<1x10240x128xf32, #tpu.memory_space<hbm>> -> memref<10240x128xf32, #tpu.memory_space<hbm>>
        %dma_start3A_423 = arith.constant 0 : i32
        %dma_start3A_424 = arith.constant 0 : i32
        %dma_start3A_425 = tpu.memref_slice %dma_start3A_422[%dma_start3A_423, %dma_start3A_424] : memref<10240x128xf32, #tpu.memory_space<hbm>> -> memref<10240x128xf32, #tpu.memory_space<hbm>>
        tpu.enqueue_indirect_dma source(%dma_start3A_425 : memref<10240x128xf32, #tpu.memory_space<hbm>>) target(%dma_start3A_415 : memref<128x128xf32, #tpu.memory_space<vmem>>) offsets(%dma_start3A_418 : memref<128xi32, #tpu.memory_space<vmem>>) semaphore(%arg15 : memref<!tpu.dma_semaphore, #tpu.memory_space<semaphore_mem>>)
      } else {
      }
      %ge3A_350 = arith.constant 1 : i32
      %ge3A_351 = arith.cmpi sge, %add3A_344, %ge3A_350 : i32
      %sub3A_352 = arith.constant 1 : i32
      %sub3A_353 = arith.subi %add3A_344, %sub3A_352 : i32
      %lt3A_354 = arith.constant 160 : i32
      %lt3A_355 = arith.cmpi slt, %sub3A_353, %lt3A_354 : i32
      %and3A_356 = arith.andi %ge3A_351, %lt3A_355 : i1
      %convert_element_type3A_357 = arith.extui %and3A_356 : i1 to i32
      %cond3A_358 = arith.constant 0 : i32
      %cond3A_359 = arith.cmpi ne, %convert_element_type3A_357, %cond3A_358 : i32
      scf.if %cond3A_359 {
        %dma_wait3A_411 = arith.constant 1 : i32
        %dma_wait3A_412 = arith.constant 0 : i32
        %dma_wait3A_413 = arith.constant 0 : i32
        %dma_wait3A_414 = tpu.memref_slice %arg11[%dma_wait3A_411, %dma_wait3A_412, %dma_wait3A_413] : memref<2x128x128xf32, #tpu.memory_space<vmem>> -> memref<1x128x128xf32, #tpu.memory_space<vmem>>
        %dma_wait3A_415 = tpu.memref_squeeze %dma_wait3A_414 : memref<1x128x128xf32, #tpu.memory_space<vmem>> -> memref<128x128xf32, #tpu.memory_space<vmem>>
        %dma_wait3A_416 = arith.constant 0 : i32
        %dma_wait3A_417 = tpu.memref_slice %arg9[%scan3A_39, %dma_wait3A_416] : memref<8x128xi32, #tpu.memory_space<vmem>> -> memref<1x128xi32, #tpu.memory_space<vmem>>
        %dma_wait3A_418 = tpu.memref_squeeze %dma_wait3A_417 : memref<1x128xi32, #tpu.memory_space<vmem>> -> memref<128xi32, #tpu.memory_space<vmem>>
        %dma_wait3A_419 = arith.constant 0 : i32
        %dma_wait3A_420 = arith.constant 0 : i32
        %dma_wait3A_421 = tpu.memref_slice %arg2[%arg0, %dma_wait3A_419, %dma_wait3A_420] : memref<2x10240x128xf32, #tpu.memory_space<hbm>> -> memref<1x10240x128xf32, #tpu.memory_space<hbm>>
        %dma_wait3A_422 = tpu.memref_squeeze %dma_wait3A_421 : memref<1x10240x128xf32, #tpu.memory_space<hbm>> -> memref<10240x128xf32, #tpu.memory_space<hbm>>
        %dma_wait3A_423 = arith.constant 0 : i32
        %dma_wait3A_424 = arith.constant 0 : i32
        %dma_wait3A_425 = tpu.memref_slice %dma_wait3A_422[%dma_wait3A_423, %dma_wait3A_424] : memref<10240x128xf32, #tpu.memory_space<hbm>> -> memref<10240x128xf32, #tpu.memory_space<hbm>>
        tpu.wait_indirect_dma semaphore(%arg16 : memref<!tpu.dma_semaphore, #tpu.memory_space<semaphore_mem>>) src(%dma_wait3A_425 : memref<10240x128xf32, #tpu.memory_space<hbm>>) dst(%dma_wait3A_415 : memref<128x128xf32, #tpu.memory_space<vmem>>)
        %dma_start3A_426 = arith.constant 1 : i32
        %dma_start3A_427 = arith.constant 0 : i32
        %dma_start3A_428 = arith.constant 0 : i32
        %dma_start3A_429 = tpu.memref_slice %arg11[%dma_start3A_426, %dma_start3A_427, %dma_start3A_428] : memref<2x128x128xf32, #tpu.memory_space<vmem>> -> memref<1x128x128xf32, #tpu.memory_space<vmem>>
        %dma_start3A_430 = tpu.memref_squeeze %dma_start3A_429 : memref<1x128x128xf32, #tpu.memory_space<vmem>> -> memref<128x128xf32, #tpu.memory_space<vmem>>
        %dma_start3A_431 = arith.constant 0 : i32
        %dma_start3A_432 = tpu.memref_slice %arg10[%scan3A_42, %dma_start3A_431] : memref<8x128xi32, #tpu.memory_space<vmem>> -> memref<1x128xi32, #tpu.memory_space<vmem>>
        %dma_start3A_433 = tpu.memref_squeeze %dma_start3A_432 : memref<1x128xi32, #tpu.memory_space<vmem>> -> memref<128xi32, #tpu.memory_space<vmem>>
        %dma_start3A_434 = arith.constant 0 : i32
        %dma_start3A_435 = arith.constant 0 : i32
        %dma_start3A_436 = tpu.memref_slice %arg12[%dma_start3A_434, %dma_start3A_435] : memref<10240x128xf32, #tpu.memory_space<vmem_shared>> -> memref<10240x128xf32, #tpu.memory_space<vmem_shared>>
        tpu.enqueue_indirect_dma source(%dma_start3A_430 : memref<128x128xf32, #tpu.memory_space<vmem>>) target(%dma_start3A_436 : memref<10240x128xf32, #tpu.memory_space<vmem_shared>>) offsets(%dma_start3A_433 : memref<128xi32, #tpu.memory_space<vmem>>) semaphore(%arg18 : memref<!tpu.dma_semaphore, #tpu.memory_space<semaphore_mem>>) {add = true}
        %dma_wait3A_437 = arith.constant 1 : i32
        %dma_wait3A_438 = arith.constant 0 : i32
        %dma_wait3A_439 = arith.constant 0 : i32
        %dma_wait3A_440 = tpu.memref_slice %arg11[%dma_wait3A_437, %dma_wait3A_438, %dma_wait3A_439] : memref<2x128x128xf32, #tpu.memory_space<vmem>> -> memref<1x128x128xf32, #tpu.memory_space<vmem>>
        %dma_wait3A_441 = tpu.memref_squeeze %dma_wait3A_440 : memref<1x128x128xf32, #tpu.memory_space<vmem>> -> memref<128x128xf32, #tpu.memory_space<vmem>>
        %dma_wait3A_442 = arith.constant 0 : i32
        %dma_wait3A_443 = tpu.memref_slice %arg10[%scan3A_42, %dma_wait3A_442] : memref<8x128xi32, #tpu.memory_space<vmem>> -> memref<1x128xi32, #tpu.memory_space<vmem>>
        %dma_wait3A_444 = tpu.memref_squeeze %dma_wait3A_443 : memref<1x128xi32, #tpu.memory_space<vmem>> -> memref<128xi32, #tpu.memory_space<vmem>>
        %dma_wait3A_445 = arith.constant 0 : i32
        %dma_wait3A_446 = arith.constant 0 : i32
        %dma_wait3A_447 = tpu.memref_slice %arg12[%dma_wait3A_445, %dma_wait3A_446] : memref<10240x128xf32, #tpu.memory_space<vmem_shared>> -> memref<10240x128xf32, #tpu.memory_space<vmem_shared>>
        tpu.wait_indirect_dma semaphore(%arg18 : memref<!tpu.dma_semaphore, #tpu.memory_space<semaphore_mem>>) src(%dma_wait3A_441 : memref<128x128xf32, #tpu.memory_space<vmem>>) dst(%dma_wait3A_447 : memref<10240x128xf32, #tpu.memory_space<vmem_shared>>)
      } else {
      }
      %add3A_360 = arith.constant 13 : i32
      %add3A_361 = arith.addi %mul3A_97, %add3A_360 : i32
      %lt3A_362 = arith.constant 160 : i32
      %lt3A_363 = arith.cmpi slt, %add3A_361, %lt3A_362 : i32
      %convert_element_type3A_364 = arith.extui %lt3A_363 : i1 to i32
      %cond3A_365 = arith.constant 0 : i32
      %cond3A_366 = arith.cmpi ne, %convert_element_type3A_364, %cond3A_365 : i32
      scf.if %cond3A_366 {
        %dma_start3A_411 = arith.constant 1 : i32
        %dma_start3A_412 = arith.constant 0 : i32
        %dma_start3A_413 = arith.constant 0 : i32
        %dma_start3A_414 = tpu.memref_slice %arg11[%dma_start3A_411, %dma_start3A_412, %dma_start3A_413] : memref<2x128x128xf32, #tpu.memory_space<vmem>> -> memref<1x128x128xf32, #tpu.memory_space<vmem>>
        %dma_start3A_415 = tpu.memref_squeeze %dma_start3A_414 : memref<1x128x128xf32, #tpu.memory_space<vmem>> -> memref<128x128xf32, #tpu.memory_space<vmem>>
        %dma_start3A_416 = arith.constant 0 : i32
        %dma_start3A_417 = tpu.memref_slice %arg9[%scan3A_43, %dma_start3A_416] : memref<8x128xi32, #tpu.memory_space<vmem>> -> memref<1x128xi32, #tpu.memory_space<vmem>>
        %dma_start3A_418 = tpu.memref_squeeze %dma_start3A_417 : memref<1x128xi32, #tpu.memory_space<vmem>> -> memref<128xi32, #tpu.memory_space<vmem>>
        %dma_start3A_419 = arith.constant 0 : i32
        %dma_start3A_420 = arith.constant 0 : i32
        %dma_start3A_421 = tpu.memref_slice %arg2[%arg0, %dma_start3A_419, %dma_start3A_420] : memref<2x10240x128xf32, #tpu.memory_space<hbm>> -> memref<1x10240x128xf32, #tpu.memory_space<hbm>>
        %dma_start3A_422 = tpu.memref_squeeze %dma_start3A_421 : memref<1x10240x128xf32, #tpu.memory_space<hbm>> -> memref<10240x128xf32, #tpu.memory_space<hbm>>
        %dma_start3A_423 = arith.constant 0 : i32
        %dma_start3A_424 = arith.constant 0 : i32
        %dma_start3A_425 = tpu.memref_slice %dma_start3A_422[%dma_start3A_423, %dma_start3A_424] : memref<10240x128xf32, #tpu.memory_space<hbm>> -> memref<10240x128xf32, #tpu.memory_space<hbm>>
        tpu.enqueue_indirect_dma source(%dma_start3A_425 : memref<10240x128xf32, #tpu.memory_space<hbm>>) target(%dma_start3A_415 : memref<128x128xf32, #tpu.memory_space<vmem>>) offsets(%dma_start3A_418 : memref<128xi32, #tpu.memory_space<vmem>>) semaphore(%arg16 : memref<!tpu.dma_semaphore, #tpu.memory_space<semaphore_mem>>)
      } else {
      }
      %ge3A_367 = arith.constant 1 : i32
      %ge3A_368 = arith.cmpi sge, %add3A_361, %ge3A_367 : i32
      %sub3A_369 = arith.constant 1 : i32
      %sub3A_370 = arith.subi %add3A_361, %sub3A_369 : i32
      %lt3A_371 = arith.constant 160 : i32
      %lt3A_372 = arith.cmpi slt, %sub3A_370, %lt3A_371 : i32
      %and3A_373 = arith.andi %ge3A_368, %lt3A_372 : i1
      %convert_element_type3A_374 = arith.extui %and3A_373 : i1 to i32
      %cond3A_375 = arith.constant 0 : i32
      %cond3A_376 = arith.cmpi ne, %convert_element_type3A_374, %cond3A_375 : i32
      scf.if %cond3A_376 {
        %dma_wait3A_411 = arith.constant 0 : i32
        %dma_wait3A_412 = arith.constant 0 : i32
        %dma_wait3A_413 = arith.constant 0 : i32
        %dma_wait3A_414 = tpu.memref_slice %arg11[%dma_wait3A_411, %dma_wait3A_412, %dma_wait3A_413] : memref<2x128x128xf32, #tpu.memory_space<vmem>> -> memref<1x128x128xf32, #tpu.memory_space<vmem>>
        %dma_wait3A_415 = tpu.memref_squeeze %dma_wait3A_414 : memref<1x128x128xf32, #tpu.memory_space<vmem>> -> memref<128x128xf32, #tpu.memory_space<vmem>>
        %dma_wait3A_416 = arith.constant 0 : i32
        %dma_wait3A_417 = tpu.memref_slice %arg9[%scan3A_41, %dma_wait3A_416] : memref<8x128xi32, #tpu.memory_space<vmem>> -> memref<1x128xi32, #tpu.memory_space<vmem>>
        %dma_wait3A_418 = tpu.memref_squeeze %dma_wait3A_417 : memref<1x128xi32, #tpu.memory_space<vmem>> -> memref<128xi32, #tpu.memory_space<vmem>>
        %dma_wait3A_419 = arith.constant 0 : i32
        %dma_wait3A_420 = arith.constant 0 : i32
        %dma_wait3A_421 = tpu.memref_slice %arg2[%arg0, %dma_wait3A_419, %dma_wait3A_420] : memref<2x10240x128xf32, #tpu.memory_space<hbm>> -> memref<1x10240x128xf32, #tpu.memory_space<hbm>>
        %dma_wait3A_422 = tpu.memref_squeeze %dma_wait3A_421 : memref<1x10240x128xf32, #tpu.memory_space<hbm>> -> memref<10240x128xf32, #tpu.memory_space<hbm>>
        %dma_wait3A_423 = arith.constant 0 : i32
        %dma_wait3A_424 = arith.constant 0 : i32
        %dma_wait3A_425 = tpu.memref_slice %dma_wait3A_422[%dma_wait3A_423, %dma_wait3A_424] : memref<10240x128xf32, #tpu.memory_space<hbm>> -> memref<10240x128xf32, #tpu.memory_space<hbm>>
        tpu.wait_indirect_dma semaphore(%arg15 : memref<!tpu.dma_semaphore, #tpu.memory_space<semaphore_mem>>) src(%dma_wait3A_425 : memref<10240x128xf32, #tpu.memory_space<hbm>>) dst(%dma_wait3A_415 : memref<128x128xf32, #tpu.memory_space<vmem>>)
        %dma_start3A_426 = arith.constant 0 : i32
        %dma_start3A_427 = arith.constant 0 : i32
        %dma_start3A_428 = arith.constant 0 : i32
        %dma_start3A_429 = tpu.memref_slice %arg11[%dma_start3A_426, %dma_start3A_427, %dma_start3A_428] : memref<2x128x128xf32, #tpu.memory_space<vmem>> -> memref<1x128x128xf32, #tpu.memory_space<vmem>>
        %dma_start3A_430 = tpu.memref_squeeze %dma_start3A_429 : memref<1x128x128xf32, #tpu.memory_space<vmem>> -> memref<128x128xf32, #tpu.memory_space<vmem>>
        %dma_start3A_431 = arith.constant 0 : i32
        %dma_start3A_432 = tpu.memref_slice %arg10[%scan3A_44, %dma_start3A_431] : memref<8x128xi32, #tpu.memory_space<vmem>> -> memref<1x128xi32, #tpu.memory_space<vmem>>
        %dma_start3A_433 = tpu.memref_squeeze %dma_start3A_432 : memref<1x128xi32, #tpu.memory_space<vmem>> -> memref<128xi32, #tpu.memory_space<vmem>>
        %dma_start3A_434 = arith.constant 0 : i32
        %dma_start3A_435 = arith.constant 0 : i32
        %dma_start3A_436 = tpu.memref_slice %arg12[%dma_start3A_434, %dma_start3A_435] : memref<10240x128xf32, #tpu.memory_space<vmem_shared>> -> memref<10240x128xf32, #tpu.memory_space<vmem_shared>>
        tpu.enqueue_indirect_dma source(%dma_start3A_430 : memref<128x128xf32, #tpu.memory_space<vmem>>) target(%dma_start3A_436 : memref<10240x128xf32, #tpu.memory_space<vmem_shared>>) offsets(%dma_start3A_433 : memref<128xi32, #tpu.memory_space<vmem>>) semaphore(%arg17 : memref<!tpu.dma_semaphore, #tpu.memory_space<semaphore_mem>>) {add = true}
        %dma_wait3A_437 = arith.constant 0 : i32
        %dma_wait3A_438 = arith.constant 0 : i32
        %dma_wait3A_439 = arith.constant 0 : i32
        %dma_wait3A_440 = tpu.memref_slice %arg11[%dma_wait3A_437, %dma_wait3A_438, %dma_wait3A_439] : memref<2x128x128xf32, #tpu.memory_space<vmem>> -> memref<1x128x128xf32, #tpu.memory_space<vmem>>
        %dma_wait3A_441 = tpu.memref_squeeze %dma_wait3A_440 : memref<1x128x128xf32, #tpu.memory_space<vmem>> -> memref<128x128xf32, #tpu.memory_space<vmem>>
        %dma_wait3A_442 = arith.constant 0 : i32
        %dma_wait3A_443 = tpu.memref_slice %arg10[%scan3A_44, %dma_wait3A_442] : memref<8x128xi32, #tpu.memory_space<vmem>> -> memref<1x128xi32, #tpu.memory_space<vmem>>
        %dma_wait3A_444 = tpu.memref_squeeze %dma_wait3A_443 : memref<1x128xi32, #tpu.memory_space<vmem>> -> memref<128xi32, #tpu.memory_space<vmem>>
        %dma_wait3A_445 = arith.constant 0 : i32
        %dma_wait3A_446 = arith.constant 0 : i32
        %dma_wait3A_447 = tpu.memref_slice %arg12[%dma_wait3A_445, %dma_wait3A_446] : memref<10240x128xf32, #tpu.memory_space<vmem_shared>> -> memref<10240x128xf32, #tpu.memory_space<vmem_shared>>
        tpu.wait_indirect_dma semaphore(%arg17 : memref<!tpu.dma_semaphore, #tpu.memory_space<semaphore_mem>>) src(%dma_wait3A_441 : memref<128x128xf32, #tpu.memory_space<vmem>>) dst(%dma_wait3A_447 : memref<10240x128xf32, #tpu.memory_space<vmem_shared>>)
      } else {
      }
      %add3A_377 = arith.constant 14 : i32
      %add3A_378 = arith.addi %mul3A_97, %add3A_377 : i32
      %lt3A_379 = arith.constant 160 : i32
      %lt3A_380 = arith.cmpi slt, %add3A_378, %lt3A_379 : i32
      %convert_element_type3A_381 = arith.extui %lt3A_380 : i1 to i32
      %cond3A_382 = arith.constant 0 : i32
      %cond3A_383 = arith.cmpi ne, %convert_element_type3A_381, %cond3A_382 : i32
      scf.if %cond3A_383 {
        %dma_start3A_411 = arith.constant 0 : i32
        %dma_start3A_412 = arith.constant 0 : i32
        %dma_start3A_413 = arith.constant 0 : i32
        %dma_start3A_414 = tpu.memref_slice %arg11[%dma_start3A_411, %dma_start3A_412, %dma_start3A_413] : memref<2x128x128xf32, #tpu.memory_space<vmem>> -> memref<1x128x128xf32, #tpu.memory_space<vmem>>
        %dma_start3A_415 = tpu.memref_squeeze %dma_start3A_414 : memref<1x128x128xf32, #tpu.memory_space<vmem>> -> memref<128x128xf32, #tpu.memory_space<vmem>>
        %dma_start3A_416 = arith.constant 0 : i32
        %dma_start3A_417 = tpu.memref_slice %arg9[%scan3A_45, %dma_start3A_416] : memref<8x128xi32, #tpu.memory_space<vmem>> -> memref<1x128xi32, #tpu.memory_space<vmem>>
        %dma_start3A_418 = tpu.memref_squeeze %dma_start3A_417 : memref<1x128xi32, #tpu.memory_space<vmem>> -> memref<128xi32, #tpu.memory_space<vmem>>
        %dma_start3A_419 = arith.constant 0 : i32
        %dma_start3A_420 = arith.constant 0 : i32
        %dma_start3A_421 = tpu.memref_slice %arg2[%arg0, %dma_start3A_419, %dma_start3A_420] : memref<2x10240x128xf32, #tpu.memory_space<hbm>> -> memref<1x10240x128xf32, #tpu.memory_space<hbm>>
        %dma_start3A_422 = tpu.memref_squeeze %dma_start3A_421 : memref<1x10240x128xf32, #tpu.memory_space<hbm>> -> memref<10240x128xf32, #tpu.memory_space<hbm>>
        %dma_start3A_423 = arith.constant 0 : i32
        %dma_start3A_424 = arith.constant 0 : i32
        %dma_start3A_425 = tpu.memref_slice %dma_start3A_422[%dma_start3A_423, %dma_start3A_424] : memref<10240x128xf32, #tpu.memory_space<hbm>> -> memref<10240x128xf32, #tpu.memory_space<hbm>>
        tpu.enqueue_indirect_dma source(%dma_start3A_425 : memref<10240x128xf32, #tpu.memory_space<hbm>>) target(%dma_start3A_415 : memref<128x128xf32, #tpu.memory_space<vmem>>) offsets(%dma_start3A_418 : memref<128xi32, #tpu.memory_space<vmem>>) semaphore(%arg15 : memref<!tpu.dma_semaphore, #tpu.memory_space<semaphore_mem>>)
      } else {
      }
      %ge3A_384 = arith.constant 1 : i32
      %ge3A_385 = arith.cmpi sge, %add3A_378, %ge3A_384 : i32
      %sub3A_386 = arith.constant 1 : i32
      %sub3A_387 = arith.subi %add3A_378, %sub3A_386 : i32
      %lt3A_388 = arith.constant 160 : i32
      %lt3A_389 = arith.cmpi slt, %sub3A_387, %lt3A_388 : i32
      %and3A_390 = arith.andi %ge3A_385, %lt3A_389 : i1
      %convert_element_type3A_391 = arith.extui %and3A_390 : i1 to i32
      %cond3A_392 = arith.constant 0 : i32
      %cond3A_393 = arith.cmpi ne, %convert_element_type3A_391, %cond3A_392 : i32
      scf.if %cond3A_393 {
        %dma_wait3A_411 = arith.constant 1 : i32
        %dma_wait3A_412 = arith.constant 0 : i32
        %dma_wait3A_413 = arith.constant 0 : i32
        %dma_wait3A_414 = tpu.memref_slice %arg11[%dma_wait3A_411, %dma_wait3A_412, %dma_wait3A_413] : memref<2x128x128xf32, #tpu.memory_space<vmem>> -> memref<1x128x128xf32, #tpu.memory_space<vmem>>
        %dma_wait3A_415 = tpu.memref_squeeze %dma_wait3A_414 : memref<1x128x128xf32, #tpu.memory_space<vmem>> -> memref<128x128xf32, #tpu.memory_space<vmem>>
        %dma_wait3A_416 = arith.constant 0 : i32
        %dma_wait3A_417 = tpu.memref_slice %arg9[%scan3A_43, %dma_wait3A_416] : memref<8x128xi32, #tpu.memory_space<vmem>> -> memref<1x128xi32, #tpu.memory_space<vmem>>
        %dma_wait3A_418 = tpu.memref_squeeze %dma_wait3A_417 : memref<1x128xi32, #tpu.memory_space<vmem>> -> memref<128xi32, #tpu.memory_space<vmem>>
        %dma_wait3A_419 = arith.constant 0 : i32
        %dma_wait3A_420 = arith.constant 0 : i32
        %dma_wait3A_421 = tpu.memref_slice %arg2[%arg0, %dma_wait3A_419, %dma_wait3A_420] : memref<2x10240x128xf32, #tpu.memory_space<hbm>> -> memref<1x10240x128xf32, #tpu.memory_space<hbm>>
        %dma_wait3A_422 = tpu.memref_squeeze %dma_wait3A_421 : memref<1x10240x128xf32, #tpu.memory_space<hbm>> -> memref<10240x128xf32, #tpu.memory_space<hbm>>
        %dma_wait3A_423 = arith.constant 0 : i32
        %dma_wait3A_424 = arith.constant 0 : i32
        %dma_wait3A_425 = tpu.memref_slice %dma_wait3A_422[%dma_wait3A_423, %dma_wait3A_424] : memref<10240x128xf32, #tpu.memory_space<hbm>> -> memref<10240x128xf32, #tpu.memory_space<hbm>>
        tpu.wait_indirect_dma semaphore(%arg16 : memref<!tpu.dma_semaphore, #tpu.memory_space<semaphore_mem>>) src(%dma_wait3A_425 : memref<10240x128xf32, #tpu.memory_space<hbm>>) dst(%dma_wait3A_415 : memref<128x128xf32, #tpu.memory_space<vmem>>)
        %dma_start3A_426 = arith.constant 1 : i32
        %dma_start3A_427 = arith.constant 0 : i32
        %dma_start3A_428 = arith.constant 0 : i32
        %dma_start3A_429 = tpu.memref_slice %arg11[%dma_start3A_426, %dma_start3A_427, %dma_start3A_428] : memref<2x128x128xf32, #tpu.memory_space<vmem>> -> memref<1x128x128xf32, #tpu.memory_space<vmem>>
        %dma_start3A_430 = tpu.memref_squeeze %dma_start3A_429 : memref<1x128x128xf32, #tpu.memory_space<vmem>> -> memref<128x128xf32, #tpu.memory_space<vmem>>
        %dma_start3A_431 = arith.constant 0 : i32
        %dma_start3A_432 = tpu.memref_slice %arg10[%scan3A_46, %dma_start3A_431] : memref<8x128xi32, #tpu.memory_space<vmem>> -> memref<1x128xi32, #tpu.memory_space<vmem>>
        %dma_start3A_433 = tpu.memref_squeeze %dma_start3A_432 : memref<1x128xi32, #tpu.memory_space<vmem>> -> memref<128xi32, #tpu.memory_space<vmem>>
        %dma_start3A_434 = arith.constant 0 : i32
        %dma_start3A_435 = arith.constant 0 : i32
        %dma_start3A_436 = tpu.memref_slice %arg12[%dma_start3A_434, %dma_start3A_435] : memref<10240x128xf32, #tpu.memory_space<vmem_shared>> -> memref<10240x128xf32, #tpu.memory_space<vmem_shared>>
        tpu.enqueue_indirect_dma source(%dma_start3A_430 : memref<128x128xf32, #tpu.memory_space<vmem>>) target(%dma_start3A_436 : memref<10240x128xf32, #tpu.memory_space<vmem_shared>>) offsets(%dma_start3A_433 : memref<128xi32, #tpu.memory_space<vmem>>) semaphore(%arg18 : memref<!tpu.dma_semaphore, #tpu.memory_space<semaphore_mem>>) {add = true}
        %dma_wait3A_437 = arith.constant 1 : i32
        %dma_wait3A_438 = arith.constant 0 : i32
        %dma_wait3A_439 = arith.constant 0 : i32
        %dma_wait3A_440 = tpu.memref_slice %arg11[%dma_wait3A_437, %dma_wait3A_438, %dma_wait3A_439] : memref<2x128x128xf32, #tpu.memory_space<vmem>> -> memref<1x128x128xf32, #tpu.memory_space<vmem>>
        %dma_wait3A_441 = tpu.memref_squeeze %dma_wait3A_440 : memref<1x128x128xf32, #tpu.memory_space<vmem>> -> memref<128x128xf32, #tpu.memory_space<vmem>>
        %dma_wait3A_442 = arith.constant 0 : i32
        %dma_wait3A_443 = tpu.memref_slice %arg10[%scan3A_46, %dma_wait3A_442] : memref<8x128xi32, #tpu.memory_space<vmem>> -> memref<1x128xi32, #tpu.memory_space<vmem>>
        %dma_wait3A_444 = tpu.memref_squeeze %dma_wait3A_443 : memref<1x128xi32, #tpu.memory_space<vmem>> -> memref<128xi32, #tpu.memory_space<vmem>>
        %dma_wait3A_445 = arith.constant 0 : i32
        %dma_wait3A_446 = arith.constant 0 : i32
        %dma_wait3A_447 = tpu.memref_slice %arg12[%dma_wait3A_445, %dma_wait3A_446] : memref<10240x128xf32, #tpu.memory_space<vmem_shared>> -> memref<10240x128xf32, #tpu.memory_space<vmem_shared>>
        tpu.wait_indirect_dma semaphore(%arg18 : memref<!tpu.dma_semaphore, #tpu.memory_space<semaphore_mem>>) src(%dma_wait3A_441 : memref<128x128xf32, #tpu.memory_space<vmem>>) dst(%dma_wait3A_447 : memref<10240x128xf32, #tpu.memory_space<vmem_shared>>)
      } else {
      }
      %add3A_394 = arith.constant 15 : i32
      %add3A_395 = arith.addi %mul3A_97, %add3A_394 : i32
      %lt3A_396 = arith.constant 160 : i32
      %lt3A_397 = arith.cmpi slt, %add3A_395, %lt3A_396 : i32
      %convert_element_type3A_398 = arith.extui %lt3A_397 : i1 to i32
      %cond3A_399 = arith.constant 0 : i32
      %cond3A_400 = arith.cmpi ne, %convert_element_type3A_398, %cond3A_399 : i32
      scf.if %cond3A_400 {
        %dma_start3A_411 = arith.constant 1 : i32
        %dma_start3A_412 = arith.constant 0 : i32
        %dma_start3A_413 = arith.constant 0 : i32
        %dma_start3A_414 = tpu.memref_slice %arg11[%dma_start3A_411, %dma_start3A_412, %dma_start3A_413] : memref<2x128x128xf32, #tpu.memory_space<vmem>> -> memref<1x128x128xf32, #tpu.memory_space<vmem>>
        %dma_start3A_415 = tpu.memref_squeeze %dma_start3A_414 : memref<1x128x128xf32, #tpu.memory_space<vmem>> -> memref<128x128xf32, #tpu.memory_space<vmem>>
        %dma_start3A_416 = arith.constant 0 : i32
        %dma_start3A_417 = tpu.memref_slice %arg9[%scan3A_17, %dma_start3A_416] : memref<8x128xi32, #tpu.memory_space<vmem>> -> memref<1x128xi32, #tpu.memory_space<vmem>>
        %dma_start3A_418 = tpu.memref_squeeze %dma_start3A_417 : memref<1x128xi32, #tpu.memory_space<vmem>> -> memref<128xi32, #tpu.memory_space<vmem>>
        %dma_start3A_419 = arith.constant 0 : i32
        %dma_start3A_420 = arith.constant 0 : i32
        %dma_start3A_421 = tpu.memref_slice %arg2[%arg0, %dma_start3A_419, %dma_start3A_420] : memref<2x10240x128xf32, #tpu.memory_space<hbm>> -> memref<1x10240x128xf32, #tpu.memory_space<hbm>>
        %dma_start3A_422 = tpu.memref_squeeze %dma_start3A_421 : memref<1x10240x128xf32, #tpu.memory_space<hbm>> -> memref<10240x128xf32, #tpu.memory_space<hbm>>
        %dma_start3A_423 = arith.constant 0 : i32
        %dma_start3A_424 = arith.constant 0 : i32
        %dma_start3A_425 = tpu.memref_slice %dma_start3A_422[%dma_start3A_423, %dma_start3A_424] : memref<10240x128xf32, #tpu.memory_space<hbm>> -> memref<10240x128xf32, #tpu.memory_space<hbm>>
        tpu.enqueue_indirect_dma source(%dma_start3A_425 : memref<10240x128xf32, #tpu.memory_space<hbm>>) target(%dma_start3A_415 : memref<128x128xf32, #tpu.memory_space<vmem>>) offsets(%dma_start3A_418 : memref<128xi32, #tpu.memory_space<vmem>>) semaphore(%arg16 : memref<!tpu.dma_semaphore, #tpu.memory_space<semaphore_mem>>)
      } else {
      }
      %ge3A_401 = arith.constant 1 : i32
      %ge3A_402 = arith.cmpi sge, %add3A_395, %ge3A_401 : i32
      %sub3A_403 = arith.constant 1 : i32
      %sub3A_404 = arith.subi %add3A_395, %sub3A_403 : i32
      %lt3A_405 = arith.constant 160 : i32
      %lt3A_406 = arith.cmpi slt, %sub3A_404, %lt3A_405 : i32
      %and3A_407 = arith.andi %ge3A_402, %lt3A_406 : i1
      %convert_element_type3A_408 = arith.extui %and3A_407 : i1 to i32
      %cond3A_409 = arith.constant 0 : i32
      %cond3A_410 = arith.cmpi ne, %convert_element_type3A_408, %cond3A_409 : i32
      scf.if %cond3A_410 {
        %dma_wait3A_411 = arith.constant 0 : i32
        %dma_wait3A_412 = arith.constant 0 : i32
        %dma_wait3A_413 = arith.constant 0 : i32
        %dma_wait3A_414 = tpu.memref_slice %arg11[%dma_wait3A_411, %dma_wait3A_412, %dma_wait3A_413] : memref<2x128x128xf32, #tpu.memory_space<vmem>> -> memref<1x128x128xf32, #tpu.memory_space<vmem>>
        %dma_wait3A_415 = tpu.memref_squeeze %dma_wait3A_414 : memref<1x128x128xf32, #tpu.memory_space<vmem>> -> memref<128x128xf32, #tpu.memory_space<vmem>>
        %dma_wait3A_416 = arith.constant 0 : i32
        %dma_wait3A_417 = tpu.memref_slice %arg9[%scan3A_45, %dma_wait3A_416] : memref<8x128xi32, #tpu.memory_space<vmem>> -> memref<1x128xi32, #tpu.memory_space<vmem>>
        %dma_wait3A_418 = tpu.memref_squeeze %dma_wait3A_417 : memref<1x128xi32, #tpu.memory_space<vmem>> -> memref<128xi32, #tpu.memory_space<vmem>>
        %dma_wait3A_419 = arith.constant 0 : i32
        %dma_wait3A_420 = arith.constant 0 : i32
        %dma_wait3A_421 = tpu.memref_slice %arg2[%arg0, %dma_wait3A_419, %dma_wait3A_420] : memref<2x10240x128xf32, #tpu.memory_space<hbm>> -> memref<1x10240x128xf32, #tpu.memory_space<hbm>>
        %dma_wait3A_422 = tpu.memref_squeeze %dma_wait3A_421 : memref<1x10240x128xf32, #tpu.memory_space<hbm>> -> memref<10240x128xf32, #tpu.memory_space<hbm>>
        %dma_wait3A_423 = arith.constant 0 : i32
        %dma_wait3A_424 = arith.constant 0 : i32
        %dma_wait3A_425 = tpu.memref_slice %dma_wait3A_422[%dma_wait3A_423, %dma_wait3A_424] : memref<10240x128xf32, #tpu.memory_space<hbm>> -> memref<10240x128xf32, #tpu.memory_space<hbm>>
        tpu.wait_indirect_dma semaphore(%arg15 : memref<!tpu.dma_semaphore, #tpu.memory_space<semaphore_mem>>) src(%dma_wait3A_425 : memref<10240x128xf32, #tpu.memory_space<hbm>>) dst(%dma_wait3A_415 : memref<128x128xf32, #tpu.memory_space<vmem>>)
        %dma_start3A_426 = arith.constant 0 : i32
        %dma_start3A_427 = arith.constant 0 : i32
        %dma_start3A_428 = arith.constant 0 : i32
        %dma_start3A_429 = tpu.memref_slice %arg11[%dma_start3A_426, %dma_start3A_427, %dma_start3A_428] : memref<2x128x128xf32, #tpu.memory_space<vmem>> -> memref<1x128x128xf32, #tpu.memory_space<vmem>>
        %dma_start3A_430 = tpu.memref_squeeze %dma_start3A_429 : memref<1x128x128xf32, #tpu.memory_space<vmem>> -> memref<128x128xf32, #tpu.memory_space<vmem>>
        %dma_start3A_431 = arith.constant 0 : i32
        %dma_start3A_432 = tpu.memref_slice %arg10[%scan3A_47, %dma_start3A_431] : memref<8x128xi32, #tpu.memory_space<vmem>> -> memref<1x128xi32, #tpu.memory_space<vmem>>
        %dma_start3A_433 = tpu.memref_squeeze %dma_start3A_432 : memref<1x128xi32, #tpu.memory_space<vmem>> -> memref<128xi32, #tpu.memory_space<vmem>>
        %dma_start3A_434 = arith.constant 0 : i32
        %dma_start3A_435 = arith.constant 0 : i32
        %dma_start3A_436 = tpu.memref_slice %arg12[%dma_start3A_434, %dma_start3A_435] : memref<10240x128xf32, #tpu.memory_space<vmem_shared>> -> memref<10240x128xf32, #tpu.memory_space<vmem_shared>>
        tpu.enqueue_indirect_dma source(%dma_start3A_430 : memref<128x128xf32, #tpu.memory_space<vmem>>) target(%dma_start3A_436 : memref<10240x128xf32, #tpu.memory_space<vmem_shared>>) offsets(%dma_start3A_433 : memref<128xi32, #tpu.memory_space<vmem>>) semaphore(%arg17 : memref<!tpu.dma_semaphore, #tpu.memory_space<semaphore_mem>>) {add = true}
        %dma_wait3A_437 = arith.constant 0 : i32
        %dma_wait3A_438 = arith.constant 0 : i32
        %dma_wait3A_439 = arith.constant 0 : i32
        %dma_wait3A_440 = tpu.memref_slice %arg11[%dma_wait3A_437, %dma_wait3A_438, %dma_wait3A_439] : memref<2x128x128xf32, #tpu.memory_space<vmem>> -> memref<1x128x128xf32, #tpu.memory_space<vmem>>
        %dma_wait3A_441 = tpu.memref_squeeze %dma_wait3A_440 : memref<1x128x128xf32, #tpu.memory_space<vmem>> -> memref<128x128xf32, #tpu.memory_space<vmem>>
        %dma_wait3A_442 = arith.constant 0 : i32
        %dma_wait3A_443 = tpu.memref_slice %arg10[%scan3A_47, %dma_wait3A_442] : memref<8x128xi32, #tpu.memory_space<vmem>> -> memref<1x128xi32, #tpu.memory_space<vmem>>
        %dma_wait3A_444 = tpu.memref_squeeze %dma_wait3A_443 : memref<1x128xi32, #tpu.memory_space<vmem>> -> memref<128xi32, #tpu.memory_space<vmem>>
        %dma_wait3A_445 = arith.constant 0 : i32
        %dma_wait3A_446 = arith.constant 0 : i32
        %dma_wait3A_447 = tpu.memref_slice %arg12[%dma_wait3A_445, %dma_wait3A_446] : memref<10240x128xf32, #tpu.memory_space<vmem_shared>> -> memref<10240x128xf32, #tpu.memory_space<vmem_shared>>
        tpu.wait_indirect_dma semaphore(%arg17 : memref<!tpu.dma_semaphore, #tpu.memory_space<semaphore_mem>>) src(%dma_wait3A_441 : memref<128x128xf32, #tpu.memory_space<vmem>>) dst(%dma_wait3A_447 : memref<10240x128xf32, #tpu.memory_space<vmem_shared>>)
      } else {
      }
    }
    %scan3A_52 = arith.constant 10 : i32
    %dma_wait3A = arith.constant 7 : i32
    %dma_wait3A_53 = arith.constant 1 : i32
    %dma_wait3A_54 = arith.constant 0 : i32
    %dma_wait3A_55 = arith.constant 0 : i32
    %dma_wait3A_56 = tpu.memref_slice %arg11[%dma_wait3A_53, %dma_wait3A_54, %dma_wait3A_55] : memref<2x128x128xf32, #tpu.memory_space<vmem>> -> memref<1x128x128xf32, #tpu.memory_space<vmem>>
    %dma_wait3A_57 = tpu.memref_squeeze %dma_wait3A_56 : memref<1x128x128xf32, #tpu.memory_space<vmem>> -> memref<128x128xf32, #tpu.memory_space<vmem>>
    %dma_wait3A_58 = arith.constant 0 : i32
    %dma_wait3A_59 = tpu.memref_slice %arg9[%dma_wait3A, %dma_wait3A_58] : memref<8x128xi32, #tpu.memory_space<vmem>> -> memref<1x128xi32, #tpu.memory_space<vmem>>
    %dma_wait3A_60 = tpu.memref_squeeze %dma_wait3A_59 : memref<1x128xi32, #tpu.memory_space<vmem>> -> memref<128xi32, #tpu.memory_space<vmem>>
    %dma_wait3A_61 = arith.constant 0 : i32
    %dma_wait3A_62 = arith.constant 0 : i32
    %dma_wait3A_63 = tpu.memref_slice %arg2[%arg0, %dma_wait3A_61, %dma_wait3A_62] : memref<2x10240x128xf32, #tpu.memory_space<hbm>> -> memref<1x10240x128xf32, #tpu.memory_space<hbm>>
    %dma_wait3A_64 = tpu.memref_squeeze %dma_wait3A_63 : memref<1x10240x128xf32, #tpu.memory_space<hbm>> -> memref<10240x128xf32, #tpu.memory_space<hbm>>
    %dma_wait3A_65 = arith.constant 0 : i32
    %dma_wait3A_66 = arith.constant 0 : i32
    %dma_wait3A_67 = tpu.memref_slice %dma_wait3A_64[%dma_wait3A_65, %dma_wait3A_66] : memref<10240x128xf32, #tpu.memory_space<hbm>> -> memref<10240x128xf32, #tpu.memory_space<hbm>>
    tpu.wait_indirect_dma semaphore(%arg16 : memref<!tpu.dma_semaphore, #tpu.memory_space<semaphore_mem>>) src(%dma_wait3A_67 : memref<10240x128xf32, #tpu.memory_space<hbm>>) dst(%dma_wait3A_57 : memref<128x128xf32, #tpu.memory_space<vmem>>)
    %dma_start3A_68 = arith.constant 1 : i32
    %dma_start3A_69 = arith.constant 7 : i32
    %dma_start3A_70 = arith.constant 0 : i32
    %dma_start3A_71 = arith.constant 0 : i32
    %dma_start3A_72 = tpu.memref_slice %arg11[%dma_start3A_68, %dma_start3A_70, %dma_start3A_71] : memref<2x128x128xf32, #tpu.memory_space<vmem>> -> memref<1x128x128xf32, #tpu.memory_space<vmem>>
    %dma_start3A_73 = tpu.memref_squeeze %dma_start3A_72 : memref<1x128x128xf32, #tpu.memory_space<vmem>> -> memref<128x128xf32, #tpu.memory_space<vmem>>
    %dma_start3A_74 = arith.constant 0 : i32
    %dma_start3A_75 = tpu.memref_slice %arg10[%dma_start3A_69, %dma_start3A_74] : memref<8x128xi32, #tpu.memory_space<vmem>> -> memref<1x128xi32, #tpu.memory_space<vmem>>
    %dma_start3A_76 = tpu.memref_squeeze %dma_start3A_75 : memref<1x128xi32, #tpu.memory_space<vmem>> -> memref<128xi32, #tpu.memory_space<vmem>>
    %dma_start3A_77 = arith.constant 0 : i32
    %dma_start3A_78 = arith.constant 0 : i32
    %dma_start3A_79 = tpu.memref_slice %arg12[%dma_start3A_77, %dma_start3A_78] : memref<10240x128xf32, #tpu.memory_space<vmem_shared>> -> memref<10240x128xf32, #tpu.memory_space<vmem_shared>>
    tpu.enqueue_indirect_dma source(%dma_start3A_73 : memref<128x128xf32, #tpu.memory_space<vmem>>) target(%dma_start3A_79 : memref<10240x128xf32, #tpu.memory_space<vmem_shared>>) offsets(%dma_start3A_76 : memref<128xi32, #tpu.memory_space<vmem>>) semaphore(%arg18 : memref<!tpu.dma_semaphore, #tpu.memory_space<semaphore_mem>>) {add = true}
    %dma_wait3A_80 = arith.constant 1 : i32
    %dma_wait3A_81 = arith.constant 7 : i32
    %dma_wait3A_82 = arith.constant 0 : i32
    %dma_wait3A_83 = arith.constant 0 : i32
    %dma_wait3A_84 = tpu.memref_slice %arg11[%dma_wait3A_80, %dma_wait3A_82, %dma_wait3A_83] : memref<2x128x128xf32, #tpu.memory_space<vmem>> -> memref<1x128x128xf32, #tpu.memory_space<vmem>>
    %dma_wait3A_85 = tpu.memref_squeeze %dma_wait3A_84 : memref<1x128x128xf32, #tpu.memory_space<vmem>> -> memref<128x128xf32, #tpu.memory_space<vmem>>
    %dma_wait3A_86 = arith.constant 0 : i32
    %dma_wait3A_87 = tpu.memref_slice %arg10[%dma_wait3A_81, %dma_wait3A_86] : memref<8x128xi32, #tpu.memory_space<vmem>> -> memref<1x128xi32, #tpu.memory_space<vmem>>
    %dma_wait3A_88 = tpu.memref_squeeze %dma_wait3A_87 : memref<1x128xi32, #tpu.memory_space<vmem>> -> memref<128xi32, #tpu.memory_space<vmem>>
    %dma_wait3A_89 = arith.constant 0 : i32
    %dma_wait3A_90 = arith.constant 0 : i32
    %dma_wait3A_91 = tpu.memref_slice %arg12[%dma_wait3A_89, %dma_wait3A_90] : memref<10240x128xf32, #tpu.memory_space<vmem_shared>> -> memref<10240x128xf32, #tpu.memory_space<vmem_shared>>
    tpu.wait_indirect_dma semaphore(%arg18 : memref<!tpu.dma_semaphore, #tpu.memory_space<semaphore_mem>>) src(%dma_wait3A_85 : memref<128x128xf32, #tpu.memory_space<vmem>>) dst(%dma_wait3A_91 : memref<10240x128xf32, #tpu.memory_space<vmem_shared>>)
    %barrier3A_92 = arith.constant 0 : index
    tpu.barrier barrier_id(%barrier3A_92)
    %mul3A_93 = arith.constant 10240 : i32
    %mul3A_94 = arith.muli %arg0, %mul3A_93 : i32
    %add3A = arith.addi %mul3A_94, %mul3A_0 : i32
    "tpu.region"() ({
      %run_scoped3A = tpu.sem_alloc : memref<!tpu.dma_semaphore, #tpu.memory_space<semaphore_mem>>
      %dma_start3A_95 = arith.constant 0 : i32
      %dma_start3A_96 = tpu.memref_slice %arg6[%add3A, %dma_start3A_95] : memref<20480x128xf32, #tpu.memory_space<hbm>> -> memref<640x128xf32, #tpu.memory_space<hbm>>
      %dma_start3A_97 = arith.constant 0 : i32
      %dma_start3A_98 = tpu.memref_slice %arg12[%mul3A_0, %dma_start3A_97] : memref<10240x128xf32, #tpu.memory_space<vmem_shared>> -> memref<640x128xf32, #tpu.memory_space<vmem_shared>>
      tpu.enqueue_dma source(%dma_start3A_98 : memref<640x128xf32, #tpu.memory_space<vmem_shared>>) target(%dma_start3A_96 : memref<640x128xf32, #tpu.memory_space<hbm>>) target_semaphore(%run_scoped3A : memref<!tpu.dma_semaphore, #tpu.memory_space<semaphore_mem>>)
      %dma_wait3A_99 = arith.constant 0 : i32
      %dma_wait3A_100 = tpu.memref_slice %arg6[%add3A, %dma_wait3A_99] : memref<20480x128xf32, #tpu.memory_space<hbm>> -> memref<640x128xf32, #tpu.memory_space<hbm>>
      %dma_wait3A_101 = arith.constant 0 : i32
      %dma_wait3A_102 = tpu.memref_slice %arg12[%mul3A_0, %dma_wait3A_101] : memref<10240x128xf32, #tpu.memory_space<vmem_shared>> -> memref<640x128xf32, #tpu.memory_space<vmem_shared>>
      tpu.wait_dma2 semaphore(%run_scoped3A : memref<!tpu.dma_semaphore, #tpu.memory_space<semaphore_mem>>) src(%dma_wait3A_102 : memref<640x128xf32, #tpu.memory_space<vmem_shared>>) dst(%dma_wait3A_100 : memref<640x128xf32, #tpu.memory_space<hbm>>)
      tpu.yield
    }) : () -> ()
    return
  }
}

#map = affine_map<(d0, d1) -> (0, 0, 0, 0)>
#map1 = affine_map<(d0, d1) -> (0)>
module attributes {stable_mosaic.version = 14 : i64} {
  func.func @_deg(%arg0: i32, %arg1: i32, %arg2: memref<2x16x160x128xi32, #tpu.memory_space<hbm>>, %arg3: memref<10240xf32, #tpu.memory_space<hbm>>, %arg4: memref<20480xf32, #tpu.memory_space<hbm>>, %arg5: memref<8x128xi32, #tpu.memory_space<vmem>>, %arg6: memref<8x128xi32, #tpu.memory_space<vmem>>, %arg7: memref<128xf32, #tpu.memory_space<vmem>>, %arg8: memref<4x640xf32, #tpu.memory_space<vmem>>, %arg9: memref<640xf32, #tpu.memory_space<vmem>>, %arg10: memref<10240xf32, #tpu.memory_space<vmem_shared>>, %arg11: memref<10240xf32, #tpu.memory_space<vmem_shared>>, %arg12: memref<10240xf32, #tpu.memory_space<vmem_shared>>, %arg13: memref<10240xf32, #tpu.memory_space<vmem_shared>>, %arg14: memref<!tpu.dma_semaphore, #tpu.memory_space<semaphore_mem>>, %arg15: memref<!tpu.dma_semaphore, #tpu.memory_space<semaphore_mem>>, %arg16: memref<!tpu.dma_semaphore, #tpu.memory_space<semaphore_mem>>, %arg17: memref<!tpu.dma_semaphore, #tpu.memory_space<semaphore_mem>>, %arg18: memref<!tpu.dma_semaphore, #tpu.memory_space<semaphore_mem>>, %arg19: memref<!tpu.dma_semaphore, #tpu.memory_space<semaphore_mem>>) attributes {dimension_semantics = [#tpu.dimension_semantics<core_parallel>, #tpu.dimension_semantics<subcore_parallel>], iteration_bounds = array<i64: 2, 16>, scalar_prefetch = 0 : i64, scratch_operands = 15 : i64, tpu.core_type = #tpu.core_type<sc_vector_subcore>, window_params = [{transform_indices = #map}, {transform_indices = #map1}, {transform_indices = #map1}]} {
    %broadcast_in_dim3A = arith.constant 1.000000e+00 : f32
    %broadcast_in_dim3A_0 = vector.broadcast %broadcast_in_dim3A : f32 to vector<16xf32>
    %swap3A = arith.constant 0 : index
    %swap3A_1 = tpu.vector_load %arg7[%swap3A] {strides = array<i32>} : memref<128xf32, #tpu.memory_space<vmem>>, vector<16xf32>,
    %swap3A_2 = vector.shape_cast %swap3A_1 : vector<16xf32> to vector<16xf32>
    %swap3A_3 = vector.shape_cast %broadcast_in_dim3A_0 : vector<16xf32> to vector<16xf32>
    tpu.vector_store %arg7[%swap3A], %swap3A_3 {strides = array<i32>} : memref<128xf32, #tpu.memory_space<vmem>>, vector<16xf32>,
    %broadcast_in_dim3A_4 = arith.constant 1.000000e+00 : f32
    %broadcast_in_dim3A_5 = vector.broadcast %broadcast_in_dim3A_4 : f32 to vector<16xf32>
    %swap3A_6 = arith.constant 16 : index
    %swap3A_7 = tpu.vector_load %arg7[%swap3A_6] {strides = array<i32>} : memref<128xf32, #tpu.memory_space<vmem>>, vector<16xf32>,
    %swap3A_8 = vector.shape_cast %swap3A_7 : vector<16xf32> to vector<16xf32>
    %swap3A_9 = vector.shape_cast %broadcast_in_dim3A_5 : vector<16xf32> to vector<16xf32>
    tpu.vector_store %arg7[%swap3A_6], %swap3A_9 {strides = array<i32>} : memref<128xf32, #tpu.memory_space<vmem>>, vector<16xf32>,
    %broadcast_in_dim3A_10 = arith.constant 1.000000e+00 : f32
    %broadcast_in_dim3A_11 = vector.broadcast %broadcast_in_dim3A_10 : f32 to vector<16xf32>
    %swap3A_12 = arith.constant 32 : index
    %swap3A_13 = tpu.vector_load %arg7[%swap3A_12] {strides = array<i32>} : memref<128xf32, #tpu.memory_space<vmem>>, vector<16xf32>,
    %swap3A_14 = vector.shape_cast %swap3A_13 : vector<16xf32> to vector<16xf32>
    %swap3A_15 = vector.shape_cast %broadcast_in_dim3A_11 : vector<16xf32> to vector<16xf32>
    tpu.vector_store %arg7[%swap3A_12], %swap3A_15 {strides = array<i32>} : memref<128xf32, #tpu.memory_space<vmem>>, vector<16xf32>,
    %broadcast_in_dim3A_16 = arith.constant 1.000000e+00 : f32
    %broadcast_in_dim3A_17 = vector.broadcast %broadcast_in_dim3A_16 : f32 to vector<16xf32>
    %swap3A_18 = arith.constant 48 : index
    %swap3A_19 = tpu.vector_load %arg7[%swap3A_18] {strides = array<i32>} : memref<128xf32, #tpu.memory_space<vmem>>, vector<16xf32>,
    %swap3A_20 = vector.shape_cast %swap3A_19 : vector<16xf32> to vector<16xf32>
    %swap3A_21 = vector.shape_cast %broadcast_in_dim3A_17 : vector<16xf32> to vector<16xf32>
    tpu.vector_store %arg7[%swap3A_18], %swap3A_21 {strides = array<i32>} : memref<128xf32, #tpu.memory_space<vmem>>, vector<16xf32>,
    %broadcast_in_dim3A_22 = arith.constant 1.000000e+00 : f32
    %broadcast_in_dim3A_23 = vector.broadcast %broadcast_in_dim3A_22 : f32 to vector<16xf32>
    %swap3A_24 = arith.constant 64 : index
    %swap3A_25 = tpu.vector_load %arg7[%swap3A_24] {strides = array<i32>} : memref<128xf32, #tpu.memory_space<vmem>>, vector<16xf32>,
    %swap3A_26 = vector.shape_cast %swap3A_25 : vector<16xf32> to vector<16xf32>
    %swap3A_27 = vector.shape_cast %broadcast_in_dim3A_23 : vector<16xf32> to vector<16xf32>
    tpu.vector_store %arg7[%swap3A_24], %swap3A_27 {strides = array<i32>} : memref<128xf32, #tpu.memory_space<vmem>>, vector<16xf32>,
    %broadcast_in_dim3A_28 = arith.constant 1.000000e+00 : f32
    %broadcast_in_dim3A_29 = vector.broadcast %broadcast_in_dim3A_28 : f32 to vector<16xf32>
    %swap3A_30 = arith.constant 80 : index
    %swap3A_31 = tpu.vector_load %arg7[%swap3A_30] {strides = array<i32>} : memref<128xf32, #tpu.memory_space<vmem>>, vector<16xf32>,
    %swap3A_32 = vector.shape_cast %swap3A_31 : vector<16xf32> to vector<16xf32>
    %swap3A_33 = vector.shape_cast %broadcast_in_dim3A_29 : vector<16xf32> to vector<16xf32>
    tpu.vector_store %arg7[%swap3A_30], %swap3A_33 {strides = array<i32>} : memref<128xf32, #tpu.memory_space<vmem>>, vector<16xf32>,
    %broadcast_in_dim3A_34 = arith.constant 1.000000e+00 : f32
    %broadcast_in_dim3A_35 = vector.broadcast %broadcast_in_dim3A_34 : f32 to vector<16xf32>
    %swap3A_36 = arith.constant 96 : index
    %swap3A_37 = tpu.vector_load %arg7[%swap3A_36] {strides = array<i32>} : memref<128xf32, #tpu.memory_space<vmem>>, vector<16xf32>,
    %swap3A_38 = vector.shape_cast %swap3A_37 : vector<16xf32> to vector<16xf32>
    %swap3A_39 = vector.shape_cast %broadcast_in_dim3A_35 : vector<16xf32> to vector<16xf32>
    tpu.vector_store %arg7[%swap3A_36], %swap3A_39 {strides = array<i32>} : memref<128xf32, #tpu.memory_space<vmem>>, vector<16xf32>,
    %broadcast_in_dim3A_40 = arith.constant 1.000000e+00 : f32
    %broadcast_in_dim3A_41 = vector.broadcast %broadcast_in_dim3A_40 : f32 to vector<16xf32>
    %swap3A_42 = arith.constant 112 : index
    %swap3A_43 = tpu.vector_load %arg7[%swap3A_42] {strides = array<i32>} : memref<128xf32, #tpu.memory_space<vmem>>, vector<16xf32>,
    %swap3A_44 = vector.shape_cast %swap3A_43 : vector<16xf32> to vector<16xf32>
    %swap3A_45 = vector.shape_cast %broadcast_in_dim3A_41 : vector<16xf32> to vector<16xf32>
    tpu.vector_store %arg7[%swap3A_42], %swap3A_45 {strides = array<i32>} : memref<128xf32, #tpu.memory_space<vmem>>, vector<16xf32>,
    %mul3A = arith.constant 640 : i32
    %mul3A_46 = arith.muli %arg1, %mul3A : i32
    "tpu.region"() ({
      %run_scoped3A_116 = tpu.sem_alloc : memref<!tpu.dma_semaphore, #tpu.memory_space<semaphore_mem>>
      %dma_start3A_117 = tpu.memref_slice %arg10[%mul3A_46] : memref<10240xf32, #tpu.memory_space<vmem_shared>> -> memref<640xf32, #tpu.memory_space<vmem_shared>>
      %dma_start3A_118 = tpu.memref_slice %arg3[%mul3A_46] : memref<10240xf32, #tpu.memory_space<hbm>> -> memref<640xf32, #tpu.memory_space<hbm>>
      tpu.enqueue_dma source(%dma_start3A_118 : memref<640xf32, #tpu.memory_space<hbm>>) target(%dma_start3A_117 : memref<640xf32, #tpu.memory_space<vmem_shared>>) target_semaphore(%run_scoped3A_116 : memref<!tpu.dma_semaphore, #tpu.memory_space<semaphore_mem>>)
      %dma_wait3A_119 = tpu.memref_slice %arg10[%mul3A_46] : memref<10240xf32, #tpu.memory_space<vmem_shared>> -> memref<640xf32, #tpu.memory_space<vmem_shared>>
      %dma_wait3A_120 = tpu.memref_slice %arg3[%mul3A_46] : memref<10240xf32, #tpu.memory_space<hbm>> -> memref<640xf32, #tpu.memory_space<hbm>>
      tpu.wait_dma2 semaphore(%run_scoped3A_116 : memref<!tpu.dma_semaphore, #tpu.memory_space<semaphore_mem>>) src(%dma_wait3A_120 : memref<640xf32, #tpu.memory_space<hbm>>) dst(%dma_wait3A_119 : memref<640xf32, #tpu.memory_space<vmem_shared>>)
      tpu.yield
    }) : () -> ()
    "tpu.region"() ({
      %run_scoped3A_116 = tpu.sem_alloc : memref<!tpu.dma_semaphore, #tpu.memory_space<semaphore_mem>>
      %dma_start3A_117 = tpu.memref_slice %arg11[%mul3A_46] : memref<10240xf32, #tpu.memory_space<vmem_shared>> -> memref<640xf32, #tpu.memory_space<vmem_shared>>
      %dma_start3A_118 = tpu.memref_slice %arg3[%mul3A_46] : memref<10240xf32, #tpu.memory_space<hbm>> -> memref<640xf32, #tpu.memory_space<hbm>>
      tpu.enqueue_dma source(%dma_start3A_118 : memref<640xf32, #tpu.memory_space<hbm>>) target(%dma_start3A_117 : memref<640xf32, #tpu.memory_space<vmem_shared>>) target_semaphore(%run_scoped3A_116 : memref<!tpu.dma_semaphore, #tpu.memory_space<semaphore_mem>>)
      %dma_wait3A_119 = tpu.memref_slice %arg11[%mul3A_46] : memref<10240xf32, #tpu.memory_space<vmem_shared>> -> memref<640xf32, #tpu.memory_space<vmem_shared>>
      %dma_wait3A_120 = tpu.memref_slice %arg3[%mul3A_46] : memref<10240xf32, #tpu.memory_space<hbm>> -> memref<640xf32, #tpu.memory_space<hbm>>
      tpu.wait_dma2 semaphore(%run_scoped3A_116 : memref<!tpu.dma_semaphore, #tpu.memory_space<semaphore_mem>>) src(%dma_wait3A_120 : memref<640xf32, #tpu.memory_space<hbm>>) dst(%dma_wait3A_119 : memref<640xf32, #tpu.memory_space<vmem_shared>>)
      tpu.yield
    }) : () -> ()
    "tpu.region"() ({
      %run_scoped3A_116 = tpu.sem_alloc : memref<!tpu.dma_semaphore, #tpu.memory_space<semaphore_mem>>
      %dma_start3A_117 = tpu.memref_slice %arg12[%mul3A_46] : memref<10240xf32, #tpu.memory_space<vmem_shared>> -> memref<640xf32, #tpu.memory_space<vmem_shared>>
      %dma_start3A_118 = tpu.memref_slice %arg3[%mul3A_46] : memref<10240xf32, #tpu.memory_space<hbm>> -> memref<640xf32, #tpu.memory_space<hbm>>
      tpu.enqueue_dma source(%dma_start3A_118 : memref<640xf32, #tpu.memory_space<hbm>>) target(%dma_start3A_117 : memref<640xf32, #tpu.memory_space<vmem_shared>>) target_semaphore(%run_scoped3A_116 : memref<!tpu.dma_semaphore, #tpu.memory_space<semaphore_mem>>)
      %dma_wait3A_119 = tpu.memref_slice %arg12[%mul3A_46] : memref<10240xf32, #tpu.memory_space<vmem_shared>> -> memref<640xf32, #tpu.memory_space<vmem_shared>>
      %dma_wait3A_120 = tpu.memref_slice %arg3[%mul3A_46] : memref<10240xf32, #tpu.memory_space<hbm>> -> memref<640xf32, #tpu.memory_space<hbm>>
      tpu.wait_dma2 semaphore(%run_scoped3A_116 : memref<!tpu.dma_semaphore, #tpu.memory_space<semaphore_mem>>) src(%dma_wait3A_120 : memref<640xf32, #tpu.memory_space<hbm>>) dst(%dma_wait3A_119 : memref<640xf32, #tpu.memory_space<vmem_shared>>)
      tpu.yield
    }) : () -> ()
    "tpu.region"() ({
      %run_scoped3A_116 = tpu.sem_alloc : memref<!tpu.dma_semaphore, #tpu.memory_space<semaphore_mem>>
      %dma_start3A_117 = tpu.memref_slice %arg13[%mul3A_46] : memref<10240xf32, #tpu.memory_space<vmem_shared>> -> memref<640xf32, #tpu.memory_space<vmem_shared>>
      %dma_start3A_118 = tpu.memref_slice %arg3[%mul3A_46] : memref<10240xf32, #tpu.memory_space<hbm>> -> memref<640xf32, #tpu.memory_space<hbm>>
      tpu.enqueue_dma source(%dma_start3A_118 : memref<640xf32, #tpu.memory_space<hbm>>) target(%dma_start3A_117 : memref<640xf32, #tpu.memory_space<vmem_shared>>) target_semaphore(%run_scoped3A_116 : memref<!tpu.dma_semaphore, #tpu.memory_space<semaphore_mem>>)
      %dma_wait3A_119 = tpu.memref_slice %arg13[%mul3A_46] : memref<10240xf32, #tpu.memory_space<vmem_shared>> -> memref<640xf32, #tpu.memory_space<vmem_shared>>
      %dma_wait3A_120 = tpu.memref_slice %arg3[%mul3A_46] : memref<10240xf32, #tpu.memory_space<hbm>> -> memref<640xf32, #tpu.memory_space<hbm>>
      tpu.wait_dma2 semaphore(%run_scoped3A_116 : memref<!tpu.dma_semaphore, #tpu.memory_space<semaphore_mem>>) src(%dma_wait3A_120 : memref<640xf32, #tpu.memory_space<hbm>>) dst(%dma_wait3A_119 : memref<640xf32, #tpu.memory_space<vmem_shared>>)
      tpu.yield
    }) : () -> ()
    %barrier3A = arith.constant 0 : index
    tpu.barrier barrier_id(%barrier3A)
    %dma_start3A = arith.constant 0 : i32
    %dma_start3A_47 = arith.constant 0 : i32
    %dma_start3A_48 = tpu.memref_slice %arg2[%arg0, %arg1, %dma_start3A, %dma_start3A_47] : memref<2x16x160x128xi32, #tpu.memory_space<hbm>> -> memref<1x1x160x128xi32, #tpu.memory_space<hbm>>
    %dma_start3A_49 = tpu.memref_squeeze %dma_start3A_48 : memref<1x1x160x128xi32, #tpu.memory_space<hbm>> -> memref<160x128xi32, #tpu.memory_space<hbm>>
    %dma_start3A_50 = arith.constant 0 : i32
    %dma_start3A_51 = arith.constant 0 : i32
    %dma_start3A_52 = tpu.memref_slice %dma_start3A_49[%dma_start3A_50, %dma_start3A_51] : memref<160x128xi32, #tpu.memory_space<hbm>> -> memref<8x128xi32, #tpu.memory_space<hbm>>
    %dma_start3A_53 = arith.constant 0 : i32
    %dma_start3A_54 = arith.constant 0 : i32
    %dma_start3A_55 = tpu.memref_slice %arg2[%arg0, %arg1, %dma_start3A_53, %dma_start3A_54] : memref<2x16x160x128xi32, #tpu.memory_space<hbm>> -> memref<1x1x160x128xi32, #tpu.memory_space<hbm>>
    %dma_start3A_56 = tpu.memref_squeeze %dma_start3A_55 : memref<1x1x160x128xi32, #tpu.memory_space<hbm>> -> memref<160x128xi32, #tpu.memory_space<hbm>>
    %dma_start3A_57 = arith.constant 0 : i32
    %dma_start3A_58 = arith.constant 0 : i32
    %dma_start3A_59 = tpu.memref_slice %dma_start3A_56[%dma_start3A_57, %dma_start3A_58] : memref<160x128xi32, #tpu.memory_space<hbm>> -> memref<8x128xi32, #tpu.memory_space<hbm>>
    tpu.enqueue_dma source(%dma_start3A_59 : memref<8x128xi32, #tpu.memory_space<hbm>>) target(%arg5 : memref<8x128xi32, #tpu.memory_space<vmem>>) target_semaphore(%arg14 : memref<!tpu.dma_semaphore, #tpu.memory_space<semaphore_mem>>)
    %scan3A = arith.constant 0 : i32
    %scan3A_60 = arith.constant 4 : i32
    %scan3A_61 = arith.constant 0 : i32
    %scan3A_62 = arith.constant 5 : i32
    %scan3A_63 = arith.constant 1 : i32
    %scan3A_64 = arith.constant 6 : i32
    %scan3A_65 = arith.constant 2 : i32
    %scan3A_66 = arith.constant 7 : i32
    %scan3A_67 = arith.constant 3 : i32
    %scan3A_68 = arith.constant 4 : i32
    %scan3A_69 = arith.constant 5 : i32
    %scan3A_70 = arith.constant 6 : i32
    %scan3A_71 = arith.constant 7 : i32
    %scan3A_72 = arith.constant 0 : i32
    %scan3A_73 = arith.constant 1 : i32
    %scan3A_74 = arith.constant 2 : i32
    %scan3A_75 = arith.constant 3 : i32
    %scan3A_76 = arith.constant 0 : i32
    %scan3A_77 = arith.constant 10 : i32
    %scan3A_78 = arith.addi %scan3A_76, %scan3A_77 : i32
    %scan3A_79 = arith.constant 1 : i32
    scf.for %scan3A_116 = %scan3A_76 to %scan3A_78 step %scan3A_79  : i32 {
      %mul3A_117 = arith.constant 16 : i32
      %mul3A_118 = arith.muli %scan3A_116, %mul3A_117 : i32
      %dma_wait3A_119 = arith.constant 0 : i32
      %dma_wait3A_120 = arith.constant 0 : i32
      %dma_wait3A_121 = tpu.memref_slice %arg2[%arg0, %arg1, %dma_wait3A_119, %dma_wait3A_120] : memref<2x16x160x128xi32, #tpu.memory_space<hbm>> -> memref<1x1x160x128xi32, #tpu.memory_space<hbm>>
      %dma_wait3A_122 = tpu.memref_squeeze %dma_wait3A_121 : memref<1x1x160x128xi32, #tpu.memory_space<hbm>> -> memref<160x128xi32, #tpu.memory_space<hbm>>
      %dma_wait3A_123 = arith.constant 0 : i32
      %dma_wait3A_124 = tpu.memref_slice %dma_wait3A_122[%mul3A_118, %dma_wait3A_123] : memref<160x128xi32, #tpu.memory_space<hbm>> -> memref<8x128xi32, #tpu.memory_space<hbm>>
      %dma_wait3A_125 = arith.constant 0 : i32
      %dma_wait3A_126 = arith.constant 0 : i32
      %dma_wait3A_127 = tpu.memref_slice %arg2[%arg0, %arg1, %dma_wait3A_125, %dma_wait3A_126] : memref<2x16x160x128xi32, #tpu.memory_space<hbm>> -> memref<1x1x160x128xi32, #tpu.memory_space<hbm>>
      %dma_wait3A_128 = tpu.memref_squeeze %dma_wait3A_127 : memref<1x1x160x128xi32, #tpu.memory_space<hbm>> -> memref<160x128xi32, #tpu.memory_space<hbm>>
      %dma_wait3A_129 = arith.constant 0 : i32
      %dma_wait3A_130 = tpu.memref_slice %dma_wait3A_128[%mul3A_118, %dma_wait3A_129] : memref<160x128xi32, #tpu.memory_space<hbm>> -> memref<8x128xi32, #tpu.memory_space<hbm>>
      tpu.wait_dma2 semaphore(%arg14 : memref<!tpu.dma_semaphore, #tpu.memory_space<semaphore_mem>>) src(%dma_wait3A_130 : memref<8x128xi32, #tpu.memory_space<hbm>>) dst(%arg5 : memref<8x128xi32, #tpu.memory_space<vmem>>)
      %add3A_131 = arith.constant 0 : i32
      %add3A_132 = arith.addi %mul3A_118, %add3A_131 : i32
      %ge3A = arith.constant 4 : i32
      %ge3A_133 = arith.cmpi sge, %add3A_132, %ge3A : i32
      %sub3A = arith.constant 4 : i32
      %sub3A_134 = arith.subi %add3A_132, %sub3A : i32
      %lt3A = arith.constant 160 : i32
      %lt3A_135 = arith.cmpi slt, %sub3A_134, %lt3A : i32
      %and3A = arith.andi %ge3A_133, %lt3A_135 : i1
      %convert_element_type3A = arith.extui %and3A : i1 to i32
      %cond3A = arith.constant 0 : i32
      %cond3A_136 = arith.cmpi ne, %convert_element_type3A, %cond3A : i32
      scf.if %cond3A_136 {
        %dma_wait3A_432 = arith.constant 0 : i32
        %dma_wait3A_433 = tpu.memref_slice %arg6[%scan3A_60, %dma_wait3A_432] : memref<8x128xi32, #tpu.memory_space<vmem>> -> memref<1x128xi32, #tpu.memory_space<vmem>>
        %dma_wait3A_434 = tpu.memref_squeeze %dma_wait3A_433 : memref<1x128xi32, #tpu.memory_space<vmem>> -> memref<128xi32, #tpu.memory_space<vmem>>
        %dma_wait3A_435 = arith.constant 0 : i32
        %dma_wait3A_436 = tpu.memref_slice %arg10[%dma_wait3A_435] : memref<10240xf32, #tpu.memory_space<vmem_shared>> -> memref<10240xf32, #tpu.memory_space<vmem_shared>>
        tpu.wait_indirect_dma semaphore(%arg16 : memref<!tpu.dma_semaphore, #tpu.memory_space<semaphore_mem>>) src(%arg7 : memref<128xf32, #tpu.memory_space<vmem>>) dst(%dma_wait3A_436 : memref<10240xf32, #tpu.memory_space<vmem_shared>>)
      } else {
      }
      %lt3A_137 = arith.constant 160 : i32
      %lt3A_138 = arith.cmpi slt, %add3A_132, %lt3A_137 : i32
      %convert_element_type3A_139 = arith.extui %lt3A_138 : i1 to i32
      %cond3A_140 = arith.constant 0 : i32
      %cond3A_141 = arith.cmpi ne, %convert_element_type3A_139, %cond3A_140 : i32
      scf.if %cond3A_141 {
        %dma_start3A_432 = arith.constant 0 : i32
        %dma_start3A_433 = tpu.memref_slice %arg5[%scan3A_61, %dma_start3A_432] : memref<8x128xi32, #tpu.memory_space<vmem>> -> memref<1x128xi32, #tpu.memory_space<vmem>>
        %dma_start3A_434 = tpu.memref_squeeze %dma_start3A_433 : memref<1x128xi32, #tpu.memory_space<vmem>> -> memref<128xi32, #tpu.memory_space<vmem>>
        %dma_start3A_435 = arith.constant 0 : i32
        %dma_start3A_436 = tpu.memref_slice %arg10[%dma_start3A_435] : memref<10240xf32, #tpu.memory_space<vmem_shared>> -> memref<10240xf32, #tpu.memory_space<vmem_shared>>
        tpu.enqueue_indirect_dma source(%arg7 : memref<128xf32, #tpu.memory_space<vmem>>) target(%dma_start3A_436 : memref<10240xf32, #tpu.memory_space<vmem_shared>>) offsets(%dma_start3A_434 : memref<128xi32, #tpu.memory_space<vmem>>) semaphore(%arg16 : memref<!tpu.dma_semaphore, #tpu.memory_space<semaphore_mem>>) {add = true}
      } else {
      }
      %add3A_142 = arith.constant 1 : i32
      %add3A_143 = arith.addi %mul3A_118, %add3A_142 : i32
      %ge3A_144 = arith.constant 4 : i32
      %ge3A_145 = arith.cmpi sge, %add3A_143, %ge3A_144 : i32
      %sub3A_146 = arith.constant 4 : i32
      %sub3A_147 = arith.subi %add3A_143, %sub3A_146 : i32
      %lt3A_148 = arith.constant 160 : i32
      %lt3A_149 = arith.cmpi slt, %sub3A_147, %lt3A_148 : i32
      %and3A_150 = arith.andi %ge3A_145, %lt3A_149 : i1
      %convert_element_type3A_151 = arith.extui %and3A_150 : i1 to i32
      %cond3A_152 = arith.constant 0 : i32
      %cond3A_153 = arith.cmpi ne, %convert_element_type3A_151, %cond3A_152 : i32
      scf.if %cond3A_153 {
        %dma_wait3A_432 = arith.constant 0 : i32
        %dma_wait3A_433 = tpu.memref_slice %arg6[%scan3A_62, %dma_wait3A_432] : memref<8x128xi32, #tpu.memory_space<vmem>> -> memref<1x128xi32, #tpu.memory_space<vmem>>
        %dma_wait3A_434 = tpu.memref_squeeze %dma_wait3A_433 : memref<1x128xi32, #tpu.memory_space<vmem>> -> memref<128xi32, #tpu.memory_space<vmem>>
        %dma_wait3A_435 = arith.constant 0 : i32
        %dma_wait3A_436 = tpu.memref_slice %arg11[%dma_wait3A_435] : memref<10240xf32, #tpu.memory_space<vmem_shared>> -> memref<10240xf32, #tpu.memory_space<vmem_shared>>
        tpu.wait_indirect_dma semaphore(%arg17 : memref<!tpu.dma_semaphore, #tpu.memory_space<semaphore_mem>>) src(%arg7 : memref<128xf32, #tpu.memory_space<vmem>>) dst(%dma_wait3A_436 : memref<10240xf32, #tpu.memory_space<vmem_shared>>)
      } else {
      }
      %lt3A_154 = arith.constant 160 : i32
      %lt3A_155 = arith.cmpi slt, %add3A_143, %lt3A_154 : i32
      %convert_element_type3A_156 = arith.extui %lt3A_155 : i1 to i32
      %cond3A_157 = arith.constant 0 : i32
      %cond3A_158 = arith.cmpi ne, %convert_element_type3A_156, %cond3A_157 : i32
      scf.if %cond3A_158 {
        %dma_start3A_432 = arith.constant 0 : i32
        %dma_start3A_433 = tpu.memref_slice %arg5[%scan3A_63, %dma_start3A_432] : memref<8x128xi32, #tpu.memory_space<vmem>> -> memref<1x128xi32, #tpu.memory_space<vmem>>
        %dma_start3A_434 = tpu.memref_squeeze %dma_start3A_433 : memref<1x128xi32, #tpu.memory_space<vmem>> -> memref<128xi32, #tpu.memory_space<vmem>>
        %dma_start3A_435 = arith.constant 0 : i32
        %dma_start3A_436 = tpu.memref_slice %arg11[%dma_start3A_435] : memref<10240xf32, #tpu.memory_space<vmem_shared>> -> memref<10240xf32, #tpu.memory_space<vmem_shared>>
        tpu.enqueue_indirect_dma source(%arg7 : memref<128xf32, #tpu.memory_space<vmem>>) target(%dma_start3A_436 : memref<10240xf32, #tpu.memory_space<vmem_shared>>) offsets(%dma_start3A_434 : memref<128xi32, #tpu.memory_space<vmem>>) semaphore(%arg17 : memref<!tpu.dma_semaphore, #tpu.memory_space<semaphore_mem>>) {add = true}
      } else {
      }
      %add3A_159 = arith.constant 2 : i32
      %add3A_160 = arith.addi %mul3A_118, %add3A_159 : i32
      %ge3A_161 = arith.constant 4 : i32
      %ge3A_162 = arith.cmpi sge, %add3A_160, %ge3A_161 : i32
      %sub3A_163 = arith.constant 4 : i32
      %sub3A_164 = arith.subi %add3A_160, %sub3A_163 : i32
      %lt3A_165 = arith.constant 160 : i32
      %lt3A_166 = arith.cmpi slt, %sub3A_164, %lt3A_165 : i32
      %and3A_167 = arith.andi %ge3A_162, %lt3A_166 : i1
      %convert_element_type3A_168 = arith.extui %and3A_167 : i1 to i32
      %cond3A_169 = arith.constant 0 : i32
      %cond3A_170 = arith.cmpi ne, %convert_element_type3A_168, %cond3A_169 : i32
      scf.if %cond3A_170 {
        %dma_wait3A_432 = arith.constant 0 : i32
        %dma_wait3A_433 = tpu.memref_slice %arg6[%scan3A_64, %dma_wait3A_432] : memref<8x128xi32, #tpu.memory_space<vmem>> -> memref<1x128xi32, #tpu.memory_space<vmem>>
        %dma_wait3A_434 = tpu.memref_squeeze %dma_wait3A_433 : memref<1x128xi32, #tpu.memory_space<vmem>> -> memref<128xi32, #tpu.memory_space<vmem>>
        %dma_wait3A_435 = arith.constant 0 : i32
        %dma_wait3A_436 = tpu.memref_slice %arg12[%dma_wait3A_435] : memref<10240xf32, #tpu.memory_space<vmem_shared>> -> memref<10240xf32, #tpu.memory_space<vmem_shared>>
        tpu.wait_indirect_dma semaphore(%arg18 : memref<!tpu.dma_semaphore, #tpu.memory_space<semaphore_mem>>) src(%arg7 : memref<128xf32, #tpu.memory_space<vmem>>) dst(%dma_wait3A_436 : memref<10240xf32, #tpu.memory_space<vmem_shared>>)
      } else {
      }
      %lt3A_171 = arith.constant 160 : i32
      %lt3A_172 = arith.cmpi slt, %add3A_160, %lt3A_171 : i32
      %convert_element_type3A_173 = arith.extui %lt3A_172 : i1 to i32
      %cond3A_174 = arith.constant 0 : i32
      %cond3A_175 = arith.cmpi ne, %convert_element_type3A_173, %cond3A_174 : i32
      scf.if %cond3A_175 {
        %dma_start3A_432 = arith.constant 0 : i32
        %dma_start3A_433 = tpu.memref_slice %arg5[%scan3A_65, %dma_start3A_432] : memref<8x128xi32, #tpu.memory_space<vmem>> -> memref<1x128xi32, #tpu.memory_space<vmem>>
        %dma_start3A_434 = tpu.memref_squeeze %dma_start3A_433 : memref<1x128xi32, #tpu.memory_space<vmem>> -> memref<128xi32, #tpu.memory_space<vmem>>
        %dma_start3A_435 = arith.constant 0 : i32
        %dma_start3A_436 = tpu.memref_slice %arg12[%dma_start3A_435] : memref<10240xf32, #tpu.memory_space<vmem_shared>> -> memref<10240xf32, #tpu.memory_space<vmem_shared>>
        tpu.enqueue_indirect_dma source(%arg7 : memref<128xf32, #tpu.memory_space<vmem>>) target(%dma_start3A_436 : memref<10240xf32, #tpu.memory_space<vmem_shared>>) offsets(%dma_start3A_434 : memref<128xi32, #tpu.memory_space<vmem>>) semaphore(%arg18 : memref<!tpu.dma_semaphore, #tpu.memory_space<semaphore_mem>>) {add = true}
      } else {
      }
      %add3A_176 = arith.constant 3 : i32
      %add3A_177 = arith.addi %mul3A_118, %add3A_176 : i32
      %ge3A_178 = arith.constant 4 : i32
      %ge3A_179 = arith.cmpi sge, %add3A_177, %ge3A_178 : i32
      %sub3A_180 = arith.constant 4 : i32
      %sub3A_181 = arith.subi %add3A_177, %sub3A_180 : i32
      %lt3A_182 = arith.constant 160 : i32
      %lt3A_183 = arith.cmpi slt, %sub3A_181, %lt3A_182 : i32
      %and3A_184 = arith.andi %ge3A_179, %lt3A_183 : i1
      %convert_element_type3A_185 = arith.extui %and3A_184 : i1 to i32
      %cond3A_186 = arith.constant 0 : i32
      %cond3A_187 = arith.cmpi ne, %convert_element_type3A_185, %cond3A_186 : i32
      scf.if %cond3A_187 {
        %dma_wait3A_432 = arith.constant 0 : i32
        %dma_wait3A_433 = tpu.memref_slice %arg6[%scan3A_66, %dma_wait3A_432] : memref<8x128xi32, #tpu.memory_space<vmem>> -> memref<1x128xi32, #tpu.memory_space<vmem>>
        %dma_wait3A_434 = tpu.memref_squeeze %dma_wait3A_433 : memref<1x128xi32, #tpu.memory_space<vmem>> -> memref<128xi32, #tpu.memory_space<vmem>>
        %dma_wait3A_435 = arith.constant 0 : i32
        %dma_wait3A_436 = tpu.memref_slice %arg13[%dma_wait3A_435] : memref<10240xf32, #tpu.memory_space<vmem_shared>> -> memref<10240xf32, #tpu.memory_space<vmem_shared>>
        tpu.wait_indirect_dma semaphore(%arg19 : memref<!tpu.dma_semaphore, #tpu.memory_space<semaphore_mem>>) src(%arg7 : memref<128xf32, #tpu.memory_space<vmem>>) dst(%dma_wait3A_436 : memref<10240xf32, #tpu.memory_space<vmem_shared>>)
      } else {
      }
      %lt3A_188 = arith.constant 160 : i32
      %lt3A_189 = arith.cmpi slt, %add3A_177, %lt3A_188 : i32
      %convert_element_type3A_190 = arith.extui %lt3A_189 : i1 to i32
      %cond3A_191 = arith.constant 0 : i32
      %cond3A_192 = arith.cmpi ne, %convert_element_type3A_190, %cond3A_191 : i32
      scf.if %cond3A_192 {
        %dma_start3A_432 = arith.constant 0 : i32
        %dma_start3A_433 = tpu.memref_slice %arg5[%scan3A_67, %dma_start3A_432] : memref<8x128xi32, #tpu.memory_space<vmem>> -> memref<1x128xi32, #tpu.memory_space<vmem>>
        %dma_start3A_434 = tpu.memref_squeeze %dma_start3A_433 : memref<1x128xi32, #tpu.memory_space<vmem>> -> memref<128xi32, #tpu.memory_space<vmem>>
        %dma_start3A_435 = arith.constant 0 : i32
        %dma_start3A_436 = tpu.memref_slice %arg13[%dma_start3A_435] : memref<10240xf32, #tpu.memory_space<vmem_shared>> -> memref<10240xf32, #tpu.memory_space<vmem_shared>>
        tpu.enqueue_indirect_dma source(%arg7 : memref<128xf32, #tpu.memory_space<vmem>>) target(%dma_start3A_436 : memref<10240xf32, #tpu.memory_space<vmem_shared>>) offsets(%dma_start3A_434 : memref<128xi32, #tpu.memory_space<vmem>>) semaphore(%arg19 : memref<!tpu.dma_semaphore, #tpu.memory_space<semaphore_mem>>) {add = true}
      } else {
      }
      %add3A_193 = arith.constant 4 : i32
      %add3A_194 = arith.addi %mul3A_118, %add3A_193 : i32
      %ge3A_195 = arith.constant 4 : i32
      %ge3A_196 = arith.cmpi sge, %add3A_194, %ge3A_195 : i32
      %sub3A_197 = arith.constant 4 : i32
      %sub3A_198 = arith.subi %add3A_194, %sub3A_197 : i32
      %lt3A_199 = arith.constant 160 : i32
      %lt3A_200 = arith.cmpi slt, %sub3A_198, %lt3A_199 : i32
      %and3A_201 = arith.andi %ge3A_196, %lt3A_200 : i1
      %convert_element_type3A_202 = arith.extui %and3A_201 : i1 to i32
      %cond3A_203 = arith.constant 0 : i32
      %cond3A_204 = arith.cmpi ne, %convert_element_type3A_202, %cond3A_203 : i32
      scf.if %cond3A_204 {
        %dma_wait3A_432 = arith.constant 0 : i32
        %dma_wait3A_433 = tpu.memref_slice %arg5[%scan3A_61, %dma_wait3A_432] : memref<8x128xi32, #tpu.memory_space<vmem>> -> memref<1x128xi32, #tpu.memory_space<vmem>>
        %dma_wait3A_434 = tpu.memref_squeeze %dma_wait3A_433 : memref<1x128xi32, #tpu.memory_space<vmem>> -> memref<128xi32, #tpu.memory_space<vmem>>
        %dma_wait3A_435 = arith.constant 0 : i32
        %dma_wait3A_436 = tpu.memref_slice %arg10[%dma_wait3A_435] : memref<10240xf32, #tpu.memory_space<vmem_shared>> -> memref<10240xf32, #tpu.memory_space<vmem_shared>>
        tpu.wait_indirect_dma semaphore(%arg16 : memref<!tpu.dma_semaphore, #tpu.memory_space<semaphore_mem>>) src(%arg7 : memref<128xf32, #tpu.memory_space<vmem>>) dst(%dma_wait3A_436 : memref<10240xf32, #tpu.memory_space<vmem_shared>>)
      } else {
      }
      %add3A_205 = arith.constant 8 : i32
      %add3A_206 = arith.addi %mul3A_118, %add3A_205 : i32
      %dma_start3A_207 = arith.constant 0 : i32
      %dma_start3A_208 = arith.constant 0 : i32
      %dma_start3A_209 = tpu.memref_slice %arg2[%arg0, %arg1, %dma_start3A_207, %dma_start3A_208] : memref<2x16x160x128xi32, #tpu.memory_space<hbm>> -> memref<1x1x160x128xi32, #tpu.memory_space<hbm>>
      %dma_start3A_210 = tpu.memref_squeeze %dma_start3A_209 : memref<1x1x160x128xi32, #tpu.memory_space<hbm>> -> memref<160x128xi32, #tpu.memory_space<hbm>>
      %dma_start3A_211 = arith.constant 0 : i32
      %dma_start3A_212 = tpu.memref_slice %dma_start3A_210[%add3A_206, %dma_start3A_211] : memref<160x128xi32, #tpu.memory_space<hbm>> -> memref<8x128xi32, #tpu.memory_space<hbm>>
      %dma_start3A_213 = arith.constant 0 : i32
      %dma_start3A_214 = arith.constant 0 : i32
      %dma_start3A_215 = tpu.memref_slice %arg2[%arg0, %arg1, %dma_start3A_213, %dma_start3A_214] : memref<2x16x160x128xi32, #tpu.memory_space<hbm>> -> memref<1x1x160x128xi32, #tpu.memory_space<hbm>>
      %dma_start3A_216 = tpu.memref_squeeze %dma_start3A_215 : memref<1x1x160x128xi32, #tpu.memory_space<hbm>> -> memref<160x128xi32, #tpu.memory_space<hbm>>
      %dma_start3A_217 = arith.constant 0 : i32
      %dma_start3A_218 = tpu.memref_slice %dma_start3A_216[%add3A_206, %dma_start3A_217] : memref<160x128xi32, #tpu.memory_space<hbm>> -> memref<8x128xi32, #tpu.memory_space<hbm>>
      tpu.enqueue_dma source(%dma_start3A_218 : memref<8x128xi32, #tpu.memory_space<hbm>>) target(%arg6 : memref<8x128xi32, #tpu.memory_space<vmem>>) target_semaphore(%arg15 : memref<!tpu.dma_semaphore, #tpu.memory_space<semaphore_mem>>)
      %lt3A_219 = arith.constant 160 : i32
      %lt3A_220 = arith.cmpi slt, %add3A_194, %lt3A_219 : i32
      %convert_element_type3A_221 = arith.extui %lt3A_220 : i1 to i32
      %cond3A_222 = arith.constant 0 : i32
      %cond3A_223 = arith.cmpi ne, %convert_element_type3A_221, %cond3A_222 : i32
      scf.if %cond3A_223 {
        %dma_start3A_432 = arith.constant 0 : i32
        %dma_start3A_433 = tpu.memref_slice %arg5[%scan3A_68, %dma_start3A_432] : memref<8x128xi32, #tpu.memory_space<vmem>> -> memref<1x128xi32, #tpu.memory_space<vmem>>
        %dma_start3A_434 = tpu.memref_squeeze %dma_start3A_433 : memref<1x128xi32, #tpu.memory_space<vmem>> -> memref<128xi32, #tpu.memory_space<vmem>>
        %dma_start3A_435 = arith.constant 0 : i32
        %dma_start3A_436 = tpu.memref_slice %arg10[%dma_start3A_435] : memref<10240xf32, #tpu.memory_space<vmem_shared>> -> memref<10240xf32, #tpu.memory_space<vmem_shared>>
        tpu.enqueue_indirect_dma source(%arg7 : memref<128xf32, #tpu.memory_space<vmem>>) target(%dma_start3A_436 : memref<10240xf32, #tpu.memory_space<vmem_shared>>) offsets(%dma_start3A_434 : memref<128xi32, #tpu.memory_space<vmem>>) semaphore(%arg16 : memref<!tpu.dma_semaphore, #tpu.memory_space<semaphore_mem>>) {add = true}
      } else {
      }
      %add3A_224 = arith.constant 5 : i32
      %add3A_225 = arith.addi %mul3A_118, %add3A_224 : i32
      %ge3A_226 = arith.constant 4 : i32
      %ge3A_227 = arith.cmpi sge, %add3A_225, %ge3A_226 : i32
      %sub3A_228 = arith.constant 4 : i32
      %sub3A_229 = arith.subi %add3A_225, %sub3A_228 : i32
      %lt3A_230 = arith.constant 160 : i32
      %lt3A_231 = arith.cmpi slt, %sub3A_229, %lt3A_230 : i32
      %and3A_232 = arith.andi %ge3A_227, %lt3A_231 : i1
      %convert_element_type3A_233 = arith.extui %and3A_232 : i1 to i32
      %cond3A_234 = arith.constant 0 : i32
      %cond3A_235 = arith.cmpi ne, %convert_element_type3A_233, %cond3A_234 : i32
      scf.if %cond3A_235 {
        %dma_wait3A_432 = arith.constant 0 : i32
        %dma_wait3A_433 = tpu.memref_slice %arg5[%scan3A_63, %dma_wait3A_432] : memref<8x128xi32, #tpu.memory_space<vmem>> -> memref<1x128xi32, #tpu.memory_space<vmem>>
        %dma_wait3A_434 = tpu.memref_squeeze %dma_wait3A_433 : memref<1x128xi32, #tpu.memory_space<vmem>> -> memref<128xi32, #tpu.memory_space<vmem>>
        %dma_wait3A_435 = arith.constant 0 : i32
        %dma_wait3A_436 = tpu.memref_slice %arg11[%dma_wait3A_435] : memref<10240xf32, #tpu.memory_space<vmem_shared>> -> memref<10240xf32, #tpu.memory_space<vmem_shared>>
        tpu.wait_indirect_dma semaphore(%arg17 : memref<!tpu.dma_semaphore, #tpu.memory_space<semaphore_mem>>) src(%arg7 : memref<128xf32, #tpu.memory_space<vmem>>) dst(%dma_wait3A_436 : memref<10240xf32, #tpu.memory_space<vmem_shared>>)
      } else {
      }
      %lt3A_236 = arith.constant 160 : i32
      %lt3A_237 = arith.cmpi slt, %add3A_225, %lt3A_236 : i32
      %convert_element_type3A_238 = arith.extui %lt3A_237 : i1 to i32
      %cond3A_239 = arith.constant 0 : i32
      %cond3A_240 = arith.cmpi ne, %convert_element_type3A_238, %cond3A_239 : i32
      scf.if %cond3A_240 {
        %dma_start3A_432 = arith.constant 0 : i32
        %dma_start3A_433 = tpu.memref_slice %arg5[%scan3A_69, %dma_start3A_432] : memref<8x128xi32, #tpu.memory_space<vmem>> -> memref<1x128xi32, #tpu.memory_space<vmem>>
        %dma_start3A_434 = tpu.memref_squeeze %dma_start3A_433 : memref<1x128xi32, #tpu.memory_space<vmem>> -> memref<128xi32, #tpu.memory_space<vmem>>
        %dma_start3A_435 = arith.constant 0 : i32
        %dma_start3A_436 = tpu.memref_slice %arg11[%dma_start3A_435] : memref<10240xf32, #tpu.memory_space<vmem_shared>> -> memref<10240xf32, #tpu.memory_space<vmem_shared>>
        tpu.enqueue_indirect_dma source(%arg7 : memref<128xf32, #tpu.memory_space<vmem>>) target(%dma_start3A_436 : memref<10240xf32, #tpu.memory_space<vmem_shared>>) offsets(%dma_start3A_434 : memref<128xi32, #tpu.memory_space<vmem>>) semaphore(%arg17 : memref<!tpu.dma_semaphore, #tpu.memory_space<semaphore_mem>>) {add = true}
      } else {
      }
      %add3A_241 = arith.constant 6 : i32
      %add3A_242 = arith.addi %mul3A_118, %add3A_241 : i32
      %ge3A_243 = arith.constant 4 : i32
      %ge3A_244 = arith.cmpi sge, %add3A_242, %ge3A_243 : i32
      %sub3A_245 = arith.constant 4 : i32
      %sub3A_246 = arith.subi %add3A_242, %sub3A_245 : i32
      %lt3A_247 = arith.constant 160 : i32
      %lt3A_248 = arith.cmpi slt, %sub3A_246, %lt3A_247 : i32
      %and3A_249 = arith.andi %ge3A_244, %lt3A_248 : i1
      %convert_element_type3A_250 = arith.extui %and3A_249 : i1 to i32
      %cond3A_251 = arith.constant 0 : i32
      %cond3A_252 = arith.cmpi ne, %convert_element_type3A_250, %cond3A_251 : i32
      scf.if %cond3A_252 {
        %dma_wait3A_432 = arith.constant 0 : i32
        %dma_wait3A_433 = tpu.memref_slice %arg5[%scan3A_65, %dma_wait3A_432] : memref<8x128xi32, #tpu.memory_space<vmem>> -> memref<1x128xi32, #tpu.memory_space<vmem>>
        %dma_wait3A_434 = tpu.memref_squeeze %dma_wait3A_433 : memref<1x128xi32, #tpu.memory_space<vmem>> -> memref<128xi32, #tpu.memory_space<vmem>>
        %dma_wait3A_435 = arith.constant 0 : i32
        %dma_wait3A_436 = tpu.memref_slice %arg12[%dma_wait3A_435] : memref<10240xf32, #tpu.memory_space<vmem_shared>> -> memref<10240xf32, #tpu.memory_space<vmem_shared>>
        tpu.wait_indirect_dma semaphore(%arg18 : memref<!tpu.dma_semaphore, #tpu.memory_space<semaphore_mem>>) src(%arg7 : memref<128xf32, #tpu.memory_space<vmem>>) dst(%dma_wait3A_436 : memref<10240xf32, #tpu.memory_space<vmem_shared>>)
      } else {
      }
      %lt3A_253 = arith.constant 160 : i32
      %lt3A_254 = arith.cmpi slt, %add3A_242, %lt3A_253 : i32
      %convert_element_type3A_255 = arith.extui %lt3A_254 : i1 to i32
      %cond3A_256 = arith.constant 0 : i32
      %cond3A_257 = arith.cmpi ne, %convert_element_type3A_255, %cond3A_256 : i32
      scf.if %cond3A_257 {
        %dma_start3A_432 = arith.constant 0 : i32
        %dma_start3A_433 = tpu.memref_slice %arg5[%scan3A_70, %dma_start3A_432] : memref<8x128xi32, #tpu.memory_space<vmem>> -> memref<1x128xi32, #tpu.memory_space<vmem>>
        %dma_start3A_434 = tpu.memref_squeeze %dma_start3A_433 : memref<1x128xi32, #tpu.memory_space<vmem>> -> memref<128xi32, #tpu.memory_space<vmem>>
        %dma_start3A_435 = arith.constant 0 : i32
        %dma_start3A_436 = tpu.memref_slice %arg12[%dma_start3A_435] : memref<10240xf32, #tpu.memory_space<vmem_shared>> -> memref<10240xf32, #tpu.memory_space<vmem_shared>>
        tpu.enqueue_indirect_dma source(%arg7 : memref<128xf32, #tpu.memory_space<vmem>>) target(%dma_start3A_436 : memref<10240xf32, #tpu.memory_space<vmem_shared>>) offsets(%dma_start3A_434 : memref<128xi32, #tpu.memory_space<vmem>>) semaphore(%arg18 : memref<!tpu.dma_semaphore, #tpu.memory_space<semaphore_mem>>) {add = true}
      } else {
      }
      %add3A_258 = arith.constant 7 : i32
      %add3A_259 = arith.addi %mul3A_118, %add3A_258 : i32
      %ge3A_260 = arith.constant 4 : i32
      %ge3A_261 = arith.cmpi sge, %add3A_259, %ge3A_260 : i32
      %sub3A_262 = arith.constant 4 : i32
      %sub3A_263 = arith.subi %add3A_259, %sub3A_262 : i32
      %lt3A_264 = arith.constant 160 : i32
      %lt3A_265 = arith.cmpi slt, %sub3A_263, %lt3A_264 : i32
      %and3A_266 = arith.andi %ge3A_261, %lt3A_265 : i1
      %convert_element_type3A_267 = arith.extui %and3A_266 : i1 to i32
      %cond3A_268 = arith.constant 0 : i32
      %cond3A_269 = arith.cmpi ne, %convert_element_type3A_267, %cond3A_268 : i32
      scf.if %cond3A_269 {
        %dma_wait3A_432 = arith.constant 0 : i32
        %dma_wait3A_433 = tpu.memref_slice %arg5[%scan3A_67, %dma_wait3A_432] : memref<8x128xi32, #tpu.memory_space<vmem>> -> memref<1x128xi32, #tpu.memory_space<vmem>>
        %dma_wait3A_434 = tpu.memref_squeeze %dma_wait3A_433 : memref<1x128xi32, #tpu.memory_space<vmem>> -> memref<128xi32, #tpu.memory_space<vmem>>
        %dma_wait3A_435 = arith.constant 0 : i32
        %dma_wait3A_436 = tpu.memref_slice %arg13[%dma_wait3A_435] : memref<10240xf32, #tpu.memory_space<vmem_shared>> -> memref<10240xf32, #tpu.memory_space<vmem_shared>>
        tpu.wait_indirect_dma semaphore(%arg19 : memref<!tpu.dma_semaphore, #tpu.memory_space<semaphore_mem>>) src(%arg7 : memref<128xf32, #tpu.memory_space<vmem>>) dst(%dma_wait3A_436 : memref<10240xf32, #tpu.memory_space<vmem_shared>>)
      } else {
      }
      %lt3A_270 = arith.constant 160 : i32
      %lt3A_271 = arith.cmpi slt, %add3A_259, %lt3A_270 : i32
      %convert_element_type3A_272 = arith.extui %lt3A_271 : i1 to i32
      %cond3A_273 = arith.constant 0 : i32
      %cond3A_274 = arith.cmpi ne, %convert_element_type3A_272, %cond3A_273 : i32
      scf.if %cond3A_274 {
        %dma_start3A_432 = arith.constant 0 : i32
        %dma_start3A_433 = tpu.memref_slice %arg5[%scan3A_71, %dma_start3A_432] : memref<8x128xi32, #tpu.memory_space<vmem>> -> memref<1x128xi32, #tpu.memory_space<vmem>>
        %dma_start3A_434 = tpu.memref_squeeze %dma_start3A_433 : memref<1x128xi32, #tpu.memory_space<vmem>> -> memref<128xi32, #tpu.memory_space<vmem>>
        %dma_start3A_435 = arith.constant 0 : i32
        %dma_start3A_436 = tpu.memref_slice %arg13[%dma_start3A_435] : memref<10240xf32, #tpu.memory_space<vmem_shared>> -> memref<10240xf32, #tpu.memory_space<vmem_shared>>
        tpu.enqueue_indirect_dma source(%arg7 : memref<128xf32, #tpu.memory_space<vmem>>) target(%dma_start3A_436 : memref<10240xf32, #tpu.memory_space<vmem_shared>>) offsets(%dma_start3A_434 : memref<128xi32, #tpu.memory_space<vmem>>) semaphore(%arg19 : memref<!tpu.dma_semaphore, #tpu.memory_space<semaphore_mem>>) {add = true}
      } else {
      }
      %add3A_275 = arith.constant 8 : i32
      %add3A_276 = arith.addi %mul3A_118, %add3A_275 : i32
      %ge3A_277 = arith.constant 4 : i32
      %ge3A_278 = arith.cmpi sge, %add3A_276, %ge3A_277 : i32
      %sub3A_279 = arith.constant 4 : i32
      %sub3A_280 = arith.subi %add3A_276, %sub3A_279 : i32
      %lt3A_281 = arith.constant 160 : i32
      %lt3A_282 = arith.cmpi slt, %sub3A_280, %lt3A_281 : i32
      %and3A_283 = arith.andi %ge3A_278, %lt3A_282 : i1
      %convert_element_type3A_284 = arith.extui %and3A_283 : i1 to i32
      %cond3A_285 = arith.constant 0 : i32
      %cond3A_286 = arith.cmpi ne, %convert_element_type3A_284, %cond3A_285 : i32
      scf.if %cond3A_286 {
        %dma_wait3A_432 = arith.constant 0 : i32
        %dma_wait3A_433 = tpu.memref_slice %arg5[%scan3A_68, %dma_wait3A_432] : memref<8x128xi32, #tpu.memory_space<vmem>> -> memref<1x128xi32, #tpu.memory_space<vmem>>
        %dma_wait3A_434 = tpu.memref_squeeze %dma_wait3A_433 : memref<1x128xi32, #tpu.memory_space<vmem>> -> memref<128xi32, #tpu.memory_space<vmem>>
        %dma_wait3A_435 = arith.constant 0 : i32
        %dma_wait3A_436 = tpu.memref_slice %arg10[%dma_wait3A_435] : memref<10240xf32, #tpu.memory_space<vmem_shared>> -> memref<10240xf32, #tpu.memory_space<vmem_shared>>
        tpu.wait_indirect_dma semaphore(%arg16 : memref<!tpu.dma_semaphore, #tpu.memory_space<semaphore_mem>>) src(%arg7 : memref<128xf32, #tpu.memory_space<vmem>>) dst(%dma_wait3A_436 : memref<10240xf32, #tpu.memory_space<vmem_shared>>)
      } else {
      }
      %add3A_287 = arith.constant 8 : i32
      %add3A_288 = arith.addi %mul3A_118, %add3A_287 : i32
      %dma_wait3A_289 = arith.constant 0 : i32
      %dma_wait3A_290 = arith.constant 0 : i32
      %dma_wait3A_291 = tpu.memref_slice %arg2[%arg0, %arg1, %dma_wait3A_289, %dma_wait3A_290] : memref<2x16x160x128xi32, #tpu.memory_space<hbm>> -> memref<1x1x160x128xi32, #tpu.memory_space<hbm>>
      %dma_wait3A_292 = tpu.memref_squeeze %dma_wait3A_291 : memref<1x1x160x128xi32, #tpu.memory_space<hbm>> -> memref<160x128xi32, #tpu.memory_space<hbm>>
      %dma_wait3A_293 = arith.constant 0 : i32
      %dma_wait3A_294 = tpu.memref_slice %dma_wait3A_292[%add3A_288, %dma_wait3A_293] : memref<160x128xi32, #tpu.memory_space<hbm>> -> memref<8x128xi32, #tpu.memory_space<hbm>>
      %dma_wait3A_295 = arith.constant 0 : i32
      %dma_wait3A_296 = arith.constant 0 : i32
      %dma_wait3A_297 = tpu.memref_slice %arg2[%arg0, %arg1, %dma_wait3A_295, %dma_wait3A_296] : memref<2x16x160x128xi32, #tpu.memory_space<hbm>> -> memref<1x1x160x128xi32, #tpu.memory_space<hbm>>
      %dma_wait3A_298 = tpu.memref_squeeze %dma_wait3A_297 : memref<1x1x160x128xi32, #tpu.memory_space<hbm>> -> memref<160x128xi32, #tpu.memory_space<hbm>>
      %dma_wait3A_299 = arith.constant 0 : i32
      %dma_wait3A_300 = tpu.memref_slice %dma_wait3A_298[%add3A_288, %dma_wait3A_299] : memref<160x128xi32, #tpu.memory_space<hbm>> -> memref<8x128xi32, #tpu.memory_space<hbm>>
      tpu.wait_dma2 semaphore(%arg15 : memref<!tpu.dma_semaphore, #tpu.memory_space<semaphore_mem>>) src(%dma_wait3A_300 : memref<8x128xi32, #tpu.memory_space<hbm>>) dst(%arg6 : memref<8x128xi32, #tpu.memory_space<vmem>>)
      %lt3A_301 = arith.constant 160 : i32
      %lt3A_302 = arith.cmpi slt, %add3A_276, %lt3A_301 : i32
      %convert_element_type3A_303 = arith.extui %lt3A_302 : i1 to i32
      %cond3A_304 = arith.constant 0 : i32
      %cond3A_305 = arith.cmpi ne, %convert_element_type3A_303, %cond3A_304 : i32
      scf.if %cond3A_305 {
        %dma_start3A_432 = arith.constant 0 : i32
        %dma_start3A_433 = tpu.memref_slice %arg6[%scan3A_72, %dma_start3A_432] : memref<8x128xi32, #tpu.memory_space<vmem>> -> memref<1x128xi32, #tpu.memory_space<vmem>>
        %dma_start3A_434 = tpu.memref_squeeze %dma_start3A_433 : memref<1x128xi32, #tpu.memory_space<vmem>> -> memref<128xi32, #tpu.memory_space<vmem>>
        %dma_start3A_435 = arith.constant 0 : i32
        %dma_start3A_436 = tpu.memref_slice %arg10[%dma_start3A_435] : memref<10240xf32, #tpu.memory_space<vmem_shared>> -> memref<10240xf32, #tpu.memory_space<vmem_shared>>
        tpu.enqueue_indirect_dma source(%arg7 : memref<128xf32, #tpu.memory_space<vmem>>) target(%dma_start3A_436 : memref<10240xf32, #tpu.memory_space<vmem_shared>>) offsets(%dma_start3A_434 : memref<128xi32, #tpu.memory_space<vmem>>) semaphore(%arg16 : memref<!tpu.dma_semaphore, #tpu.memory_space<semaphore_mem>>) {add = true}
      } else {
      }
      %add3A_306 = arith.constant 9 : i32
      %add3A_307 = arith.addi %mul3A_118, %add3A_306 : i32
      %ge3A_308 = arith.constant 4 : i32
      %ge3A_309 = arith.cmpi sge, %add3A_307, %ge3A_308 : i32
      %sub3A_310 = arith.constant 4 : i32
      %sub3A_311 = arith.subi %add3A_307, %sub3A_310 : i32
      %lt3A_312 = arith.constant 160 : i32
      %lt3A_313 = arith.cmpi slt, %sub3A_311, %lt3A_312 : i32
      %and3A_314 = arith.andi %ge3A_309, %lt3A_313 : i1
      %convert_element_type3A_315 = arith.extui %and3A_314 : i1 to i32
      %cond3A_316 = arith.constant 0 : i32
      %cond3A_317 = arith.cmpi ne, %convert_element_type3A_315, %cond3A_316 : i32
      scf.if %cond3A_317 {
        %dma_wait3A_432 = arith.constant 0 : i32
        %dma_wait3A_433 = tpu.memref_slice %arg5[%scan3A_69, %dma_wait3A_432] : memref<8x128xi32, #tpu.memory_space<vmem>> -> memref<1x128xi32, #tpu.memory_space<vmem>>
        %dma_wait3A_434 = tpu.memref_squeeze %dma_wait3A_433 : memref<1x128xi32, #tpu.memory_space<vmem>> -> memref<128xi32, #tpu.memory_space<vmem>>
        %dma_wait3A_435 = arith.constant 0 : i32
        %dma_wait3A_436 = tpu.memref_slice %arg11[%dma_wait3A_435] : memref<10240xf32, #tpu.memory_space<vmem_shared>> -> memref<10240xf32, #tpu.memory_space<vmem_shared>>
        tpu.wait_indirect_dma semaphore(%arg17 : memref<!tpu.dma_semaphore, #tpu.memory_space<semaphore_mem>>) src(%arg7 : memref<128xf32, #tpu.memory_space<vmem>>) dst(%dma_wait3A_436 : memref<10240xf32, #tpu.memory_space<vmem_shared>>)
      } else {
      }
      %lt3A_318 = arith.constant 160 : i32
      %lt3A_319 = arith.cmpi slt, %add3A_307, %lt3A_318 : i32
      %convert_element_type3A_320 = arith.extui %lt3A_319 : i1 to i32
      %cond3A_321 = arith.constant 0 : i32
      %cond3A_322 = arith.cmpi ne, %convert_element_type3A_320, %cond3A_321 : i32
      scf.if %cond3A_322 {
        %dma_start3A_432 = arith.constant 0 : i32
        %dma_start3A_433 = tpu.memref_slice %arg6[%scan3A_73, %dma_start3A_432] : memref<8x128xi32, #tpu.memory_space<vmem>> -> memref<1x128xi32, #tpu.memory_space<vmem>>
        %dma_start3A_434 = tpu.memref_squeeze %dma_start3A_433 : memref<1x128xi32, #tpu.memory_space<vmem>> -> memref<128xi32, #tpu.memory_space<vmem>>
        %dma_start3A_435 = arith.constant 0 : i32
        %dma_start3A_436 = tpu.memref_slice %arg11[%dma_start3A_435] : memref<10240xf32, #tpu.memory_space<vmem_shared>> -> memref<10240xf32, #tpu.memory_space<vmem_shared>>
        tpu.enqueue_indirect_dma source(%arg7 : memref<128xf32, #tpu.memory_space<vmem>>) target(%dma_start3A_436 : memref<10240xf32, #tpu.memory_space<vmem_shared>>) offsets(%dma_start3A_434 : memref<128xi32, #tpu.memory_space<vmem>>) semaphore(%arg17 : memref<!tpu.dma_semaphore, #tpu.memory_space<semaphore_mem>>) {add = true}
      } else {
      }
      %add3A_323 = arith.constant 10 : i32
      %add3A_324 = arith.addi %mul3A_118, %add3A_323 : i32
      %ge3A_325 = arith.constant 4 : i32
      %ge3A_326 = arith.cmpi sge, %add3A_324, %ge3A_325 : i32
      %sub3A_327 = arith.constant 4 : i32
      %sub3A_328 = arith.subi %add3A_324, %sub3A_327 : i32
      %lt3A_329 = arith.constant 160 : i32
      %lt3A_330 = arith.cmpi slt, %sub3A_328, %lt3A_329 : i32
      %and3A_331 = arith.andi %ge3A_326, %lt3A_330 : i1
      %convert_element_type3A_332 = arith.extui %and3A_331 : i1 to i32
      %cond3A_333 = arith.constant 0 : i32
      %cond3A_334 = arith.cmpi ne, %convert_element_type3A_332, %cond3A_333 : i32
      scf.if %cond3A_334 {
        %dma_wait3A_432 = arith.constant 0 : i32
        %dma_wait3A_433 = tpu.memref_slice %arg5[%scan3A_70, %dma_wait3A_432] : memref<8x128xi32, #tpu.memory_space<vmem>> -> memref<1x128xi32, #tpu.memory_space<vmem>>
        %dma_wait3A_434 = tpu.memref_squeeze %dma_wait3A_433 : memref<1x128xi32, #tpu.memory_space<vmem>> -> memref<128xi32, #tpu.memory_space<vmem>>
        %dma_wait3A_435 = arith.constant 0 : i32
        %dma_wait3A_436 = tpu.memref_slice %arg12[%dma_wait3A_435] : memref<10240xf32, #tpu.memory_space<vmem_shared>> -> memref<10240xf32, #tpu.memory_space<vmem_shared>>
        tpu.wait_indirect_dma semaphore(%arg18 : memref<!tpu.dma_semaphore, #tpu.memory_space<semaphore_mem>>) src(%arg7 : memref<128xf32, #tpu.memory_space<vmem>>) dst(%dma_wait3A_436 : memref<10240xf32, #tpu.memory_space<vmem_shared>>)
      } else {
      }
      %lt3A_335 = arith.constant 160 : i32
      %lt3A_336 = arith.cmpi slt, %add3A_324, %lt3A_335 : i32
      %convert_element_type3A_337 = arith.extui %lt3A_336 : i1 to i32
      %cond3A_338 = arith.constant 0 : i32
      %cond3A_339 = arith.cmpi ne, %convert_element_type3A_337, %cond3A_338 : i32
      scf.if %cond3A_339 {
        %dma_start3A_432 = arith.constant 0 : i32
        %dma_start3A_433 = tpu.memref_slice %arg6[%scan3A_74, %dma_start3A_432] : memref<8x128xi32, #tpu.memory_space<vmem>> -> memref<1x128xi32, #tpu.memory_space<vmem>>
        %dma_start3A_434 = tpu.memref_squeeze %dma_start3A_433 : memref<1x128xi32, #tpu.memory_space<vmem>> -> memref<128xi32, #tpu.memory_space<vmem>>
        %dma_start3A_435 = arith.constant 0 : i32
        %dma_start3A_436 = tpu.memref_slice %arg12[%dma_start3A_435] : memref<10240xf32, #tpu.memory_space<vmem_shared>> -> memref<10240xf32, #tpu.memory_space<vmem_shared>>
        tpu.enqueue_indirect_dma source(%arg7 : memref<128xf32, #tpu.memory_space<vmem>>) target(%dma_start3A_436 : memref<10240xf32, #tpu.memory_space<vmem_shared>>) offsets(%dma_start3A_434 : memref<128xi32, #tpu.memory_space<vmem>>) semaphore(%arg18 : memref<!tpu.dma_semaphore, #tpu.memory_space<semaphore_mem>>) {add = true}
      } else {
      }
      %add3A_340 = arith.constant 11 : i32
      %add3A_341 = arith.addi %mul3A_118, %add3A_340 : i32
      %ge3A_342 = arith.constant 4 : i32
      %ge3A_343 = arith.cmpi sge, %add3A_341, %ge3A_342 : i32
      %sub3A_344 = arith.constant 4 : i32
      %sub3A_345 = arith.subi %add3A_341, %sub3A_344 : i32
      %lt3A_346 = arith.constant 160 : i32
      %lt3A_347 = arith.cmpi slt, %sub3A_345, %lt3A_346 : i32
      %and3A_348 = arith.andi %ge3A_343, %lt3A_347 : i1
      %convert_element_type3A_349 = arith.extui %and3A_348 : i1 to i32
      %cond3A_350 = arith.constant 0 : i32
      %cond3A_351 = arith.cmpi ne, %convert_element_type3A_349, %cond3A_350 : i32
      scf.if %cond3A_351 {
        %dma_wait3A_432 = arith.constant 0 : i32
        %dma_wait3A_433 = tpu.memref_slice %arg5[%scan3A_71, %dma_wait3A_432] : memref<8x128xi32, #tpu.memory_space<vmem>> -> memref<1x128xi32, #tpu.memory_space<vmem>>
        %dma_wait3A_434 = tpu.memref_squeeze %dma_wait3A_433 : memref<1x128xi32, #tpu.memory_space<vmem>> -> memref<128xi32, #tpu.memory_space<vmem>>
        %dma_wait3A_435 = arith.constant 0 : i32
        %dma_wait3A_436 = tpu.memref_slice %arg13[%dma_wait3A_435] : memref<10240xf32, #tpu.memory_space<vmem_shared>> -> memref<10240xf32, #tpu.memory_space<vmem_shared>>
        tpu.wait_indirect_dma semaphore(%arg19 : memref<!tpu.dma_semaphore, #tpu.memory_space<semaphore_mem>>) src(%arg7 : memref<128xf32, #tpu.memory_space<vmem>>) dst(%dma_wait3A_436 : memref<10240xf32, #tpu.memory_space<vmem_shared>>)
      } else {
      }
      %lt3A_352 = arith.constant 160 : i32
      %lt3A_353 = arith.cmpi slt, %add3A_341, %lt3A_352 : i32
      %convert_element_type3A_354 = arith.extui %lt3A_353 : i1 to i32
      %cond3A_355 = arith.constant 0 : i32
      %cond3A_356 = arith.cmpi ne, %convert_element_type3A_354, %cond3A_355 : i32
      scf.if %cond3A_356 {
        %dma_start3A_432 = arith.constant 0 : i32
        %dma_start3A_433 = tpu.memref_slice %arg6[%scan3A_75, %dma_start3A_432] : memref<8x128xi32, #tpu.memory_space<vmem>> -> memref<1x128xi32, #tpu.memory_space<vmem>>
        %dma_start3A_434 = tpu.memref_squeeze %dma_start3A_433 : memref<1x128xi32, #tpu.memory_space<vmem>> -> memref<128xi32, #tpu.memory_space<vmem>>
        %dma_start3A_435 = arith.constant 0 : i32
        %dma_start3A_436 = tpu.memref_slice %arg13[%dma_start3A_435] : memref<10240xf32, #tpu.memory_space<vmem_shared>> -> memref<10240xf32, #tpu.memory_space<vmem_shared>>
        tpu.enqueue_indirect_dma source(%arg7 : memref<128xf32, #tpu.memory_space<vmem>>) target(%dma_start3A_436 : memref<10240xf32, #tpu.memory_space<vmem_shared>>) offsets(%dma_start3A_434 : memref<128xi32, #tpu.memory_space<vmem>>) semaphore(%arg19 : memref<!tpu.dma_semaphore, #tpu.memory_space<semaphore_mem>>) {add = true}
      } else {
      }
      %add3A_357 = arith.constant 12 : i32
      %add3A_358 = arith.addi %mul3A_118, %add3A_357 : i32
      %ge3A_359 = arith.constant 4 : i32
      %ge3A_360 = arith.cmpi sge, %add3A_358, %ge3A_359 : i32
      %sub3A_361 = arith.constant 4 : i32
      %sub3A_362 = arith.subi %add3A_358, %sub3A_361 : i32
      %lt3A_363 = arith.constant 160 : i32
      %lt3A_364 = arith.cmpi slt, %sub3A_362, %lt3A_363 : i32
      %and3A_365 = arith.andi %ge3A_360, %lt3A_364 : i1
      %convert_element_type3A_366 = arith.extui %and3A_365 : i1 to i32
      %cond3A_367 = arith.constant 0 : i32
      %cond3A_368 = arith.cmpi ne, %convert_element_type3A_366, %cond3A_367 : i32
      scf.if %cond3A_368 {
        %dma_wait3A_432 = arith.constant 0 : i32
        %dma_wait3A_433 = tpu.memref_slice %arg6[%scan3A_72, %dma_wait3A_432] : memref<8x128xi32, #tpu.memory_space<vmem>> -> memref<1x128xi32, #tpu.memory_space<vmem>>
        %dma_wait3A_434 = tpu.memref_squeeze %dma_wait3A_433 : memref<1x128xi32, #tpu.memory_space<vmem>> -> memref<128xi32, #tpu.memory_space<vmem>>
        %dma_wait3A_435 = arith.constant 0 : i32
        %dma_wait3A_436 = tpu.memref_slice %arg10[%dma_wait3A_435] : memref<10240xf32, #tpu.memory_space<vmem_shared>> -> memref<10240xf32, #tpu.memory_space<vmem_shared>>
        tpu.wait_indirect_dma semaphore(%arg16 : memref<!tpu.dma_semaphore, #tpu.memory_space<semaphore_mem>>) src(%arg7 : memref<128xf32, #tpu.memory_space<vmem>>) dst(%dma_wait3A_436 : memref<10240xf32, #tpu.memory_space<vmem_shared>>)
      } else {
      }
      %add3A_369 = arith.constant 1 : i32
      %add3A_370 = arith.addi %scan3A_116, %add3A_369 : i32
      %lt3A_371 = arith.constant 10 : i32
      %lt3A_372 = arith.cmpi slt, %add3A_370, %lt3A_371 : i32
      %convert_element_type3A_373 = arith.extui %lt3A_372 : i1 to i32
      %cond3A_374 = arith.constant 0 : i32
      %cond3A_375 = arith.cmpi ne, %convert_element_type3A_373, %cond3A_374 : i32
      scf.if %cond3A_375 {
        %add3A_432 = arith.constant 16 : i32
        %add3A_433 = arith.addi %mul3A_118, %add3A_432 : i32
        %dma_start3A_434 = arith.constant 0 : i32
        %dma_start3A_435 = arith.constant 0 : i32
        %dma_start3A_436 = tpu.memref_slice %arg2[%arg0, %arg1, %dma_start3A_434, %dma_start3A_435] : memref<2x16x160x128xi32, #tpu.memory_space<hbm>> -> memref<1x1x160x128xi32, #tpu.memory_space<hbm>>
        %dma_start3A_437 = tpu.memref_squeeze %dma_start3A_436 : memref<1x1x160x128xi32, #tpu.memory_space<hbm>> -> memref<160x128xi32, #tpu.memory_space<hbm>>
        %dma_start3A_438 = arith.constant 0 : i32
        %dma_start3A_439 = tpu.memref_slice %dma_start3A_437[%add3A_433, %dma_start3A_438] : memref<160x128xi32, #tpu.memory_space<hbm>> -> memref<8x128xi32, #tpu.memory_space<hbm>>
        %dma_start3A_440 = arith.constant 0 : i32
        %dma_start3A_441 = arith.constant 0 : i32
        %dma_start3A_442 = tpu.memref_slice %arg2[%arg0, %arg1, %dma_start3A_440, %dma_start3A_441] : memref<2x16x160x128xi32, #tpu.memory_space<hbm>> -> memref<1x1x160x128xi32, #tpu.memory_space<hbm>>
        %dma_start3A_443 = tpu.memref_squeeze %dma_start3A_442 : memref<1x1x160x128xi32, #tpu.memory_space<hbm>> -> memref<160x128xi32, #tpu.memory_space<hbm>>
        %dma_start3A_444 = arith.constant 0 : i32
        %dma_start3A_445 = tpu.memref_slice %dma_start3A_443[%add3A_433, %dma_start3A_444] : memref<160x128xi32, #tpu.memory_space<hbm>> -> memref<8x128xi32, #tpu.memory_space<hbm>>
        tpu.enqueue_dma source(%dma_start3A_445 : memref<8x128xi32, #tpu.memory_space<hbm>>) target(%arg5 : memref<8x128xi32, #tpu.memory_space<vmem>>) target_semaphore(%arg14 : memref<!tpu.dma_semaphore, #tpu.memory_space<semaphore_mem>>)
      } else {
      }
      %lt3A_376 = arith.constant 160 : i32
      %lt3A_377 = arith.cmpi slt, %add3A_358, %lt3A_376 : i32
      %convert_element_type3A_378 = arith.extui %lt3A_377 : i1 to i32
      %cond3A_379 = arith.constant 0 : i32
      %cond3A_380 = arith.cmpi ne, %convert_element_type3A_378, %cond3A_379 : i32
      scf.if %cond3A_380 {
        %dma_start3A_432 = arith.constant 0 : i32
        %dma_start3A_433 = tpu.memref_slice %arg6[%scan3A_60, %dma_start3A_432] : memref<8x128xi32, #tpu.memory_space<vmem>> -> memref<1x128xi32, #tpu.memory_space<vmem>>
        %dma_start3A_434 = tpu.memref_squeeze %dma_start3A_433 : memref<1x128xi32, #tpu.memory_space<vmem>> -> memref<128xi32, #tpu.memory_space<vmem>>
        %dma_start3A_435 = arith.constant 0 : i32
        %dma_start3A_436 = tpu.memref_slice %arg10[%dma_start3A_435] : memref<10240xf32, #tpu.memory_space<vmem_shared>> -> memref<10240xf32, #tpu.memory_space<vmem_shared>>
        tpu.enqueue_indirect_dma source(%arg7 : memref<128xf32, #tpu.memory_space<vmem>>) target(%dma_start3A_436 : memref<10240xf32, #tpu.memory_space<vmem_shared>>) offsets(%dma_start3A_434 : memref<128xi32, #tpu.memory_space<vmem>>) semaphore(%arg16 : memref<!tpu.dma_semaphore, #tpu.memory_space<semaphore_mem>>) {add = true}
      } else {
      }
      %add3A_381 = arith.constant 13 : i32
      %add3A_382 = arith.addi %mul3A_118, %add3A_381 : i32
      %ge3A_383 = arith.constant 4 : i32
      %ge3A_384 = arith.cmpi sge, %add3A_382, %ge3A_383 : i32
      %sub3A_385 = arith.constant 4 : i32
      %sub3A_386 = arith.subi %add3A_382, %sub3A_385 : i32
      %lt3A_387 = arith.constant 160 : i32
      %lt3A_388 = arith.cmpi slt, %sub3A_386, %lt3A_387 : i32
      %and3A_389 = arith.andi %ge3A_384, %lt3A_388 : i1
      %convert_element_type3A_390 = arith.extui %and3A_389 : i1 to i32
      %cond3A_391 = arith.constant 0 : i32
      %cond3A_392 = arith.cmpi ne, %convert_element_type3A_390, %cond3A_391 : i32
      scf.if %cond3A_392 {
        %dma_wait3A_432 = arith.constant 0 : i32
        %dma_wait3A_433 = tpu.memref_slice %arg6[%scan3A_73, %dma_wait3A_432] : memref<8x128xi32, #tpu.memory_space<vmem>> -> memref<1x128xi32, #tpu.memory_space<vmem>>
        %dma_wait3A_434 = tpu.memref_squeeze %dma_wait3A_433 : memref<1x128xi32, #tpu.memory_space<vmem>> -> memref<128xi32, #tpu.memory_space<vmem>>
        %dma_wait3A_435 = arith.constant 0 : i32
        %dma_wait3A_436 = tpu.memref_slice %arg11[%dma_wait3A_435] : memref<10240xf32, #tpu.memory_space<vmem_shared>> -> memref<10240xf32, #tpu.memory_space<vmem_shared>>
        tpu.wait_indirect_dma semaphore(%arg17 : memref<!tpu.dma_semaphore, #tpu.memory_space<semaphore_mem>>) src(%arg7 : memref<128xf32, #tpu.memory_space<vmem>>) dst(%dma_wait3A_436 : memref<10240xf32, #tpu.memory_space<vmem_shared>>)
      } else {
      }
      %lt3A_393 = arith.constant 160 : i32
      %lt3A_394 = arith.cmpi slt, %add3A_382, %lt3A_393 : i32
      %convert_element_type3A_395 = arith.extui %lt3A_394 : i1 to i32
      %cond3A_396 = arith.constant 0 : i32
      %cond3A_397 = arith.cmpi ne, %convert_element_type3A_395, %cond3A_396 : i32
      scf.if %cond3A_397 {
        %dma_start3A_432 = arith.constant 0 : i32
        %dma_start3A_433 = tpu.memref_slice %arg6[%scan3A_62, %dma_start3A_432] : memref<8x128xi32, #tpu.memory_space<vmem>> -> memref<1x128xi32, #tpu.memory_space<vmem>>
        %dma_start3A_434 = tpu.memref_squeeze %dma_start3A_433 : memref<1x128xi32, #tpu.memory_space<vmem>> -> memref<128xi32, #tpu.memory_space<vmem>>
        %dma_start3A_435 = arith.constant 0 : i32
        %dma_start3A_436 = tpu.memref_slice %arg11[%dma_start3A_435] : memref<10240xf32, #tpu.memory_space<vmem_shared>> -> memref<10240xf32, #tpu.memory_space<vmem_shared>>
        tpu.enqueue_indirect_dma source(%arg7 : memref<128xf32, #tpu.memory_space<vmem>>) target(%dma_start3A_436 : memref<10240xf32, #tpu.memory_space<vmem_shared>>) offsets(%dma_start3A_434 : memref<128xi32, #tpu.memory_space<vmem>>) semaphore(%arg17 : memref<!tpu.dma_semaphore, #tpu.memory_space<semaphore_mem>>) {add = true}
      } else {
      }
      %add3A_398 = arith.constant 14 : i32
      %add3A_399 = arith.addi %mul3A_118, %add3A_398 : i32
      %ge3A_400 = arith.constant 4 : i32
      %ge3A_401 = arith.cmpi sge, %add3A_399, %ge3A_400 : i32
      %sub3A_402 = arith.constant 4 : i32
      %sub3A_403 = arith.subi %add3A_399, %sub3A_402 : i32
      %lt3A_404 = arith.constant 160 : i32
      %lt3A_405 = arith.cmpi slt, %sub3A_403, %lt3A_404 : i32
      %and3A_406 = arith.andi %ge3A_401, %lt3A_405 : i1
      %convert_element_type3A_407 = arith.extui %and3A_406 : i1 to i32
      %cond3A_408 = arith.constant 0 : i32
      %cond3A_409 = arith.cmpi ne, %convert_element_type3A_407, %cond3A_408 : i32
      scf.if %cond3A_409 {
        %dma_wait3A_432 = arith.constant 0 : i32
        %dma_wait3A_433 = tpu.memref_slice %arg6[%scan3A_74, %dma_wait3A_432] : memref<8x128xi32, #tpu.memory_space<vmem>> -> memref<1x128xi32, #tpu.memory_space<vmem>>
        %dma_wait3A_434 = tpu.memref_squeeze %dma_wait3A_433 : memref<1x128xi32, #tpu.memory_space<vmem>> -> memref<128xi32, #tpu.memory_space<vmem>>
        %dma_wait3A_435 = arith.constant 0 : i32
        %dma_wait3A_436 = tpu.memref_slice %arg12[%dma_wait3A_435] : memref<10240xf32, #tpu.memory_space<vmem_shared>> -> memref<10240xf32, #tpu.memory_space<vmem_shared>>
        tpu.wait_indirect_dma semaphore(%arg18 : memref<!tpu.dma_semaphore, #tpu.memory_space<semaphore_mem>>) src(%arg7 : memref<128xf32, #tpu.memory_space<vmem>>) dst(%dma_wait3A_436 : memref<10240xf32, #tpu.memory_space<vmem_shared>>)
      } else {
      }
      %lt3A_410 = arith.constant 160 : i32
      %lt3A_411 = arith.cmpi slt, %add3A_399, %lt3A_410 : i32
      %convert_element_type3A_412 = arith.extui %lt3A_411 : i1 to i32
      %cond3A_413 = arith.constant 0 : i32
      %cond3A_414 = arith.cmpi ne, %convert_element_type3A_412, %cond3A_413 : i32
      scf.if %cond3A_414 {
        %dma_start3A_432 = arith.constant 0 : i32
        %dma_start3A_433 = tpu.memref_slice %arg6[%scan3A_64, %dma_start3A_432] : memref<8x128xi32, #tpu.memory_space<vmem>> -> memref<1x128xi32, #tpu.memory_space<vmem>>
        %dma_start3A_434 = tpu.memref_squeeze %dma_start3A_433 : memref<1x128xi32, #tpu.memory_space<vmem>> -> memref<128xi32, #tpu.memory_space<vmem>>
        %dma_start3A_435 = arith.constant 0 : i32
        %dma_start3A_436 = tpu.memref_slice %arg12[%dma_start3A_435] : memref<10240xf32, #tpu.memory_space<vmem_shared>> -> memref<10240xf32, #tpu.memory_space<vmem_shared>>
        tpu.enqueue_indirect_dma source(%arg7 : memref<128xf32, #tpu.memory_space<vmem>>) target(%dma_start3A_436 : memref<10240xf32, #tpu.memory_space<vmem_shared>>) offsets(%dma_start3A_434 : memref<128xi32, #tpu.memory_space<vmem>>) semaphore(%arg18 : memref<!tpu.dma_semaphore, #tpu.memory_space<semaphore_mem>>) {add = true}
      } else {
      }
      %add3A_415 = arith.constant 15 : i32
      %add3A_416 = arith.addi %mul3A_118, %add3A_415 : i32
      %ge3A_417 = arith.constant 4 : i32
      %ge3A_418 = arith.cmpi sge, %add3A_416, %ge3A_417 : i32
      %sub3A_419 = arith.constant 4 : i32
      %sub3A_420 = arith.subi %add3A_416, %sub3A_419 : i32
      %lt3A_421 = arith.constant 160 : i32
      %lt3A_422 = arith.cmpi slt, %sub3A_420, %lt3A_421 : i32
      %and3A_423 = arith.andi %ge3A_418, %lt3A_422 : i1
      %convert_element_type3A_424 = arith.extui %and3A_423 : i1 to i32
      %cond3A_425 = arith.constant 0 : i32
      %cond3A_426 = arith.cmpi ne, %convert_element_type3A_424, %cond3A_425 : i32
      scf.if %cond3A_426 {
        %dma_wait3A_432 = arith.constant 0 : i32
        %dma_wait3A_433 = tpu.memref_slice %arg6[%scan3A_75, %dma_wait3A_432] : memref<8x128xi32, #tpu.memory_space<vmem>> -> memref<1x128xi32, #tpu.memory_space<vmem>>
        %dma_wait3A_434 = tpu.memref_squeeze %dma_wait3A_433 : memref<1x128xi32, #tpu.memory_space<vmem>> -> memref<128xi32, #tpu.memory_space<vmem>>
        %dma_wait3A_435 = arith.constant 0 : i32
        %dma_wait3A_436 = tpu.memref_slice %arg13[%dma_wait3A_435] : memref<10240xf32, #tpu.memory_space<vmem_shared>> -> memref<10240xf32, #tpu.memory_space<vmem_shared>>
        tpu.wait_indirect_dma semaphore(%arg19 : memref<!tpu.dma_semaphore, #tpu.memory_space<semaphore_mem>>) src(%arg7 : memref<128xf32, #tpu.memory_space<vmem>>) dst(%dma_wait3A_436 : memref<10240xf32, #tpu.memory_space<vmem_shared>>)
      } else {
      }
      %lt3A_427 = arith.constant 160 : i32
      %lt3A_428 = arith.cmpi slt, %add3A_416, %lt3A_427 : i32
      %convert_element_type3A_429 = arith.extui %lt3A_428 : i1 to i32
      %cond3A_430 = arith.constant 0 : i32
      %cond3A_431 = arith.cmpi ne, %convert_element_type3A_429, %cond3A_430 : i32
      scf.if %cond3A_431 {
        %dma_start3A_432 = arith.constant 0 : i32
        %dma_start3A_433 = tpu.memref_slice %arg6[%scan3A_66, %dma_start3A_432] : memref<8x128xi32, #tpu.memory_space<vmem>> -> memref<1x128xi32, #tpu.memory_space<vmem>>
        %dma_start3A_434 = tpu.memref_squeeze %dma_start3A_433 : memref<1x128xi32, #tpu.memory_space<vmem>> -> memref<128xi32, #tpu.memory_space<vmem>>
        %dma_start3A_435 = arith.constant 0 : i32
        %dma_start3A_436 = tpu.memref_slice %arg13[%dma_start3A_435] : memref<10240xf32, #tpu.memory_space<vmem_shared>> -> memref<10240xf32, #tpu.memory_space<vmem_shared>>
        tpu.enqueue_indirect_dma source(%arg7 : memref<128xf32, #tpu.memory_space<vmem>>) target(%dma_start3A_436 : memref<10240xf32, #tpu.memory_space<vmem_shared>>) offsets(%dma_start3A_434 : memref<128xi32, #tpu.memory_space<vmem>>) semaphore(%arg19 : memref<!tpu.dma_semaphore, #tpu.memory_space<semaphore_mem>>) {add = true}
      } else {
      }
    }
    %scan3A_80 = arith.constant 10 : i32
    %dma_wait3A = arith.constant 4 : i32
    %dma_wait3A_81 = arith.constant 0 : i32
    %dma_wait3A_82 = tpu.memref_slice %arg6[%dma_wait3A, %dma_wait3A_81] : memref<8x128xi32, #tpu.memory_space<vmem>> -> memref<1x128xi32, #tpu.memory_space<vmem>>
    %dma_wait3A_83 = tpu.memref_squeeze %dma_wait3A_82 : memref<1x128xi32, #tpu.memory_space<vmem>> -> memref<128xi32, #tpu.memory_space<vmem>>
    %dma_wait3A_84 = arith.constant 0 : i32
    %dma_wait3A_85 = tpu.memref_slice %arg10[%dma_wait3A_84] : memref<10240xf32, #tpu.memory_space<vmem_shared>> -> memref<10240xf32, #tpu.memory_space<vmem_shared>>
    tpu.wait_indirect_dma semaphore(%arg16 : memref<!tpu.dma_semaphore, #tpu.memory_space<semaphore_mem>>) src(%arg7 : memref<128xf32, #tpu.memory_space<vmem>>) dst(%dma_wait3A_85 : memref<10240xf32, #tpu.memory_space<vmem_shared>>)
    %dma_wait3A_86 = arith.constant 5 : i32
    %dma_wait3A_87 = arith.constant 0 : i32
    %dma_wait3A_88 = tpu.memref_slice %arg6[%dma_wait3A_86, %dma_wait3A_87] : memref<8x128xi32, #tpu.memory_space<vmem>> -> memref<1x128xi32, #tpu.memory_space<vmem>>
    %dma_wait3A_89 = tpu.memref_squeeze %dma_wait3A_88 : memref<1x128xi32, #tpu.memory_space<vmem>> -> memref<128xi32, #tpu.memory_space<vmem>>
    %dma_wait3A_90 = arith.constant 0 : i32
    %dma_wait3A_91 = tpu.memref_slice %arg11[%dma_wait3A_90] : memref<10240xf32, #tpu.memory_space<vmem_shared>> -> memref<10240xf32, #tpu.memory_space<vmem_shared>>
    tpu.wait_indirect_dma semaphore(%arg17 : memref<!tpu.dma_semaphore, #tpu.memory_space<semaphore_mem>>) src(%arg7 : memref<128xf32, #tpu.memory_space<vmem>>) dst(%dma_wait3A_91 : memref<10240xf32, #tpu.memory_space<vmem_shared>>)
    %dma_wait3A_92 = arith.constant 6 : i32
    %dma_wait3A_93 = arith.constant 0 : i32
    %dma_wait3A_94 = tpu.memref_slice %arg6[%dma_wait3A_92, %dma_wait3A_93] : memref<8x128xi32, #tpu.memory_space<vmem>> -> memref<1x128xi32, #tpu.memory_space<vmem>>
    %dma_wait3A_95 = tpu.memref_squeeze %dma_wait3A_94 : memref<1x128xi32, #tpu.memory_space<vmem>> -> memref<128xi32, #tpu.memory_space<vmem>>
    %dma_wait3A_96 = arith.constant 0 : i32
    %dma_wait3A_97 = tpu.memref_slice %arg12[%dma_wait3A_96] : memref<10240xf32, #tpu.memory_space<vmem_shared>> -> memref<10240xf32, #tpu.memory_space<vmem_shared>>
    tpu.wait_indirect_dma semaphore(%arg18 : memref<!tpu.dma_semaphore, #tpu.memory_space<semaphore_mem>>) src(%arg7 : memref<128xf32, #tpu.memory_space<vmem>>) dst(%dma_wait3A_97 : memref<10240xf32, #tpu.memory_space<vmem_shared>>)
    %dma_wait3A_98 = arith.constant 7 : i32
    %dma_wait3A_99 = arith.constant 0 : i32
    %dma_wait3A_100 = tpu.memref_slice %arg6[%dma_wait3A_98, %dma_wait3A_99] : memref<8x128xi32, #tpu.memory_space<vmem>> -> memref<1x128xi32, #tpu.memory_space<vmem>>
    %dma_wait3A_101 = tpu.memref_squeeze %dma_wait3A_100 : memref<1x128xi32, #tpu.memory_space<vmem>> -> memref<128xi32, #tpu.memory_space<vmem>>
    %dma_wait3A_102 = arith.constant 0 : i32
    %dma_wait3A_103 = tpu.memref_slice %arg13[%dma_wait3A_102] : memref<10240xf32, #tpu.memory_space<vmem_shared>> -> memref<10240xf32, #tpu.memory_space<vmem_shared>>
    tpu.wait_indirect_dma semaphore(%arg19 : memref<!tpu.dma_semaphore, #tpu.memory_space<semaphore_mem>>) src(%arg7 : memref<128xf32, #tpu.memory_space<vmem>>) dst(%dma_wait3A_103 : memref<10240xf32, #tpu.memory_space<vmem_shared>>)
    %barrier3A_104 = arith.constant 0 : index
    tpu.barrier barrier_id(%barrier3A_104)
    %run_scoped3A = arith.constant 0 : i32
    "tpu.region"() ({
      %run_scoped3A_116 = tpu.sem_alloc : memref<!tpu.dma_semaphore, #tpu.memory_space<semaphore_mem>>
      %dma_start3A_117 = arith.constant 0 : i32
      %dma_start3A_118 = tpu.memref_slice %arg8[%run_scoped3A, %dma_start3A_117] : memref<4x640xf32, #tpu.memory_space<vmem>> -> memref<1x640xf32, #tpu.memory_space<vmem>>
      %dma_start3A_119 = tpu.memref_squeeze %dma_start3A_118 : memref<1x640xf32, #tpu.memory_space<vmem>> -> memref<640xf32, #tpu.memory_space<vmem>>
      %dma_start3A_120 = tpu.memref_slice %arg10[%mul3A_46] : memref<10240xf32, #tpu.memory_space<vmem_shared>> -> memref<640xf32, #tpu.memory_space<vmem_shared>>
      %dma_start3A_121 = arith.constant 0 : i32
      %dma_start3A_122 = tpu.memref_slice %arg8[%run_scoped3A, %dma_start3A_121] : memref<4x640xf32, #tpu.memory_space<vmem>> -> memref<1x640xf32, #tpu.memory_space<vmem>>
      %dma_start3A_123 = tpu.memref_squeeze %dma_start3A_122 : memref<1x640xf32, #tpu.memory_space<vmem>> -> memref<640xf32, #tpu.memory_space<vmem>>
      %dma_start3A_124 = tpu.memref_slice %arg10[%mul3A_46] : memref<10240xf32, #tpu.memory_space<vmem_shared>> -> memref<640xf32, #tpu.memory_space<vmem_shared>>
      tpu.enqueue_dma source(%dma_start3A_124 : memref<640xf32, #tpu.memory_space<vmem_shared>>) target(%dma_start3A_123 : memref<640xf32, #tpu.memory_space<vmem>>) target_semaphore(%run_scoped3A_116 : memref<!tpu.dma_semaphore, #tpu.memory_space<semaphore_mem>>)
      %dma_wait3A_125 = arith.constant 0 : i32
      %dma_wait3A_126 = tpu.memref_slice %arg8[%run_scoped3A, %dma_wait3A_125] : memref<4x640xf32, #tpu.memory_space<vmem>> -> memref<1x640xf32, #tpu.memory_space<vmem>>
      %dma_wait3A_127 = tpu.memref_squeeze %dma_wait3A_126 : memref<1x640xf32, #tpu.memory_space<vmem>> -> memref<640xf32, #tpu.memory_space<vmem>>
      %dma_wait3A_128 = tpu.memref_slice %arg10[%mul3A_46] : memref<10240xf32, #tpu.memory_space<vmem_shared>> -> memref<640xf32, #tpu.memory_space<vmem_shared>>
      %dma_wait3A_129 = arith.constant 0 : i32
      %dma_wait3A_130 = tpu.memref_slice %arg8[%run_scoped3A, %dma_wait3A_129] : memref<4x640xf32, #tpu.memory_space<vmem>> -> memref<1x640xf32, #tpu.memory_space<vmem>>
      %dma_wait3A_131 = tpu.memref_squeeze %dma_wait3A_130 : memref<1x640xf32, #tpu.memory_space<vmem>> -> memref<640xf32, #tpu.memory_space<vmem>>
      %dma_wait3A_132 = tpu.memref_slice %arg10[%mul3A_46] : memref<10240xf32, #tpu.memory_space<vmem_shared>> -> memref<640xf32, #tpu.memory_space<vmem_shared>>
      tpu.wait_dma2 semaphore(%run_scoped3A_116 : memref<!tpu.dma_semaphore, #tpu.memory_space<semaphore_mem>>) src(%dma_wait3A_132 : memref<640xf32, #tpu.memory_space<vmem_shared>>) dst(%dma_wait3A_131 : memref<640xf32, #tpu.memory_space<vmem>>)
      tpu.yield
    }) : () -> ()
    %run_scoped3A_105 = arith.constant 1 : i32
    "tpu.region"() ({
      %run_scoped3A_116 = tpu.sem_alloc : memref<!tpu.dma_semaphore, #tpu.memory_space<semaphore_mem>>
      %dma_start3A_117 = arith.constant 0 : i32
      %dma_start3A_118 = tpu.memref_slice %arg8[%run_scoped3A_105, %dma_start3A_117] : memref<4x640xf32, #tpu.memory_space<vmem>> -> memref<1x640xf32, #tpu.memory_space<vmem>>
      %dma_start3A_119 = tpu.memref_squeeze %dma_start3A_118 : memref<1x640xf32, #tpu.memory_space<vmem>> -> memref<640xf32, #tpu.memory_space<vmem>>
      %dma_start3A_120 = tpu.memref_slice %arg11[%mul3A_46] : memref<10240xf32, #tpu.memory_space<vmem_shared>> -> memref<640xf32, #tpu.memory_space<vmem_shared>>
      %dma_start3A_121 = arith.constant 0 : i32
      %dma_start3A_122 = tpu.memref_slice %arg8[%run_scoped3A_105, %dma_start3A_121] : memref<4x640xf32, #tpu.memory_space<vmem>> -> memref<1x640xf32, #tpu.memory_space<vmem>>
      %dma_start3A_123 = tpu.memref_squeeze %dma_start3A_122 : memref<1x640xf32, #tpu.memory_space<vmem>> -> memref<640xf32, #tpu.memory_space<vmem>>
      %dma_start3A_124 = tpu.memref_slice %arg11[%mul3A_46] : memref<10240xf32, #tpu.memory_space<vmem_shared>> -> memref<640xf32, #tpu.memory_space<vmem_shared>>
      tpu.enqueue_dma source(%dma_start3A_124 : memref<640xf32, #tpu.memory_space<vmem_shared>>) target(%dma_start3A_123 : memref<640xf32, #tpu.memory_space<vmem>>) target_semaphore(%run_scoped3A_116 : memref<!tpu.dma_semaphore, #tpu.memory_space<semaphore_mem>>)
      %dma_wait3A_125 = arith.constant 0 : i32
      %dma_wait3A_126 = tpu.memref_slice %arg8[%run_scoped3A_105, %dma_wait3A_125] : memref<4x640xf32, #tpu.memory_space<vmem>> -> memref<1x640xf32, #tpu.memory_space<vmem>>
      %dma_wait3A_127 = tpu.memref_squeeze %dma_wait3A_126 : memref<1x640xf32, #tpu.memory_space<vmem>> -> memref<640xf32, #tpu.memory_space<vmem>>
      %dma_wait3A_128 = tpu.memref_slice %arg11[%mul3A_46] : memref<10240xf32, #tpu.memory_space<vmem_shared>> -> memref<640xf32, #tpu.memory_space<vmem_shared>>
      %dma_wait3A_129 = arith.constant 0 : i32
      %dma_wait3A_130 = tpu.memref_slice %arg8[%run_scoped3A_105, %dma_wait3A_129] : memref<4x640xf32, #tpu.memory_space<vmem>> -> memref<1x640xf32, #tpu.memory_space<vmem>>
      %dma_wait3A_131 = tpu.memref_squeeze %dma_wait3A_130 : memref<1x640xf32, #tpu.memory_space<vmem>> -> memref<640xf32, #tpu.memory_space<vmem>>
      %dma_wait3A_132 = tpu.memref_slice %arg11[%mul3A_46] : memref<10240xf32, #tpu.memory_space<vmem_shared>> -> memref<640xf32, #tpu.memory_space<vmem_shared>>
      tpu.wait_dma2 semaphore(%run_scoped3A_116 : memref<!tpu.dma_semaphore, #tpu.memory_space<semaphore_mem>>) src(%dma_wait3A_132 : memref<640xf32, #tpu.memory_space<vmem_shared>>) dst(%dma_wait3A_131 : memref<640xf32, #tpu.memory_space<vmem>>)
      tpu.yield
    }) : () -> ()
    %run_scoped3A_106 = arith.constant 2 : i32
    "tpu.region"() ({
      %run_scoped3A_116 = tpu.sem_alloc : memref<!tpu.dma_semaphore, #tpu.memory_space<semaphore_mem>>
      %dma_start3A_117 = arith.constant 0 : i32
      %dma_start3A_118 = tpu.memref_slice %arg8[%run_scoped3A_106, %dma_start3A_117] : memref<4x640xf32, #tpu.memory_space<vmem>> -> memref<1x640xf32, #tpu.memory_space<vmem>>
      %dma_start3A_119 = tpu.memref_squeeze %dma_start3A_118 : memref<1x640xf32, #tpu.memory_space<vmem>> -> memref<640xf32, #tpu.memory_space<vmem>>
      %dma_start3A_120 = tpu.memref_slice %arg12[%mul3A_46] : memref<10240xf32, #tpu.memory_space<vmem_shared>> -> memref<640xf32, #tpu.memory_space<vmem_shared>>
      %dma_start3A_121 = arith.constant 0 : i32
      %dma_start3A_122 = tpu.memref_slice %arg8[%run_scoped3A_106, %dma_start3A_121] : memref<4x640xf32, #tpu.memory_space<vmem>> -> memref<1x640xf32, #tpu.memory_space<vmem>>
      %dma_start3A_123 = tpu.memref_squeeze %dma_start3A_122 : memref<1x640xf32, #tpu.memory_space<vmem>> -> memref<640xf32, #tpu.memory_space<vmem>>
      %dma_start3A_124 = tpu.memref_slice %arg12[%mul3A_46] : memref<10240xf32, #tpu.memory_space<vmem_shared>> -> memref<640xf32, #tpu.memory_space<vmem_shared>>
      tpu.enqueue_dma source(%dma_start3A_124 : memref<640xf32, #tpu.memory_space<vmem_shared>>) target(%dma_start3A_123 : memref<640xf32, #tpu.memory_space<vmem>>) target_semaphore(%run_scoped3A_116 : memref<!tpu.dma_semaphore, #tpu.memory_space<semaphore_mem>>)
      %dma_wait3A_125 = arith.constant 0 : i32
      %dma_wait3A_126 = tpu.memref_slice %arg8[%run_scoped3A_106, %dma_wait3A_125] : memref<4x640xf32, #tpu.memory_space<vmem>> -> memref<1x640xf32, #tpu.memory_space<vmem>>
      %dma_wait3A_127 = tpu.memref_squeeze %dma_wait3A_126 : memref<1x640xf32, #tpu.memory_space<vmem>> -> memref<640xf32, #tpu.memory_space<vmem>>
      %dma_wait3A_128 = tpu.memref_slice %arg12[%mul3A_46] : memref<10240xf32, #tpu.memory_space<vmem_shared>> -> memref<640xf32, #tpu.memory_space<vmem_shared>>
      %dma_wait3A_129 = arith.constant 0 : i32
      %dma_wait3A_130 = tpu.memref_slice %arg8[%run_scoped3A_106, %dma_wait3A_129] : memref<4x640xf32, #tpu.memory_space<vmem>> -> memref<1x640xf32, #tpu.memory_space<vmem>>
      %dma_wait3A_131 = tpu.memref_squeeze %dma_wait3A_130 : memref<1x640xf32, #tpu.memory_space<vmem>> -> memref<640xf32, #tpu.memory_space<vmem>>
      %dma_wait3A_132 = tpu.memref_slice %arg12[%mul3A_46] : memref<10240xf32, #tpu.memory_space<vmem_shared>> -> memref<640xf32, #tpu.memory_space<vmem_shared>>
      tpu.wait_dma2 semaphore(%run_scoped3A_116 : memref<!tpu.dma_semaphore, #tpu.memory_space<semaphore_mem>>) src(%dma_wait3A_132 : memref<640xf32, #tpu.memory_space<vmem_shared>>) dst(%dma_wait3A_131 : memref<640xf32, #tpu.memory_space<vmem>>)
      tpu.yield
    }) : () -> ()
    %run_scoped3A_107 = arith.constant 3 : i32
    "tpu.region"() ({
      %run_scoped3A_116 = tpu.sem_alloc : memref<!tpu.dma_semaphore, #tpu.memory_space<semaphore_mem>>
      %dma_start3A_117 = arith.constant 0 : i32
      %dma_start3A_118 = tpu.memref_slice %arg8[%run_scoped3A_107, %dma_start3A_117] : memref<4x640xf32, #tpu.memory_space<vmem>> -> memref<1x640xf32, #tpu.memory_space<vmem>>
      %dma_start3A_119 = tpu.memref_squeeze %dma_start3A_118 : memref<1x640xf32, #tpu.memory_space<vmem>> -> memref<640xf32, #tpu.memory_space<vmem>>
      %dma_start3A_120 = tpu.memref_slice %arg13[%mul3A_46] : memref<10240xf32, #tpu.memory_space<vmem_shared>> -> memref<640xf32, #tpu.memory_space<vmem_shared>>
      %dma_start3A_121 = arith.constant 0 : i32
      %dma_start3A_122 = tpu.memref_slice %arg8[%run_scoped3A_107, %dma_start3A_121] : memref<4x640xf32, #tpu.memory_space<vmem>> -> memref<1x640xf32, #tpu.memory_space<vmem>>
      %dma_start3A_123 = tpu.memref_squeeze %dma_start3A_122 : memref<1x640xf32, #tpu.memory_space<vmem>> -> memref<640xf32, #tpu.memory_space<vmem>>
      %dma_start3A_124 = tpu.memref_slice %arg13[%mul3A_46] : memref<10240xf32, #tpu.memory_space<vmem_shared>> -> memref<640xf32, #tpu.memory_space<vmem_shared>>
      tpu.enqueue_dma source(%dma_start3A_124 : memref<640xf32, #tpu.memory_space<vmem_shared>>) target(%dma_start3A_123 : memref<640xf32, #tpu.memory_space<vmem>>) target_semaphore(%run_scoped3A_116 : memref<!tpu.dma_semaphore, #tpu.memory_space<semaphore_mem>>)
      %dma_wait3A_125 = arith.constant 0 : i32
      %dma_wait3A_126 = tpu.memref_slice %arg8[%run_scoped3A_107, %dma_wait3A_125] : memref<4x640xf32, #tpu.memory_space<vmem>> -> memref<1x640xf32, #tpu.memory_space<vmem>>
      %dma_wait3A_127 = tpu.memref_squeeze %dma_wait3A_126 : memref<1x640xf32, #tpu.memory_space<vmem>> -> memref<640xf32, #tpu.memory_space<vmem>>
      %dma_wait3A_128 = tpu.memref_slice %arg13[%mul3A_46] : memref<10240xf32, #tpu.memory_space<vmem_shared>> -> memref<640xf32, #tpu.memory_space<vmem_shared>>
      %dma_wait3A_129 = arith.constant 0 : i32
      %dma_wait3A_130 = tpu.memref_slice %arg8[%run_scoped3A_107, %dma_wait3A_129] : memref<4x640xf32, #tpu.memory_space<vmem>> -> memref<1x640xf32, #tpu.memory_space<vmem>>
      %dma_wait3A_131 = tpu.memref_squeeze %dma_wait3A_130 : memref<1x640xf32, #tpu.memory_space<vmem>> -> memref<640xf32, #tpu.memory_space<vmem>>
      %dma_wait3A_132 = tpu.memref_slice %arg13[%mul3A_46] : memref<10240xf32, #tpu.memory_space<vmem_shared>> -> memref<640xf32, #tpu.memory_space<vmem_shared>>
      tpu.wait_dma2 semaphore(%run_scoped3A_116 : memref<!tpu.dma_semaphore, #tpu.memory_space<semaphore_mem>>) src(%dma_wait3A_132 : memref<640xf32, #tpu.memory_space<vmem_shared>>) dst(%dma_wait3A_131 : memref<640xf32, #tpu.memory_space<vmem>>)
      tpu.yield
    }) : () -> ()
    %scan3A_108 = arith.constant 0 : i32
    %scan3A_109 = arith.constant 0 : i32
    %scan3A_110 = arith.constant 40 : i32
    %scan3A_111 = arith.addi %scan3A_109, %scan3A_110 : i32
    %scan3A_112 = arith.constant 1 : i32
    scf.for %scan3A_116 = %scan3A_109 to %scan3A_111 step %scan3A_112  : i32 {
      %mul3A_117 = arith.constant 16 : i32
      %mul3A_118 = arith.muli %scan3A_116, %mul3A_117 : i32
      %get3A = arith.constant 0 : i32
      %get3A_119 = arith.index_cast %get3A : i32 to index
      %get3A_120 = arith.index_cast %mul3A_118 : i32 to index
      %get3A_121 = tpu.vector_load %arg8[%get3A_119, %get3A_120] {strides = array<i32>} : memref<4x640xf32, #tpu.memory_space<vmem>>, vector<1x16xf32>,
      %get3A_122 = vector.shape_cast %get3A_121 : vector<1x16xf32> to vector<16xf32>
      %get3A_123 = arith.constant 1 : i32
      %get3A_124 = arith.index_cast %get3A_123 : i32 to index
      %get3A_125 = arith.index_cast %mul3A_118 : i32 to index
      %get3A_126 = tpu.vector_load %arg8[%get3A_124, %get3A_125] {strides = array<i32>} : memref<4x640xf32, #tpu.memory_space<vmem>>, vector<1x16xf32>,
      %get3A_127 = vector.shape_cast %get3A_126 : vector<1x16xf32> to vector<16xf32>
      %add3A_128 = arith.addf %get3A_122, %get3A_127 : vector<16xf32>
      %get3A_129 = arith.constant 2 : i32
      %get3A_130 = arith.index_cast %get3A_129 : i32 to index
      %get3A_131 = arith.index_cast %mul3A_118 : i32 to index
      %get3A_132 = tpu.vector_load %arg8[%get3A_130, %get3A_131] {strides = array<i32>} : memref<4x640xf32, #tpu.memory_space<vmem>>, vector<1x16xf32>,
      %get3A_133 = vector.shape_cast %get3A_132 : vector<1x16xf32> to vector<16xf32>
      %add3A_134 = arith.addf %add3A_128, %get3A_133 : vector<16xf32>
      %get3A_135 = arith.constant 3 : i32
      %get3A_136 = arith.index_cast %get3A_135 : i32 to index
      %get3A_137 = arith.index_cast %mul3A_118 : i32 to index
      %get3A_138 = tpu.vector_load %arg8[%get3A_136, %get3A_137] {strides = array<i32>} : memref<4x640xf32, #tpu.memory_space<vmem>>, vector<1x16xf32>,
      %get3A_139 = vector.shape_cast %get3A_138 : vector<1x16xf32> to vector<16xf32>
      %add3A_140 = arith.addf %add3A_134, %get3A_139 : vector<16xf32>
      %swap3A_141 = arith.index_cast %mul3A_118 : i32 to index
      %swap3A_142 = tpu.vector_load %arg9[%swap3A_141] {strides = array<i32>} : memref<640xf32, #tpu.memory_space<vmem>>, vector<16xf32>,
      %swap3A_143 = vector.shape_cast %swap3A_142 : vector<16xf32> to vector<16xf32>
      %swap3A_144 = vector.shape_cast %add3A_140 : vector<16xf32> to vector<16xf32>
      tpu.vector_store %arg9[%swap3A_141], %swap3A_144 {strides = array<i32>} : memref<640xf32, #tpu.memory_space<vmem>>, vector<16xf32>,
    }
    %scan3A_113 = arith.constant 40 : i32
    %mul3A_114 = arith.constant 10240 : i32
    %mul3A_115 = arith.muli %arg0, %mul3A_114 : i32
    %add3A = arith.addi %mul3A_115, %mul3A_46 : i32
    "tpu.region"() ({
      %run_scoped3A_116 = tpu.sem_alloc : memref<!tpu.dma_semaphore, #tpu.memory_space<semaphore_mem>>
      %dma_start3A_117 = tpu.memref_slice %arg4[%add3A] : memref<20480xf32, #tpu.memory_space<hbm>> -> memref<640xf32, #tpu.memory_space<hbm>>
      %dma_start3A_118 = tpu.memref_slice %arg4[%add3A] : memref<20480xf32, #tpu.memory_space<hbm>> -> memref<640xf32, #tpu.memory_space<hbm>>
      tpu.enqueue_dma source(%arg9 : memref<640xf32, #tpu.memory_space<vmem>>) target(%dma_start3A_118 : memref<640xf32, #tpu.memory_space<hbm>>) target_semaphore(%run_scoped3A_116 : memref<!tpu.dma_semaphore, #tpu.memory_space<semaphore_mem>>)
      %dma_wait3A_119 = tpu.memref_slice %arg4[%add3A] : memref<20480xf32, #tpu.memory_space<hbm>> -> memref<640xf32, #tpu.memory_space<hbm>>
      %dma_wait3A_120 = tpu.memref_slice %arg4[%add3A] : memref<20480xf32, #tpu.memory_space<hbm>> -> memref<640xf32, #tpu.memory_space<hbm>>
      tpu.wait_dma2 semaphore(%run_scoped3A_116 : memref<!tpu.dma_semaphore, #tpu.memory_space<semaphore_mem>>) src(%arg9 : memref<640xf32, #tpu.memory_space<vmem>>) dst(%dma_wait3A_120 : memref<640xf32, #tpu.memory_space<hbm>>)
      tpu.yield
    }) : () -> ()
    return
  }
}

#map = affine_map<(d0, d1) -> (0, 0)>
#map1 = affine_map<(d0, d1) -> (0, 0, 0)>
module attributes {stable_mosaic.version = 14 : i64} {
  func.func @_agg_l2(%arg0: i32, %arg1: i32, %arg2: memref<10240x128xf32, #tpu.memory_space<hbm>>, %arg3: memref<32x80x128xi32, #tpu.memory_space<hbm>>, %arg4: memref<32x80x128xi32, #tpu.memory_space<hbm>>, %arg5: memref<10240x128xf32, #tpu.memory_space<hbm>>, %arg6: memref<20480x128xf32, #tpu.memory_space<hbm>>, %arg7: memref<8x128xi32, #tpu.memory_space<vmem>>, %arg8: memref<8x128xi32, #tpu.memory_space<vmem>>, %arg9: memref<8x128xi32, #tpu.memory_space<vmem>>, %arg10: memref<8x128xi32, #tpu.memory_space<vmem>>, %arg11: memref<2x128x128xf32, #tpu.memory_space<vmem>>, %arg12: memref<10240x128xf32, #tpu.memory_space<vmem_shared>>, %arg13: memref<!tpu.dma_semaphore, #tpu.memory_space<semaphore_mem>>, %arg14: memref<!tpu.dma_semaphore, #tpu.memory_space<semaphore_mem>>, %arg15: memref<!tpu.dma_semaphore, #tpu.memory_space<semaphore_mem>>, %arg16: memref<!tpu.dma_semaphore, #tpu.memory_space<semaphore_mem>>, %arg17: memref<!tpu.dma_semaphore, #tpu.memory_space<semaphore_mem>>, %arg18: memref<!tpu.dma_semaphore, #tpu.memory_space<semaphore_mem>>) attributes {dimension_semantics = [#tpu.dimension_semantics<core_parallel>, #tpu.dimension_semantics<subcore_parallel>], iteration_bounds = array<i64: 2, 16>, scalar_prefetch = 0 : i64, scratch_operands = 12 : i64, tpu.core_type = #tpu.core_type<sc_vector_subcore>, window_params = [{transform_indices = #map}, {transform_indices = #map1}, {transform_indices = #map1}, {transform_indices = #map}, {transform_indices = #map}]} {
    %mul3A = arith.constant 640 : i32
    %mul3A_0 = arith.muli %arg1, %mul3A : i32
    "tpu.region"() ({
      %run_scoped3A = tpu.sem_alloc : memref<!tpu.dma_semaphore, #tpu.memory_space<semaphore_mem>>
      %dma_start3A_94 = arith.constant 0 : i32
      %dma_start3A_95 = tpu.memref_slice %arg12[%mul3A_0, %dma_start3A_94] : memref<10240x128xf32, #tpu.memory_space<vmem_shared>> -> memref<640x128xf32, #tpu.memory_space<vmem_shared>>
      %dma_start3A_96 = arith.constant 0 : i32
      %dma_start3A_97 = tpu.memref_slice %arg5[%mul3A_0, %dma_start3A_96] : memref<10240x128xf32, #tpu.memory_space<hbm>> -> memref<640x128xf32, #tpu.memory_space<hbm>>
      tpu.enqueue_dma source(%dma_start3A_97 : memref<640x128xf32, #tpu.memory_space<hbm>>) target(%dma_start3A_95 : memref<640x128xf32, #tpu.memory_space<vmem_shared>>) target_semaphore(%run_scoped3A : memref<!tpu.dma_semaphore, #tpu.memory_space<semaphore_mem>>)
      %dma_wait3A_98 = arith.constant 0 : i32
      %dma_wait3A_99 = tpu.memref_slice %arg12[%mul3A_0, %dma_wait3A_98] : memref<10240x128xf32, #tpu.memory_space<vmem_shared>> -> memref<640x128xf32, #tpu.memory_space<vmem_shared>>
      %dma_wait3A_100 = arith.constant 0 : i32
      %dma_wait3A_101 = tpu.memref_slice %arg5[%mul3A_0, %dma_wait3A_100] : memref<10240x128xf32, #tpu.memory_space<hbm>> -> memref<640x128xf32, #tpu.memory_space<hbm>>
      tpu.wait_dma2 semaphore(%run_scoped3A : memref<!tpu.dma_semaphore, #tpu.memory_space<semaphore_mem>>) src(%dma_wait3A_101 : memref<640x128xf32, #tpu.memory_space<hbm>>) dst(%dma_wait3A_99 : memref<640x128xf32, #tpu.memory_space<vmem_shared>>)
      tpu.yield
    }) : () -> ()
    %barrier3A = arith.constant 0 : index
    tpu.barrier barrier_id(%barrier3A)
    %mul3A_1 = arith.constant 16 : i32
    %mul3A_2 = arith.muli %arg0, %mul3A_1 : i32
    %add3A = arith.addi %mul3A_2, %arg1 : i32
    %dma_start3A = arith.constant 0 : i32
    %dma_start3A_3 = arith.constant 0 : i32
    %dma_start3A_4 = tpu.memref_slice %arg3[%add3A, %dma_start3A, %dma_start3A_3] : memref<32x80x128xi32, #tpu.memory_space<hbm>> -> memref<1x8x128xi32, #tpu.memory_space<hbm>>
    %dma_start3A_5 = tpu.memref_squeeze %dma_start3A_4 : memref<1x8x128xi32, #tpu.memory_space<hbm>> -> memref<8x128xi32, #tpu.memory_space<hbm>>
    %dma_start3A_6 = arith.constant 0 : i32
    %dma_start3A_7 = arith.constant 0 : i32
    %dma_start3A_8 = tpu.memref_slice %arg3[%add3A, %dma_start3A_6, %dma_start3A_7] : memref<32x80x128xi32, #tpu.memory_space<hbm>> -> memref<1x8x128xi32, #tpu.memory_space<hbm>>
    %dma_start3A_9 = tpu.memref_squeeze %dma_start3A_8 : memref<1x8x128xi32, #tpu.memory_space<hbm>> -> memref<8x128xi32, #tpu.memory_space<hbm>>
    tpu.enqueue_dma source(%dma_start3A_9 : memref<8x128xi32, #tpu.memory_space<hbm>>) target(%arg7 : memref<8x128xi32, #tpu.memory_space<vmem>>) target_semaphore(%arg13 : memref<!tpu.dma_semaphore, #tpu.memory_space<semaphore_mem>>)
    %dma_start3A_10 = arith.constant 0 : i32
    %dma_start3A_11 = arith.constant 0 : i32
    %dma_start3A_12 = tpu.memref_slice %arg4[%add3A, %dma_start3A_10, %dma_start3A_11] : memref<32x80x128xi32, #tpu.memory_space<hbm>> -> memref<1x8x128xi32, #tpu.memory_space<hbm>>
    %dma_start3A_13 = tpu.memref_squeeze %dma_start3A_12 : memref<1x8x128xi32, #tpu.memory_space<hbm>> -> memref<8x128xi32, #tpu.memory_space<hbm>>
    %dma_start3A_14 = arith.constant 0 : i32
    %dma_start3A_15 = arith.constant 0 : i32
    %dma_start3A_16 = tpu.memref_slice %arg4[%add3A, %dma_start3A_14, %dma_start3A_15] : memref<32x80x128xi32, #tpu.memory_space<hbm>> -> memref<1x8x128xi32, #tpu.memory_space<hbm>>
    %dma_start3A_17 = tpu.memref_squeeze %dma_start3A_16 : memref<1x8x128xi32, #tpu.memory_space<hbm>> -> memref<8x128xi32, #tpu.memory_space<hbm>>
    tpu.enqueue_dma source(%dma_start3A_17 : memref<8x128xi32, #tpu.memory_space<hbm>>) target(%arg8 : memref<8x128xi32, #tpu.memory_space<vmem>>) target_semaphore(%arg13 : memref<!tpu.dma_semaphore, #tpu.memory_space<semaphore_mem>>)
    %scan3A = arith.constant 0 : i32
    %scan3A_18 = arith.constant 0 : i32
    %scan3A_19 = arith.constant 7 : i32
    %scan3A_20 = arith.constant 7 : i32
    %scan3A_21 = arith.constant 1 : i32
    %scan3A_22 = arith.constant 0 : i32
    %scan3A_23 = arith.constant 2 : i32
    %scan3A_24 = arith.constant 1 : i32
    %scan3A_25 = arith.constant 3 : i32
    %scan3A_26 = arith.constant 2 : i32
    %scan3A_27 = arith.constant 4 : i32
    %scan3A_28 = arith.constant 3 : i32
    %scan3A_29 = arith.constant 5 : i32
    %scan3A_30 = arith.constant 4 : i32
    %scan3A_31 = arith.constant 6 : i32
    %scan3A_32 = arith.constant 5 : i32
    %scan3A_33 = arith.constant 7 : i32
    %scan3A_34 = arith.constant 6 : i32
    %scan3A_35 = arith.constant 0 : i32
    %scan3A_36 = arith.constant 7 : i32
    %scan3A_37 = arith.constant 1 : i32
    %scan3A_38 = arith.constant 0 : i32
    %scan3A_39 = arith.constant 2 : i32
    %scan3A_40 = arith.constant 1 : i32
    %scan3A_41 = arith.constant 3 : i32
    %scan3A_42 = arith.constant 2 : i32
    %scan3A_43 = arith.constant 4 : i32
    %scan3A_44 = arith.constant 3 : i32
    %scan3A_45 = arith.constant 5 : i32
    %scan3A_46 = arith.constant 4 : i32
    %scan3A_47 = arith.constant 6 : i32
    %scan3A_48 = arith.constant 5 : i32
    %scan3A_49 = arith.constant 6 : i32
    %scan3A_50 = arith.constant 0 : i32
    %scan3A_51 = arith.constant 5 : i32
    %scan3A_52 = arith.addi %scan3A_50, %scan3A_51 : i32
    %scan3A_53 = arith.constant 1 : i32
    scf.for %scan3A_94 = %scan3A_50 to %scan3A_52 step %scan3A_53  : i32 {
      %mul3A_95 = arith.constant 16 : i32
      %mul3A_96 = arith.muli %scan3A_94, %mul3A_95 : i32
      %dma_wait3A_97 = arith.constant 0 : i32
      %dma_wait3A_98 = tpu.memref_slice %arg3[%add3A, %mul3A_96, %dma_wait3A_97] : memref<32x80x128xi32, #tpu.memory_space<hbm>> -> memref<1x8x128xi32, #tpu.memory_space<hbm>>
      %dma_wait3A_99 = tpu.memref_squeeze %dma_wait3A_98 : memref<1x8x128xi32, #tpu.memory_space<hbm>> -> memref<8x128xi32, #tpu.memory_space<hbm>>
      %dma_wait3A_100 = arith.constant 0 : i32
      %dma_wait3A_101 = tpu.memref_slice %arg3[%add3A, %mul3A_96, %dma_wait3A_100] : memref<32x80x128xi32, #tpu.memory_space<hbm>> -> memref<1x8x128xi32, #tpu.memory_space<hbm>>
      %dma_wait3A_102 = tpu.memref_squeeze %dma_wait3A_101 : memref<1x8x128xi32, #tpu.memory_space<hbm>> -> memref<8x128xi32, #tpu.memory_space<hbm>>
      tpu.wait_dma2 semaphore(%arg13 : memref<!tpu.dma_semaphore, #tpu.memory_space<semaphore_mem>>) src(%dma_wait3A_102 : memref<8x128xi32, #tpu.memory_space<hbm>>) dst(%arg7 : memref<8x128xi32, #tpu.memory_space<vmem>>)
      %dma_wait3A_103 = arith.constant 0 : i32
      %dma_wait3A_104 = tpu.memref_slice %arg4[%add3A, %mul3A_96, %dma_wait3A_103] : memref<32x80x128xi32, #tpu.memory_space<hbm>> -> memref<1x8x128xi32, #tpu.memory_space<hbm>>
      %dma_wait3A_105 = tpu.memref_squeeze %dma_wait3A_104 : memref<1x8x128xi32, #tpu.memory_space<hbm>> -> memref<8x128xi32, #tpu.memory_space<hbm>>
      %dma_wait3A_106 = arith.constant 0 : i32
      %dma_wait3A_107 = tpu.memref_slice %arg4[%add3A, %mul3A_96, %dma_wait3A_106] : memref<32x80x128xi32, #tpu.memory_space<hbm>> -> memref<1x8x128xi32, #tpu.memory_space<hbm>>
      %dma_wait3A_108 = tpu.memref_squeeze %dma_wait3A_107 : memref<1x8x128xi32, #tpu.memory_space<hbm>> -> memref<8x128xi32, #tpu.memory_space<hbm>>
      tpu.wait_dma2 semaphore(%arg13 : memref<!tpu.dma_semaphore, #tpu.memory_space<semaphore_mem>>) src(%dma_wait3A_108 : memref<8x128xi32, #tpu.memory_space<hbm>>) dst(%arg8 : memref<8x128xi32, #tpu.memory_space<vmem>>)
      %add3A_109 = arith.constant 0 : i32
      %add3A_110 = arith.addi %mul3A_96, %add3A_109 : i32
      %lt3A = arith.constant 80 : i32
      %lt3A_111 = arith.cmpi slt, %add3A_110, %lt3A : i32
      %convert_element_type3A = arith.extui %lt3A_111 : i1 to i32
      %cond3A = arith.constant 0 : i32
      %cond3A_112 = arith.cmpi ne, %convert_element_type3A, %cond3A : i32
      scf.if %cond3A_112 {
        %dma_start3A_410 = arith.constant 0 : i32
        %dma_start3A_411 = arith.constant 0 : i32
        %dma_start3A_412 = arith.constant 0 : i32
        %dma_start3A_413 = tpu.memref_slice %arg11[%dma_start3A_410, %dma_start3A_411, %dma_start3A_412] : memref<2x128x128xf32, #tpu.memory_space<vmem>> -> memref<1x128x128xf32, #tpu.memory_space<vmem>>
        %dma_start3A_414 = tpu.memref_squeeze %dma_start3A_413 : memref<1x128x128xf32, #tpu.memory_space<vmem>> -> memref<128x128xf32, #tpu.memory_space<vmem>>
        %dma_start3A_415 = arith.constant 0 : i32
        %dma_start3A_416 = tpu.memref_slice %arg7[%scan3A_18, %dma_start3A_415] : memref<8x128xi32, #tpu.memory_space<vmem>> -> memref<1x128xi32, #tpu.memory_space<vmem>>
        %dma_start3A_417 = tpu.memref_squeeze %dma_start3A_416 : memref<1x128xi32, #tpu.memory_space<vmem>> -> memref<128xi32, #tpu.memory_space<vmem>>
        %dma_start3A_418 = arith.constant 0 : i32
        %dma_start3A_419 = arith.constant 0 : i32
        %dma_start3A_420 = tpu.memref_slice %arg2[%dma_start3A_418, %dma_start3A_419] : memref<10240x128xf32, #tpu.memory_space<hbm>> -> memref<10240x128xf32, #tpu.memory_space<hbm>>
        tpu.enqueue_indirect_dma source(%dma_start3A_420 : memref<10240x128xf32, #tpu.memory_space<hbm>>) target(%dma_start3A_414 : memref<128x128xf32, #tpu.memory_space<vmem>>) offsets(%dma_start3A_417 : memref<128xi32, #tpu.memory_space<vmem>>) semaphore(%arg15 : memref<!tpu.dma_semaphore, #tpu.memory_space<semaphore_mem>>)
      } else {
      }
      %ge3A = arith.constant 1 : i32
      %ge3A_113 = arith.cmpi sge, %add3A_110, %ge3A : i32
      %sub3A = arith.constant 1 : i32
      %sub3A_114 = arith.subi %add3A_110, %sub3A : i32
      %lt3A_115 = arith.constant 80 : i32
      %lt3A_116 = arith.cmpi slt, %sub3A_114, %lt3A_115 : i32
      %and3A = arith.andi %ge3A_113, %lt3A_116 : i1
      %convert_element_type3A_117 = arith.extui %and3A : i1 to i32
      %cond3A_118 = arith.constant 0 : i32
      %cond3A_119 = arith.cmpi ne, %convert_element_type3A_117, %cond3A_118 : i32
      scf.if %cond3A_119 {
        %dma_wait3A_410 = arith.constant 1 : i32
        %dma_wait3A_411 = arith.constant 0 : i32
        %dma_wait3A_412 = arith.constant 0 : i32
        %dma_wait3A_413 = tpu.memref_slice %arg11[%dma_wait3A_410, %dma_wait3A_411, %dma_wait3A_412] : memref<2x128x128xf32, #tpu.memory_space<vmem>> -> memref<1x128x128xf32, #tpu.memory_space<vmem>>
        %dma_wait3A_414 = tpu.memref_squeeze %dma_wait3A_413 : memref<1x128x128xf32, #tpu.memory_space<vmem>> -> memref<128x128xf32, #tpu.memory_space<vmem>>
        %dma_wait3A_415 = arith.constant 0 : i32
        %dma_wait3A_416 = tpu.memref_slice %arg9[%scan3A_19, %dma_wait3A_415] : memref<8x128xi32, #tpu.memory_space<vmem>> -> memref<1x128xi32, #tpu.memory_space<vmem>>
        %dma_wait3A_417 = tpu.memref_squeeze %dma_wait3A_416 : memref<1x128xi32, #tpu.memory_space<vmem>> -> memref<128xi32, #tpu.memory_space<vmem>>
        %dma_wait3A_418 = arith.constant 0 : i32
        %dma_wait3A_419 = arith.constant 0 : i32
        %dma_wait3A_420 = tpu.memref_slice %arg2[%dma_wait3A_418, %dma_wait3A_419] : memref<10240x128xf32, #tpu.memory_space<hbm>> -> memref<10240x128xf32, #tpu.memory_space<hbm>>
        tpu.wait_indirect_dma semaphore(%arg16 : memref<!tpu.dma_semaphore, #tpu.memory_space<semaphore_mem>>) src(%dma_wait3A_420 : memref<10240x128xf32, #tpu.memory_space<hbm>>) dst(%dma_wait3A_414 : memref<128x128xf32, #tpu.memory_space<vmem>>)
        %dma_start3A_421 = arith.constant 1 : i32
        %dma_start3A_422 = arith.constant 0 : i32
        %dma_start3A_423 = arith.constant 0 : i32
        %dma_start3A_424 = tpu.memref_slice %arg11[%dma_start3A_421, %dma_start3A_422, %dma_start3A_423] : memref<2x128x128xf32, #tpu.memory_space<vmem>> -> memref<1x128x128xf32, #tpu.memory_space<vmem>>
        %dma_start3A_425 = tpu.memref_squeeze %dma_start3A_424 : memref<1x128x128xf32, #tpu.memory_space<vmem>> -> memref<128x128xf32, #tpu.memory_space<vmem>>
        %dma_start3A_426 = arith.constant 0 : i32
        %dma_start3A_427 = tpu.memref_slice %arg10[%scan3A_20, %dma_start3A_426] : memref<8x128xi32, #tpu.memory_space<vmem>> -> memref<1x128xi32, #tpu.memory_space<vmem>>
        %dma_start3A_428 = tpu.memref_squeeze %dma_start3A_427 : memref<1x128xi32, #tpu.memory_space<vmem>> -> memref<128xi32, #tpu.memory_space<vmem>>
        %dma_start3A_429 = arith.constant 0 : i32
        %dma_start3A_430 = arith.constant 0 : i32
        %dma_start3A_431 = tpu.memref_slice %arg12[%dma_start3A_429, %dma_start3A_430] : memref<10240x128xf32, #tpu.memory_space<vmem_shared>> -> memref<10240x128xf32, #tpu.memory_space<vmem_shared>>
        tpu.enqueue_indirect_dma source(%dma_start3A_425 : memref<128x128xf32, #tpu.memory_space<vmem>>) target(%dma_start3A_431 : memref<10240x128xf32, #tpu.memory_space<vmem_shared>>) offsets(%dma_start3A_428 : memref<128xi32, #tpu.memory_space<vmem>>) semaphore(%arg18 : memref<!tpu.dma_semaphore, #tpu.memory_space<semaphore_mem>>) {add = true}
        %dma_wait3A_432 = arith.constant 1 : i32
        %dma_wait3A_433 = arith.constant 0 : i32
        %dma_wait3A_434 = arith.constant 0 : i32
        %dma_wait3A_435 = tpu.memref_slice %arg11[%dma_wait3A_432, %dma_wait3A_433, %dma_wait3A_434] : memref<2x128x128xf32, #tpu.memory_space<vmem>> -> memref<1x128x128xf32, #tpu.memory_space<vmem>>
        %dma_wait3A_436 = tpu.memref_squeeze %dma_wait3A_435 : memref<1x128x128xf32, #tpu.memory_space<vmem>> -> memref<128x128xf32, #tpu.memory_space<vmem>>
        %dma_wait3A_437 = arith.constant 0 : i32
        %dma_wait3A_438 = tpu.memref_slice %arg10[%scan3A_20, %dma_wait3A_437] : memref<8x128xi32, #tpu.memory_space<vmem>> -> memref<1x128xi32, #tpu.memory_space<vmem>>
        %dma_wait3A_439 = tpu.memref_squeeze %dma_wait3A_438 : memref<1x128xi32, #tpu.memory_space<vmem>> -> memref<128xi32, #tpu.memory_space<vmem>>
        %dma_wait3A_440 = arith.constant 0 : i32
        %dma_wait3A_441 = arith.constant 0 : i32
        %dma_wait3A_442 = tpu.memref_slice %arg12[%dma_wait3A_440, %dma_wait3A_441] : memref<10240x128xf32, #tpu.memory_space<vmem_shared>> -> memref<10240x128xf32, #tpu.memory_space<vmem_shared>>
        tpu.wait_indirect_dma semaphore(%arg18 : memref<!tpu.dma_semaphore, #tpu.memory_space<semaphore_mem>>) src(%dma_wait3A_436 : memref<128x128xf32, #tpu.memory_space<vmem>>) dst(%dma_wait3A_442 : memref<10240x128xf32, #tpu.memory_space<vmem_shared>>)
      } else {
      }
      %add3A_120 = arith.constant 1 : i32
      %add3A_121 = arith.addi %mul3A_96, %add3A_120 : i32
      %lt3A_122 = arith.constant 80 : i32
      %lt3A_123 = arith.cmpi slt, %add3A_121, %lt3A_122 : i32
      %convert_element_type3A_124 = arith.extui %lt3A_123 : i1 to i32
      %cond3A_125 = arith.constant 0 : i32
      %cond3A_126 = arith.cmpi ne, %convert_element_type3A_124, %cond3A_125 : i32
      scf.if %cond3A_126 {
        %dma_start3A_410 = arith.constant 1 : i32
        %dma_start3A_411 = arith.constant 0 : i32
        %dma_start3A_412 = arith.constant 0 : i32
        %dma_start3A_413 = tpu.memref_slice %arg11[%dma_start3A_410, %dma_start3A_411, %dma_start3A_412] : memref<2x128x128xf32, #tpu.memory_space<vmem>> -> memref<1x128x128xf32, #tpu.memory_space<vmem>>
        %dma_start3A_414 = tpu.memref_squeeze %dma_start3A_413 : memref<1x128x128xf32, #tpu.memory_space<vmem>> -> memref<128x128xf32, #tpu.memory_space<vmem>>
        %dma_start3A_415 = arith.constant 0 : i32
        %dma_start3A_416 = tpu.memref_slice %arg7[%scan3A_21, %dma_start3A_415] : memref<8x128xi32, #tpu.memory_space<vmem>> -> memref<1x128xi32, #tpu.memory_space<vmem>>
        %dma_start3A_417 = tpu.memref_squeeze %dma_start3A_416 : memref<1x128xi32, #tpu.memory_space<vmem>> -> memref<128xi32, #tpu.memory_space<vmem>>
        %dma_start3A_418 = arith.constant 0 : i32
        %dma_start3A_419 = arith.constant 0 : i32
        %dma_start3A_420 = tpu.memref_slice %arg2[%dma_start3A_418, %dma_start3A_419] : memref<10240x128xf32, #tpu.memory_space<hbm>> -> memref<10240x128xf32, #tpu.memory_space<hbm>>
        tpu.enqueue_indirect_dma source(%dma_start3A_420 : memref<10240x128xf32, #tpu.memory_space<hbm>>) target(%dma_start3A_414 : memref<128x128xf32, #tpu.memory_space<vmem>>) offsets(%dma_start3A_417 : memref<128xi32, #tpu.memory_space<vmem>>) semaphore(%arg16 : memref<!tpu.dma_semaphore, #tpu.memory_space<semaphore_mem>>)
      } else {
      }
      %ge3A_127 = arith.constant 1 : i32
      %ge3A_128 = arith.cmpi sge, %add3A_121, %ge3A_127 : i32
      %sub3A_129 = arith.constant 1 : i32
      %sub3A_130 = arith.subi %add3A_121, %sub3A_129 : i32
      %lt3A_131 = arith.constant 80 : i32
      %lt3A_132 = arith.cmpi slt, %sub3A_130, %lt3A_131 : i32
      %and3A_133 = arith.andi %ge3A_128, %lt3A_132 : i1
      %convert_element_type3A_134 = arith.extui %and3A_133 : i1 to i32
      %cond3A_135 = arith.constant 0 : i32
      %cond3A_136 = arith.cmpi ne, %convert_element_type3A_134, %cond3A_135 : i32
      scf.if %cond3A_136 {
        %dma_wait3A_410 = arith.constant 0 : i32
        %dma_wait3A_411 = arith.constant 0 : i32
        %dma_wait3A_412 = arith.constant 0 : i32
        %dma_wait3A_413 = tpu.memref_slice %arg11[%dma_wait3A_410, %dma_wait3A_411, %dma_wait3A_412] : memref<2x128x128xf32, #tpu.memory_space<vmem>> -> memref<1x128x128xf32, #tpu.memory_space<vmem>>
        %dma_wait3A_414 = tpu.memref_squeeze %dma_wait3A_413 : memref<1x128x128xf32, #tpu.memory_space<vmem>> -> memref<128x128xf32, #tpu.memory_space<vmem>>
        %dma_wait3A_415 = arith.constant 0 : i32
        %dma_wait3A_416 = tpu.memref_slice %arg7[%scan3A_18, %dma_wait3A_415] : memref<8x128xi32, #tpu.memory_space<vmem>> -> memref<1x128xi32, #tpu.memory_space<vmem>>
        %dma_wait3A_417 = tpu.memref_squeeze %dma_wait3A_416 : memref<1x128xi32, #tpu.memory_space<vmem>> -> memref<128xi32, #tpu.memory_space<vmem>>
        %dma_wait3A_418 = arith.constant 0 : i32
        %dma_wait3A_419 = arith.constant 0 : i32
        %dma_wait3A_420 = tpu.memref_slice %arg2[%dma_wait3A_418, %dma_wait3A_419] : memref<10240x128xf32, #tpu.memory_space<hbm>> -> memref<10240x128xf32, #tpu.memory_space<hbm>>
        tpu.wait_indirect_dma semaphore(%arg15 : memref<!tpu.dma_semaphore, #tpu.memory_space<semaphore_mem>>) src(%dma_wait3A_420 : memref<10240x128xf32, #tpu.memory_space<hbm>>) dst(%dma_wait3A_414 : memref<128x128xf32, #tpu.memory_space<vmem>>)
        %dma_start3A_421 = arith.constant 0 : i32
        %dma_start3A_422 = arith.constant 0 : i32
        %dma_start3A_423 = arith.constant 0 : i32
        %dma_start3A_424 = tpu.memref_slice %arg11[%dma_start3A_421, %dma_start3A_422, %dma_start3A_423] : memref<2x128x128xf32, #tpu.memory_space<vmem>> -> memref<1x128x128xf32, #tpu.memory_space<vmem>>
        %dma_start3A_425 = tpu.memref_squeeze %dma_start3A_424 : memref<1x128x128xf32, #tpu.memory_space<vmem>> -> memref<128x128xf32, #tpu.memory_space<vmem>>
        %dma_start3A_426 = arith.constant 0 : i32
        %dma_start3A_427 = tpu.memref_slice %arg8[%scan3A_22, %dma_start3A_426] : memref<8x128xi32, #tpu.memory_space<vmem>> -> memref<1x128xi32, #tpu.memory_space<vmem>>
        %dma_start3A_428 = tpu.memref_squeeze %dma_start3A_427 : memref<1x128xi32, #tpu.memory_space<vmem>> -> memref<128xi32, #tpu.memory_space<vmem>>
        %dma_start3A_429 = arith.constant 0 : i32
        %dma_start3A_430 = arith.constant 0 : i32
        %dma_start3A_431 = tpu.memref_slice %arg12[%dma_start3A_429, %dma_start3A_430] : memref<10240x128xf32, #tpu.memory_space<vmem_shared>> -> memref<10240x128xf32, #tpu.memory_space<vmem_shared>>
        tpu.enqueue_indirect_dma source(%dma_start3A_425 : memref<128x128xf32, #tpu.memory_space<vmem>>) target(%dma_start3A_431 : memref<10240x128xf32, #tpu.memory_space<vmem_shared>>) offsets(%dma_start3A_428 : memref<128xi32, #tpu.memory_space<vmem>>) semaphore(%arg17 : memref<!tpu.dma_semaphore, #tpu.memory_space<semaphore_mem>>) {add = true}
        %dma_wait3A_432 = arith.constant 0 : i32
        %dma_wait3A_433 = arith.constant 0 : i32
        %dma_wait3A_434 = arith.constant 0 : i32
        %dma_wait3A_435 = tpu.memref_slice %arg11[%dma_wait3A_432, %dma_wait3A_433, %dma_wait3A_434] : memref<2x128x128xf32, #tpu.memory_space<vmem>> -> memref<1x128x128xf32, #tpu.memory_space<vmem>>
        %dma_wait3A_436 = tpu.memref_squeeze %dma_wait3A_435 : memref<1x128x128xf32, #tpu.memory_space<vmem>> -> memref<128x128xf32, #tpu.memory_space<vmem>>
        %dma_wait3A_437 = arith.constant 0 : i32
        %dma_wait3A_438 = tpu.memref_slice %arg8[%scan3A_22, %dma_wait3A_437] : memref<8x128xi32, #tpu.memory_space<vmem>> -> memref<1x128xi32, #tpu.memory_space<vmem>>
        %dma_wait3A_439 = tpu.memref_squeeze %dma_wait3A_438 : memref<1x128xi32, #tpu.memory_space<vmem>> -> memref<128xi32, #tpu.memory_space<vmem>>
        %dma_wait3A_440 = arith.constant 0 : i32
        %dma_wait3A_441 = arith.constant 0 : i32
        %dma_wait3A_442 = tpu.memref_slice %arg12[%dma_wait3A_440, %dma_wait3A_441] : memref<10240x128xf32, #tpu.memory_space<vmem_shared>> -> memref<10240x128xf32, #tpu.memory_space<vmem_shared>>
        tpu.wait_indirect_dma semaphore(%arg17 : memref<!tpu.dma_semaphore, #tpu.memory_space<semaphore_mem>>) src(%dma_wait3A_436 : memref<128x128xf32, #tpu.memory_space<vmem>>) dst(%dma_wait3A_442 : memref<10240x128xf32, #tpu.memory_space<vmem_shared>>)
      } else {
      }
      %add3A_137 = arith.constant 2 : i32
      %add3A_138 = arith.addi %mul3A_96, %add3A_137 : i32
      %add3A_139 = arith.constant 8 : i32
      %add3A_140 = arith.addi %mul3A_96, %add3A_139 : i32
      %dma_start3A_141 = arith.constant 0 : i32
      %dma_start3A_142 = tpu.memref_slice %arg3[%add3A, %add3A_140, %dma_start3A_141] : memref<32x80x128xi32, #tpu.memory_space<hbm>> -> memref<1x8x128xi32, #tpu.memory_space<hbm>>
      %dma_start3A_143 = tpu.memref_squeeze %dma_start3A_142 : memref<1x8x128xi32, #tpu.memory_space<hbm>> -> memref<8x128xi32, #tpu.memory_space<hbm>>
      %dma_start3A_144 = arith.constant 0 : i32
      %dma_start3A_145 = tpu.memref_slice %arg3[%add3A, %add3A_140, %dma_start3A_144] : memref<32x80x128xi32, #tpu.memory_space<hbm>> -> memref<1x8x128xi32, #tpu.memory_space<hbm>>
      %dma_start3A_146 = tpu.memref_squeeze %dma_start3A_145 : memref<1x8x128xi32, #tpu.memory_space<hbm>> -> memref<8x128xi32, #tpu.memory_space<hbm>>
      tpu.enqueue_dma source(%dma_start3A_146 : memref<8x128xi32, #tpu.memory_space<hbm>>) target(%arg9 : memref<8x128xi32, #tpu.memory_space<vmem>>) target_semaphore(%arg14 : memref<!tpu.dma_semaphore, #tpu.memory_space<semaphore_mem>>)
      %dma_start3A_147 = arith.constant 0 : i32
      %dma_start3A_148 = tpu.memref_slice %arg4[%add3A, %add3A_140, %dma_start3A_147] : memref<32x80x128xi32, #tpu.memory_space<hbm>> -> memref<1x8x128xi32, #tpu.memory_space<hbm>>
      %dma_start3A_149 = tpu.memref_squeeze %dma_start3A_148 : memref<1x8x128xi32, #tpu.memory_space<hbm>> -> memref<8x128xi32, #tpu.memory_space<hbm>>
      %dma_start3A_150 = arith.constant 0 : i32
      %dma_start3A_151 = tpu.memref_slice %arg4[%add3A, %add3A_140, %dma_start3A_150] : memref<32x80x128xi32, #tpu.memory_space<hbm>> -> memref<1x8x128xi32, #tpu.memory_space<hbm>>
      %dma_start3A_152 = tpu.memref_squeeze %dma_start3A_151 : memref<1x8x128xi32, #tpu.memory_space<hbm>> -> memref<8x128xi32, #tpu.memory_space<hbm>>
      tpu.enqueue_dma source(%dma_start3A_152 : memref<8x128xi32, #tpu.memory_space<hbm>>) target(%arg10 : memref<8x128xi32, #tpu.memory_space<vmem>>) target_semaphore(%arg14 : memref<!tpu.dma_semaphore, #tpu.memory_space<semaphore_mem>>)
      %lt3A_153 = arith.constant 80 : i32
      %lt3A_154 = arith.cmpi slt, %add3A_138, %lt3A_153 : i32
      %convert_element_type3A_155 = arith.extui %lt3A_154 : i1 to i32
      %cond3A_156 = arith.constant 0 : i32
      %cond3A_157 = arith.cmpi ne, %convert_element_type3A_155, %cond3A_156 : i32
      scf.if %cond3A_157 {
        %dma_start3A_410 = arith.constant 0 : i32
        %dma_start3A_411 = arith.constant 0 : i32
        %dma_start3A_412 = arith.constant 0 : i32
        %dma_start3A_413 = tpu.memref_slice %arg11[%dma_start3A_410, %dma_start3A_411, %dma_start3A_412] : memref<2x128x128xf32, #tpu.memory_space<vmem>> -> memref<1x128x128xf32, #tpu.memory_space<vmem>>
        %dma_start3A_414 = tpu.memref_squeeze %dma_start3A_413 : memref<1x128x128xf32, #tpu.memory_space<vmem>> -> memref<128x128xf32, #tpu.memory_space<vmem>>
        %dma_start3A_415 = arith.constant 0 : i32
        %dma_start3A_416 = tpu.memref_slice %arg7[%scan3A_23, %dma_start3A_415] : memref<8x128xi32, #tpu.memory_space<vmem>> -> memref<1x128xi32, #tpu.memory_space<vmem>>
        %dma_start3A_417 = tpu.memref_squeeze %dma_start3A_416 : memref<1x128xi32, #tpu.memory_space<vmem>> -> memref<128xi32, #tpu.memory_space<vmem>>
        %dma_start3A_418 = arith.constant 0 : i32
        %dma_start3A_419 = arith.constant 0 : i32
        %dma_start3A_420 = tpu.memref_slice %arg2[%dma_start3A_418, %dma_start3A_419] : memref<10240x128xf32, #tpu.memory_space<hbm>> -> memref<10240x128xf32, #tpu.memory_space<hbm>>
        tpu.enqueue_indirect_dma source(%dma_start3A_420 : memref<10240x128xf32, #tpu.memory_space<hbm>>) target(%dma_start3A_414 : memref<128x128xf32, #tpu.memory_space<vmem>>) offsets(%dma_start3A_417 : memref<128xi32, #tpu.memory_space<vmem>>) semaphore(%arg15 : memref<!tpu.dma_semaphore, #tpu.memory_space<semaphore_mem>>)
      } else {
      }
      %ge3A_158 = arith.constant 1 : i32
      %ge3A_159 = arith.cmpi sge, %add3A_138, %ge3A_158 : i32
      %sub3A_160 = arith.constant 1 : i32
      %sub3A_161 = arith.subi %add3A_138, %sub3A_160 : i32
      %lt3A_162 = arith.constant 80 : i32
      %lt3A_163 = arith.cmpi slt, %sub3A_161, %lt3A_162 : i32
      %and3A_164 = arith.andi %ge3A_159, %lt3A_163 : i1
      %convert_element_type3A_165 = arith.extui %and3A_164 : i1 to i32
      %cond3A_166 = arith.constant 0 : i32
      %cond3A_167 = arith.cmpi ne, %convert_element_type3A_165, %cond3A_166 : i32
      scf.if %cond3A_167 {
        %dma_wait3A_410 = arith.constant 1 : i32
        %dma_wait3A_411 = arith.constant 0 : i32
        %dma_wait3A_412 = arith.constant 0 : i32
        %dma_wait3A_413 = tpu.memref_slice %arg11[%dma_wait3A_410, %dma_wait3A_411, %dma_wait3A_412] : memref<2x128x128xf32, #tpu.memory_space<vmem>> -> memref<1x128x128xf32, #tpu.memory_space<vmem>>
        %dma_wait3A_414 = tpu.memref_squeeze %dma_wait3A_413 : memref<1x128x128xf32, #tpu.memory_space<vmem>> -> memref<128x128xf32, #tpu.memory_space<vmem>>
        %dma_wait3A_415 = arith.constant 0 : i32
        %dma_wait3A_416 = tpu.memref_slice %arg7[%scan3A_21, %dma_wait3A_415] : memref<8x128xi32, #tpu.memory_space<vmem>> -> memref<1x128xi32, #tpu.memory_space<vmem>>
        %dma_wait3A_417 = tpu.memref_squeeze %dma_wait3A_416 : memref<1x128xi32, #tpu.memory_space<vmem>> -> memref<128xi32, #tpu.memory_space<vmem>>
        %dma_wait3A_418 = arith.constant 0 : i32
        %dma_wait3A_419 = arith.constant 0 : i32
        %dma_wait3A_420 = tpu.memref_slice %arg2[%dma_wait3A_418, %dma_wait3A_419] : memref<10240x128xf32, #tpu.memory_space<hbm>> -> memref<10240x128xf32, #tpu.memory_space<hbm>>
        tpu.wait_indirect_dma semaphore(%arg16 : memref<!tpu.dma_semaphore, #tpu.memory_space<semaphore_mem>>) src(%dma_wait3A_420 : memref<10240x128xf32, #tpu.memory_space<hbm>>) dst(%dma_wait3A_414 : memref<128x128xf32, #tpu.memory_space<vmem>>)
        %dma_start3A_421 = arith.constant 1 : i32
        %dma_start3A_422 = arith.constant 0 : i32
        %dma_start3A_423 = arith.constant 0 : i32
        %dma_start3A_424 = tpu.memref_slice %arg11[%dma_start3A_421, %dma_start3A_422, %dma_start3A_423] : memref<2x128x128xf32, #tpu.memory_space<vmem>> -> memref<1x128x128xf32, #tpu.memory_space<vmem>>
        %dma_start3A_425 = tpu.memref_squeeze %dma_start3A_424 : memref<1x128x128xf32, #tpu.memory_space<vmem>> -> memref<128x128xf32, #tpu.memory_space<vmem>>
        %dma_start3A_426 = arith.constant 0 : i32
        %dma_start3A_427 = tpu.memref_slice %arg8[%scan3A_24, %dma_start3A_426] : memref<8x128xi32, #tpu.memory_space<vmem>> -> memref<1x128xi32, #tpu.memory_space<vmem>>
        %dma_start3A_428 = tpu.memref_squeeze %dma_start3A_427 : memref<1x128xi32, #tpu.memory_space<vmem>> -> memref<128xi32, #tpu.memory_space<vmem>>
        %dma_start3A_429 = arith.constant 0 : i32
        %dma_start3A_430 = arith.constant 0 : i32
        %dma_start3A_431 = tpu.memref_slice %arg12[%dma_start3A_429, %dma_start3A_430] : memref<10240x128xf32, #tpu.memory_space<vmem_shared>> -> memref<10240x128xf32, #tpu.memory_space<vmem_shared>>
        tpu.enqueue_indirect_dma source(%dma_start3A_425 : memref<128x128xf32, #tpu.memory_space<vmem>>) target(%dma_start3A_431 : memref<10240x128xf32, #tpu.memory_space<vmem_shared>>) offsets(%dma_start3A_428 : memref<128xi32, #tpu.memory_space<vmem>>) semaphore(%arg18 : memref<!tpu.dma_semaphore, #tpu.memory_space<semaphore_mem>>) {add = true}
        %dma_wait3A_432 = arith.constant 1 : i32
        %dma_wait3A_433 = arith.constant 0 : i32
        %dma_wait3A_434 = arith.constant 0 : i32
        %dma_wait3A_435 = tpu.memref_slice %arg11[%dma_wait3A_432, %dma_wait3A_433, %dma_wait3A_434] : memref<2x128x128xf32, #tpu.memory_space<vmem>> -> memref<1x128x128xf32, #tpu.memory_space<vmem>>
        %dma_wait3A_436 = tpu.memref_squeeze %dma_wait3A_435 : memref<1x128x128xf32, #tpu.memory_space<vmem>> -> memref<128x128xf32, #tpu.memory_space<vmem>>
        %dma_wait3A_437 = arith.constant 0 : i32
        %dma_wait3A_438 = tpu.memref_slice %arg8[%scan3A_24, %dma_wait3A_437] : memref<8x128xi32, #tpu.memory_space<vmem>> -> memref<1x128xi32, #tpu.memory_space<vmem>>
        %dma_wait3A_439 = tpu.memref_squeeze %dma_wait3A_438 : memref<1x128xi32, #tpu.memory_space<vmem>> -> memref<128xi32, #tpu.memory_space<vmem>>
        %dma_wait3A_440 = arith.constant 0 : i32
        %dma_wait3A_441 = arith.constant 0 : i32
        %dma_wait3A_442 = tpu.memref_slice %arg12[%dma_wait3A_440, %dma_wait3A_441] : memref<10240x128xf32, #tpu.memory_space<vmem_shared>> -> memref<10240x128xf32, #tpu.memory_space<vmem_shared>>
        tpu.wait_indirect_dma semaphore(%arg18 : memref<!tpu.dma_semaphore, #tpu.memory_space<semaphore_mem>>) src(%dma_wait3A_436 : memref<128x128xf32, #tpu.memory_space<vmem>>) dst(%dma_wait3A_442 : memref<10240x128xf32, #tpu.memory_space<vmem_shared>>)
      } else {
      }
      %add3A_168 = arith.constant 3 : i32
      %add3A_169 = arith.addi %mul3A_96, %add3A_168 : i32
      %lt3A_170 = arith.constant 80 : i32
      %lt3A_171 = arith.cmpi slt, %add3A_169, %lt3A_170 : i32
      %convert_element_type3A_172 = arith.extui %lt3A_171 : i1 to i32
      %cond3A_173 = arith.constant 0 : i32
      %cond3A_174 = arith.cmpi ne, %convert_element_type3A_172, %cond3A_173 : i32
      scf.if %cond3A_174 {
        %dma_start3A_410 = arith.constant 1 : i32
        %dma_start3A_411 = arith.constant 0 : i32
        %dma_start3A_412 = arith.constant 0 : i32
        %dma_start3A_413 = tpu.memref_slice %arg11[%dma_start3A_410, %dma_start3A_411, %dma_start3A_412] : memref<2x128x128xf32, #tpu.memory_space<vmem>> -> memref<1x128x128xf32, #tpu.memory_space<vmem>>
        %dma_start3A_414 = tpu.memref_squeeze %dma_start3A_413 : memref<1x128x128xf32, #tpu.memory_space<vmem>> -> memref<128x128xf32, #tpu.memory_space<vmem>>
        %dma_start3A_415 = arith.constant 0 : i32
        %dma_start3A_416 = tpu.memref_slice %arg7[%scan3A_25, %dma_start3A_415] : memref<8x128xi32, #tpu.memory_space<vmem>> -> memref<1x128xi32, #tpu.memory_space<vmem>>
        %dma_start3A_417 = tpu.memref_squeeze %dma_start3A_416 : memref<1x128xi32, #tpu.memory_space<vmem>> -> memref<128xi32, #tpu.memory_space<vmem>>
        %dma_start3A_418 = arith.constant 0 : i32
        %dma_start3A_419 = arith.constant 0 : i32
        %dma_start3A_420 = tpu.memref_slice %arg2[%dma_start3A_418, %dma_start3A_419] : memref<10240x128xf32, #tpu.memory_space<hbm>> -> memref<10240x128xf32, #tpu.memory_space<hbm>>
        tpu.enqueue_indirect_dma source(%dma_start3A_420 : memref<10240x128xf32, #tpu.memory_space<hbm>>) target(%dma_start3A_414 : memref<128x128xf32, #tpu.memory_space<vmem>>) offsets(%dma_start3A_417 : memref<128xi32, #tpu.memory_space<vmem>>) semaphore(%arg16 : memref<!tpu.dma_semaphore, #tpu.memory_space<semaphore_mem>>)
      } else {
      }
      %ge3A_175 = arith.constant 1 : i32
      %ge3A_176 = arith.cmpi sge, %add3A_169, %ge3A_175 : i32
      %sub3A_177 = arith.constant 1 : i32
      %sub3A_178 = arith.subi %add3A_169, %sub3A_177 : i32
      %lt3A_179 = arith.constant 80 : i32
      %lt3A_180 = arith.cmpi slt, %sub3A_178, %lt3A_179 : i32
      %and3A_181 = arith.andi %ge3A_176, %lt3A_180 : i1
      %convert_element_type3A_182 = arith.extui %and3A_181 : i1 to i32
      %cond3A_183 = arith.constant 0 : i32
      %cond3A_184 = arith.cmpi ne, %convert_element_type3A_182, %cond3A_183 : i32
      scf.if %cond3A_184 {
        %dma_wait3A_410 = arith.constant 0 : i32
        %dma_wait3A_411 = arith.constant 0 : i32
        %dma_wait3A_412 = arith.constant 0 : i32
        %dma_wait3A_413 = tpu.memref_slice %arg11[%dma_wait3A_410, %dma_wait3A_411, %dma_wait3A_412] : memref<2x128x128xf32, #tpu.memory_space<vmem>> -> memref<1x128x128xf32, #tpu.memory_space<vmem>>
        %dma_wait3A_414 = tpu.memref_squeeze %dma_wait3A_413 : memref<1x128x128xf32, #tpu.memory_space<vmem>> -> memref<128x128xf32, #tpu.memory_space<vmem>>
        %dma_wait3A_415 = arith.constant 0 : i32
        %dma_wait3A_416 = tpu.memref_slice %arg7[%scan3A_23, %dma_wait3A_415] : memref<8x128xi32, #tpu.memory_space<vmem>> -> memref<1x128xi32, #tpu.memory_space<vmem>>
        %dma_wait3A_417 = tpu.memref_squeeze %dma_wait3A_416 : memref<1x128xi32, #tpu.memory_space<vmem>> -> memref<128xi32, #tpu.memory_space<vmem>>
        %dma_wait3A_418 = arith.constant 0 : i32
        %dma_wait3A_419 = arith.constant 0 : i32
        %dma_wait3A_420 = tpu.memref_slice %arg2[%dma_wait3A_418, %dma_wait3A_419] : memref<10240x128xf32, #tpu.memory_space<hbm>> -> memref<10240x128xf32, #tpu.memory_space<hbm>>
        tpu.wait_indirect_dma semaphore(%arg15 : memref<!tpu.dma_semaphore, #tpu.memory_space<semaphore_mem>>) src(%dma_wait3A_420 : memref<10240x128xf32, #tpu.memory_space<hbm>>) dst(%dma_wait3A_414 : memref<128x128xf32, #tpu.memory_space<vmem>>)
        %dma_start3A_421 = arith.constant 0 : i32
        %dma_start3A_422 = arith.constant 0 : i32
        %dma_start3A_423 = arith.constant 0 : i32
        %dma_start3A_424 = tpu.memref_slice %arg11[%dma_start3A_421, %dma_start3A_422, %dma_start3A_423] : memref<2x128x128xf32, #tpu.memory_space<vmem>> -> memref<1x128x128xf32, #tpu.memory_space<vmem>>
        %dma_start3A_425 = tpu.memref_squeeze %dma_start3A_424 : memref<1x128x128xf32, #tpu.memory_space<vmem>> -> memref<128x128xf32, #tpu.memory_space<vmem>>
        %dma_start3A_426 = arith.constant 0 : i32
        %dma_start3A_427 = tpu.memref_slice %arg8[%scan3A_26, %dma_start3A_426] : memref<8x128xi32, #tpu.memory_space<vmem>> -> memref<1x128xi32, #tpu.memory_space<vmem>>
        %dma_start3A_428 = tpu.memref_squeeze %dma_start3A_427 : memref<1x128xi32, #tpu.memory_space<vmem>> -> memref<128xi32, #tpu.memory_space<vmem>>
        %dma_start3A_429 = arith.constant 0 : i32
        %dma_start3A_430 = arith.constant 0 : i32
        %dma_start3A_431 = tpu.memref_slice %arg12[%dma_start3A_429, %dma_start3A_430] : memref<10240x128xf32, #tpu.memory_space<vmem_shared>> -> memref<10240x128xf32, #tpu.memory_space<vmem_shared>>
        tpu.enqueue_indirect_dma source(%dma_start3A_425 : memref<128x128xf32, #tpu.memory_space<vmem>>) target(%dma_start3A_431 : memref<10240x128xf32, #tpu.memory_space<vmem_shared>>) offsets(%dma_start3A_428 : memref<128xi32, #tpu.memory_space<vmem>>) semaphore(%arg17 : memref<!tpu.dma_semaphore, #tpu.memory_space<semaphore_mem>>) {add = true}
        %dma_wait3A_432 = arith.constant 0 : i32
        %dma_wait3A_433 = arith.constant 0 : i32
        %dma_wait3A_434 = arith.constant 0 : i32
        %dma_wait3A_435 = tpu.memref_slice %arg11[%dma_wait3A_432, %dma_wait3A_433, %dma_wait3A_434] : memref<2x128x128xf32, #tpu.memory_space<vmem>> -> memref<1x128x128xf32, #tpu.memory_space<vmem>>
        %dma_wait3A_436 = tpu.memref_squeeze %dma_wait3A_435 : memref<1x128x128xf32, #tpu.memory_space<vmem>> -> memref<128x128xf32, #tpu.memory_space<vmem>>
        %dma_wait3A_437 = arith.constant 0 : i32
        %dma_wait3A_438 = tpu.memref_slice %arg8[%scan3A_26, %dma_wait3A_437] : memref<8x128xi32, #tpu.memory_space<vmem>> -> memref<1x128xi32, #tpu.memory_space<vmem>>
        %dma_wait3A_439 = tpu.memref_squeeze %dma_wait3A_438 : memref<1x128xi32, #tpu.memory_space<vmem>> -> memref<128xi32, #tpu.memory_space<vmem>>
        %dma_wait3A_440 = arith.constant 0 : i32
        %dma_wait3A_441 = arith.constant 0 : i32
        %dma_wait3A_442 = tpu.memref_slice %arg12[%dma_wait3A_440, %dma_wait3A_441] : memref<10240x128xf32, #tpu.memory_space<vmem_shared>> -> memref<10240x128xf32, #tpu.memory_space<vmem_shared>>
        tpu.wait_indirect_dma semaphore(%arg17 : memref<!tpu.dma_semaphore, #tpu.memory_space<semaphore_mem>>) src(%dma_wait3A_436 : memref<128x128xf32, #tpu.memory_space<vmem>>) dst(%dma_wait3A_442 : memref<10240x128xf32, #tpu.memory_space<vmem_shared>>)
      } else {
      }
      %add3A_185 = arith.constant 4 : i32
      %add3A_186 = arith.addi %mul3A_96, %add3A_185 : i32
      %lt3A_187 = arith.constant 80 : i32
      %lt3A_188 = arith.cmpi slt, %add3A_186, %lt3A_187 : i32
      %convert_element_type3A_189 = arith.extui %lt3A_188 : i1 to i32
      %cond3A_190 = arith.constant 0 : i32
      %cond3A_191 = arith.cmpi ne, %convert_element_type3A_189, %cond3A_190 : i32
      scf.if %cond3A_191 {
        %dma_start3A_410 = arith.constant 0 : i32
        %dma_start3A_411 = arith.constant 0 : i32
        %dma_start3A_412 = arith.constant 0 : i32
        %dma_start3A_413 = tpu.memref_slice %arg11[%dma_start3A_410, %dma_start3A_411, %dma_start3A_412] : memref<2x128x128xf32, #tpu.memory_space<vmem>> -> memref<1x128x128xf32, #tpu.memory_space<vmem>>
        %dma_start3A_414 = tpu.memref_squeeze %dma_start3A_413 : memref<1x128x128xf32, #tpu.memory_space<vmem>> -> memref<128x128xf32, #tpu.memory_space<vmem>>
        %dma_start3A_415 = arith.constant 0 : i32
        %dma_start3A_416 = tpu.memref_slice %arg7[%scan3A_27, %dma_start3A_415] : memref<8x128xi32, #tpu.memory_space<vmem>> -> memref<1x128xi32, #tpu.memory_space<vmem>>
        %dma_start3A_417 = tpu.memref_squeeze %dma_start3A_416 : memref<1x128xi32, #tpu.memory_space<vmem>> -> memref<128xi32, #tpu.memory_space<vmem>>
        %dma_start3A_418 = arith.constant 0 : i32
        %dma_start3A_419 = arith.constant 0 : i32
        %dma_start3A_420 = tpu.memref_slice %arg2[%dma_start3A_418, %dma_start3A_419] : memref<10240x128xf32, #tpu.memory_space<hbm>> -> memref<10240x128xf32, #tpu.memory_space<hbm>>
        tpu.enqueue_indirect_dma source(%dma_start3A_420 : memref<10240x128xf32, #tpu.memory_space<hbm>>) target(%dma_start3A_414 : memref<128x128xf32, #tpu.memory_space<vmem>>) offsets(%dma_start3A_417 : memref<128xi32, #tpu.memory_space<vmem>>) semaphore(%arg15 : memref<!tpu.dma_semaphore, #tpu.memory_space<semaphore_mem>>)
      } else {
      }
      %ge3A_192 = arith.constant 1 : i32
      %ge3A_193 = arith.cmpi sge, %add3A_186, %ge3A_192 : i32
      %sub3A_194 = arith.constant 1 : i32
      %sub3A_195 = arith.subi %add3A_186, %sub3A_194 : i32
      %lt3A_196 = arith.constant 80 : i32
      %lt3A_197 = arith.cmpi slt, %sub3A_195, %lt3A_196 : i32
      %and3A_198 = arith.andi %ge3A_193, %lt3A_197 : i1
      %convert_element_type3A_199 = arith.extui %and3A_198 : i1 to i32
      %cond3A_200 = arith.constant 0 : i32
      %cond3A_201 = arith.cmpi ne, %convert_element_type3A_199, %cond3A_200 : i32
      scf.if %cond3A_201 {
        %dma_wait3A_410 = arith.constant 1 : i32
        %dma_wait3A_411 = arith.constant 0 : i32
        %dma_wait3A_412 = arith.constant 0 : i32
        %dma_wait3A_413 = tpu.memref_slice %arg11[%dma_wait3A_410, %dma_wait3A_411, %dma_wait3A_412] : memref<2x128x128xf32, #tpu.memory_space<vmem>> -> memref<1x128x128xf32, #tpu.memory_space<vmem>>
        %dma_wait3A_414 = tpu.memref_squeeze %dma_wait3A_413 : memref<1x128x128xf32, #tpu.memory_space<vmem>> -> memref<128x128xf32, #tpu.memory_space<vmem>>
        %dma_wait3A_415 = arith.constant 0 : i32
        %dma_wait3A_416 = tpu.memref_slice %arg7[%scan3A_25, %dma_wait3A_415] : memref<8x128xi32, #tpu.memory_space<vmem>> -> memref<1x128xi32, #tpu.memory_space<vmem>>
        %dma_wait3A_417 = tpu.memref_squeeze %dma_wait3A_416 : memref<1x128xi32, #tpu.memory_space<vmem>> -> memref<128xi32, #tpu.memory_space<vmem>>
        %dma_wait3A_418 = arith.constant 0 : i32
        %dma_wait3A_419 = arith.constant 0 : i32
        %dma_wait3A_420 = tpu.memref_slice %arg2[%dma_wait3A_418, %dma_wait3A_419] : memref<10240x128xf32, #tpu.memory_space<hbm>> -> memref<10240x128xf32, #tpu.memory_space<hbm>>
        tpu.wait_indirect_dma semaphore(%arg16 : memref<!tpu.dma_semaphore, #tpu.memory_space<semaphore_mem>>) src(%dma_wait3A_420 : memref<10240x128xf32, #tpu.memory_space<hbm>>) dst(%dma_wait3A_414 : memref<128x128xf32, #tpu.memory_space<vmem>>)
        %dma_start3A_421 = arith.constant 1 : i32
        %dma_start3A_422 = arith.constant 0 : i32
        %dma_start3A_423 = arith.constant 0 : i32
        %dma_start3A_424 = tpu.memref_slice %arg11[%dma_start3A_421, %dma_start3A_422, %dma_start3A_423] : memref<2x128x128xf32, #tpu.memory_space<vmem>> -> memref<1x128x128xf32, #tpu.memory_space<vmem>>
        %dma_start3A_425 = tpu.memref_squeeze %dma_start3A_424 : memref<1x128x128xf32, #tpu.memory_space<vmem>> -> memref<128x128xf32, #tpu.memory_space<vmem>>
        %dma_start3A_426 = arith.constant 0 : i32
        %dma_start3A_427 = tpu.memref_slice %arg8[%scan3A_28, %dma_start3A_426] : memref<8x128xi32, #tpu.memory_space<vmem>> -> memref<1x128xi32, #tpu.memory_space<vmem>>
        %dma_start3A_428 = tpu.memref_squeeze %dma_start3A_427 : memref<1x128xi32, #tpu.memory_space<vmem>> -> memref<128xi32, #tpu.memory_space<vmem>>
        %dma_start3A_429 = arith.constant 0 : i32
        %dma_start3A_430 = arith.constant 0 : i32
        %dma_start3A_431 = tpu.memref_slice %arg12[%dma_start3A_429, %dma_start3A_430] : memref<10240x128xf32, #tpu.memory_space<vmem_shared>> -> memref<10240x128xf32, #tpu.memory_space<vmem_shared>>
        tpu.enqueue_indirect_dma source(%dma_start3A_425 : memref<128x128xf32, #tpu.memory_space<vmem>>) target(%dma_start3A_431 : memref<10240x128xf32, #tpu.memory_space<vmem_shared>>) offsets(%dma_start3A_428 : memref<128xi32, #tpu.memory_space<vmem>>) semaphore(%arg18 : memref<!tpu.dma_semaphore, #tpu.memory_space<semaphore_mem>>) {add = true}
        %dma_wait3A_432 = arith.constant 1 : i32
        %dma_wait3A_433 = arith.constant 0 : i32
        %dma_wait3A_434 = arith.constant 0 : i32
        %dma_wait3A_435 = tpu.memref_slice %arg11[%dma_wait3A_432, %dma_wait3A_433, %dma_wait3A_434] : memref<2x128x128xf32, #tpu.memory_space<vmem>> -> memref<1x128x128xf32, #tpu.memory_space<vmem>>
        %dma_wait3A_436 = tpu.memref_squeeze %dma_wait3A_435 : memref<1x128x128xf32, #tpu.memory_space<vmem>> -> memref<128x128xf32, #tpu.memory_space<vmem>>
        %dma_wait3A_437 = arith.constant 0 : i32
        %dma_wait3A_438 = tpu.memref_slice %arg8[%scan3A_28, %dma_wait3A_437] : memref<8x128xi32, #tpu.memory_space<vmem>> -> memref<1x128xi32, #tpu.memory_space<vmem>>
        %dma_wait3A_439 = tpu.memref_squeeze %dma_wait3A_438 : memref<1x128xi32, #tpu.memory_space<vmem>> -> memref<128xi32, #tpu.memory_space<vmem>>
        %dma_wait3A_440 = arith.constant 0 : i32
        %dma_wait3A_441 = arith.constant 0 : i32
        %dma_wait3A_442 = tpu.memref_slice %arg12[%dma_wait3A_440, %dma_wait3A_441] : memref<10240x128xf32, #tpu.memory_space<vmem_shared>> -> memref<10240x128xf32, #tpu.memory_space<vmem_shared>>
        tpu.wait_indirect_dma semaphore(%arg18 : memref<!tpu.dma_semaphore, #tpu.memory_space<semaphore_mem>>) src(%dma_wait3A_436 : memref<128x128xf32, #tpu.memory_space<vmem>>) dst(%dma_wait3A_442 : memref<10240x128xf32, #tpu.memory_space<vmem_shared>>)
      } else {
      }
      %add3A_202 = arith.constant 5 : i32
      %add3A_203 = arith.addi %mul3A_96, %add3A_202 : i32
      %lt3A_204 = arith.constant 80 : i32
      %lt3A_205 = arith.cmpi slt, %add3A_203, %lt3A_204 : i32
      %convert_element_type3A_206 = arith.extui %lt3A_205 : i1 to i32
      %cond3A_207 = arith.constant 0 : i32
      %cond3A_208 = arith.cmpi ne, %convert_element_type3A_206, %cond3A_207 : i32
      scf.if %cond3A_208 {
        %dma_start3A_410 = arith.constant 1 : i32
        %dma_start3A_411 = arith.constant 0 : i32
        %dma_start3A_412 = arith.constant 0 : i32
        %dma_start3A_413 = tpu.memref_slice %arg11[%dma_start3A_410, %dma_start3A_411, %dma_start3A_412] : memref<2x128x128xf32, #tpu.memory_space<vmem>> -> memref<1x128x128xf32, #tpu.memory_space<vmem>>
        %dma_start3A_414 = tpu.memref_squeeze %dma_start3A_413 : memref<1x128x128xf32, #tpu.memory_space<vmem>> -> memref<128x128xf32, #tpu.memory_space<vmem>>
        %dma_start3A_415 = arith.constant 0 : i32
        %dma_start3A_416 = tpu.memref_slice %arg7[%scan3A_29, %dma_start3A_415] : memref<8x128xi32, #tpu.memory_space<vmem>> -> memref<1x128xi32, #tpu.memory_space<vmem>>
        %dma_start3A_417 = tpu.memref_squeeze %dma_start3A_416 : memref<1x128xi32, #tpu.memory_space<vmem>> -> memref<128xi32, #tpu.memory_space<vmem>>
        %dma_start3A_418 = arith.constant 0 : i32
        %dma_start3A_419 = arith.constant 0 : i32
        %dma_start3A_420 = tpu.memref_slice %arg2[%dma_start3A_418, %dma_start3A_419] : memref<10240x128xf32, #tpu.memory_space<hbm>> -> memref<10240x128xf32, #tpu.memory_space<hbm>>
        tpu.enqueue_indirect_dma source(%dma_start3A_420 : memref<10240x128xf32, #tpu.memory_space<hbm>>) target(%dma_start3A_414 : memref<128x128xf32, #tpu.memory_space<vmem>>) offsets(%dma_start3A_417 : memref<128xi32, #tpu.memory_space<vmem>>) semaphore(%arg16 : memref<!tpu.dma_semaphore, #tpu.memory_space<semaphore_mem>>)
      } else {
      }
      %ge3A_209 = arith.constant 1 : i32
      %ge3A_210 = arith.cmpi sge, %add3A_203, %ge3A_209 : i32
      %sub3A_211 = arith.constant 1 : i32
      %sub3A_212 = arith.subi %add3A_203, %sub3A_211 : i32
      %lt3A_213 = arith.constant 80 : i32
      %lt3A_214 = arith.cmpi slt, %sub3A_212, %lt3A_213 : i32
      %and3A_215 = arith.andi %ge3A_210, %lt3A_214 : i1
      %convert_element_type3A_216 = arith.extui %and3A_215 : i1 to i32
      %cond3A_217 = arith.constant 0 : i32
      %cond3A_218 = arith.cmpi ne, %convert_element_type3A_216, %cond3A_217 : i32
      scf.if %cond3A_218 {
        %dma_wait3A_410 = arith.constant 0 : i32
        %dma_wait3A_411 = arith.constant 0 : i32
        %dma_wait3A_412 = arith.constant 0 : i32
        %dma_wait3A_413 = tpu.memref_slice %arg11[%dma_wait3A_410, %dma_wait3A_411, %dma_wait3A_412] : memref<2x128x128xf32, #tpu.memory_space<vmem>> -> memref<1x128x128xf32, #tpu.memory_space<vmem>>
        %dma_wait3A_414 = tpu.memref_squeeze %dma_wait3A_413 : memref<1x128x128xf32, #tpu.memory_space<vmem>> -> memref<128x128xf32, #tpu.memory_space<vmem>>
        %dma_wait3A_415 = arith.constant 0 : i32
        %dma_wait3A_416 = tpu.memref_slice %arg7[%scan3A_27, %dma_wait3A_415] : memref<8x128xi32, #tpu.memory_space<vmem>> -> memref<1x128xi32, #tpu.memory_space<vmem>>
        %dma_wait3A_417 = tpu.memref_squeeze %dma_wait3A_416 : memref<1x128xi32, #tpu.memory_space<vmem>> -> memref<128xi32, #tpu.memory_space<vmem>>
        %dma_wait3A_418 = arith.constant 0 : i32
        %dma_wait3A_419 = arith.constant 0 : i32
        %dma_wait3A_420 = tpu.memref_slice %arg2[%dma_wait3A_418, %dma_wait3A_419] : memref<10240x128xf32, #tpu.memory_space<hbm>> -> memref<10240x128xf32, #tpu.memory_space<hbm>>
        tpu.wait_indirect_dma semaphore(%arg15 : memref<!tpu.dma_semaphore, #tpu.memory_space<semaphore_mem>>) src(%dma_wait3A_420 : memref<10240x128xf32, #tpu.memory_space<hbm>>) dst(%dma_wait3A_414 : memref<128x128xf32, #tpu.memory_space<vmem>>)
        %dma_start3A_421 = arith.constant 0 : i32
        %dma_start3A_422 = arith.constant 0 : i32
        %dma_start3A_423 = arith.constant 0 : i32
        %dma_start3A_424 = tpu.memref_slice %arg11[%dma_start3A_421, %dma_start3A_422, %dma_start3A_423] : memref<2x128x128xf32, #tpu.memory_space<vmem>> -> memref<1x128x128xf32, #tpu.memory_space<vmem>>
        %dma_start3A_425 = tpu.memref_squeeze %dma_start3A_424 : memref<1x128x128xf32, #tpu.memory_space<vmem>> -> memref<128x128xf32, #tpu.memory_space<vmem>>
        %dma_start3A_426 = arith.constant 0 : i32
        %dma_start3A_427 = tpu.memref_slice %arg8[%scan3A_30, %dma_start3A_426] : memref<8x128xi32, #tpu.memory_space<vmem>> -> memref<1x128xi32, #tpu.memory_space<vmem>>
        %dma_start3A_428 = tpu.memref_squeeze %dma_start3A_427 : memref<1x128xi32, #tpu.memory_space<vmem>> -> memref<128xi32, #tpu.memory_space<vmem>>
        %dma_start3A_429 = arith.constant 0 : i32
        %dma_start3A_430 = arith.constant 0 : i32
        %dma_start3A_431 = tpu.memref_slice %arg12[%dma_start3A_429, %dma_start3A_430] : memref<10240x128xf32, #tpu.memory_space<vmem_shared>> -> memref<10240x128xf32, #tpu.memory_space<vmem_shared>>
        tpu.enqueue_indirect_dma source(%dma_start3A_425 : memref<128x128xf32, #tpu.memory_space<vmem>>) target(%dma_start3A_431 : memref<10240x128xf32, #tpu.memory_space<vmem_shared>>) offsets(%dma_start3A_428 : memref<128xi32, #tpu.memory_space<vmem>>) semaphore(%arg17 : memref<!tpu.dma_semaphore, #tpu.memory_space<semaphore_mem>>) {add = true}
        %dma_wait3A_432 = arith.constant 0 : i32
        %dma_wait3A_433 = arith.constant 0 : i32
        %dma_wait3A_434 = arith.constant 0 : i32
        %dma_wait3A_435 = tpu.memref_slice %arg11[%dma_wait3A_432, %dma_wait3A_433, %dma_wait3A_434] : memref<2x128x128xf32, #tpu.memory_space<vmem>> -> memref<1x128x128xf32, #tpu.memory_space<vmem>>
        %dma_wait3A_436 = tpu.memref_squeeze %dma_wait3A_435 : memref<1x128x128xf32, #tpu.memory_space<vmem>> -> memref<128x128xf32, #tpu.memory_space<vmem>>
        %dma_wait3A_437 = arith.constant 0 : i32
        %dma_wait3A_438 = tpu.memref_slice %arg8[%scan3A_30, %dma_wait3A_437] : memref<8x128xi32, #tpu.memory_space<vmem>> -> memref<1x128xi32, #tpu.memory_space<vmem>>
        %dma_wait3A_439 = tpu.memref_squeeze %dma_wait3A_438 : memref<1x128xi32, #tpu.memory_space<vmem>> -> memref<128xi32, #tpu.memory_space<vmem>>
        %dma_wait3A_440 = arith.constant 0 : i32
        %dma_wait3A_441 = arith.constant 0 : i32
        %dma_wait3A_442 = tpu.memref_slice %arg12[%dma_wait3A_440, %dma_wait3A_441] : memref<10240x128xf32, #tpu.memory_space<vmem_shared>> -> memref<10240x128xf32, #tpu.memory_space<vmem_shared>>
        tpu.wait_indirect_dma semaphore(%arg17 : memref<!tpu.dma_semaphore, #tpu.memory_space<semaphore_mem>>) src(%dma_wait3A_436 : memref<128x128xf32, #tpu.memory_space<vmem>>) dst(%dma_wait3A_442 : memref<10240x128xf32, #tpu.memory_space<vmem_shared>>)
      } else {
      }
      %add3A_219 = arith.constant 6 : i32
      %add3A_220 = arith.addi %mul3A_96, %add3A_219 : i32
      %lt3A_221 = arith.constant 80 : i32
      %lt3A_222 = arith.cmpi slt, %add3A_220, %lt3A_221 : i32
      %convert_element_type3A_223 = arith.extui %lt3A_222 : i1 to i32
      %cond3A_224 = arith.constant 0 : i32
      %cond3A_225 = arith.cmpi ne, %convert_element_type3A_223, %cond3A_224 : i32
      scf.if %cond3A_225 {
        %dma_start3A_410 = arith.constant 0 : i32
        %dma_start3A_411 = arith.constant 0 : i32
        %dma_start3A_412 = arith.constant 0 : i32
        %dma_start3A_413 = tpu.memref_slice %arg11[%dma_start3A_410, %dma_start3A_411, %dma_start3A_412] : memref<2x128x128xf32, #tpu.memory_space<vmem>> -> memref<1x128x128xf32, #tpu.memory_space<vmem>>
        %dma_start3A_414 = tpu.memref_squeeze %dma_start3A_413 : memref<1x128x128xf32, #tpu.memory_space<vmem>> -> memref<128x128xf32, #tpu.memory_space<vmem>>
        %dma_start3A_415 = arith.constant 0 : i32
        %dma_start3A_416 = tpu.memref_slice %arg7[%scan3A_31, %dma_start3A_415] : memref<8x128xi32, #tpu.memory_space<vmem>> -> memref<1x128xi32, #tpu.memory_space<vmem>>
        %dma_start3A_417 = tpu.memref_squeeze %dma_start3A_416 : memref<1x128xi32, #tpu.memory_space<vmem>> -> memref<128xi32, #tpu.memory_space<vmem>>
        %dma_start3A_418 = arith.constant 0 : i32
        %dma_start3A_419 = arith.constant 0 : i32
        %dma_start3A_420 = tpu.memref_slice %arg2[%dma_start3A_418, %dma_start3A_419] : memref<10240x128xf32, #tpu.memory_space<hbm>> -> memref<10240x128xf32, #tpu.memory_space<hbm>>
        tpu.enqueue_indirect_dma source(%dma_start3A_420 : memref<10240x128xf32, #tpu.memory_space<hbm>>) target(%dma_start3A_414 : memref<128x128xf32, #tpu.memory_space<vmem>>) offsets(%dma_start3A_417 : memref<128xi32, #tpu.memory_space<vmem>>) semaphore(%arg15 : memref<!tpu.dma_semaphore, #tpu.memory_space<semaphore_mem>>)
      } else {
      }
      %ge3A_226 = arith.constant 1 : i32
      %ge3A_227 = arith.cmpi sge, %add3A_220, %ge3A_226 : i32
      %sub3A_228 = arith.constant 1 : i32
      %sub3A_229 = arith.subi %add3A_220, %sub3A_228 : i32
      %lt3A_230 = arith.constant 80 : i32
      %lt3A_231 = arith.cmpi slt, %sub3A_229, %lt3A_230 : i32
      %and3A_232 = arith.andi %ge3A_227, %lt3A_231 : i1
      %convert_element_type3A_233 = arith.extui %and3A_232 : i1 to i32
      %cond3A_234 = arith.constant 0 : i32
      %cond3A_235 = arith.cmpi ne, %convert_element_type3A_233, %cond3A_234 : i32
      scf.if %cond3A_235 {
        %dma_wait3A_410 = arith.constant 1 : i32
        %dma_wait3A_411 = arith.constant 0 : i32
        %dma_wait3A_412 = arith.constant 0 : i32
        %dma_wait3A_413 = tpu.memref_slice %arg11[%dma_wait3A_410, %dma_wait3A_411, %dma_wait3A_412] : memref<2x128x128xf32, #tpu.memory_space<vmem>> -> memref<1x128x128xf32, #tpu.memory_space<vmem>>
        %dma_wait3A_414 = tpu.memref_squeeze %dma_wait3A_413 : memref<1x128x128xf32, #tpu.memory_space<vmem>> -> memref<128x128xf32, #tpu.memory_space<vmem>>
        %dma_wait3A_415 = arith.constant 0 : i32
        %dma_wait3A_416 = tpu.memref_slice %arg7[%scan3A_29, %dma_wait3A_415] : memref<8x128xi32, #tpu.memory_space<vmem>> -> memref<1x128xi32, #tpu.memory_space<vmem>>
        %dma_wait3A_417 = tpu.memref_squeeze %dma_wait3A_416 : memref<1x128xi32, #tpu.memory_space<vmem>> -> memref<128xi32, #tpu.memory_space<vmem>>
        %dma_wait3A_418 = arith.constant 0 : i32
        %dma_wait3A_419 = arith.constant 0 : i32
        %dma_wait3A_420 = tpu.memref_slice %arg2[%dma_wait3A_418, %dma_wait3A_419] : memref<10240x128xf32, #tpu.memory_space<hbm>> -> memref<10240x128xf32, #tpu.memory_space<hbm>>
        tpu.wait_indirect_dma semaphore(%arg16 : memref<!tpu.dma_semaphore, #tpu.memory_space<semaphore_mem>>) src(%dma_wait3A_420 : memref<10240x128xf32, #tpu.memory_space<hbm>>) dst(%dma_wait3A_414 : memref<128x128xf32, #tpu.memory_space<vmem>>)
        %dma_start3A_421 = arith.constant 1 : i32
        %dma_start3A_422 = arith.constant 0 : i32
        %dma_start3A_423 = arith.constant 0 : i32
        %dma_start3A_424 = tpu.memref_slice %arg11[%dma_start3A_421, %dma_start3A_422, %dma_start3A_423] : memref<2x128x128xf32, #tpu.memory_space<vmem>> -> memref<1x128x128xf32, #tpu.memory_space<vmem>>
        %dma_start3A_425 = tpu.memref_squeeze %dma_start3A_424 : memref<1x128x128xf32, #tpu.memory_space<vmem>> -> memref<128x128xf32, #tpu.memory_space<vmem>>
        %dma_start3A_426 = arith.constant 0 : i32
        %dma_start3A_427 = tpu.memref_slice %arg8[%scan3A_32, %dma_start3A_426] : memref<8x128xi32, #tpu.memory_space<vmem>> -> memref<1x128xi32, #tpu.memory_space<vmem>>
        %dma_start3A_428 = tpu.memref_squeeze %dma_start3A_427 : memref<1x128xi32, #tpu.memory_space<vmem>> -> memref<128xi32, #tpu.memory_space<vmem>>
        %dma_start3A_429 = arith.constant 0 : i32
        %dma_start3A_430 = arith.constant 0 : i32
        %dma_start3A_431 = tpu.memref_slice %arg12[%dma_start3A_429, %dma_start3A_430] : memref<10240x128xf32, #tpu.memory_space<vmem_shared>> -> memref<10240x128xf32, #tpu.memory_space<vmem_shared>>
        tpu.enqueue_indirect_dma source(%dma_start3A_425 : memref<128x128xf32, #tpu.memory_space<vmem>>) target(%dma_start3A_431 : memref<10240x128xf32, #tpu.memory_space<vmem_shared>>) offsets(%dma_start3A_428 : memref<128xi32, #tpu.memory_space<vmem>>) semaphore(%arg18 : memref<!tpu.dma_semaphore, #tpu.memory_space<semaphore_mem>>) {add = true}
        %dma_wait3A_432 = arith.constant 1 : i32
        %dma_wait3A_433 = arith.constant 0 : i32
        %dma_wait3A_434 = arith.constant 0 : i32
        %dma_wait3A_435 = tpu.memref_slice %arg11[%dma_wait3A_432, %dma_wait3A_433, %dma_wait3A_434] : memref<2x128x128xf32, #tpu.memory_space<vmem>> -> memref<1x128x128xf32, #tpu.memory_space<vmem>>
        %dma_wait3A_436 = tpu.memref_squeeze %dma_wait3A_435 : memref<1x128x128xf32, #tpu.memory_space<vmem>> -> memref<128x128xf32, #tpu.memory_space<vmem>>
        %dma_wait3A_437 = arith.constant 0 : i32
        %dma_wait3A_438 = tpu.memref_slice %arg8[%scan3A_32, %dma_wait3A_437] : memref<8x128xi32, #tpu.memory_space<vmem>> -> memref<1x128xi32, #tpu.memory_space<vmem>>
        %dma_wait3A_439 = tpu.memref_squeeze %dma_wait3A_438 : memref<1x128xi32, #tpu.memory_space<vmem>> -> memref<128xi32, #tpu.memory_space<vmem>>
        %dma_wait3A_440 = arith.constant 0 : i32
        %dma_wait3A_441 = arith.constant 0 : i32
        %dma_wait3A_442 = tpu.memref_slice %arg12[%dma_wait3A_440, %dma_wait3A_441] : memref<10240x128xf32, #tpu.memory_space<vmem_shared>> -> memref<10240x128xf32, #tpu.memory_space<vmem_shared>>
        tpu.wait_indirect_dma semaphore(%arg18 : memref<!tpu.dma_semaphore, #tpu.memory_space<semaphore_mem>>) src(%dma_wait3A_436 : memref<128x128xf32, #tpu.memory_space<vmem>>) dst(%dma_wait3A_442 : memref<10240x128xf32, #tpu.memory_space<vmem_shared>>)
      } else {
      }
      %add3A_236 = arith.constant 7 : i32
      %add3A_237 = arith.addi %mul3A_96, %add3A_236 : i32
      %lt3A_238 = arith.constant 80 : i32
      %lt3A_239 = arith.cmpi slt, %add3A_237, %lt3A_238 : i32
      %convert_element_type3A_240 = arith.extui %lt3A_239 : i1 to i32
      %cond3A_241 = arith.constant 0 : i32
      %cond3A_242 = arith.cmpi ne, %convert_element_type3A_240, %cond3A_241 : i32
      scf.if %cond3A_242 {
        %dma_start3A_410 = arith.constant 1 : i32
        %dma_start3A_411 = arith.constant 0 : i32
        %dma_start3A_412 = arith.constant 0 : i32
        %dma_start3A_413 = tpu.memref_slice %arg11[%dma_start3A_410, %dma_start3A_411, %dma_start3A_412] : memref<2x128x128xf32, #tpu.memory_space<vmem>> -> memref<1x128x128xf32, #tpu.memory_space<vmem>>
        %dma_start3A_414 = tpu.memref_squeeze %dma_start3A_413 : memref<1x128x128xf32, #tpu.memory_space<vmem>> -> memref<128x128xf32, #tpu.memory_space<vmem>>
        %dma_start3A_415 = arith.constant 0 : i32
        %dma_start3A_416 = tpu.memref_slice %arg7[%scan3A_33, %dma_start3A_415] : memref<8x128xi32, #tpu.memory_space<vmem>> -> memref<1x128xi32, #tpu.memory_space<vmem>>
        %dma_start3A_417 = tpu.memref_squeeze %dma_start3A_416 : memref<1x128xi32, #tpu.memory_space<vmem>> -> memref<128xi32, #tpu.memory_space<vmem>>
        %dma_start3A_418 = arith.constant 0 : i32
        %dma_start3A_419 = arith.constant 0 : i32
        %dma_start3A_420 = tpu.memref_slice %arg2[%dma_start3A_418, %dma_start3A_419] : memref<10240x128xf32, #tpu.memory_space<hbm>> -> memref<10240x128xf32, #tpu.memory_space<hbm>>
        tpu.enqueue_indirect_dma source(%dma_start3A_420 : memref<10240x128xf32, #tpu.memory_space<hbm>>) target(%dma_start3A_414 : memref<128x128xf32, #tpu.memory_space<vmem>>) offsets(%dma_start3A_417 : memref<128xi32, #tpu.memory_space<vmem>>) semaphore(%arg16 : memref<!tpu.dma_semaphore, #tpu.memory_space<semaphore_mem>>)
      } else {
      }
      %ge3A_243 = arith.constant 1 : i32
      %ge3A_244 = arith.cmpi sge, %add3A_237, %ge3A_243 : i32
      %sub3A_245 = arith.constant 1 : i32
      %sub3A_246 = arith.subi %add3A_237, %sub3A_245 : i32
      %lt3A_247 = arith.constant 80 : i32
      %lt3A_248 = arith.cmpi slt, %sub3A_246, %lt3A_247 : i32
      %and3A_249 = arith.andi %ge3A_244, %lt3A_248 : i1
      %convert_element_type3A_250 = arith.extui %and3A_249 : i1 to i32
      %cond3A_251 = arith.constant 0 : i32
      %cond3A_252 = arith.cmpi ne, %convert_element_type3A_250, %cond3A_251 : i32
      scf.if %cond3A_252 {
        %dma_wait3A_410 = arith.constant 0 : i32
        %dma_wait3A_411 = arith.constant 0 : i32
        %dma_wait3A_412 = arith.constant 0 : i32
        %dma_wait3A_413 = tpu.memref_slice %arg11[%dma_wait3A_410, %dma_wait3A_411, %dma_wait3A_412] : memref<2x128x128xf32, #tpu.memory_space<vmem>> -> memref<1x128x128xf32, #tpu.memory_space<vmem>>
        %dma_wait3A_414 = tpu.memref_squeeze %dma_wait3A_413 : memref<1x128x128xf32, #tpu.memory_space<vmem>> -> memref<128x128xf32, #tpu.memory_space<vmem>>
        %dma_wait3A_415 = arith.constant 0 : i32
        %dma_wait3A_416 = tpu.memref_slice %arg7[%scan3A_31, %dma_wait3A_415] : memref<8x128xi32, #tpu.memory_space<vmem>> -> memref<1x128xi32, #tpu.memory_space<vmem>>
        %dma_wait3A_417 = tpu.memref_squeeze %dma_wait3A_416 : memref<1x128xi32, #tpu.memory_space<vmem>> -> memref<128xi32, #tpu.memory_space<vmem>>
        %dma_wait3A_418 = arith.constant 0 : i32
        %dma_wait3A_419 = arith.constant 0 : i32
        %dma_wait3A_420 = tpu.memref_slice %arg2[%dma_wait3A_418, %dma_wait3A_419] : memref<10240x128xf32, #tpu.memory_space<hbm>> -> memref<10240x128xf32, #tpu.memory_space<hbm>>
        tpu.wait_indirect_dma semaphore(%arg15 : memref<!tpu.dma_semaphore, #tpu.memory_space<semaphore_mem>>) src(%dma_wait3A_420 : memref<10240x128xf32, #tpu.memory_space<hbm>>) dst(%dma_wait3A_414 : memref<128x128xf32, #tpu.memory_space<vmem>>)
        %dma_start3A_421 = arith.constant 0 : i32
        %dma_start3A_422 = arith.constant 0 : i32
        %dma_start3A_423 = arith.constant 0 : i32
        %dma_start3A_424 = tpu.memref_slice %arg11[%dma_start3A_421, %dma_start3A_422, %dma_start3A_423] : memref<2x128x128xf32, #tpu.memory_space<vmem>> -> memref<1x128x128xf32, #tpu.memory_space<vmem>>
        %dma_start3A_425 = tpu.memref_squeeze %dma_start3A_424 : memref<1x128x128xf32, #tpu.memory_space<vmem>> -> memref<128x128xf32, #tpu.memory_space<vmem>>
        %dma_start3A_426 = arith.constant 0 : i32
        %dma_start3A_427 = tpu.memref_slice %arg8[%scan3A_34, %dma_start3A_426] : memref<8x128xi32, #tpu.memory_space<vmem>> -> memref<1x128xi32, #tpu.memory_space<vmem>>
        %dma_start3A_428 = tpu.memref_squeeze %dma_start3A_427 : memref<1x128xi32, #tpu.memory_space<vmem>> -> memref<128xi32, #tpu.memory_space<vmem>>
        %dma_start3A_429 = arith.constant 0 : i32
        %dma_start3A_430 = arith.constant 0 : i32
        %dma_start3A_431 = tpu.memref_slice %arg12[%dma_start3A_429, %dma_start3A_430] : memref<10240x128xf32, #tpu.memory_space<vmem_shared>> -> memref<10240x128xf32, #tpu.memory_space<vmem_shared>>
        tpu.enqueue_indirect_dma source(%dma_start3A_425 : memref<128x128xf32, #tpu.memory_space<vmem>>) target(%dma_start3A_431 : memref<10240x128xf32, #tpu.memory_space<vmem_shared>>) offsets(%dma_start3A_428 : memref<128xi32, #tpu.memory_space<vmem>>) semaphore(%arg17 : memref<!tpu.dma_semaphore, #tpu.memory_space<semaphore_mem>>) {add = true}
        %dma_wait3A_432 = arith.constant 0 : i32
        %dma_wait3A_433 = arith.constant 0 : i32
        %dma_wait3A_434 = arith.constant 0 : i32
        %dma_wait3A_435 = tpu.memref_slice %arg11[%dma_wait3A_432, %dma_wait3A_433, %dma_wait3A_434] : memref<2x128x128xf32, #tpu.memory_space<vmem>> -> memref<1x128x128xf32, #tpu.memory_space<vmem>>
        %dma_wait3A_436 = tpu.memref_squeeze %dma_wait3A_435 : memref<1x128x128xf32, #tpu.memory_space<vmem>> -> memref<128x128xf32, #tpu.memory_space<vmem>>
        %dma_wait3A_437 = arith.constant 0 : i32
        %dma_wait3A_438 = tpu.memref_slice %arg8[%scan3A_34, %dma_wait3A_437] : memref<8x128xi32, #tpu.memory_space<vmem>> -> memref<1x128xi32, #tpu.memory_space<vmem>>
        %dma_wait3A_439 = tpu.memref_squeeze %dma_wait3A_438 : memref<1x128xi32, #tpu.memory_space<vmem>> -> memref<128xi32, #tpu.memory_space<vmem>>
        %dma_wait3A_440 = arith.constant 0 : i32
        %dma_wait3A_441 = arith.constant 0 : i32
        %dma_wait3A_442 = tpu.memref_slice %arg12[%dma_wait3A_440, %dma_wait3A_441] : memref<10240x128xf32, #tpu.memory_space<vmem_shared>> -> memref<10240x128xf32, #tpu.memory_space<vmem_shared>>
        tpu.wait_indirect_dma semaphore(%arg17 : memref<!tpu.dma_semaphore, #tpu.memory_space<semaphore_mem>>) src(%dma_wait3A_436 : memref<128x128xf32, #tpu.memory_space<vmem>>) dst(%dma_wait3A_442 : memref<10240x128xf32, #tpu.memory_space<vmem_shared>>)
      } else {
      }
      %add3A_253 = arith.constant 8 : i32
      %add3A_254 = arith.addi %mul3A_96, %add3A_253 : i32
      %add3A_255 = arith.constant 8 : i32
      %add3A_256 = arith.addi %mul3A_96, %add3A_255 : i32
      %dma_wait3A_257 = arith.constant 0 : i32
      %dma_wait3A_258 = tpu.memref_slice %arg3[%add3A, %add3A_256, %dma_wait3A_257] : memref<32x80x128xi32, #tpu.memory_space<hbm>> -> memref<1x8x128xi32, #tpu.memory_space<hbm>>
      %dma_wait3A_259 = tpu.memref_squeeze %dma_wait3A_258 : memref<1x8x128xi32, #tpu.memory_space<hbm>> -> memref<8x128xi32, #tpu.memory_space<hbm>>
      %dma_wait3A_260 = arith.constant 0 : i32
      %dma_wait3A_261 = tpu.memref_slice %arg3[%add3A, %add3A_256, %dma_wait3A_260] : memref<32x80x128xi32, #tpu.memory_space<hbm>> -> memref<1x8x128xi32, #tpu.memory_space<hbm>>
      %dma_wait3A_262 = tpu.memref_squeeze %dma_wait3A_261 : memref<1x8x128xi32, #tpu.memory_space<hbm>> -> memref<8x128xi32, #tpu.memory_space<hbm>>
      tpu.wait_dma2 semaphore(%arg14 : memref<!tpu.dma_semaphore, #tpu.memory_space<semaphore_mem>>) src(%dma_wait3A_262 : memref<8x128xi32, #tpu.memory_space<hbm>>) dst(%arg9 : memref<8x128xi32, #tpu.memory_space<vmem>>)
      %dma_wait3A_263 = arith.constant 0 : i32
      %dma_wait3A_264 = tpu.memref_slice %arg4[%add3A, %add3A_256, %dma_wait3A_263] : memref<32x80x128xi32, #tpu.memory_space<hbm>> -> memref<1x8x128xi32, #tpu.memory_space<hbm>>
      %dma_wait3A_265 = tpu.memref_squeeze %dma_wait3A_264 : memref<1x8x128xi32, #tpu.memory_space<hbm>> -> memref<8x128xi32, #tpu.memory_space<hbm>>
      %dma_wait3A_266 = arith.constant 0 : i32
      %dma_wait3A_267 = tpu.memref_slice %arg4[%add3A, %add3A_256, %dma_wait3A_266] : memref<32x80x128xi32, #tpu.memory_space<hbm>> -> memref<1x8x128xi32, #tpu.memory_space<hbm>>
      %dma_wait3A_268 = tpu.memref_squeeze %dma_wait3A_267 : memref<1x8x128xi32, #tpu.memory_space<hbm>> -> memref<8x128xi32, #tpu.memory_space<hbm>>
      tpu.wait_dma2 semaphore(%arg14 : memref<!tpu.dma_semaphore, #tpu.memory_space<semaphore_mem>>) src(%dma_wait3A_268 : memref<8x128xi32, #tpu.memory_space<hbm>>) dst(%arg10 : memref<8x128xi32, #tpu.memory_space<vmem>>)
      %lt3A_269 = arith.constant 80 : i32
      %lt3A_270 = arith.cmpi slt, %add3A_254, %lt3A_269 : i32
      %convert_element_type3A_271 = arith.extui %lt3A_270 : i1 to i32
      %cond3A_272 = arith.constant 0 : i32
      %cond3A_273 = arith.cmpi ne, %convert_element_type3A_271, %cond3A_272 : i32
      scf.if %cond3A_273 {
        %dma_start3A_410 = arith.constant 0 : i32
        %dma_start3A_411 = arith.constant 0 : i32
        %dma_start3A_412 = arith.constant 0 : i32
        %dma_start3A_413 = tpu.memref_slice %arg11[%dma_start3A_410, %dma_start3A_411, %dma_start3A_412] : memref<2x128x128xf32, #tpu.memory_space<vmem>> -> memref<1x128x128xf32, #tpu.memory_space<vmem>>
        %dma_start3A_414 = tpu.memref_squeeze %dma_start3A_413 : memref<1x128x128xf32, #tpu.memory_space<vmem>> -> memref<128x128xf32, #tpu.memory_space<vmem>>
        %dma_start3A_415 = arith.constant 0 : i32
        %dma_start3A_416 = tpu.memref_slice %arg9[%scan3A_35, %dma_start3A_415] : memref<8x128xi32, #tpu.memory_space<vmem>> -> memref<1x128xi32, #tpu.memory_space<vmem>>
        %dma_start3A_417 = tpu.memref_squeeze %dma_start3A_416 : memref<1x128xi32, #tpu.memory_space<vmem>> -> memref<128xi32, #tpu.memory_space<vmem>>
        %dma_start3A_418 = arith.constant 0 : i32
        %dma_start3A_419 = arith.constant 0 : i32
        %dma_start3A_420 = tpu.memref_slice %arg2[%dma_start3A_418, %dma_start3A_419] : memref<10240x128xf32, #tpu.memory_space<hbm>> -> memref<10240x128xf32, #tpu.memory_space<hbm>>
        tpu.enqueue_indirect_dma source(%dma_start3A_420 : memref<10240x128xf32, #tpu.memory_space<hbm>>) target(%dma_start3A_414 : memref<128x128xf32, #tpu.memory_space<vmem>>) offsets(%dma_start3A_417 : memref<128xi32, #tpu.memory_space<vmem>>) semaphore(%arg15 : memref<!tpu.dma_semaphore, #tpu.memory_space<semaphore_mem>>)
      } else {
      }
      %ge3A_274 = arith.constant 1 : i32
      %ge3A_275 = arith.cmpi sge, %add3A_254, %ge3A_274 : i32
      %sub3A_276 = arith.constant 1 : i32
      %sub3A_277 = arith.subi %add3A_254, %sub3A_276 : i32
      %lt3A_278 = arith.constant 80 : i32
      %lt3A_279 = arith.cmpi slt, %sub3A_277, %lt3A_278 : i32
      %and3A_280 = arith.andi %ge3A_275, %lt3A_279 : i1
      %convert_element_type3A_281 = arith.extui %and3A_280 : i1 to i32
      %cond3A_282 = arith.constant 0 : i32
      %cond3A_283 = arith.cmpi ne, %convert_element_type3A_281, %cond3A_282 : i32
      scf.if %cond3A_283 {
        %dma_wait3A_410 = arith.constant 1 : i32
        %dma_wait3A_411 = arith.constant 0 : i32
        %dma_wait3A_412 = arith.constant 0 : i32
        %dma_wait3A_413 = tpu.memref_slice %arg11[%dma_wait3A_410, %dma_wait3A_411, %dma_wait3A_412] : memref<2x128x128xf32, #tpu.memory_space<vmem>> -> memref<1x128x128xf32, #tpu.memory_space<vmem>>
        %dma_wait3A_414 = tpu.memref_squeeze %dma_wait3A_413 : memref<1x128x128xf32, #tpu.memory_space<vmem>> -> memref<128x128xf32, #tpu.memory_space<vmem>>
        %dma_wait3A_415 = arith.constant 0 : i32
        %dma_wait3A_416 = tpu.memref_slice %arg7[%scan3A_33, %dma_wait3A_415] : memref<8x128xi32, #tpu.memory_space<vmem>> -> memref<1x128xi32, #tpu.memory_space<vmem>>
        %dma_wait3A_417 = tpu.memref_squeeze %dma_wait3A_416 : memref<1x128xi32, #tpu.memory_space<vmem>> -> memref<128xi32, #tpu.memory_space<vmem>>
        %dma_wait3A_418 = arith.constant 0 : i32
        %dma_wait3A_419 = arith.constant 0 : i32
        %dma_wait3A_420 = tpu.memref_slice %arg2[%dma_wait3A_418, %dma_wait3A_419] : memref<10240x128xf32, #tpu.memory_space<hbm>> -> memref<10240x128xf32, #tpu.memory_space<hbm>>
        tpu.wait_indirect_dma semaphore(%arg16 : memref<!tpu.dma_semaphore, #tpu.memory_space<semaphore_mem>>) src(%dma_wait3A_420 : memref<10240x128xf32, #tpu.memory_space<hbm>>) dst(%dma_wait3A_414 : memref<128x128xf32, #tpu.memory_space<vmem>>)
        %dma_start3A_421 = arith.constant 1 : i32
        %dma_start3A_422 = arith.constant 0 : i32
        %dma_start3A_423 = arith.constant 0 : i32
        %dma_start3A_424 = tpu.memref_slice %arg11[%dma_start3A_421, %dma_start3A_422, %dma_start3A_423] : memref<2x128x128xf32, #tpu.memory_space<vmem>> -> memref<1x128x128xf32, #tpu.memory_space<vmem>>
        %dma_start3A_425 = tpu.memref_squeeze %dma_start3A_424 : memref<1x128x128xf32, #tpu.memory_space<vmem>> -> memref<128x128xf32, #tpu.memory_space<vmem>>
        %dma_start3A_426 = arith.constant 0 : i32
        %dma_start3A_427 = tpu.memref_slice %arg8[%scan3A_36, %dma_start3A_426] : memref<8x128xi32, #tpu.memory_space<vmem>> -> memref<1x128xi32, #tpu.memory_space<vmem>>
        %dma_start3A_428 = tpu.memref_squeeze %dma_start3A_427 : memref<1x128xi32, #tpu.memory_space<vmem>> -> memref<128xi32, #tpu.memory_space<vmem>>
        %dma_start3A_429 = arith.constant 0 : i32
        %dma_start3A_430 = arith.constant 0 : i32
        %dma_start3A_431 = tpu.memref_slice %arg12[%dma_start3A_429, %dma_start3A_430] : memref<10240x128xf32, #tpu.memory_space<vmem_shared>> -> memref<10240x128xf32, #tpu.memory_space<vmem_shared>>
        tpu.enqueue_indirect_dma source(%dma_start3A_425 : memref<128x128xf32, #tpu.memory_space<vmem>>) target(%dma_start3A_431 : memref<10240x128xf32, #tpu.memory_space<vmem_shared>>) offsets(%dma_start3A_428 : memref<128xi32, #tpu.memory_space<vmem>>) semaphore(%arg18 : memref<!tpu.dma_semaphore, #tpu.memory_space<semaphore_mem>>) {add = true}
        %dma_wait3A_432 = arith.constant 1 : i32
        %dma_wait3A_433 = arith.constant 0 : i32
        %dma_wait3A_434 = arith.constant 0 : i32
        %dma_wait3A_435 = tpu.memref_slice %arg11[%dma_wait3A_432, %dma_wait3A_433, %dma_wait3A_434] : memref<2x128x128xf32, #tpu.memory_space<vmem>> -> memref<1x128x128xf32, #tpu.memory_space<vmem>>
        %dma_wait3A_436 = tpu.memref_squeeze %dma_wait3A_435 : memref<1x128x128xf32, #tpu.memory_space<vmem>> -> memref<128x128xf32, #tpu.memory_space<vmem>>
        %dma_wait3A_437 = arith.constant 0 : i32
        %dma_wait3A_438 = tpu.memref_slice %arg8[%scan3A_36, %dma_wait3A_437] : memref<8x128xi32, #tpu.memory_space<vmem>> -> memref<1x128xi32, #tpu.memory_space<vmem>>
        %dma_wait3A_439 = tpu.memref_squeeze %dma_wait3A_438 : memref<1x128xi32, #tpu.memory_space<vmem>> -> memref<128xi32, #tpu.memory_space<vmem>>
        %dma_wait3A_440 = arith.constant 0 : i32
        %dma_wait3A_441 = arith.constant 0 : i32
        %dma_wait3A_442 = tpu.memref_slice %arg12[%dma_wait3A_440, %dma_wait3A_441] : memref<10240x128xf32, #tpu.memory_space<vmem_shared>> -> memref<10240x128xf32, #tpu.memory_space<vmem_shared>>
        tpu.wait_indirect_dma semaphore(%arg18 : memref<!tpu.dma_semaphore, #tpu.memory_space<semaphore_mem>>) src(%dma_wait3A_436 : memref<128x128xf32, #tpu.memory_space<vmem>>) dst(%dma_wait3A_442 : memref<10240x128xf32, #tpu.memory_space<vmem_shared>>)
      } else {
      }
      %add3A_284 = arith.constant 9 : i32
      %add3A_285 = arith.addi %mul3A_96, %add3A_284 : i32
      %lt3A_286 = arith.constant 80 : i32
      %lt3A_287 = arith.cmpi slt, %add3A_285, %lt3A_286 : i32
      %convert_element_type3A_288 = arith.extui %lt3A_287 : i1 to i32
      %cond3A_289 = arith.constant 0 : i32
      %cond3A_290 = arith.cmpi ne, %convert_element_type3A_288, %cond3A_289 : i32
      scf.if %cond3A_290 {
        %dma_start3A_410 = arith.constant 1 : i32
        %dma_start3A_411 = arith.constant 0 : i32
        %dma_start3A_412 = arith.constant 0 : i32
        %dma_start3A_413 = tpu.memref_slice %arg11[%dma_start3A_410, %dma_start3A_411, %dma_start3A_412] : memref<2x128x128xf32, #tpu.memory_space<vmem>> -> memref<1x128x128xf32, #tpu.memory_space<vmem>>
        %dma_start3A_414 = tpu.memref_squeeze %dma_start3A_413 : memref<1x128x128xf32, #tpu.memory_space<vmem>> -> memref<128x128xf32, #tpu.memory_space<vmem>>
        %dma_start3A_415 = arith.constant 0 : i32
        %dma_start3A_416 = tpu.memref_slice %arg9[%scan3A_37, %dma_start3A_415] : memref<8x128xi32, #tpu.memory_space<vmem>> -> memref<1x128xi32, #tpu.memory_space<vmem>>
        %dma_start3A_417 = tpu.memref_squeeze %dma_start3A_416 : memref<1x128xi32, #tpu.memory_space<vmem>> -> memref<128xi32, #tpu.memory_space<vmem>>
        %dma_start3A_418 = arith.constant 0 : i32
        %dma_start3A_419 = arith.constant 0 : i32
        %dma_start3A_420 = tpu.memref_slice %arg2[%dma_start3A_418, %dma_start3A_419] : memref<10240x128xf32, #tpu.memory_space<hbm>> -> memref<10240x128xf32, #tpu.memory_space<hbm>>
        tpu.enqueue_indirect_dma source(%dma_start3A_420 : memref<10240x128xf32, #tpu.memory_space<hbm>>) target(%dma_start3A_414 : memref<128x128xf32, #tpu.memory_space<vmem>>) offsets(%dma_start3A_417 : memref<128xi32, #tpu.memory_space<vmem>>) semaphore(%arg16 : memref<!tpu.dma_semaphore, #tpu.memory_space<semaphore_mem>>)
      } else {
      }
      %ge3A_291 = arith.constant 1 : i32
      %ge3A_292 = arith.cmpi sge, %add3A_285, %ge3A_291 : i32
      %sub3A_293 = arith.constant 1 : i32
      %sub3A_294 = arith.subi %add3A_285, %sub3A_293 : i32
      %lt3A_295 = arith.constant 80 : i32
      %lt3A_296 = arith.cmpi slt, %sub3A_294, %lt3A_295 : i32
      %and3A_297 = arith.andi %ge3A_292, %lt3A_296 : i1
      %convert_element_type3A_298 = arith.extui %and3A_297 : i1 to i32
      %cond3A_299 = arith.constant 0 : i32
      %cond3A_300 = arith.cmpi ne, %convert_element_type3A_298, %cond3A_299 : i32
      scf.if %cond3A_300 {
        %dma_wait3A_410 = arith.constant 0 : i32
        %dma_wait3A_411 = arith.constant 0 : i32
        %dma_wait3A_412 = arith.constant 0 : i32
        %dma_wait3A_413 = tpu.memref_slice %arg11[%dma_wait3A_410, %dma_wait3A_411, %dma_wait3A_412] : memref<2x128x128xf32, #tpu.memory_space<vmem>> -> memref<1x128x128xf32, #tpu.memory_space<vmem>>
        %dma_wait3A_414 = tpu.memref_squeeze %dma_wait3A_413 : memref<1x128x128xf32, #tpu.memory_space<vmem>> -> memref<128x128xf32, #tpu.memory_space<vmem>>
        %dma_wait3A_415 = arith.constant 0 : i32
        %dma_wait3A_416 = tpu.memref_slice %arg9[%scan3A_35, %dma_wait3A_415] : memref<8x128xi32, #tpu.memory_space<vmem>> -> memref<1x128xi32, #tpu.memory_space<vmem>>
        %dma_wait3A_417 = tpu.memref_squeeze %dma_wait3A_416 : memref<1x128xi32, #tpu.memory_space<vmem>> -> memref<128xi32, #tpu.memory_space<vmem>>
        %dma_wait3A_418 = arith.constant 0 : i32
        %dma_wait3A_419 = arith.constant 0 : i32
        %dma_wait3A_420 = tpu.memref_slice %arg2[%dma_wait3A_418, %dma_wait3A_419] : memref<10240x128xf32, #tpu.memory_space<hbm>> -> memref<10240x128xf32, #tpu.memory_space<hbm>>
        tpu.wait_indirect_dma semaphore(%arg15 : memref<!tpu.dma_semaphore, #tpu.memory_space<semaphore_mem>>) src(%dma_wait3A_420 : memref<10240x128xf32, #tpu.memory_space<hbm>>) dst(%dma_wait3A_414 : memref<128x128xf32, #tpu.memory_space<vmem>>)
        %dma_start3A_421 = arith.constant 0 : i32
        %dma_start3A_422 = arith.constant 0 : i32
        %dma_start3A_423 = arith.constant 0 : i32
        %dma_start3A_424 = tpu.memref_slice %arg11[%dma_start3A_421, %dma_start3A_422, %dma_start3A_423] : memref<2x128x128xf32, #tpu.memory_space<vmem>> -> memref<1x128x128xf32, #tpu.memory_space<vmem>>
        %dma_start3A_425 = tpu.memref_squeeze %dma_start3A_424 : memref<1x128x128xf32, #tpu.memory_space<vmem>> -> memref<128x128xf32, #tpu.memory_space<vmem>>
        %dma_start3A_426 = arith.constant 0 : i32
        %dma_start3A_427 = tpu.memref_slice %arg10[%scan3A_38, %dma_start3A_426] : memref<8x128xi32, #tpu.memory_space<vmem>> -> memref<1x128xi32, #tpu.memory_space<vmem>>
        %dma_start3A_428 = tpu.memref_squeeze %dma_start3A_427 : memref<1x128xi32, #tpu.memory_space<vmem>> -> memref<128xi32, #tpu.memory_space<vmem>>
        %dma_start3A_429 = arith.constant 0 : i32
        %dma_start3A_430 = arith.constant 0 : i32
        %dma_start3A_431 = tpu.memref_slice %arg12[%dma_start3A_429, %dma_start3A_430] : memref<10240x128xf32, #tpu.memory_space<vmem_shared>> -> memref<10240x128xf32, #tpu.memory_space<vmem_shared>>
        tpu.enqueue_indirect_dma source(%dma_start3A_425 : memref<128x128xf32, #tpu.memory_space<vmem>>) target(%dma_start3A_431 : memref<10240x128xf32, #tpu.memory_space<vmem_shared>>) offsets(%dma_start3A_428 : memref<128xi32, #tpu.memory_space<vmem>>) semaphore(%arg17 : memref<!tpu.dma_semaphore, #tpu.memory_space<semaphore_mem>>) {add = true}
        %dma_wait3A_432 = arith.constant 0 : i32
        %dma_wait3A_433 = arith.constant 0 : i32
        %dma_wait3A_434 = arith.constant 0 : i32
        %dma_wait3A_435 = tpu.memref_slice %arg11[%dma_wait3A_432, %dma_wait3A_433, %dma_wait3A_434] : memref<2x128x128xf32, #tpu.memory_space<vmem>> -> memref<1x128x128xf32, #tpu.memory_space<vmem>>
        %dma_wait3A_436 = tpu.memref_squeeze %dma_wait3A_435 : memref<1x128x128xf32, #tpu.memory_space<vmem>> -> memref<128x128xf32, #tpu.memory_space<vmem>>
        %dma_wait3A_437 = arith.constant 0 : i32
        %dma_wait3A_438 = tpu.memref_slice %arg10[%scan3A_38, %dma_wait3A_437] : memref<8x128xi32, #tpu.memory_space<vmem>> -> memref<1x128xi32, #tpu.memory_space<vmem>>
        %dma_wait3A_439 = tpu.memref_squeeze %dma_wait3A_438 : memref<1x128xi32, #tpu.memory_space<vmem>> -> memref<128xi32, #tpu.memory_space<vmem>>
        %dma_wait3A_440 = arith.constant 0 : i32
        %dma_wait3A_441 = arith.constant 0 : i32
        %dma_wait3A_442 = tpu.memref_slice %arg12[%dma_wait3A_440, %dma_wait3A_441] : memref<10240x128xf32, #tpu.memory_space<vmem_shared>> -> memref<10240x128xf32, #tpu.memory_space<vmem_shared>>
        tpu.wait_indirect_dma semaphore(%arg17 : memref<!tpu.dma_semaphore, #tpu.memory_space<semaphore_mem>>) src(%dma_wait3A_436 : memref<128x128xf32, #tpu.memory_space<vmem>>) dst(%dma_wait3A_442 : memref<10240x128xf32, #tpu.memory_space<vmem_shared>>)
      } else {
      }
      %add3A_301 = arith.constant 10 : i32
      %add3A_302 = arith.addi %mul3A_96, %add3A_301 : i32
      %add3A_303 = arith.constant 1 : i32
      %add3A_304 = arith.addi %scan3A_94, %add3A_303 : i32
      %lt3A_305 = arith.constant 5 : i32
      %lt3A_306 = arith.cmpi slt, %add3A_304, %lt3A_305 : i32
      %convert_element_type3A_307 = arith.extui %lt3A_306 : i1 to i32
      %cond3A_308 = arith.constant 0 : i32
      %cond3A_309 = arith.cmpi ne, %convert_element_type3A_307, %cond3A_308 : i32
      scf.if %cond3A_309 {
        %add3A_410 = arith.constant 16 : i32
        %add3A_411 = arith.addi %mul3A_96, %add3A_410 : i32
        %dma_start3A_412 = arith.constant 0 : i32
        %dma_start3A_413 = tpu.memref_slice %arg3[%add3A, %add3A_411, %dma_start3A_412] : memref<32x80x128xi32, #tpu.memory_space<hbm>> -> memref<1x8x128xi32, #tpu.memory_space<hbm>>
        %dma_start3A_414 = tpu.memref_squeeze %dma_start3A_413 : memref<1x8x128xi32, #tpu.memory_space<hbm>> -> memref<8x128xi32, #tpu.memory_space<hbm>>
        %dma_start3A_415 = arith.constant 0 : i32
        %dma_start3A_416 = tpu.memref_slice %arg3[%add3A, %add3A_411, %dma_start3A_415] : memref<32x80x128xi32, #tpu.memory_space<hbm>> -> memref<1x8x128xi32, #tpu.memory_space<hbm>>
        %dma_start3A_417 = tpu.memref_squeeze %dma_start3A_416 : memref<1x8x128xi32, #tpu.memory_space<hbm>> -> memref<8x128xi32, #tpu.memory_space<hbm>>
        tpu.enqueue_dma source(%dma_start3A_417 : memref<8x128xi32, #tpu.memory_space<hbm>>) target(%arg7 : memref<8x128xi32, #tpu.memory_space<vmem>>) target_semaphore(%arg13 : memref<!tpu.dma_semaphore, #tpu.memory_space<semaphore_mem>>)
        %dma_start3A_418 = arith.constant 0 : i32
        %dma_start3A_419 = tpu.memref_slice %arg4[%add3A, %add3A_411, %dma_start3A_418] : memref<32x80x128xi32, #tpu.memory_space<hbm>> -> memref<1x8x128xi32, #tpu.memory_space<hbm>>
        %dma_start3A_420 = tpu.memref_squeeze %dma_start3A_419 : memref<1x8x128xi32, #tpu.memory_space<hbm>> -> memref<8x128xi32, #tpu.memory_space<hbm>>
        %dma_start3A_421 = arith.constant 0 : i32
        %dma_start3A_422 = tpu.memref_slice %arg4[%add3A, %add3A_411, %dma_start3A_421] : memref<32x80x128xi32, #tpu.memory_space<hbm>> -> memref<1x8x128xi32, #tpu.memory_space<hbm>>
        %dma_start3A_423 = tpu.memref_squeeze %dma_start3A_422 : memref<1x8x128xi32, #tpu.memory_space<hbm>> -> memref<8x128xi32, #tpu.memory_space<hbm>>
        tpu.enqueue_dma source(%dma_start3A_423 : memref<8x128xi32, #tpu.memory_space<hbm>>) target(%arg8 : memref<8x128xi32, #tpu.memory_space<vmem>>) target_semaphore(%arg13 : memref<!tpu.dma_semaphore, #tpu.memory_space<semaphore_mem>>)
      } else {
      }
      %lt3A_310 = arith.constant 80 : i32
      %lt3A_311 = arith.cmpi slt, %add3A_302, %lt3A_310 : i32
      %convert_element_type3A_312 = arith.extui %lt3A_311 : i1 to i32
      %cond3A_313 = arith.constant 0 : i32
      %cond3A_314 = arith.cmpi ne, %convert_element_type3A_312, %cond3A_313 : i32
      scf.if %cond3A_314 {
        %dma_start3A_410 = arith.constant 0 : i32
        %dma_start3A_411 = arith.constant 0 : i32
        %dma_start3A_412 = arith.constant 0 : i32
        %dma_start3A_413 = tpu.memref_slice %arg11[%dma_start3A_410, %dma_start3A_411, %dma_start3A_412] : memref<2x128x128xf32, #tpu.memory_space<vmem>> -> memref<1x128x128xf32, #tpu.memory_space<vmem>>
        %dma_start3A_414 = tpu.memref_squeeze %dma_start3A_413 : memref<1x128x128xf32, #tpu.memory_space<vmem>> -> memref<128x128xf32, #tpu.memory_space<vmem>>
        %dma_start3A_415 = arith.constant 0 : i32
        %dma_start3A_416 = tpu.memref_slice %arg9[%scan3A_39, %dma_start3A_415] : memref<8x128xi32, #tpu.memory_space<vmem>> -> memref<1x128xi32, #tpu.memory_space<vmem>>
        %dma_start3A_417 = tpu.memref_squeeze %dma_start3A_416 : memref<1x128xi32, #tpu.memory_space<vmem>> -> memref<128xi32, #tpu.memory_space<vmem>>
        %dma_start3A_418 = arith.constant 0 : i32
        %dma_start3A_419 = arith.constant 0 : i32
        %dma_start3A_420 = tpu.memref_slice %arg2[%dma_start3A_418, %dma_start3A_419] : memref<10240x128xf32, #tpu.memory_space<hbm>> -> memref<10240x128xf32, #tpu.memory_space<hbm>>
        tpu.enqueue_indirect_dma source(%dma_start3A_420 : memref<10240x128xf32, #tpu.memory_space<hbm>>) target(%dma_start3A_414 : memref<128x128xf32, #tpu.memory_space<vmem>>) offsets(%dma_start3A_417 : memref<128xi32, #tpu.memory_space<vmem>>) semaphore(%arg15 : memref<!tpu.dma_semaphore, #tpu.memory_space<semaphore_mem>>)
      } else {
      }
      %ge3A_315 = arith.constant 1 : i32
      %ge3A_316 = arith.cmpi sge, %add3A_302, %ge3A_315 : i32
      %sub3A_317 = arith.constant 1 : i32
      %sub3A_318 = arith.subi %add3A_302, %sub3A_317 : i32
      %lt3A_319 = arith.constant 80 : i32
      %lt3A_320 = arith.cmpi slt, %sub3A_318, %lt3A_319 : i32
      %and3A_321 = arith.andi %ge3A_316, %lt3A_320 : i1
      %convert_element_type3A_322 = arith.extui %and3A_321 : i1 to i32
      %cond3A_323 = arith.constant 0 : i32
      %cond3A_324 = arith.cmpi ne, %convert_element_type3A_322, %cond3A_323 : i32
      scf.if %cond3A_324 {
        %dma_wait3A_410 = arith.constant 1 : i32
        %dma_wait3A_411 = arith.constant 0 : i32
        %dma_wait3A_412 = arith.constant 0 : i32
        %dma_wait3A_413 = tpu.memref_slice %arg11[%dma_wait3A_410, %dma_wait3A_411, %dma_wait3A_412] : memref<2x128x128xf32, #tpu.memory_space<vmem>> -> memref<1x128x128xf32, #tpu.memory_space<vmem>>
        %dma_wait3A_414 = tpu.memref_squeeze %dma_wait3A_413 : memref<1x128x128xf32, #tpu.memory_space<vmem>> -> memref<128x128xf32, #tpu.memory_space<vmem>>
        %dma_wait3A_415 = arith.constant 0 : i32
        %dma_wait3A_416 = tpu.memref_slice %arg9[%scan3A_37, %dma_wait3A_415] : memref<8x128xi32, #tpu.memory_space<vmem>> -> memref<1x128xi32, #tpu.memory_space<vmem>>
        %dma_wait3A_417 = tpu.memref_squeeze %dma_wait3A_416 : memref<1x128xi32, #tpu.memory_space<vmem>> -> memref<128xi32, #tpu.memory_space<vmem>>
        %dma_wait3A_418 = arith.constant 0 : i32
        %dma_wait3A_419 = arith.constant 0 : i32
        %dma_wait3A_420 = tpu.memref_slice %arg2[%dma_wait3A_418, %dma_wait3A_419] : memref<10240x128xf32, #tpu.memory_space<hbm>> -> memref<10240x128xf32, #tpu.memory_space<hbm>>
        tpu.wait_indirect_dma semaphore(%arg16 : memref<!tpu.dma_semaphore, #tpu.memory_space<semaphore_mem>>) src(%dma_wait3A_420 : memref<10240x128xf32, #tpu.memory_space<hbm>>) dst(%dma_wait3A_414 : memref<128x128xf32, #tpu.memory_space<vmem>>)
        %dma_start3A_421 = arith.constant 1 : i32
        %dma_start3A_422 = arith.constant 0 : i32
        %dma_start3A_423 = arith.constant 0 : i32
        %dma_start3A_424 = tpu.memref_slice %arg11[%dma_start3A_421, %dma_start3A_422, %dma_start3A_423] : memref<2x128x128xf32, #tpu.memory_space<vmem>> -> memref<1x128x128xf32, #tpu.memory_space<vmem>>
        %dma_start3A_425 = tpu.memref_squeeze %dma_start3A_424 : memref<1x128x128xf32, #tpu.memory_space<vmem>> -> memref<128x128xf32, #tpu.memory_space<vmem>>
        %dma_start3A_426 = arith.constant 0 : i32
        %dma_start3A_427 = tpu.memref_slice %arg10[%scan3A_40, %dma_start3A_426] : memref<8x128xi32, #tpu.memory_space<vmem>> -> memref<1x128xi32, #tpu.memory_space<vmem>>
        %dma_start3A_428 = tpu.memref_squeeze %dma_start3A_427 : memref<1x128xi32, #tpu.memory_space<vmem>> -> memref<128xi32, #tpu.memory_space<vmem>>
        %dma_start3A_429 = arith.constant 0 : i32
        %dma_start3A_430 = arith.constant 0 : i32
        %dma_start3A_431 = tpu.memref_slice %arg12[%dma_start3A_429, %dma_start3A_430] : memref<10240x128xf32, #tpu.memory_space<vmem_shared>> -> memref<10240x128xf32, #tpu.memory_space<vmem_shared>>
        tpu.enqueue_indirect_dma source(%dma_start3A_425 : memref<128x128xf32, #tpu.memory_space<vmem>>) target(%dma_start3A_431 : memref<10240x128xf32, #tpu.memory_space<vmem_shared>>) offsets(%dma_start3A_428 : memref<128xi32, #tpu.memory_space<vmem>>) semaphore(%arg18 : memref<!tpu.dma_semaphore, #tpu.memory_space<semaphore_mem>>) {add = true}
        %dma_wait3A_432 = arith.constant 1 : i32
        %dma_wait3A_433 = arith.constant 0 : i32
        %dma_wait3A_434 = arith.constant 0 : i32
        %dma_wait3A_435 = tpu.memref_slice %arg11[%dma_wait3A_432, %dma_wait3A_433, %dma_wait3A_434] : memref<2x128x128xf32, #tpu.memory_space<vmem>> -> memref<1x128x128xf32, #tpu.memory_space<vmem>>
        %dma_wait3A_436 = tpu.memref_squeeze %dma_wait3A_435 : memref<1x128x128xf32, #tpu.memory_space<vmem>> -> memref<128x128xf32, #tpu.memory_space<vmem>>
        %dma_wait3A_437 = arith.constant 0 : i32
        %dma_wait3A_438 = tpu.memref_slice %arg10[%scan3A_40, %dma_wait3A_437] : memref<8x128xi32, #tpu.memory_space<vmem>> -> memref<1x128xi32, #tpu.memory_space<vmem>>
        %dma_wait3A_439 = tpu.memref_squeeze %dma_wait3A_438 : memref<1x128xi32, #tpu.memory_space<vmem>> -> memref<128xi32, #tpu.memory_space<vmem>>
        %dma_wait3A_440 = arith.constant 0 : i32
        %dma_wait3A_441 = arith.constant 0 : i32
        %dma_wait3A_442 = tpu.memref_slice %arg12[%dma_wait3A_440, %dma_wait3A_441] : memref<10240x128xf32, #tpu.memory_space<vmem_shared>> -> memref<10240x128xf32, #tpu.memory_space<vmem_shared>>
        tpu.wait_indirect_dma semaphore(%arg18 : memref<!tpu.dma_semaphore, #tpu.memory_space<semaphore_mem>>) src(%dma_wait3A_436 : memref<128x128xf32, #tpu.memory_space<vmem>>) dst(%dma_wait3A_442 : memref<10240x128xf32, #tpu.memory_space<vmem_shared>>)
      } else {
      }
      %add3A_325 = arith.constant 11 : i32
      %add3A_326 = arith.addi %mul3A_96, %add3A_325 : i32
      %lt3A_327 = arith.constant 80 : i32
      %lt3A_328 = arith.cmpi slt, %add3A_326, %lt3A_327 : i32
      %convert_element_type3A_329 = arith.extui %lt3A_328 : i1 to i32
      %cond3A_330 = arith.constant 0 : i32
      %cond3A_331 = arith.cmpi ne, %convert_element_type3A_329, %cond3A_330 : i32
      scf.if %cond3A_331 {
        %dma_start3A_410 = arith.constant 1 : i32
        %dma_start3A_411 = arith.constant 0 : i32
        %dma_start3A_412 = arith.constant 0 : i32
        %dma_start3A_413 = tpu.memref_slice %arg11[%dma_start3A_410, %dma_start3A_411, %dma_start3A_412] : memref<2x128x128xf32, #tpu.memory_space<vmem>> -> memref<1x128x128xf32, #tpu.memory_space<vmem>>
        %dma_start3A_414 = tpu.memref_squeeze %dma_start3A_413 : memref<1x128x128xf32, #tpu.memory_space<vmem>> -> memref<128x128xf32, #tpu.memory_space<vmem>>
        %dma_start3A_415 = arith.constant 0 : i32
        %dma_start3A_416 = tpu.memref_slice %arg9[%scan3A_41, %dma_start3A_415] : memref<8x128xi32, #tpu.memory_space<vmem>> -> memref<1x128xi32, #tpu.memory_space<vmem>>
        %dma_start3A_417 = tpu.memref_squeeze %dma_start3A_416 : memref<1x128xi32, #tpu.memory_space<vmem>> -> memref<128xi32, #tpu.memory_space<vmem>>
        %dma_start3A_418 = arith.constant 0 : i32
        %dma_start3A_419 = arith.constant 0 : i32
        %dma_start3A_420 = tpu.memref_slice %arg2[%dma_start3A_418, %dma_start3A_419] : memref<10240x128xf32, #tpu.memory_space<hbm>> -> memref<10240x128xf32, #tpu.memory_space<hbm>>
        tpu.enqueue_indirect_dma source(%dma_start3A_420 : memref<10240x128xf32, #tpu.memory_space<hbm>>) target(%dma_start3A_414 : memref<128x128xf32, #tpu.memory_space<vmem>>) offsets(%dma_start3A_417 : memref<128xi32, #tpu.memory_space<vmem>>) semaphore(%arg16 : memref<!tpu.dma_semaphore, #tpu.memory_space<semaphore_mem>>)
      } else {
      }
      %ge3A_332 = arith.constant 1 : i32
      %ge3A_333 = arith.cmpi sge, %add3A_326, %ge3A_332 : i32
      %sub3A_334 = arith.constant 1 : i32
      %sub3A_335 = arith.subi %add3A_326, %sub3A_334 : i32
      %lt3A_336 = arith.constant 80 : i32
      %lt3A_337 = arith.cmpi slt, %sub3A_335, %lt3A_336 : i32
      %and3A_338 = arith.andi %ge3A_333, %lt3A_337 : i1
      %convert_element_type3A_339 = arith.extui %and3A_338 : i1 to i32
      %cond3A_340 = arith.constant 0 : i32
      %cond3A_341 = arith.cmpi ne, %convert_element_type3A_339, %cond3A_340 : i32
      scf.if %cond3A_341 {
        %dma_wait3A_410 = arith.constant 0 : i32
        %dma_wait3A_411 = arith.constant 0 : i32
        %dma_wait3A_412 = arith.constant 0 : i32
        %dma_wait3A_413 = tpu.memref_slice %arg11[%dma_wait3A_410, %dma_wait3A_411, %dma_wait3A_412] : memref<2x128x128xf32, #tpu.memory_space<vmem>> -> memref<1x128x128xf32, #tpu.memory_space<vmem>>
        %dma_wait3A_414 = tpu.memref_squeeze %dma_wait3A_413 : memref<1x128x128xf32, #tpu.memory_space<vmem>> -> memref<128x128xf32, #tpu.memory_space<vmem>>
        %dma_wait3A_415 = arith.constant 0 : i32
        %dma_wait3A_416 = tpu.memref_slice %arg9[%scan3A_39, %dma_wait3A_415] : memref<8x128xi32, #tpu.memory_space<vmem>> -> memref<1x128xi32, #tpu.memory_space<vmem>>
        %dma_wait3A_417 = tpu.memref_squeeze %dma_wait3A_416 : memref<1x128xi32, #tpu.memory_space<vmem>> -> memref<128xi32, #tpu.memory_space<vmem>>
        %dma_wait3A_418 = arith.constant 0 : i32
        %dma_wait3A_419 = arith.constant 0 : i32
        %dma_wait3A_420 = tpu.memref_slice %arg2[%dma_wait3A_418, %dma_wait3A_419] : memref<10240x128xf32, #tpu.memory_space<hbm>> -> memref<10240x128xf32, #tpu.memory_space<hbm>>
        tpu.wait_indirect_dma semaphore(%arg15 : memref<!tpu.dma_semaphore, #tpu.memory_space<semaphore_mem>>) src(%dma_wait3A_420 : memref<10240x128xf32, #tpu.memory_space<hbm>>) dst(%dma_wait3A_414 : memref<128x128xf32, #tpu.memory_space<vmem>>)
        %dma_start3A_421 = arith.constant 0 : i32
        %dma_start3A_422 = arith.constant 0 : i32
        %dma_start3A_423 = arith.constant 0 : i32
        %dma_start3A_424 = tpu.memref_slice %arg11[%dma_start3A_421, %dma_start3A_422, %dma_start3A_423] : memref<2x128x128xf32, #tpu.memory_space<vmem>> -> memref<1x128x128xf32, #tpu.memory_space<vmem>>
        %dma_start3A_425 = tpu.memref_squeeze %dma_start3A_424 : memref<1x128x128xf32, #tpu.memory_space<vmem>> -> memref<128x128xf32, #tpu.memory_space<vmem>>
        %dma_start3A_426 = arith.constant 0 : i32
        %dma_start3A_427 = tpu.memref_slice %arg10[%scan3A_42, %dma_start3A_426] : memref<8x128xi32, #tpu.memory_space<vmem>> -> memref<1x128xi32, #tpu.memory_space<vmem>>
        %dma_start3A_428 = tpu.memref_squeeze %dma_start3A_427 : memref<1x128xi32, #tpu.memory_space<vmem>> -> memref<128xi32, #tpu.memory_space<vmem>>
        %dma_start3A_429 = arith.constant 0 : i32
        %dma_start3A_430 = arith.constant 0 : i32
        %dma_start3A_431 = tpu.memref_slice %arg12[%dma_start3A_429, %dma_start3A_430] : memref<10240x128xf32, #tpu.memory_space<vmem_shared>> -> memref<10240x128xf32, #tpu.memory_space<vmem_shared>>
        tpu.enqueue_indirect_dma source(%dma_start3A_425 : memref<128x128xf32, #tpu.memory_space<vmem>>) target(%dma_start3A_431 : memref<10240x128xf32, #tpu.memory_space<vmem_shared>>) offsets(%dma_start3A_428 : memref<128xi32, #tpu.memory_space<vmem>>) semaphore(%arg17 : memref<!tpu.dma_semaphore, #tpu.memory_space<semaphore_mem>>) {add = true}
        %dma_wait3A_432 = arith.constant 0 : i32
        %dma_wait3A_433 = arith.constant 0 : i32
        %dma_wait3A_434 = arith.constant 0 : i32
        %dma_wait3A_435 = tpu.memref_slice %arg11[%dma_wait3A_432, %dma_wait3A_433, %dma_wait3A_434] : memref<2x128x128xf32, #tpu.memory_space<vmem>> -> memref<1x128x128xf32, #tpu.memory_space<vmem>>
        %dma_wait3A_436 = tpu.memref_squeeze %dma_wait3A_435 : memref<1x128x128xf32, #tpu.memory_space<vmem>> -> memref<128x128xf32, #tpu.memory_space<vmem>>
        %dma_wait3A_437 = arith.constant 0 : i32
        %dma_wait3A_438 = tpu.memref_slice %arg10[%scan3A_42, %dma_wait3A_437] : memref<8x128xi32, #tpu.memory_space<vmem>> -> memref<1x128xi32, #tpu.memory_space<vmem>>
        %dma_wait3A_439 = tpu.memref_squeeze %dma_wait3A_438 : memref<1x128xi32, #tpu.memory_space<vmem>> -> memref<128xi32, #tpu.memory_space<vmem>>
        %dma_wait3A_440 = arith.constant 0 : i32
        %dma_wait3A_441 = arith.constant 0 : i32
        %dma_wait3A_442 = tpu.memref_slice %arg12[%dma_wait3A_440, %dma_wait3A_441] : memref<10240x128xf32, #tpu.memory_space<vmem_shared>> -> memref<10240x128xf32, #tpu.memory_space<vmem_shared>>
        tpu.wait_indirect_dma semaphore(%arg17 : memref<!tpu.dma_semaphore, #tpu.memory_space<semaphore_mem>>) src(%dma_wait3A_436 : memref<128x128xf32, #tpu.memory_space<vmem>>) dst(%dma_wait3A_442 : memref<10240x128xf32, #tpu.memory_space<vmem_shared>>)
      } else {
      }
      %add3A_342 = arith.constant 12 : i32
      %add3A_343 = arith.addi %mul3A_96, %add3A_342 : i32
      %lt3A_344 = arith.constant 80 : i32
      %lt3A_345 = arith.cmpi slt, %add3A_343, %lt3A_344 : i32
      %convert_element_type3A_346 = arith.extui %lt3A_345 : i1 to i32
      %cond3A_347 = arith.constant 0 : i32
      %cond3A_348 = arith.cmpi ne, %convert_element_type3A_346, %cond3A_347 : i32
      scf.if %cond3A_348 {
        %dma_start3A_410 = arith.constant 0 : i32
        %dma_start3A_411 = arith.constant 0 : i32
        %dma_start3A_412 = arith.constant 0 : i32
        %dma_start3A_413 = tpu.memref_slice %arg11[%dma_start3A_410, %dma_start3A_411, %dma_start3A_412] : memref<2x128x128xf32, #tpu.memory_space<vmem>> -> memref<1x128x128xf32, #tpu.memory_space<vmem>>
        %dma_start3A_414 = tpu.memref_squeeze %dma_start3A_413 : memref<1x128x128xf32, #tpu.memory_space<vmem>> -> memref<128x128xf32, #tpu.memory_space<vmem>>
        %dma_start3A_415 = arith.constant 0 : i32
        %dma_start3A_416 = tpu.memref_slice %arg9[%scan3A_43, %dma_start3A_415] : memref<8x128xi32, #tpu.memory_space<vmem>> -> memref<1x128xi32, #tpu.memory_space<vmem>>
        %dma_start3A_417 = tpu.memref_squeeze %dma_start3A_416 : memref<1x128xi32, #tpu.memory_space<vmem>> -> memref<128xi32, #tpu.memory_space<vmem>>
        %dma_start3A_418 = arith.constant 0 : i32
        %dma_start3A_419 = arith.constant 0 : i32
        %dma_start3A_420 = tpu.memref_slice %arg2[%dma_start3A_418, %dma_start3A_419] : memref<10240x128xf32, #tpu.memory_space<hbm>> -> memref<10240x128xf32, #tpu.memory_space<hbm>>
        tpu.enqueue_indirect_dma source(%dma_start3A_420 : memref<10240x128xf32, #tpu.memory_space<hbm>>) target(%dma_start3A_414 : memref<128x128xf32, #tpu.memory_space<vmem>>) offsets(%dma_start3A_417 : memref<128xi32, #tpu.memory_space<vmem>>) semaphore(%arg15 : memref<!tpu.dma_semaphore, #tpu.memory_space<semaphore_mem>>)
      } else {
      }
      %ge3A_349 = arith.constant 1 : i32
      %ge3A_350 = arith.cmpi sge, %add3A_343, %ge3A_349 : i32
      %sub3A_351 = arith.constant 1 : i32
      %sub3A_352 = arith.subi %add3A_343, %sub3A_351 : i32
      %lt3A_353 = arith.constant 80 : i32
      %lt3A_354 = arith.cmpi slt, %sub3A_352, %lt3A_353 : i32
      %and3A_355 = arith.andi %ge3A_350, %lt3A_354 : i1
      %convert_element_type3A_356 = arith.extui %and3A_355 : i1 to i32
      %cond3A_357 = arith.constant 0 : i32
      %cond3A_358 = arith.cmpi ne, %convert_element_type3A_356, %cond3A_357 : i32
      scf.if %cond3A_358 {
        %dma_wait3A_410 = arith.constant 1 : i32
        %dma_wait3A_411 = arith.constant 0 : i32
        %dma_wait3A_412 = arith.constant 0 : i32
        %dma_wait3A_413 = tpu.memref_slice %arg11[%dma_wait3A_410, %dma_wait3A_411, %dma_wait3A_412] : memref<2x128x128xf32, #tpu.memory_space<vmem>> -> memref<1x128x128xf32, #tpu.memory_space<vmem>>
        %dma_wait3A_414 = tpu.memref_squeeze %dma_wait3A_413 : memref<1x128x128xf32, #tpu.memory_space<vmem>> -> memref<128x128xf32, #tpu.memory_space<vmem>>
        %dma_wait3A_415 = arith.constant 0 : i32
        %dma_wait3A_416 = tpu.memref_slice %arg9[%scan3A_41, %dma_wait3A_415] : memref<8x128xi32, #tpu.memory_space<vmem>> -> memref<1x128xi32, #tpu.memory_space<vmem>>
        %dma_wait3A_417 = tpu.memref_squeeze %dma_wait3A_416 : memref<1x128xi32, #tpu.memory_space<vmem>> -> memref<128xi32, #tpu.memory_space<vmem>>
        %dma_wait3A_418 = arith.constant 0 : i32
        %dma_wait3A_419 = arith.constant 0 : i32
        %dma_wait3A_420 = tpu.memref_slice %arg2[%dma_wait3A_418, %dma_wait3A_419] : memref<10240x128xf32, #tpu.memory_space<hbm>> -> memref<10240x128xf32, #tpu.memory_space<hbm>>
        tpu.wait_indirect_dma semaphore(%arg16 : memref<!tpu.dma_semaphore, #tpu.memory_space<semaphore_mem>>) src(%dma_wait3A_420 : memref<10240x128xf32, #tpu.memory_space<hbm>>) dst(%dma_wait3A_414 : memref<128x128xf32, #tpu.memory_space<vmem>>)
        %dma_start3A_421 = arith.constant 1 : i32
        %dma_start3A_422 = arith.constant 0 : i32
        %dma_start3A_423 = arith.constant 0 : i32
        %dma_start3A_424 = tpu.memref_slice %arg11[%dma_start3A_421, %dma_start3A_422, %dma_start3A_423] : memref<2x128x128xf32, #tpu.memory_space<vmem>> -> memref<1x128x128xf32, #tpu.memory_space<vmem>>
        %dma_start3A_425 = tpu.memref_squeeze %dma_start3A_424 : memref<1x128x128xf32, #tpu.memory_space<vmem>> -> memref<128x128xf32, #tpu.memory_space<vmem>>
        %dma_start3A_426 = arith.constant 0 : i32
        %dma_start3A_427 = tpu.memref_slice %arg10[%scan3A_44, %dma_start3A_426] : memref<8x128xi32, #tpu.memory_space<vmem>> -> memref<1x128xi32, #tpu.memory_space<vmem>>
        %dma_start3A_428 = tpu.memref_squeeze %dma_start3A_427 : memref<1x128xi32, #tpu.memory_space<vmem>> -> memref<128xi32, #tpu.memory_space<vmem>>
        %dma_start3A_429 = arith.constant 0 : i32
        %dma_start3A_430 = arith.constant 0 : i32
        %dma_start3A_431 = tpu.memref_slice %arg12[%dma_start3A_429, %dma_start3A_430] : memref<10240x128xf32, #tpu.memory_space<vmem_shared>> -> memref<10240x128xf32, #tpu.memory_space<vmem_shared>>
        tpu.enqueue_indirect_dma source(%dma_start3A_425 : memref<128x128xf32, #tpu.memory_space<vmem>>) target(%dma_start3A_431 : memref<10240x128xf32, #tpu.memory_space<vmem_shared>>) offsets(%dma_start3A_428 : memref<128xi32, #tpu.memory_space<vmem>>) semaphore(%arg18 : memref<!tpu.dma_semaphore, #tpu.memory_space<semaphore_mem>>) {add = true}
        %dma_wait3A_432 = arith.constant 1 : i32
        %dma_wait3A_433 = arith.constant 0 : i32
        %dma_wait3A_434 = arith.constant 0 : i32
        %dma_wait3A_435 = tpu.memref_slice %arg11[%dma_wait3A_432, %dma_wait3A_433, %dma_wait3A_434] : memref<2x128x128xf32, #tpu.memory_space<vmem>> -> memref<1x128x128xf32, #tpu.memory_space<vmem>>
        %dma_wait3A_436 = tpu.memref_squeeze %dma_wait3A_435 : memref<1x128x128xf32, #tpu.memory_space<vmem>> -> memref<128x128xf32, #tpu.memory_space<vmem>>
        %dma_wait3A_437 = arith.constant 0 : i32
        %dma_wait3A_438 = tpu.memref_slice %arg10[%scan3A_44, %dma_wait3A_437] : memref<8x128xi32, #tpu.memory_space<vmem>> -> memref<1x128xi32, #tpu.memory_space<vmem>>
        %dma_wait3A_439 = tpu.memref_squeeze %dma_wait3A_438 : memref<1x128xi32, #tpu.memory_space<vmem>> -> memref<128xi32, #tpu.memory_space<vmem>>
        %dma_wait3A_440 = arith.constant 0 : i32
        %dma_wait3A_441 = arith.constant 0 : i32
        %dma_wait3A_442 = tpu.memref_slice %arg12[%dma_wait3A_440, %dma_wait3A_441] : memref<10240x128xf32, #tpu.memory_space<vmem_shared>> -> memref<10240x128xf32, #tpu.memory_space<vmem_shared>>
        tpu.wait_indirect_dma semaphore(%arg18 : memref<!tpu.dma_semaphore, #tpu.memory_space<semaphore_mem>>) src(%dma_wait3A_436 : memref<128x128xf32, #tpu.memory_space<vmem>>) dst(%dma_wait3A_442 : memref<10240x128xf32, #tpu.memory_space<vmem_shared>>)
      } else {
      }
      %add3A_359 = arith.constant 13 : i32
      %add3A_360 = arith.addi %mul3A_96, %add3A_359 : i32
      %lt3A_361 = arith.constant 80 : i32
      %lt3A_362 = arith.cmpi slt, %add3A_360, %lt3A_361 : i32
      %convert_element_type3A_363 = arith.extui %lt3A_362 : i1 to i32
      %cond3A_364 = arith.constant 0 : i32
      %cond3A_365 = arith.cmpi ne, %convert_element_type3A_363, %cond3A_364 : i32
      scf.if %cond3A_365 {
        %dma_start3A_410 = arith.constant 1 : i32
        %dma_start3A_411 = arith.constant 0 : i32
        %dma_start3A_412 = arith.constant 0 : i32
        %dma_start3A_413 = tpu.memref_slice %arg11[%dma_start3A_410, %dma_start3A_411, %dma_start3A_412] : memref<2x128x128xf32, #tpu.memory_space<vmem>> -> memref<1x128x128xf32, #tpu.memory_space<vmem>>
        %dma_start3A_414 = tpu.memref_squeeze %dma_start3A_413 : memref<1x128x128xf32, #tpu.memory_space<vmem>> -> memref<128x128xf32, #tpu.memory_space<vmem>>
        %dma_start3A_415 = arith.constant 0 : i32
        %dma_start3A_416 = tpu.memref_slice %arg9[%scan3A_45, %dma_start3A_415] : memref<8x128xi32, #tpu.memory_space<vmem>> -> memref<1x128xi32, #tpu.memory_space<vmem>>
        %dma_start3A_417 = tpu.memref_squeeze %dma_start3A_416 : memref<1x128xi32, #tpu.memory_space<vmem>> -> memref<128xi32, #tpu.memory_space<vmem>>
        %dma_start3A_418 = arith.constant 0 : i32
        %dma_start3A_419 = arith.constant 0 : i32
        %dma_start3A_420 = tpu.memref_slice %arg2[%dma_start3A_418, %dma_start3A_419] : memref<10240x128xf32, #tpu.memory_space<hbm>> -> memref<10240x128xf32, #tpu.memory_space<hbm>>
        tpu.enqueue_indirect_dma source(%dma_start3A_420 : memref<10240x128xf32, #tpu.memory_space<hbm>>) target(%dma_start3A_414 : memref<128x128xf32, #tpu.memory_space<vmem>>) offsets(%dma_start3A_417 : memref<128xi32, #tpu.memory_space<vmem>>) semaphore(%arg16 : memref<!tpu.dma_semaphore, #tpu.memory_space<semaphore_mem>>)
      } else {
      }
      %ge3A_366 = arith.constant 1 : i32
      %ge3A_367 = arith.cmpi sge, %add3A_360, %ge3A_366 : i32
      %sub3A_368 = arith.constant 1 : i32
      %sub3A_369 = arith.subi %add3A_360, %sub3A_368 : i32
      %lt3A_370 = arith.constant 80 : i32
      %lt3A_371 = arith.cmpi slt, %sub3A_369, %lt3A_370 : i32
      %and3A_372 = arith.andi %ge3A_367, %lt3A_371 : i1
      %convert_element_type3A_373 = arith.extui %and3A_372 : i1 to i32
      %cond3A_374 = arith.constant 0 : i32
      %cond3A_375 = arith.cmpi ne, %convert_element_type3A_373, %cond3A_374 : i32
      scf.if %cond3A_375 {
        %dma_wait3A_410 = arith.constant 0 : i32
        %dma_wait3A_411 = arith.constant 0 : i32
        %dma_wait3A_412 = arith.constant 0 : i32
        %dma_wait3A_413 = tpu.memref_slice %arg11[%dma_wait3A_410, %dma_wait3A_411, %dma_wait3A_412] : memref<2x128x128xf32, #tpu.memory_space<vmem>> -> memref<1x128x128xf32, #tpu.memory_space<vmem>>
        %dma_wait3A_414 = tpu.memref_squeeze %dma_wait3A_413 : memref<1x128x128xf32, #tpu.memory_space<vmem>> -> memref<128x128xf32, #tpu.memory_space<vmem>>
        %dma_wait3A_415 = arith.constant 0 : i32
        %dma_wait3A_416 = tpu.memref_slice %arg9[%scan3A_43, %dma_wait3A_415] : memref<8x128xi32, #tpu.memory_space<vmem>> -> memref<1x128xi32, #tpu.memory_space<vmem>>
        %dma_wait3A_417 = tpu.memref_squeeze %dma_wait3A_416 : memref<1x128xi32, #tpu.memory_space<vmem>> -> memref<128xi32, #tpu.memory_space<vmem>>
        %dma_wait3A_418 = arith.constant 0 : i32
        %dma_wait3A_419 = arith.constant 0 : i32
        %dma_wait3A_420 = tpu.memref_slice %arg2[%dma_wait3A_418, %dma_wait3A_419] : memref<10240x128xf32, #tpu.memory_space<hbm>> -> memref<10240x128xf32, #tpu.memory_space<hbm>>
        tpu.wait_indirect_dma semaphore(%arg15 : memref<!tpu.dma_semaphore, #tpu.memory_space<semaphore_mem>>) src(%dma_wait3A_420 : memref<10240x128xf32, #tpu.memory_space<hbm>>) dst(%dma_wait3A_414 : memref<128x128xf32, #tpu.memory_space<vmem>>)
        %dma_start3A_421 = arith.constant 0 : i32
        %dma_start3A_422 = arith.constant 0 : i32
        %dma_start3A_423 = arith.constant 0 : i32
        %dma_start3A_424 = tpu.memref_slice %arg11[%dma_start3A_421, %dma_start3A_422, %dma_start3A_423] : memref<2x128x128xf32, #tpu.memory_space<vmem>> -> memref<1x128x128xf32, #tpu.memory_space<vmem>>
        %dma_start3A_425 = tpu.memref_squeeze %dma_start3A_424 : memref<1x128x128xf32, #tpu.memory_space<vmem>> -> memref<128x128xf32, #tpu.memory_space<vmem>>
        %dma_start3A_426 = arith.constant 0 : i32
        %dma_start3A_427 = tpu.memref_slice %arg10[%scan3A_46, %dma_start3A_426] : memref<8x128xi32, #tpu.memory_space<vmem>> -> memref<1x128xi32, #tpu.memory_space<vmem>>
        %dma_start3A_428 = tpu.memref_squeeze %dma_start3A_427 : memref<1x128xi32, #tpu.memory_space<vmem>> -> memref<128xi32, #tpu.memory_space<vmem>>
        %dma_start3A_429 = arith.constant 0 : i32
        %dma_start3A_430 = arith.constant 0 : i32
        %dma_start3A_431 = tpu.memref_slice %arg12[%dma_start3A_429, %dma_start3A_430] : memref<10240x128xf32, #tpu.memory_space<vmem_shared>> -> memref<10240x128xf32, #tpu.memory_space<vmem_shared>>
        tpu.enqueue_indirect_dma source(%dma_start3A_425 : memref<128x128xf32, #tpu.memory_space<vmem>>) target(%dma_start3A_431 : memref<10240x128xf32, #tpu.memory_space<vmem_shared>>) offsets(%dma_start3A_428 : memref<128xi32, #tpu.memory_space<vmem>>) semaphore(%arg17 : memref<!tpu.dma_semaphore, #tpu.memory_space<semaphore_mem>>) {add = true}
        %dma_wait3A_432 = arith.constant 0 : i32
        %dma_wait3A_433 = arith.constant 0 : i32
        %dma_wait3A_434 = arith.constant 0 : i32
        %dma_wait3A_435 = tpu.memref_slice %arg11[%dma_wait3A_432, %dma_wait3A_433, %dma_wait3A_434] : memref<2x128x128xf32, #tpu.memory_space<vmem>> -> memref<1x128x128xf32, #tpu.memory_space<vmem>>
        %dma_wait3A_436 = tpu.memref_squeeze %dma_wait3A_435 : memref<1x128x128xf32, #tpu.memory_space<vmem>> -> memref<128x128xf32, #tpu.memory_space<vmem>>
        %dma_wait3A_437 = arith.constant 0 : i32
        %dma_wait3A_438 = tpu.memref_slice %arg10[%scan3A_46, %dma_wait3A_437] : memref<8x128xi32, #tpu.memory_space<vmem>> -> memref<1x128xi32, #tpu.memory_space<vmem>>
        %dma_wait3A_439 = tpu.memref_squeeze %dma_wait3A_438 : memref<1x128xi32, #tpu.memory_space<vmem>> -> memref<128xi32, #tpu.memory_space<vmem>>
        %dma_wait3A_440 = arith.constant 0 : i32
        %dma_wait3A_441 = arith.constant 0 : i32
        %dma_wait3A_442 = tpu.memref_slice %arg12[%dma_wait3A_440, %dma_wait3A_441] : memref<10240x128xf32, #tpu.memory_space<vmem_shared>> -> memref<10240x128xf32, #tpu.memory_space<vmem_shared>>
        tpu.wait_indirect_dma semaphore(%arg17 : memref<!tpu.dma_semaphore, #tpu.memory_space<semaphore_mem>>) src(%dma_wait3A_436 : memref<128x128xf32, #tpu.memory_space<vmem>>) dst(%dma_wait3A_442 : memref<10240x128xf32, #tpu.memory_space<vmem_shared>>)
      } else {
      }
      %add3A_376 = arith.constant 14 : i32
      %add3A_377 = arith.addi %mul3A_96, %add3A_376 : i32
      %lt3A_378 = arith.constant 80 : i32
      %lt3A_379 = arith.cmpi slt, %add3A_377, %lt3A_378 : i32
      %convert_element_type3A_380 = arith.extui %lt3A_379 : i1 to i32
      %cond3A_381 = arith.constant 0 : i32
      %cond3A_382 = arith.cmpi ne, %convert_element_type3A_380, %cond3A_381 : i32
      scf.if %cond3A_382 {
        %dma_start3A_410 = arith.constant 0 : i32
        %dma_start3A_411 = arith.constant 0 : i32
        %dma_start3A_412 = arith.constant 0 : i32
        %dma_start3A_413 = tpu.memref_slice %arg11[%dma_start3A_410, %dma_start3A_411, %dma_start3A_412] : memref<2x128x128xf32, #tpu.memory_space<vmem>> -> memref<1x128x128xf32, #tpu.memory_space<vmem>>
        %dma_start3A_414 = tpu.memref_squeeze %dma_start3A_413 : memref<1x128x128xf32, #tpu.memory_space<vmem>> -> memref<128x128xf32, #tpu.memory_space<vmem>>
        %dma_start3A_415 = arith.constant 0 : i32
        %dma_start3A_416 = tpu.memref_slice %arg9[%scan3A_47, %dma_start3A_415] : memref<8x128xi32, #tpu.memory_space<vmem>> -> memref<1x128xi32, #tpu.memory_space<vmem>>
        %dma_start3A_417 = tpu.memref_squeeze %dma_start3A_416 : memref<1x128xi32, #tpu.memory_space<vmem>> -> memref<128xi32, #tpu.memory_space<vmem>>
        %dma_start3A_418 = arith.constant 0 : i32
        %dma_start3A_419 = arith.constant 0 : i32
        %dma_start3A_420 = tpu.memref_slice %arg2[%dma_start3A_418, %dma_start3A_419] : memref<10240x128xf32, #tpu.memory_space<hbm>> -> memref<10240x128xf32, #tpu.memory_space<hbm>>
        tpu.enqueue_indirect_dma source(%dma_start3A_420 : memref<10240x128xf32, #tpu.memory_space<hbm>>) target(%dma_start3A_414 : memref<128x128xf32, #tpu.memory_space<vmem>>) offsets(%dma_start3A_417 : memref<128xi32, #tpu.memory_space<vmem>>) semaphore(%arg15 : memref<!tpu.dma_semaphore, #tpu.memory_space<semaphore_mem>>)
      } else {
      }
      %ge3A_383 = arith.constant 1 : i32
      %ge3A_384 = arith.cmpi sge, %add3A_377, %ge3A_383 : i32
      %sub3A_385 = arith.constant 1 : i32
      %sub3A_386 = arith.subi %add3A_377, %sub3A_385 : i32
      %lt3A_387 = arith.constant 80 : i32
      %lt3A_388 = arith.cmpi slt, %sub3A_386, %lt3A_387 : i32
      %and3A_389 = arith.andi %ge3A_384, %lt3A_388 : i1
      %convert_element_type3A_390 = arith.extui %and3A_389 : i1 to i32
      %cond3A_391 = arith.constant 0 : i32
      %cond3A_392 = arith.cmpi ne, %convert_element_type3A_390, %cond3A_391 : i32
      scf.if %cond3A_392 {
        %dma_wait3A_410 = arith.constant 1 : i32
        %dma_wait3A_411 = arith.constant 0 : i32
        %dma_wait3A_412 = arith.constant 0 : i32
        %dma_wait3A_413 = tpu.memref_slice %arg11[%dma_wait3A_410, %dma_wait3A_411, %dma_wait3A_412] : memref<2x128x128xf32, #tpu.memory_space<vmem>> -> memref<1x128x128xf32, #tpu.memory_space<vmem>>
        %dma_wait3A_414 = tpu.memref_squeeze %dma_wait3A_413 : memref<1x128x128xf32, #tpu.memory_space<vmem>> -> memref<128x128xf32, #tpu.memory_space<vmem>>
        %dma_wait3A_415 = arith.constant 0 : i32
        %dma_wait3A_416 = tpu.memref_slice %arg9[%scan3A_45, %dma_wait3A_415] : memref<8x128xi32, #tpu.memory_space<vmem>> -> memref<1x128xi32, #tpu.memory_space<vmem>>
        %dma_wait3A_417 = tpu.memref_squeeze %dma_wait3A_416 : memref<1x128xi32, #tpu.memory_space<vmem>> -> memref<128xi32, #tpu.memory_space<vmem>>
        %dma_wait3A_418 = arith.constant 0 : i32
        %dma_wait3A_419 = arith.constant 0 : i32
        %dma_wait3A_420 = tpu.memref_slice %arg2[%dma_wait3A_418, %dma_wait3A_419] : memref<10240x128xf32, #tpu.memory_space<hbm>> -> memref<10240x128xf32, #tpu.memory_space<hbm>>
        tpu.wait_indirect_dma semaphore(%arg16 : memref<!tpu.dma_semaphore, #tpu.memory_space<semaphore_mem>>) src(%dma_wait3A_420 : memref<10240x128xf32, #tpu.memory_space<hbm>>) dst(%dma_wait3A_414 : memref<128x128xf32, #tpu.memory_space<vmem>>)
        %dma_start3A_421 = arith.constant 1 : i32
        %dma_start3A_422 = arith.constant 0 : i32
        %dma_start3A_423 = arith.constant 0 : i32
        %dma_start3A_424 = tpu.memref_slice %arg11[%dma_start3A_421, %dma_start3A_422, %dma_start3A_423] : memref<2x128x128xf32, #tpu.memory_space<vmem>> -> memref<1x128x128xf32, #tpu.memory_space<vmem>>
        %dma_start3A_425 = tpu.memref_squeeze %dma_start3A_424 : memref<1x128x128xf32, #tpu.memory_space<vmem>> -> memref<128x128xf32, #tpu.memory_space<vmem>>
        %dma_start3A_426 = arith.constant 0 : i32
        %dma_start3A_427 = tpu.memref_slice %arg10[%scan3A_48, %dma_start3A_426] : memref<8x128xi32, #tpu.memory_space<vmem>> -> memref<1x128xi32, #tpu.memory_space<vmem>>
        %dma_start3A_428 = tpu.memref_squeeze %dma_start3A_427 : memref<1x128xi32, #tpu.memory_space<vmem>> -> memref<128xi32, #tpu.memory_space<vmem>>
        %dma_start3A_429 = arith.constant 0 : i32
        %dma_start3A_430 = arith.constant 0 : i32
        %dma_start3A_431 = tpu.memref_slice %arg12[%dma_start3A_429, %dma_start3A_430] : memref<10240x128xf32, #tpu.memory_space<vmem_shared>> -> memref<10240x128xf32, #tpu.memory_space<vmem_shared>>
        tpu.enqueue_indirect_dma source(%dma_start3A_425 : memref<128x128xf32, #tpu.memory_space<vmem>>) target(%dma_start3A_431 : memref<10240x128xf32, #tpu.memory_space<vmem_shared>>) offsets(%dma_start3A_428 : memref<128xi32, #tpu.memory_space<vmem>>) semaphore(%arg18 : memref<!tpu.dma_semaphore, #tpu.memory_space<semaphore_mem>>) {add = true}
        %dma_wait3A_432 = arith.constant 1 : i32
        %dma_wait3A_433 = arith.constant 0 : i32
        %dma_wait3A_434 = arith.constant 0 : i32
        %dma_wait3A_435 = tpu.memref_slice %arg11[%dma_wait3A_432, %dma_wait3A_433, %dma_wait3A_434] : memref<2x128x128xf32, #tpu.memory_space<vmem>> -> memref<1x128x128xf32, #tpu.memory_space<vmem>>
        %dma_wait3A_436 = tpu.memref_squeeze %dma_wait3A_435 : memref<1x128x128xf32, #tpu.memory_space<vmem>> -> memref<128x128xf32, #tpu.memory_space<vmem>>
        %dma_wait3A_437 = arith.constant 0 : i32
        %dma_wait3A_438 = tpu.memref_slice %arg10[%scan3A_48, %dma_wait3A_437] : memref<8x128xi32, #tpu.memory_space<vmem>> -> memref<1x128xi32, #tpu.memory_space<vmem>>
        %dma_wait3A_439 = tpu.memref_squeeze %dma_wait3A_438 : memref<1x128xi32, #tpu.memory_space<vmem>> -> memref<128xi32, #tpu.memory_space<vmem>>
        %dma_wait3A_440 = arith.constant 0 : i32
        %dma_wait3A_441 = arith.constant 0 : i32
        %dma_wait3A_442 = tpu.memref_slice %arg12[%dma_wait3A_440, %dma_wait3A_441] : memref<10240x128xf32, #tpu.memory_space<vmem_shared>> -> memref<10240x128xf32, #tpu.memory_space<vmem_shared>>
        tpu.wait_indirect_dma semaphore(%arg18 : memref<!tpu.dma_semaphore, #tpu.memory_space<semaphore_mem>>) src(%dma_wait3A_436 : memref<128x128xf32, #tpu.memory_space<vmem>>) dst(%dma_wait3A_442 : memref<10240x128xf32, #tpu.memory_space<vmem_shared>>)
      } else {
      }
      %add3A_393 = arith.constant 15 : i32
      %add3A_394 = arith.addi %mul3A_96, %add3A_393 : i32
      %lt3A_395 = arith.constant 80 : i32
      %lt3A_396 = arith.cmpi slt, %add3A_394, %lt3A_395 : i32
      %convert_element_type3A_397 = arith.extui %lt3A_396 : i1 to i32
      %cond3A_398 = arith.constant 0 : i32
      %cond3A_399 = arith.cmpi ne, %convert_element_type3A_397, %cond3A_398 : i32
      scf.if %cond3A_399 {
        %dma_start3A_410 = arith.constant 1 : i32
        %dma_start3A_411 = arith.constant 0 : i32
        %dma_start3A_412 = arith.constant 0 : i32
        %dma_start3A_413 = tpu.memref_slice %arg11[%dma_start3A_410, %dma_start3A_411, %dma_start3A_412] : memref<2x128x128xf32, #tpu.memory_space<vmem>> -> memref<1x128x128xf32, #tpu.memory_space<vmem>>
        %dma_start3A_414 = tpu.memref_squeeze %dma_start3A_413 : memref<1x128x128xf32, #tpu.memory_space<vmem>> -> memref<128x128xf32, #tpu.memory_space<vmem>>
        %dma_start3A_415 = arith.constant 0 : i32
        %dma_start3A_416 = tpu.memref_slice %arg9[%scan3A_19, %dma_start3A_415] : memref<8x128xi32, #tpu.memory_space<vmem>> -> memref<1x128xi32, #tpu.memory_space<vmem>>
        %dma_start3A_417 = tpu.memref_squeeze %dma_start3A_416 : memref<1x128xi32, #tpu.memory_space<vmem>> -> memref<128xi32, #tpu.memory_space<vmem>>
        %dma_start3A_418 = arith.constant 0 : i32
        %dma_start3A_419 = arith.constant 0 : i32
        %dma_start3A_420 = tpu.memref_slice %arg2[%dma_start3A_418, %dma_start3A_419] : memref<10240x128xf32, #tpu.memory_space<hbm>> -> memref<10240x128xf32, #tpu.memory_space<hbm>>
        tpu.enqueue_indirect_dma source(%dma_start3A_420 : memref<10240x128xf32, #tpu.memory_space<hbm>>) target(%dma_start3A_414 : memref<128x128xf32, #tpu.memory_space<vmem>>) offsets(%dma_start3A_417 : memref<128xi32, #tpu.memory_space<vmem>>) semaphore(%arg16 : memref<!tpu.dma_semaphore, #tpu.memory_space<semaphore_mem>>)
      } else {
      }
      %ge3A_400 = arith.constant 1 : i32
      %ge3A_401 = arith.cmpi sge, %add3A_394, %ge3A_400 : i32
      %sub3A_402 = arith.constant 1 : i32
      %sub3A_403 = arith.subi %add3A_394, %sub3A_402 : i32
      %lt3A_404 = arith.constant 80 : i32
      %lt3A_405 = arith.cmpi slt, %sub3A_403, %lt3A_404 : i32
      %and3A_406 = arith.andi %ge3A_401, %lt3A_405 : i1
      %convert_element_type3A_407 = arith.extui %and3A_406 : i1 to i32
      %cond3A_408 = arith.constant 0 : i32
      %cond3A_409 = arith.cmpi ne, %convert_element_type3A_407, %cond3A_408 : i32
      scf.if %cond3A_409 {
        %dma_wait3A_410 = arith.constant 0 : i32
        %dma_wait3A_411 = arith.constant 0 : i32
        %dma_wait3A_412 = arith.constant 0 : i32
        %dma_wait3A_413 = tpu.memref_slice %arg11[%dma_wait3A_410, %dma_wait3A_411, %dma_wait3A_412] : memref<2x128x128xf32, #tpu.memory_space<vmem>> -> memref<1x128x128xf32, #tpu.memory_space<vmem>>
        %dma_wait3A_414 = tpu.memref_squeeze %dma_wait3A_413 : memref<1x128x128xf32, #tpu.memory_space<vmem>> -> memref<128x128xf32, #tpu.memory_space<vmem>>
        %dma_wait3A_415 = arith.constant 0 : i32
        %dma_wait3A_416 = tpu.memref_slice %arg9[%scan3A_47, %dma_wait3A_415] : memref<8x128xi32, #tpu.memory_space<vmem>> -> memref<1x128xi32, #tpu.memory_space<vmem>>
        %dma_wait3A_417 = tpu.memref_squeeze %dma_wait3A_416 : memref<1x128xi32, #tpu.memory_space<vmem>> -> memref<128xi32, #tpu.memory_space<vmem>>
        %dma_wait3A_418 = arith.constant 0 : i32
        %dma_wait3A_419 = arith.constant 0 : i32
        %dma_wait3A_420 = tpu.memref_slice %arg2[%dma_wait3A_418, %dma_wait3A_419] : memref<10240x128xf32, #tpu.memory_space<hbm>> -> memref<10240x128xf32, #tpu.memory_space<hbm>>
        tpu.wait_indirect_dma semaphore(%arg15 : memref<!tpu.dma_semaphore, #tpu.memory_space<semaphore_mem>>) src(%dma_wait3A_420 : memref<10240x128xf32, #tpu.memory_space<hbm>>) dst(%dma_wait3A_414 : memref<128x128xf32, #tpu.memory_space<vmem>>)
        %dma_start3A_421 = arith.constant 0 : i32
        %dma_start3A_422 = arith.constant 0 : i32
        %dma_start3A_423 = arith.constant 0 : i32
        %dma_start3A_424 = tpu.memref_slice %arg11[%dma_start3A_421, %dma_start3A_422, %dma_start3A_423] : memref<2x128x128xf32, #tpu.memory_space<vmem>> -> memref<1x128x128xf32, #tpu.memory_space<vmem>>
        %dma_start3A_425 = tpu.memref_squeeze %dma_start3A_424 : memref<1x128x128xf32, #tpu.memory_space<vmem>> -> memref<128x128xf32, #tpu.memory_space<vmem>>
        %dma_start3A_426 = arith.constant 0 : i32
        %dma_start3A_427 = tpu.memref_slice %arg10[%scan3A_49, %dma_start3A_426] : memref<8x128xi32, #tpu.memory_space<vmem>> -> memref<1x128xi32, #tpu.memory_space<vmem>>
        %dma_start3A_428 = tpu.memref_squeeze %dma_start3A_427 : memref<1x128xi32, #tpu.memory_space<vmem>> -> memref<128xi32, #tpu.memory_space<vmem>>
        %dma_start3A_429 = arith.constant 0 : i32
        %dma_start3A_430 = arith.constant 0 : i32
        %dma_start3A_431 = tpu.memref_slice %arg12[%dma_start3A_429, %dma_start3A_430] : memref<10240x128xf32, #tpu.memory_space<vmem_shared>> -> memref<10240x128xf32, #tpu.memory_space<vmem_shared>>
        tpu.enqueue_indirect_dma source(%dma_start3A_425 : memref<128x128xf32, #tpu.memory_space<vmem>>) target(%dma_start3A_431 : memref<10240x128xf32, #tpu.memory_space<vmem_shared>>) offsets(%dma_start3A_428 : memref<128xi32, #tpu.memory_space<vmem>>) semaphore(%arg17 : memref<!tpu.dma_semaphore, #tpu.memory_space<semaphore_mem>>) {add = true}
        %dma_wait3A_432 = arith.constant 0 : i32
        %dma_wait3A_433 = arith.constant 0 : i32
        %dma_wait3A_434 = arith.constant 0 : i32
        %dma_wait3A_435 = tpu.memref_slice %arg11[%dma_wait3A_432, %dma_wait3A_433, %dma_wait3A_434] : memref<2x128x128xf32, #tpu.memory_space<vmem>> -> memref<1x128x128xf32, #tpu.memory_space<vmem>>
        %dma_wait3A_436 = tpu.memref_squeeze %dma_wait3A_435 : memref<1x128x128xf32, #tpu.memory_space<vmem>> -> memref<128x128xf32, #tpu.memory_space<vmem>>
        %dma_wait3A_437 = arith.constant 0 : i32
        %dma_wait3A_438 = tpu.memref_slice %arg10[%scan3A_49, %dma_wait3A_437] : memref<8x128xi32, #tpu.memory_space<vmem>> -> memref<1x128xi32, #tpu.memory_space<vmem>>
        %dma_wait3A_439 = tpu.memref_squeeze %dma_wait3A_438 : memref<1x128xi32, #tpu.memory_space<vmem>> -> memref<128xi32, #tpu.memory_space<vmem>>
        %dma_wait3A_440 = arith.constant 0 : i32
        %dma_wait3A_441 = arith.constant 0 : i32
        %dma_wait3A_442 = tpu.memref_slice %arg12[%dma_wait3A_440, %dma_wait3A_441] : memref<10240x128xf32, #tpu.memory_space<vmem_shared>> -> memref<10240x128xf32, #tpu.memory_space<vmem_shared>>
        tpu.wait_indirect_dma semaphore(%arg17 : memref<!tpu.dma_semaphore, #tpu.memory_space<semaphore_mem>>) src(%dma_wait3A_436 : memref<128x128xf32, #tpu.memory_space<vmem>>) dst(%dma_wait3A_442 : memref<10240x128xf32, #tpu.memory_space<vmem_shared>>)
      } else {
      }
    }
    %scan3A_54 = arith.constant 5 : i32
    %dma_wait3A = arith.constant 7 : i32
    %dma_wait3A_55 = arith.constant 1 : i32
    %dma_wait3A_56 = arith.constant 0 : i32
    %dma_wait3A_57 = arith.constant 0 : i32
    %dma_wait3A_58 = tpu.memref_slice %arg11[%dma_wait3A_55, %dma_wait3A_56, %dma_wait3A_57] : memref<2x128x128xf32, #tpu.memory_space<vmem>> -> memref<1x128x128xf32, #tpu.memory_space<vmem>>
    %dma_wait3A_59 = tpu.memref_squeeze %dma_wait3A_58 : memref<1x128x128xf32, #tpu.memory_space<vmem>> -> memref<128x128xf32, #tpu.memory_space<vmem>>
    %dma_wait3A_60 = arith.constant 0 : i32
    %dma_wait3A_61 = tpu.memref_slice %arg9[%dma_wait3A, %dma_wait3A_60] : memref<8x128xi32, #tpu.memory_space<vmem>> -> memref<1x128xi32, #tpu.memory_space<vmem>>
    %dma_wait3A_62 = tpu.memref_squeeze %dma_wait3A_61 : memref<1x128xi32, #tpu.memory_space<vmem>> -> memref<128xi32, #tpu.memory_space<vmem>>
    %dma_wait3A_63 = arith.constant 0 : i32
    %dma_wait3A_64 = arith.constant 0 : i32
    %dma_wait3A_65 = tpu.memref_slice %arg2[%dma_wait3A_63, %dma_wait3A_64] : memref<10240x128xf32, #tpu.memory_space<hbm>> -> memref<10240x128xf32, #tpu.memory_space<hbm>>
    tpu.wait_indirect_dma semaphore(%arg16 : memref<!tpu.dma_semaphore, #tpu.memory_space<semaphore_mem>>) src(%dma_wait3A_65 : memref<10240x128xf32, #tpu.memory_space<hbm>>) dst(%dma_wait3A_59 : memref<128x128xf32, #tpu.memory_space<vmem>>)
    %dma_start3A_66 = arith.constant 1 : i32
    %dma_start3A_67 = arith.constant 7 : i32
    %dma_start3A_68 = arith.constant 0 : i32
    %dma_start3A_69 = arith.constant 0 : i32
    %dma_start3A_70 = tpu.memref_slice %arg11[%dma_start3A_66, %dma_start3A_68, %dma_start3A_69] : memref<2x128x128xf32, #tpu.memory_space<vmem>> -> memref<1x128x128xf32, #tpu.memory_space<vmem>>
    %dma_start3A_71 = tpu.memref_squeeze %dma_start3A_70 : memref<1x128x128xf32, #tpu.memory_space<vmem>> -> memref<128x128xf32, #tpu.memory_space<vmem>>
    %dma_start3A_72 = arith.constant 0 : i32
    %dma_start3A_73 = tpu.memref_slice %arg10[%dma_start3A_67, %dma_start3A_72] : memref<8x128xi32, #tpu.memory_space<vmem>> -> memref<1x128xi32, #tpu.memory_space<vmem>>
    %dma_start3A_74 = tpu.memref_squeeze %dma_start3A_73 : memref<1x128xi32, #tpu.memory_space<vmem>> -> memref<128xi32, #tpu.memory_space<vmem>>
    %dma_start3A_75 = arith.constant 0 : i32
    %dma_start3A_76 = arith.constant 0 : i32
    %dma_start3A_77 = tpu.memref_slice %arg12[%dma_start3A_75, %dma_start3A_76] : memref<10240x128xf32, #tpu.memory_space<vmem_shared>> -> memref<10240x128xf32, #tpu.memory_space<vmem_shared>>
    tpu.enqueue_indirect_dma source(%dma_start3A_71 : memref<128x128xf32, #tpu.memory_space<vmem>>) target(%dma_start3A_77 : memref<10240x128xf32, #tpu.memory_space<vmem_shared>>) offsets(%dma_start3A_74 : memref<128xi32, #tpu.memory_space<vmem>>) semaphore(%arg18 : memref<!tpu.dma_semaphore, #tpu.memory_space<semaphore_mem>>) {add = true}
    %dma_wait3A_78 = arith.constant 1 : i32
    %dma_wait3A_79 = arith.constant 7 : i32
    %dma_wait3A_80 = arith.constant 0 : i32
    %dma_wait3A_81 = arith.constant 0 : i32
    %dma_wait3A_82 = tpu.memref_slice %arg11[%dma_wait3A_78, %dma_wait3A_80, %dma_wait3A_81] : memref<2x128x128xf32, #tpu.memory_space<vmem>> -> memref<1x128x128xf32, #tpu.memory_space<vmem>>
    %dma_wait3A_83 = tpu.memref_squeeze %dma_wait3A_82 : memref<1x128x128xf32, #tpu.memory_space<vmem>> -> memref<128x128xf32, #tpu.memory_space<vmem>>
    %dma_wait3A_84 = arith.constant 0 : i32
    %dma_wait3A_85 = tpu.memref_slice %arg10[%dma_wait3A_79, %dma_wait3A_84] : memref<8x128xi32, #tpu.memory_space<vmem>> -> memref<1x128xi32, #tpu.memory_space<vmem>>
    %dma_wait3A_86 = tpu.memref_squeeze %dma_wait3A_85 : memref<1x128xi32, #tpu.memory_space<vmem>> -> memref<128xi32, #tpu.memory_space<vmem>>
    %dma_wait3A_87 = arith.constant 0 : i32
    %dma_wait3A_88 = arith.constant 0 : i32
    %dma_wait3A_89 = tpu.memref_slice %arg12[%dma_wait3A_87, %dma_wait3A_88] : memref<10240x128xf32, #tpu.memory_space<vmem_shared>> -> memref<10240x128xf32, #tpu.memory_space<vmem_shared>>
    tpu.wait_indirect_dma semaphore(%arg18 : memref<!tpu.dma_semaphore, #tpu.memory_space<semaphore_mem>>) src(%dma_wait3A_83 : memref<128x128xf32, #tpu.memory_space<vmem>>) dst(%dma_wait3A_89 : memref<10240x128xf32, #tpu.memory_space<vmem_shared>>)
    %barrier3A_90 = arith.constant 0 : index
    tpu.barrier barrier_id(%barrier3A_90)
    %mul3A_91 = arith.constant 10240 : i32
    %mul3A_92 = arith.muli %arg0, %mul3A_91 : i32
    %add3A_93 = arith.addi %mul3A_92, %mul3A_0 : i32
    "tpu.region"() ({
      %run_scoped3A = tpu.sem_alloc : memref<!tpu.dma_semaphore, #tpu.memory_space<semaphore_mem>>
      %dma_start3A_94 = arith.constant 0 : i32
      %dma_start3A_95 = tpu.memref_slice %arg6[%add3A_93, %dma_start3A_94] : memref<20480x128xf32, #tpu.memory_space<hbm>> -> memref<640x128xf32, #tpu.memory_space<hbm>>
      %dma_start3A_96 = arith.constant 0 : i32
      %dma_start3A_97 = tpu.memref_slice %arg12[%mul3A_0, %dma_start3A_96] : memref<10240x128xf32, #tpu.memory_space<vmem_shared>> -> memref<640x128xf32, #tpu.memory_space<vmem_shared>>
      tpu.enqueue_dma source(%dma_start3A_97 : memref<640x128xf32, #tpu.memory_space<vmem_shared>>) target(%dma_start3A_95 : memref<640x128xf32, #tpu.memory_space<hbm>>) target_semaphore(%run_scoped3A : memref<!tpu.dma_semaphore, #tpu.memory_space<semaphore_mem>>)
      %dma_wait3A_98 = arith.constant 0 : i32
      %dma_wait3A_99 = tpu.memref_slice %arg6[%add3A_93, %dma_wait3A_98] : memref<20480x128xf32, #tpu.memory_space<hbm>> -> memref<640x128xf32, #tpu.memory_space<hbm>>
      %dma_wait3A_100 = arith.constant 0 : i32
      %dma_wait3A_101 = tpu.memref_slice %arg12[%mul3A_0, %dma_wait3A_100] : memref<10240x128xf32, #tpu.memory_space<vmem_shared>> -> memref<640x128xf32, #tpu.memory_space<vmem_shared>>
      tpu.wait_dma2 semaphore(%run_scoped3A : memref<!tpu.dma_semaphore, #tpu.memory_space<semaphore_mem>>) src(%dma_wait3A_101 : memref<640x128xf32, #tpu.memory_space<vmem_shared>>) dst(%dma_wait3A_99 : memref<640x128xf32, #tpu.memory_space<hbm>>)
      tpu.yield
    }) : () -> ()
    return
  }
}

module attributes {stable_mosaic.version = 14 : i64} {
  func.func @_b1_body(%arg0: i32, %arg1: memref<640x128xf32, #tpu.memory_space<vmem>>, %arg2: memref<128x256xf32, #tpu.memory_space<vmem>>, %arg3: memref<640x1xf32, #tpu.memory_space<vmem>>, %arg4: memref<2x640x128xf32, #tpu.memory_space<vmem>>) attributes {dimension_semantics = [#tpu.dimension_semantics<arbitrary>], iteration_bounds = array<i64: 16>, scalar_prefetch = 0 : i64, scratch_operands = 0 : i64, tpu.core_type = #tpu.core_type<tc>, window_params = [{transform_indices = @transform_0, window_bounds = array<i64: 640, 128>}, {pipeline_mode = #tpu.pipeline_mode<synchronous>, transform_indices = @transform_1, window_bounds = array<i64: 128, 256>}, {transform_indices = @transform_2, window_bounds = array<i64: 640, 1>}, {transform_indices = @transform_3, window_bounds = array<i64: 2, 640, 128>}]} {
    %get3A = arith.constant 0 : index
    %get3A_0 = arith.constant 0 : index
    %get3A_1 = vector.load %arg1[%get3A, %get3A_0] : memref<640x128xf32, #tpu.memory_space<vmem>>, vector<640x128xf32>
    %get3A_2 = arith.constant 0 : index
    %get3A_3 = arith.constant 0 : index
    %get3A_4 = vector.load %arg2[%get3A_2, %get3A_3] : memref<128x256xf32, #tpu.memory_space<vmem>>, vector<128x256xf32>
    %dot_general3A = arith.constant dense<0.000000e+00> : vector<640x256xf32>
    %dot_general3A_5 = tpu.matmul %get3A_1, %get3A_4, %dot_general3A {dimension_numbers = #tpu.dot_dimension_numbers<[1], [0], [0], [1], [0, 0, 1, 1], [], []>, transpose_lhs_hint = false} : vector<640x128xf32>, vector<128x256xf32>, vector<640x256xf32> -> vector<640x256xf32>
    %get3A_6 = arith.constant 0 : index
    %get3A_7 = arith.constant 0 : index
    %get3A_8 = vector.load %arg3[%get3A_6, %get3A_7] : memref<640x1xf32, #tpu.memory_space<vmem>>, vector<640x1xf32>
    %max3A = arith.constant 1.000000e+00 : f32
    %max3A_9 = vector.broadcast %max3A : f32 to vector<640x1xf32>
    %max3A_10 = arith.maximumf %get3A_8, %max3A_9 : vector<640x1xf32>
    %rsqrt3A = math.rsqrt %max3A_10 : vector<640x1xf32>
    %slice3A = vector.extract_strided_slice %dot_general3A_5 {offsets = [0, 0], sizes = [640, 128], strides = [1, 1]} : vector<640x256xf32> to vector<640x128xf32>
    %mul3A = vector.broadcast %rsqrt3A : vector<640x1xf32> to vector<640x128xf32>
    %mul3A_11 = arith.mulf %slice3A, %mul3A : vector<640x128xf32>
    %swap3A = arith.constant 0 : index
    %swap3A_12 = arith.constant 0 : index
    %swap3A_13 = arith.constant 0 : index
    %swap3A_14 = vector.load %arg4[%swap3A, %swap3A_12, %swap3A_13] : memref<2x640x128xf32, #tpu.memory_space<vmem>>, vector<1x640x128xf32>
    %swap3A_15 = vector.shape_cast %swap3A_14 : vector<1x640x128xf32> to vector<640x128xf32>
    %swap3A_16 = vector.shape_cast %mul3A_11 : vector<640x128xf32> to vector<1x640x128xf32>
    tpu.vector_store %arg4[%swap3A, %swap3A_12, %swap3A_13], %swap3A_16 {strides = array<i32>} : memref<2x640x128xf32, #tpu.memory_space<vmem>>, vector<1x640x128xf32>,
    %slice3A_17 = vector.extract_strided_slice %dot_general3A_5 {offsets = [0, 128], sizes = [640, 128], strides = [1, 1]} : vector<640x256xf32> to vector<640x128xf32>
    %mul3A_18 = vector.broadcast %rsqrt3A : vector<640x1xf32> to vector<640x128xf32>
    %mul3A_19 = arith.mulf %slice3A_17, %mul3A_18 : vector<640x128xf32>
    %swap3A_20 = arith.constant 1 : index
    %swap3A_21 = arith.constant 0 : index
    %swap3A_22 = arith.constant 0 : index
    %swap3A_23 = vector.load %arg4[%swap3A_20, %swap3A_21, %swap3A_22] : memref<2x640x128xf32, #tpu.memory_space<vmem>>, vector<1x640x128xf32>
    %swap3A_24 = vector.shape_cast %swap3A_23 : vector<1x640x128xf32> to vector<640x128xf32>
    %swap3A_25 = vector.shape_cast %mul3A_19 : vector<640x128xf32> to vector<1x640x128xf32>
    tpu.vector_store %arg4[%swap3A_20, %swap3A_21, %swap3A_22], %swap3A_25 {strides = array<i32>} : memref<2x640x128xf32, #tpu.memory_space<vmem>>, vector<1x640x128xf32>,
    return
  }
  func.func @transform_0(%arg0: i32) -> (i32, i32) {
    %c0_i32 = arith.constant 0 : i32
    %c0_i32_0 = arith.constant 0 : i32
    return %arg0, %c0_i32 : i32, i32
  }
  func.func @transform_1(%arg0: i32) -> (i32, i32) {
    %c0_i32 = arith.constant 0 : i32
    %c0_i32_0 = arith.constant 0 : i32
    %c0_i32_1 = arith.constant 0 : i32
    return %c0_i32, %c0_i32_0 : i32, i32
  }
  func.func @transform_2(%arg0: i32) -> (i32, i32) {
    %c0_i32 = arith.constant 0 : i32
    %c0_i32_0 = arith.constant 0 : i32
    return %arg0, %c0_i32 : i32, i32
  }
  func.func @transform_3(%arg0: i32) -> (i32, i32, i32) {
    %c0_i32 = arith.constant 0 : i32
    %c0_i32_0 = arith.constant 0 : i32
    %c0_i32_1 = arith.constant 0 : i32
    return %c0_i32, %arg0, %c0_i32_0 : i32, i32, i32
  }
}

module attributes {stable_mosaic.version = 14 : i64} {
  func.func @_b2_body(%arg0: i32, %arg1: memref<2x640x128xf32, #tpu.memory_space<vmem>>, %arg2: memref<640x1xf32, #tpu.memory_space<vmem>>, %arg3: memref<640x1xf32, #tpu.memory_space<vmem>>, %arg4: memref<1x256xf32, #tpu.memory_space<vmem>>, %arg5: memref<128x128xf32, #tpu.memory_space<vmem>>, %arg6: memref<128x128xf32, #tpu.memory_space<vmem>>, %arg7: memref<640x128xf32, #tpu.memory_space<vmem>>) attributes {dimension_semantics = [#tpu.dimension_semantics<arbitrary>], iteration_bounds = array<i64: 16>, scalar_prefetch = 0 : i64, scratch_operands = 0 : i64, tpu.core_type = #tpu.core_type<tc>, window_params = [{transform_indices = @transform_0, window_bounds = array<i64: 2, 640, 128>}, {transform_indices = @transform_1, window_bounds = array<i64: 640, 1>}, {transform_indices = @transform_2, window_bounds = array<i64: 640, 1>}, {pipeline_mode = #tpu.pipeline_mode<synchronous>, transform_indices = @transform_3, window_bounds = array<i64: 1, 256>}, {pipeline_mode = #tpu.pipeline_mode<synchronous>, transform_indices = @transform_4, window_bounds = array<i64: 128, 128>}, {pipeline_mode = #tpu.pipeline_mode<synchronous>, transform_indices = @transform_5, window_bounds = array<i64: 128, 128>}, {transform_indices = @transform_6, window_bounds = array<i64: 640, 128>}]} {
    %get3A = arith.constant 0 : index
    %get3A_0 = arith.constant 0 : index
    %get3A_1 = vector.load %arg2[%get3A, %get3A_0] : memref<640x1xf32, #tpu.memory_space<vmem>>, vector<640x1xf32>
    %max3A = arith.constant 1.000000e+00 : f32
    %max3A_2 = vector.broadcast %max3A : f32 to vector<640x1xf32>
    %max3A_3 = arith.maximumf %get3A_1, %max3A_2 : vector<640x1xf32>
    %rsqrt3A = math.rsqrt %max3A_3 : vector<640x1xf32>
    %get3A_4 = arith.constant 0 : index
    %get3A_5 = arith.constant 0 : index
    %get3A_6 = vector.load %arg3[%get3A_4, %get3A_5] : memref<640x1xf32, #tpu.memory_space<vmem>>, vector<640x1xf32>
    %max3A_7 = arith.constant 1.000000e+00 : f32
    %max3A_8 = vector.broadcast %max3A_7 : f32 to vector<640x1xf32>
    %max3A_9 = arith.maximumf %get3A_6, %max3A_8 : vector<640x1xf32>
    %rsqrt3A_10 = math.rsqrt %max3A_9 : vector<640x1xf32>
    %get3A_11 = arith.constant 0 : index
    %get3A_12 = arith.constant 0 : index
    %get3A_13 = vector.load %arg4[%get3A_11, %get3A_12] : memref<1x256xf32, #tpu.memory_space<vmem>>, vector<1x256xf32>
    %get3A_14 = arith.constant 0 : index
    %get3A_15 = arith.constant 0 : index
    %get3A_16 = arith.constant 0 : index
    %get3A_17 = vector.load %arg1[%get3A_14, %get3A_15, %get3A_16] : memref<2x640x128xf32, #tpu.memory_space<vmem>>, vector<1x640x128xf32>
    %get3A_18 = vector.shape_cast %get3A_17 : vector<1x640x128xf32> to vector<640x128xf32>
    %mul3A = vector.broadcast %rsqrt3A : vector<640x1xf32> to vector<640x128xf32>
    %mul3A_19 = arith.mulf %get3A_18, %mul3A : vector<640x128xf32>
    %slice3A = vector.extract_strided_slice %get3A_13 {offsets = [0, 0], sizes = [1, 128], strides = [1, 1]} : vector<1x256xf32> to vector<1x128xf32>
    %add3A = vector.broadcast %slice3A : vector<1x128xf32> to vector<640x128xf32>
    %add3A_20 = arith.addf %mul3A_19, %add3A : vector<640x128xf32>
    %max3A_21 = arith.constant 0.000000e+00 : f32
    %max3A_22 = vector.broadcast %max3A_21 : f32 to vector<640x128xf32>
    %max3A_23 = arith.maximumf %add3A_20, %max3A_22 : vector<640x128xf32>
    %get3A_24 = arith.constant 1 : index
    %get3A_25 = arith.constant 0 : index
    %get3A_26 = arith.constant 0 : index
    %get3A_27 = vector.load %arg1[%get3A_24, %get3A_25, %get3A_26] : memref<2x640x128xf32, #tpu.memory_space<vmem>>, vector<1x640x128xf32>
    %get3A_28 = vector.shape_cast %get3A_27 : vector<1x640x128xf32> to vector<640x128xf32>
    %mul3A_29 = vector.broadcast %rsqrt3A : vector<640x1xf32> to vector<640x128xf32>
    %mul3A_30 = arith.mulf %get3A_28, %mul3A_29 : vector<640x128xf32>
    %slice3A_31 = vector.extract_strided_slice %get3A_13 {offsets = [0, 128], sizes = [1, 128], strides = [1, 1]} : vector<1x256xf32> to vector<1x128xf32>
    %add3A_32 = vector.broadcast %slice3A_31 : vector<1x128xf32> to vector<640x128xf32>
    %add3A_33 = arith.addf %mul3A_30, %add3A_32 : vector<640x128xf32>
    %max3A_34 = arith.constant 0.000000e+00 : f32
    %max3A_35 = vector.broadcast %max3A_34 : f32 to vector<640x128xf32>
    %max3A_36 = arith.maximumf %add3A_33, %max3A_35 : vector<640x128xf32>
    %get3A_37 = arith.constant 0 : index
    %get3A_38 = arith.constant 0 : index
    %get3A_39 = vector.load %arg5[%get3A_37, %get3A_38] : memref<128x128xf32, #tpu.memory_space<vmem>>, vector<128x128xf32>
    %dot_general3A = arith.constant dense<0.000000e+00> : vector<640x128xf32>
    %dot_general3A_40 = tpu.matmul %max3A_23, %get3A_39, %dot_general3A {dimension_numbers = #tpu.dot_dimension_numbers<[1], [0], [0], [1], [0, 0, 1, 1], [], []>, transpose_lhs_hint = false} : vector<640x128xf32>, vector<128x128xf32>, vector<640x128xf32> -> vector<640x128xf32>
    %get3A_41 = arith.constant 0 : index
    %get3A_42 = arith.constant 0 : index
    %get3A_43 = vector.load %arg6[%get3A_41, %get3A_42] : memref<128x128xf32, #tpu.memory_space<vmem>>, vector<128x128xf32>
    %dot_general3A_44 = arith.constant dense<0.000000e+00> : vector<640x128xf32>
    %dot_general3A_45 = tpu.matmul %max3A_36, %get3A_43, %dot_general3A_44 {dimension_numbers = #tpu.dot_dimension_numbers<[1], [0], [0], [1], [0, 0, 1, 1], [], []>, transpose_lhs_hint = false} : vector<640x128xf32>, vector<128x128xf32>, vector<640x128xf32> -> vector<640x128xf32>
    %add3A_46 = arith.addf %dot_general3A_40, %dot_general3A_45 : vector<640x128xf32>
    %mul3A_47 = vector.broadcast %rsqrt3A_10 : vector<640x1xf32> to vector<640x128xf32>
    %mul3A_48 = arith.mulf %add3A_46, %mul3A_47 : vector<640x128xf32>
    %swap3A = arith.constant 0 : index
    %swap3A_49 = arith.constant 0 : index
    %swap3A_50 = vector.load %arg7[%swap3A, %swap3A_49] : memref<640x128xf32, #tpu.memory_space<vmem>>, vector<640x128xf32>
    tpu.vector_store %arg7[%swap3A, %swap3A_49], %mul3A_48 {strides = array<i32>} : memref<640x128xf32, #tpu.memory_space<vmem>>, vector<640x128xf32>,
    return
  }
  func.func @transform_0(%arg0: i32) -> (i32, i32, i32) {
    %c0_i32 = arith.constant 0 : i32
    %c0_i32_0 = arith.constant 0 : i32
    %c0_i32_1 = arith.constant 0 : i32
    return %c0_i32, %arg0, %c0_i32_0 : i32, i32, i32
  }
  func.func @transform_1(%arg0: i32) -> (i32, i32) {
    %c0_i32 = arith.constant 0 : i32
    %c0_i32_0 = arith.constant 0 : i32
    return %arg0, %c0_i32 : i32, i32
  }
  func.func @transform_2(%arg0: i32) -> (i32, i32) {
    %c0_i32 = arith.constant 0 : i32
    %c0_i32_0 = arith.constant 0 : i32
    return %arg0, %c0_i32 : i32, i32
  }
  func.func @transform_3(%arg0: i32) -> (i32, i32) {
    %c0_i32 = arith.constant 0 : i32
    %c0_i32_0 = arith.constant 0 : i32
    %c0_i32_1 = arith.constant 0 : i32
    return %c0_i32, %c0_i32_0 : i32, i32
  }
  func.func @transform_4(%arg0: i32) -> (i32, i32) {
    %c0_i32 = arith.constant 0 : i32
    %c0_i32_0 = arith.constant 0 : i32
    %c0_i32_1 = arith.constant 0 : i32
    return %c0_i32, %c0_i32_0 : i32, i32
  }
  func.func @transform_5(%arg0: i32) -> (i32, i32) {
    %c0_i32 = arith.constant 0 : i32
    %c0_i32_0 = arith.constant 0 : i32
    %c0_i32_1 = arith.constant 0 : i32
    return %c0_i32, %c0_i32_0 : i32, i32
  }
  func.func @transform_6(%arg0: i32) -> (i32, i32) {
    %c0_i32 = arith.constant 0 : i32
    %c0_i32_0 = arith.constant 0 : i32
    return %arg0, %c0_i32 : i32, i32
  }
}

module attributes {stable_mosaic.version = 14 : i64} {
  func.func @_b3_body(%arg0: i32, %arg1: memref<2x1000x128xf32, #tpu.memory_space<vmem>>, %arg2: memref<1000x1xf32, #tpu.memory_space<vmem>>, %arg3: memref<1x128xf32, #tpu.memory_space<vmem>>, %arg4: memref<1000x128xf32, #tpu.memory_space<vmem>>) attributes {dimension_semantics = [#tpu.dimension_semantics<arbitrary>], iteration_bounds = array<i64: 10>, scalar_prefetch = 0 : i64, scratch_operands = 0 : i64, tpu.core_type = #tpu.core_type<tc>, window_params = [{transform_indices = @transform_0, window_bounds = array<i64: 2, 1000, 128>}, {transform_indices = @transform_1, window_bounds = array<i64: 1000, 1>}, {pipeline_mode = #tpu.pipeline_mode<synchronous>, transform_indices = @transform_2, window_bounds = array<i64: 1, 128>}, {transform_indices = @transform_3, window_bounds = array<i64: 1000, 128>}]} {
    %get3A = arith.constant 0 : index
    %get3A_0 = arith.constant 0 : index
    %get3A_1 = vector.load %arg2[%get3A, %get3A_0] : memref<1000x1xf32, #tpu.memory_space<vmem>>, vector<1000x1xf32>
    %max3A = arith.constant 1.000000e+00 : f32
    %max3A_2 = vector.broadcast %max3A : f32 to vector<1000x1xf32>
    %max3A_3 = arith.maximumf %get3A_1, %max3A_2 : vector<1000x1xf32>
    %rsqrt3A = math.rsqrt %max3A_3 : vector<1000x1xf32>
    %get3A_4 = arith.constant 0 : index
    %get3A_5 = arith.constant 0 : index
    %get3A_6 = arith.constant 0 : index
    %get3A_7 = vector.load %arg1[%get3A_4, %get3A_5, %get3A_6] : memref<2x1000x128xf32, #tpu.memory_space<vmem>>, vector<1x1000x128xf32>
    %get3A_8 = vector.shape_cast %get3A_7 : vector<1x1000x128xf32> to vector<1000x128xf32>
    %get3A_9 = arith.constant 1 : index
    %get3A_10 = arith.constant 0 : index
    %get3A_11 = arith.constant 0 : index
    %get3A_12 = vector.load %arg1[%get3A_9, %get3A_10, %get3A_11] : memref<2x1000x128xf32, #tpu.memory_space<vmem>>, vector<1x1000x128xf32>
    %get3A_13 = vector.shape_cast %get3A_12 : vector<1x1000x128xf32> to vector<1000x128xf32>
    %add3A = arith.addf %get3A_8, %get3A_13 : vector<1000x128xf32>
    %mul3A = vector.broadcast %rsqrt3A : vector<1000x1xf32> to vector<1000x128xf32>
    %mul3A_14 = arith.mulf %add3A, %mul3A : vector<1000x128xf32>
    %get3A_15 = arith.constant 0 : index
    %get3A_16 = arith.constant 0 : index
    %get3A_17 = vector.load %arg3[%get3A_15, %get3A_16] : memref<1x128xf32, #tpu.memory_space<vmem>>, vector<1x128xf32>
    %add3A_18 = vector.broadcast %get3A_17 : vector<1x128xf32> to vector<1000x128xf32>
    %add3A_19 = arith.addf %mul3A_14, %add3A_18 : vector<1000x128xf32>
    %swap3A = arith.constant 0 : index
    %swap3A_20 = arith.constant 0 : index
    %swap3A_21 = vector.load %arg4[%swap3A, %swap3A_20] : memref<1000x128xf32, #tpu.memory_space<vmem>>, vector<1000x128xf32>
    tpu.vector_store %arg4[%swap3A, %swap3A_20], %add3A_19 {strides = array<i32>} : memref<1000x128xf32, #tpu.memory_space<vmem>>, vector<1000x128xf32>,
    return
  }
  func.func @transform_0(%arg0: i32) -> (i32, i32, i32) {
    %c0_i32 = arith.constant 0 : i32
    %c0_i32_0 = arith.constant 0 : i32
    %c0_i32_1 = arith.constant 0 : i32
    return %c0_i32, %arg0, %c0_i32_0 : i32, i32, i32
  }
  func.func @transform_1(%arg0: i32) -> (i32, i32) {
    %c0_i32 = arith.constant 0 : i32
    %c0_i32_0 = arith.constant 0 : i32
    return %arg0, %c0_i32 : i32, i32
  }
  func.func @transform_2(%arg0: i32) -> (i32, i32) {
    %c0_i32 = arith.constant 0 : i32
    %c0_i32_0 = arith.constant 0 : i32
    %c0_i32_1 = arith.constant 0 : i32
    return %c0_i32, %c0_i32_0 : i32, i32
  }
  func.func @transform_3(%arg0: i32) -> (i32, i32) {
    %c0_i32 = arith.constant 0 : i32
    %c0_i32_0 = arith.constant 0 : i32
    return %arg0, %c0_i32 : i32, i32
  }
}

</mosaic_0001>

<sc_bundles>
// kernel: kernel.11.cloned.1.call-start
scs
__scs_entry_jumppad:
0x0: {  	(pc) =	sbr.rel $0x88, $3  }
0x1: {  	(tag) =	ssettag $0x0;
	lr =	simm.s32 $0x1  }
0x2: {  	[smem:$0x3F9B] =	sst lr;
	_ =	strace $0xD0000000  }
0x3: {  	_ = 	snop  }
0x4: {  	_ = 	snop  }
0x5: {  	_ = 	snop  }
0x6: {  	_ = 	snop  }
0x7: {  	_ = 	snop  }
__scs_overlays_trampoline_lowered:
0x8: {  	[smem:$0x3FAA] =	sst s0  }
0x9: {  	[smem:$0x3FAB] =	sst s1  }
0xa: {  	[smem:$0x3FAC] =	sst s2  }
0xb: {  	[smem:$0x3FAD] =	sst s3  }
0xc: {  	[smem:$0x3FAE] =	sst s4  }
0xd: {  	[smem:$0x3FAF] =	sst s5  }
0xe: {  	[smem:$0x3FB0] =	sst s6  }
0xf: {  	[smem:$0x3FB1] =	sst s7  }
0x10: {  	[smem:$0x3FB2] =	sst s8  }
0x11: {  	[smem:$0x3FB3] =	sst s9;
	s0 =	simm.s32 @!p0 $0x0  }
0x12: {  	s1 =	sld [smem:$0x3F99];
	s0 =	simm.s32 @p0 $0x1  }
0x13: {  	[smem:$0x3FB4] =	sst s0;
	s0 =	simm.s32 @!p1 $0x0  }
0x14: {  	s2 =	sld [smem:$0x3F98];
	s0 =	simm.s32 @p1 $0x1  }
0x15: {  	[smem:$0x3FB5] =	sst s0;
	s0 =	simm.s32 @!p2 $0x0  }
0x16: {  	s3 =	sld [smem:$0x3FDB];
	s0 =	simm.s32 @p2 $0x1  }
0x17: {  	s4 =	simm.s32 $0x1BF5;
	[smem:$0x3FB7] =	sst s0  }
0x18: {  	s0 =	sld [smem:$0x3F9A];
	_ =	swait.ge [sflag:s4], $0x0  }
0x19: {  	s7 =	sld [smem:$0x3F9B]  }
0x1a: {  	s8 =	sadd.s32 $0xFFFFE003, lr  }
0x1b: {  	s9 =	sadd.s32 $0xFFFFFEF7, lr;
	s5 =	simm.s32 $0xFFFFFFFF;
	p2 =	slt.u32 s8, $0xFFFFF086  }
0x1c: {  	p1 =	slt.u32 s9, $0xF7A;
	s5 =	simm.s32 @!p2 $0x0  }
0x1d: {  	s5 =	simm.s32 @p1 $0x1;
	p0 =	seq.s32 s7, s2  }
0x1e: {  	s7 =	smul.u32 @!p0 $0xF7A, s2;
	p2 =	seq.s32 @!p0 s5, $0x0  }
0x1f: {  	s9 =	smul.u32 $0xF7A, s1;
	s8 =	simm.s32 @!p0 $0x1BF5;
	p2 =	por !p2, p0  }
0x20: {  	[sflag:s8] =	ssyncset.s32 @!p0 $0xFFFFF086;
	s6 =	sadd.s32 @!p0 s3, s7;
	s7 =	simm.s32 @!p0 $0x108  }
0x21: {  	s3 =	sadd.s32 s3, s9;
	s6 =	sadd.s32 @!p0 $0x88, s6;
	s7 =	simm.s32 @p2 $0x1082  }
0x22: {  	[simem:s7], [sflag:s8] =	dma.local @!p0 [hbm:s6], $0xF7A  }
0x23: {  	s9 =	sor.u32 $0xD0000000, s2;
	s6 =	simm.s32 $0x108;
	_ =	swait.ge @!p0 [sflag:s8], $0x0  }
0x24: {  	s3 =	sadd.s32 $0x88, s3;
	s6 =	simm.s32 @!p1 $0x1082;
	[sflag:s4] =	ssyncset.s32 $0xFFFFF086  }
0x25: {  	[simem:s6], [sflag:s4] =	dma.local [hbm:s3], $0xF7A  }
0x26: {  	[smem:$0x3F9B] =	sst s1;
	(tag) =	ssettag s2;
	_ =	strace s9  }
0x27: {  	s1 =	sld [smem:$0x3FAB]  }
0x28: {  	s2 =	sld [smem:$0x3FAC]  }
0x29: {  	s4 =	sld [smem:$0x3FAE]  }
0x2a: {  	p0 =	seq.s32 s5, $0x0;
	s5 =	sld [smem:$0x3FAF]  }
0x2b: {  	s6 =	sld [smem:$0x3FB0]  }
0x2c: {  	s7 =	sld [smem:$0x3FB1]  }
0x2d: {  	s3 =	simm.s32 $0x108;
	s8 =	sld [smem:$0x3FB2]  }
0x2e: {  	s3 =	simm.s32 @!p0 $0x1082;
	s9 =	sld [smem:$0x3FB3]  }
0x2f: {  	lr =	sadd.s32 s0, s3;
	s0 =	sld [smem:$0x3FAA]  }
0x30: {  	s3 =	sld [smem:$0x3FAD]  }
0x31: {  	[smem:$0x3FB6] =	sst s10  }
0x32: {  	s10 =	sld [smem:$0x3FB4];
	_ =	sdelay $0x3  }
0x33: {  	p0 =	seq.s32 s10, $0x1;
	s10 =	sld [smem:$0x3FB6];
	_ =	sdelay $0x3  }
0x34: {  	[smem:$0x3FB6] =	sst s10  }
0x35: {  	s10 =	sld [smem:$0x3FB5];
	_ =	sdelay $0x3  }
0x36: {  	p1 =	seq.s32 s10, $0x1;
	s10 =	sld [smem:$0x3FB6];
	_ =	sdelay $0x3  }
0x37: {  	[smem:$0x3FB6] =	sst s10  }
0x38: {  	s10 =	sld [smem:$0x3FB7]  }
0x39: {  	_ = 	snop;
	(pc) =	sbr.ind lr, $3  }
0x3a: {  	_ = 	snop  }
0x3b: {  	_ = 	snop  }
0x3c: {  	p2 =	seq.s32 s10, $0x1;
	s10 =	sld [smem:$0x3FB6]  }
0x3d: {  	_ =	shalt  }
0x3e: {  	_ =	shalt  }
0x3f: {  	_ =	shalt  }
0x40: {  	_ =	shalt  }
0x41: {  	_ =	shalt  }
0x42: {  	_ =	shalt  }
0x43: {  	_ =	shalt  }
0x44: {  	_ =	shalt  }
0x45: {  	_ =	shalt  }
0x46: {  	_ =	shalt  }
0x47: {  	_ =	shalt  }
0x48: {  	_ =	shalt  }
0x49: {  	_ =	shalt  }
0x4a: {  	_ =	shalt  }
0x4b: {  	_ =	shalt  }
0x4c: {  	_ =	shalt  }
0x4d: {  	_ =	shalt  }
0x4e: {  	_ =	shalt  }
0x4f: {  	_ =	shalt  }
0x50: {  	_ =	shalt  }
0x51: {  	_ =	shalt  }
0x52: {  	_ =	shalt  }
0x53: {  	_ =	shalt  }
0x54: {  	_ =	shalt  }
0x55: {  	_ =	shalt  }
0x56: {  	_ =	shalt  }
0x57: {  	_ =	shalt  }
0x58: {  	_ =	shalt  }
0x59: {  	_ =	shalt  }
0x5a: {  	_ =	shalt  }
0x5b: {  	_ =	shalt  }
0x5c: {  	_ =	shalt  }
0x5d: {  	_ =	shalt  }
0x5e: {  	_ =	shalt  }
0x5f: {  	_ =	shalt  }
0x60: {  	_ =	shalt  }
0x61: {  	_ =	shalt  }
0x62: {  	_ =	shalt  }
0x63: {  	_ =	shalt  }
0x64: {  	_ =	shalt  }
0x65: {  	_ =	shalt  }
0x66: {  	_ =	shalt  }
0x67: {  	_ =	shalt  }
0x68: {  	_ =	shalt  }
0x69: {  	_ =	shalt  }
0x6a: {  	_ =	shalt  }
0x6b: {  	_ =	shalt  }
0x6c: {  	_ =	shalt  }
0x6d: {  	_ =	shalt  }
0x6e: {  	_ =	shalt  }
0x6f: {  	_ =	shalt  }
0x70: {  	_ =	shalt  }
0x71: {  	_ =	shalt  }
0x72: {  	_ =	shalt  }
0x73: {  	_ =	shalt  }
0x74: {  	_ =	shalt  }
0x75: {  	_ =	shalt  }
0x76: {  	_ =	shalt  }
0x77: {  	_ =	shalt  }
0x78: {  	_ =	shalt  }
0x79: {  	_ =	shalt  }
0x7a: {  	_ =	shalt  }
0x7b: {  	_ =	shalt  }
0x7c: {  	_ =	shalt  }
0x7d: {  	_ =	shalt  }
0x7e: {  	_ =	shalt  }
0x7f: {  	_ =	shalt  }
0x80: {  	_ =	shalt  }
0x81: {  	_ =	shalt  }
0x82: {  	_ =	shalt  }
0x83: {  	_ =	shalt  }
0x84: {  	_ =	shalt  }
0x85: {  	_ =	shalt  }
0x86: {  	_ =	shalt  }
0x87: {  	_ =	shalt  }
.Lfunc_end0:
.L_simem_size_0:
called_computation.1_lowered:
.L_overlay_start_0:
0x88: {  	s2 =	sld [smem:$0x3FD9]  }
0x89: {  	s3 =	sld [smem:$0x3FFE];
	_ =	sdelay $0x1  }
0x8a: {  	s1 =	srdreg.scid  }
0x8b: {  	s0 =	sand.u32 $0x1, s1  }
0x8c: {  	s16 =	sshll.u32 s0, $0xA;
	s2 =	sadd.s32 s3, s2  }
0x8d: {  	s2 =	sadd.s32 s2, s16  }
0x8e: {  	[smem:$0x3FC2] =	sst s2  }
0x8f: {  	_ = 	snop  }
0x90: {  	(tm) =	ssettm $0x1  }
0x91: {  	s17 =	sld [smem:$0x3FFB];
	_ =	sdelay $0x3  }
0x92: {  	_ =	strace s17  }
0x93: {  	s2 =	sld [smem:$0x3FFC];
	_ =	sdelay $0x3  }
0x94: {  	_ =	strace s2  }
0x95: {  	s2 =	sld [smem:$0x3FFD];
	_ =	sdelay $0x3  }
0x96: {  	_ =	strace s2  }
0x97: {  	_ =	strace $0x8FFFFFFF  }
0x98: {  	s18 =	sld [smem:$0x3FDB];
	_ =	sdelay $0x1  }
0x99: {  	s19 =	simm.s32 $_scs_section_size  }
0x9a: {  	s4 =	simm.s32 $_size__tile_overlayer_lowered;
	s5 =	simm.s32 $_tile_overlayer_lowered  }
0x9b: {  	s22 =	simm.s32 $0x1BFF;
	s21 =	sshll.u32 s5, $0x1;
	s2 =	sadd.s32 s19, s18  }
0x9c: {  	s6 =	simm.s32 $0x0;
	s20 =	sshll.u32 s4, $0x1;
	s4 =	sadd.s32 s21, s2  }
0x9d: {  	[timem:s6], [sflag:s22] =	dma.local [hbm:s4], s20  }
0x9e: {  	_ =	swait.ge [sflag:s22], s20  }
0x9f: {  	s3 =	ssub.s32 $0x0, s20;
	[sflag:s22] =	ssyncset.done $0x0  }
0xa0: {  	[sflag:s22] =	ssyncadd.s32 s3;
	_ =	sdelay $0x1  }
0xa1: {  	s23 =	simm.s32 $0x1B8B  }
0xa2: {  	_ =	swait.ge [sflag:s23], $0x1  }
0xa3: {  	[sflag:s23] =	ssyncset.done $0x0  }
0xa4: {  	s25 =	simm.s32 $0x1B8E;
	s24 =	sld [smem:$0x3FFE];
	[sflag:s23] =	ssyncadd.s32 $0xFFFFFFFF  }
0xa5: {  	s26 =	simm.s32 $execute0_lowered;
	[smem:$0x3FD2] =	sst s25  }
0xa6: {  	s4 =	sshll.u32 s26, $0x1;
	_ =	strace $0x80000049;
	[dreg:$0x1] =	wrdreg $0xFFFFFFFF  }
0xa7: {  	s28 =	simm.s32 $_size_execute0_lowered;
	s2 =	sadd.s32 s2, s4;
	[dreg:$0x0] =	wrdreg $0x0  }
0xa8: {  	s4 =	sshll.u32 s28, $0x1;
	[dreg:$0x2] =	wrdreg s2  }
0xa9: {  	[dreg:$0x3] =	wrdreg s4  }
0xaa: {  	[dreg:$0x4] =	wrdreg $0xC0  }
0xab: {  	_ =	task [dreg:s6], $0x5FFFF  }
0xac: {  	[dreg:$0x1] =	wrdreg $0xFFFFFFFF  }
0xad: {  	[dreg:$0x0] =	wrdreg $0x60  }
0xae: {  	[dreg:$0x2] =	wrdreg s24  }
0xaf: {  	[dreg:$0x3] =	wrdreg $0x90000  }
0xb0: {  	[dreg:$0x4] =	wrdreg $0x9  }
0xb1: {  	_ =	task.clear_ibuf [dreg:s6], $0x5FFFF;
	_ =	strace $0x90000049  }
0xb2: {  	s29 =	simm.s32 $0x9;
	_ =	strace $0x8000004B  }
0xb3: {  	_ =	swait.ge [sflag:s29], $0x1  }
0xb4: {  	[sflag:s29] =	ssyncadd.s32 $0xFFFFFFFF  }
0xb5: {  	_ =	strace $0x9000004B  }
0xb6: {  	_ =	sfence  }
0xb7: {  	s30 =	sld [smem:$0x0];
	_ =	sdelay $0x2  }
0xb8: {  	s31 =	sshll.u32 s1, $0xD;
	s1 =	sshrl.u32 s1, $0x2  }
0xb9: {  	s3 =	sand.u32 $0x4000, s31;
	s1 =	sadd.s32 s1, s30  }
0xba: {  	s0 =	sor.u32 s3, s0;
	s1 =	sshll.u32 s1, $0x11  }
0xbb: {  	s0 =	sor.u32 s1, s0  }
0xbc: {  	s0 =	sadd.s32 $0x8F2B, s0  }
0xbd: {  	[sflag:s0] =	ssyncadd.remote.s32 $0x1  }
0xbe: {  	_ =	sfence.sel $0xFFFF  }
0xbf: {  	[dreg:$0x0] =	wrdreg $0xFFFFFFFF;
	(pc) =	sbr.abs _section_cstart, $3  }
0xc0: {  	[dreg:$0x1] =	wrdreg $0xFFFFFFFF  }
0xc1: {  	_ =	task.clear_ibuf [dreg:s6], $0x2FFFF;
	_ =	strace $0x9FFFFFFF  }
0xc2: {  	(tm) =	ssettm $0x7FFFFFFF  }
0xc3: {  	_ =	shalt  }
tec
execute0_lowered:
.L_overlay_start_1:
0x0: {  	(tag) =	ssettag $0x1  }
0x1: {  	s0 =	rddreg [dreg:$0x0]  }
0x2: {  	s1 =	rddreg [dreg:$0x1]  }
0x3: {  	s2 =	simm.s32 $0x0;
	s3 =	srdreg.scid;
	s15 =	stileid.u32  }
0x4: {  	s18 =	simm.s32 $0x100;
	s19 =	simm.s32 $0x480;
	[smem:$0x7FF] =	sst s2  }
0x5: {  	s21 =	simm.s32 $0x180;
	_ =	strace $0x8000004A;
	[dreg:$0x3] =	wrdreg s18  }
0x6: {  	s23 =	simm.s32 $0x500;
	s9 =	simm.s32 $0x200;
	[dreg:$0x4] =	wrdreg s19  }
0x7: {  	s25 =	simm.s32 $0x580;
	s26 =	simm.s32 $0x280;
	[dreg:$0x5] =	wrdreg s21  }
0x8: {  	s30 =	simm.s32 $0x600;
	s31 =	simm.s32 $0x300;
	[dreg:$0x6] =	wrdreg s23  }
0x9: {  	s14 =	simm.s32 $0x680;
	s29 =	simm.s32 $0x0;
	[dreg:$0x7] =	wrdreg s9  }
0xa: {  	s4 =	sand.u32 $0x1, s3;
	s6 =	smul.u32 $0x2800, s15;
	[dreg:$0x8] =	wrdreg s25  }
0xb: {  	s12 =	sadd.s32 $0xC600, s0;
	s7 =	smul.u32 $0x50000, s15;
	[dreg:$0x9] =	wrdreg s26  }
0xc: {  	s11 =	sadd.s32 $0x2600, s0;
	s24 =	smul.u32 $0x5000, s15;
	[dreg:$0xa] =	wrdreg s30  }
0xd: {  	s22 =	sshll.u32 s15, $0x6;
	s5 =	smul.u32 $0x28000, s4;
	[dreg:$0xb] =	wrdreg s31  }
0xe: {  	s4 =	ssub.s32 $0x2, s4;
	[dreg:$0xc] =	wrdreg s14;
	s18 =	simm.s32 $0x900  }
0xf: {  	s19 =	simm.s32 $0xC80;
	s14 =	simm.s32 $0x7;
	[dreg:$0x11] =	wrdreg s18  }
0x10: {  	s21 =	simm.s32 $0xD00;
	s23 =	simm.s32 $0xD80;
	[dreg:$0x12] =	wrdreg s19  }
0x11: {  	s25 =	simm.s32 $0xE00;
	s26 =	simm.s32 $0xB00;
	[dreg:$0x14] =	wrdreg s21  }
0x12: {  	s30 =	simm.s32 $0xB80;
	s31 =	simm.s32 $0xF00;
	[dreg:$0x16] =	wrdreg s23  }
0x13: {  	s16 =	sshrl.u32 s4, $0x1;
	s17 =	sshrl.u32 s7, $0x2;
	[dreg:$0x18] =	wrdreg s25  }
0x14: {  	s7 =	sshrl.u32 s24, $0x3;
	s18 =	simm.s32 $0x1000;
	[dreg:$0x19] =	wrdreg s26  }
0x15: {  	s24 =	simm.s32 $0xA80;
	s19 =	simm.s32 $0x5000;
	[dreg:$0x1b] =	wrdreg s30  }
0x16: {  	s21 =	simm.s32 $0x5;
	s23 =	simm.s32 $0xC00;
	[dreg:$0x1c] =	wrdreg s31  }
0x17: {  	s25 =	simm.s32 $0x6;
	s26 =	simm.s32 $0x2;
	s8 =	sadd.s32 s5, s0  }
0x18: {  	s5 =	sadd.s32 s6, s5;
	s6 =	sadd.s32 s6, s0;
	s10 =	ssub.s32 s4, s16  }
0x19: {  	s13 =	sadd.s32 s17, s1;
	s28 =	sadd.s32 s12, s7;
	s7 =	sadd.s32 s11, s7  }
0x1a: {  	s4 =	simm.s32 $0x380;
	s16 =	simm.s32 $0x780;
	s17 =	simm.s32 $0x880  }
0x1b: {  	[dreg:$0x17] =	wrdreg s24;
	s24 =	simm.s32 $0x4;
	s0 =	sadd.s32 s5, s0  }
0x1c: {  	s20 =	sadd.s32 $0x66600, s6;
	s5 =	sor.u32 $0x1C07, s22;
	[dreg:$0x1e] =	wrdreg s28  }
0x1d: {  	s8 =	sadd.s32 $0x16600, s8;
	s6 =	smul.u32 $0xA00, s15;
	[dreg:$0xd] =	wrdreg s4  }
0x1e: {  	s15 =	simm.s32 $0x700;
	s10 =	smax.u32 s10, $0x1;
	[dreg:$0xf] =	wrdreg s16  }
0x1f: {  	[dreg:$0x10] =	wrdreg s17;
	s13 =	sshrl.u32 s13, $0x3;
	s16 =	simm.s32 $0x1  }
0x20: {  	s22 =	simm.s32 $0xA00;
	s17 =	simm.s32 $0x80;
	[dreg:$0x1d] =	wrdreg s20  }
0x21: {  	s28 =	simm.s32 $0xE80;
	s9 =	sadd.s32 $0x8E600, s0;
	[dreg:$0xe] =	wrdreg s15  }
0x22: {  	s20 =	simm.s32 $0x980;
	s15 =	simm.s32 $0x400;
	[dreg:$0x15] =	wrdreg s22  }
0x23: {  	s22 =	simm.s32 $0x800;
	[dreg:$0x1a] =	wrdreg s28;
	s11 =	sadd.s32 s6, s11  }
0x24: {  	s12 =	sadd.s32 s6, s12;
	[dreg:$0x13] =	wrdreg s20;
	s20 =	simm.s32 $0x3  }
.LBB2_1:
0x25: {  	s0 =	rddreg [dreg:$0x1d]  }
0x26: {  	[spmem:s13], [sflag:s5] =	dma.local [hbm:s0], $0x2800  }
0x27: {  	_ =	swait.ge [sflag:s14], $0x2800  }
0x28: {  	[sflag:s14] =	ssyncset.done $0x0  }
0x29: {  	[sflag:s14] =	ssyncadd.s32 $0xFFFFD800  }
0x2a: {  	[bflag:$0x0] =	sbarrier.arrive $0xFFFF  }
0x2b: {  	s4 =	rddreg [dreg:$0x1e]  }
0x2c: {  	[tilespmem:s2], [sflag:$0x1] =	stream.linear.gather [hbm4b:s4+s2], $0x400, $0x38;
	[tilespmem:$0x1D000] =	vst v63  }
0x2d: {  	_ = 	snop  }
0x2e: {  	[tilespmem:s15], [sflag:$0x1] =	stream.linear.gather [hbm4b:s7+s2], $0x400, $0x38;
	[tilespmem:$0x1D000] =	vst v63  }
0x2f: {  	_ =	swait.ge [sflag:s16], $0x400  }
0x30: {  	[sflag:s16] =	ssyncset.done $0x0  }
0x31: {  	[sflag:s16] =	ssyncadd.s32 $0xFFFFFC00  }
0x32: {  	_ =	swait.ge [sflag:s16], $0x400  }
0x33: {  	p0 =	por $0x1, $0x1;
	[sflag:s16] =	ssyncset.done $0x0  }
0x34: {  	s0 =	simm.s32 @!p0 $0x4;
	[sflag:s16] =	ssyncadd.s32 $0xFFFFFC00  }
0x35: {  	[tilespmem:s18], [sflag:$0x3] =	stream.indirect.gather [hbm4b:s8+s17], $0x80, s2, s17, $0xb8;
	[tilespmem:$0x1D000] =	vst v63  }
0x36: {  	_ =	swait.ge @!p0 [sflag:s0], $0x4000  }
0x37: {  	s30 =	simm.s32 @!p0 $0x5000;
	s31 =	simm.s32 @!p0 $0x80;
	[sflag:s0] =	ssyncset.done @!p0 $0x0  }
0x38: {  	s3 =	simm.s32 @!p0 $0xF80;
	[sflag:s0] =	ssyncadd.s32 @!p0 $0xFFFFC000;
	s0 =	simm.s32 @!p0 $0x6  }
0x39: {  	[spmem:s1] =	stream.indirect.scatter.add.f32 @!p0 [tilespmem:s30], [sflag:$0x6], $0x80, s3, s31, $0xb8;
	[tilespmem:$0x1D000] =	vst v63  }
0x3a: {  	_ =	swait.ge @!p0 [sflag:s0], $0x4000  }
0x3b: {  	[sflag:s0] =	ssyncset.done @!p0 $0x0  }
0x3c: {  	[sflag:s0] =	ssyncadd.s32 @!p0 $0xFFFFC000  }
0x3d: {  	[tilespmem:s19], [sflag:$0x4] =	stream.indirect.gather [hbm4b:s8+s17], $0x80, s17, s17, $0xb8;
	[tilespmem:$0x1D000] =	vst v63  }
0x3e: {  	_ =	swait.ge [sflag:s20], $0x4000  }
0x3f: {  	[sflag:s20] =	ssyncset.done $0x0  }
0x40: {  	[sflag:s20] =	ssyncadd.s32 $0xFFFFC000  }
0x41: {  	[spmem:s1] =	stream.indirect.scatter.add.f32 [tilespmem:s18], [sflag:$0x5], $0x80, s15, s17, $0xb8;
	[tilespmem:$0x1D000] =	vst v63  }
0x42: {  	_ =	swait.ge [sflag:s21], $0x4000  }
0x43: {  	s6 =	sadd.s32 $0x0, s12;
	[sflag:s21] =	ssyncset.done $0x0  }
0x44: {  	s28 =	sadd.s32 $0x0, s11;
	s0 =	sadd.s32 $0x80, s6;
	[sflag:s21] =	ssyncadd.s32 $0xFFFFC000  }
0x45: {  	[tilespmem:s22], [sflag:$0x2] =	stream.linear.gather [hbm4b:s0+s2], $0x400, $0x38;
	[tilespmem:$0x1D000] =	vst v63  }
0x46: {  	s3 =	sadd.s32 $0x80, s28  }
0x47: {  	[tilespmem:s23], [sflag:$0x2] =	stream.linear.gather [hbm4b:s3+s2], $0x400, $0x38;
	[tilespmem:$0x1D000] =	vst v63  }
0x48: {  	s4 =	rddreg [dreg:$0x3]  }
0x49: {  	[tilespmem:s18], [sflag:$0x3] =	stream.indirect.gather [hbm4b:s8+s17], $0x80, s4, s17, $0xb8;
	[tilespmem:$0x1D000] =	vst v63  }
0x4a: {  	_ =	swait.ge [sflag:s24], $0x4000  }
0x4b: {  	[sflag:s24] =	ssyncset.done $0x0  }
0x4c: {  	s6 =	rddreg [dreg:$0x4];
	[sflag:s24] =	ssyncadd.s32 $0xFFFFC000  }
0x4d: {  	[spmem:s1] =	stream.indirect.scatter.add.f32 [tilespmem:s19], [sflag:$0x6], $0x80, s6, s17, $0xb8;
	[tilespmem:$0x1D000] =	vst v63  }
0x4e: {  	_ =	swait.ge [sflag:s25], $0x4000  }
0x4f: {  	[sflag:s25] =	ssyncset.done $0x0  }
0x50: {  	s28 =	rddreg [dreg:$0x5];
	[sflag:s25] =	ssyncadd.s32 $0xFFFFC000  }
0x51: {  	[tilespmem:s19], [sflag:$0x4] =	stream.indirect.gather [hbm4b:s8+s17], $0x80, s28, s17, $0xb8;
	[tilespmem:$0x1D000] =	vst v63  }
0x52: {  	_ =	swait.ge [sflag:s20], $0x4000  }
0x53: {  	[sflag:s20] =	ssyncset.done $0x0  }
0x54: {  	s3 =	rddreg [dreg:$0x6];
	[sflag:s20] =	ssyncadd.s32 $0xFFFFC000  }
0x55: {  	[spmem:s1] =	stream.indirect.scatter.add.f32 [tilespmem:s18], [sflag:$0x5], $0x80, s3, s17, $0xb8;
	[tilespmem:$0x1D000] =	vst v63  }
0x56: {  	_ =	swait.ge [sflag:s21], $0x4000  }
0x57: {  	[sflag:s21] =	ssyncset.done $0x0  }
0x58: {  	s4 =	rddreg [dreg:$0x7];
	[sflag:s21] =	ssyncadd.s32 $0xFFFFC000  }
0x59: {  	[tilespmem:s18], [sflag:$0x3] =	stream.indirect.gather [hbm4b:s8+s17], $0x80, s4, s17, $0xb8;
	[tilespmem:$0x1D000] =	vst v63  }
0x5a: {  	_ =	swait.ge [sflag:s24], $0x4000  }
0x5b: {  	[sflag:s24] =	ssyncset.done $0x0  }
0x5c: {  	s6 =	rddreg [dreg:$0x8];
	[sflag:s24] =	ssyncadd.s32 $0xFFFFC000  }
0x5d: {  	[spmem:s1] =	stream.indirect.scatter.add.f32 [tilespmem:s19], [sflag:$0x6], $0x80, s6, s17, $0xb8;
	[tilespmem:$0x1D000] =	vst v63  }
0x5e: {  	_ =	swait.ge [sflag:s25], $0x4000  }
0x5f: {  	[sflag:s25] =	ssyncset.done $0x0  }
0x60: {  	s28 =	rddreg [dreg:$0x9];
	[sflag:s25] =	ssyncadd.s32 $0xFFFFC000  }
0x61: {  	[tilespmem:s19], [sflag:$0x4] =	stream.indirect.gather [hbm4b:s8+s17], $0x80, s28, s17, $0xb8;
	[tilespmem:$0x1D000] =	vst v63  }
0x62: {  	_ =	swait.ge [sflag:s20], $0x4000  }
0x63: {  	[sflag:s20] =	ssyncset.done $0x0  }
0x64: {  	s3 =	rddreg [dreg:$0xa];
	[sflag:s20] =	ssyncadd.s32 $0xFFFFC000  }
0x65: {  	[spmem:s1] =	stream.indirect.scatter.add.f32 [tilespmem:s18], [sflag:$0x5], $0x80, s3, s17, $0xb8;
	[tilespmem:$0x1D000] =	vst v63  }
0x66: {  	_ =	swait.ge [sflag:s21], $0x4000  }
0x67: {  	[sflag:s21] =	ssyncset.done $0x0  }
0x68: {  	s4 =	rddreg [dreg:$0xb];
	[sflag:s21] =	ssyncadd.s32 $0xFFFFC000  }
0x69: {  	[tilespmem:s18], [sflag:$0x3] =	stream.indirect.gather [hbm4b:s8+s17], $0x80, s4, s17, $0xb8;
	[tilespmem:$0x1D000] =	vst v63  }
0x6a: {  	_ =	swait.ge [sflag:s24], $0x4000  }
0x6b: {  	[sflag:s24] =	ssyncset.done $0x0  }
0x6c: {  	s6 =	rddreg [dreg:$0xc];
	[sflag:s24] =	ssyncadd.s32 $0xFFFFC000  }
0x6d: {  	[spmem:s1] =	stream.indirect.scatter.add.f32 [tilespmem:s19], [sflag:$0x6], $0x80, s6, s17, $0xb8;
	[tilespmem:$0x1D000] =	vst v63  }
0x6e: {  	_ =	swait.ge [sflag:s25], $0x4000  }
0x6f: {  	[sflag:s25] =	ssyncset.done $0x0  }
0x70: {  	s28 =	rddreg [dreg:$0xd];
	[sflag:s25] =	ssyncadd.s32 $0xFFFFC000  }
0x71: {  	[tilespmem:s19], [sflag:$0x4] =	stream.indirect.gather [hbm4b:s8+s17], $0x80, s28, s17, $0xb8;
	[tilespmem:$0x1D000] =	vst v63  }
0x72: {  	_ =	swait.ge [sflag:s20], $0x4000  }
0x73: {  	[sflag:s20] =	ssyncset.done $0x0  }
0x74: {  	s3 =	rddreg [dreg:$0xe];
	[sflag:s20] =	ssyncadd.s32 $0xFFFFC000  }
0x75: {  	[spmem:s1] =	stream.indirect.scatter.add.f32 [tilespmem:s18], [sflag:$0x5], $0x80, s3, s17, $0xb8;
	[tilespmem:$0x1D000] =	vst v63  }
0x76: {  	_ =	swait.ge [sflag:s21], $0x4000  }
0x77: {  	[sflag:s21] =	ssyncset.done $0x0  }
0x78: {  	[sflag:s21] =	ssyncadd.s32 $0xFFFFC000  }
0x79: {  	_ =	swait.ge [sflag:s26], $0x400  }
0x7a: {  	[sflag:s26] =	ssyncset.done $0x0  }
0x7b: {  	[sflag:s26] =	ssyncadd.s32 $0xFFFFFC00  }
0x7c: {  	_ =	swait.ge [sflag:s26], $0x400  }
0x7d: {  	[sflag:s26] =	ssyncset.done $0x0  }
0x7e: {  	[sflag:s26] =	ssyncadd.s32 $0xFFFFFC00  }
0x7f: {  	[tilespmem:s18], [sflag:$0x3] =	stream.indirect.gather [hbm4b:s8+s17], $0x80, s22, s17, $0xb8;
	[tilespmem:$0x1D000] =	vst v63  }
0x80: {  	_ =	swait.ge [sflag:s24], $0x4000  }
0x81: {  	[sflag:s24] =	ssyncset.done $0x0  }
0x82: {  	s4 =	rddreg [dreg:$0xf];
	[sflag:s24] =	ssyncadd.s32 $0xFFFFC000  }
0x83: {  	[spmem:s1] =	stream.indirect.scatter.add.f32 [tilespmem:s19], [sflag:$0x6], $0x80, s4, s17, $0xb8;
	[tilespmem:$0x1D000] =	vst v63  }
0x84: {  	_ =	swait.ge [sflag:s25], $0x4000  }
0x85: {  	[sflag:s25] =	ssyncset.done $0x0  }
0x86: {  	s6 =	rddreg [dreg:$0x10];
	[sflag:s25] =	ssyncadd.s32 $0xFFFFC000  }
0x87: {  	[tilespmem:s19], [sflag:$0x4] =	stream.indirect.gather [hbm4b:s8+s17], $0x80, s6, s17, $0xb8;
	[tilespmem:$0x1D000] =	vst v63  }
0x88: {  	_ =	swait.ge [sflag:s20], $0x4000  }
0x89: {  	[sflag:s20] =	ssyncset.done $0x0  }
0x8a: {  	[sflag:s20] =	ssyncadd.s32 $0xFFFFC000  }
0x8b: {  	[spmem:s1] =	stream.indirect.scatter.add.f32 [tilespmem:s18], [sflag:$0x5], $0x80, s23, s17, $0xb8;
	[tilespmem:$0x1D000] =	vst v63  }
0x8c: {  	p0 =	por $0x0, $0x0;
	_ =	swait.ge [sflag:s21], $0x4000  }
0x8d: {  	s30 =	simm.s32 @!p0 $0x0;
	s0 =	sadd.s32 @!p0 $0x0, s12;
	[sflag:s21] =	ssyncset.done $0x0  }
0x8e: {  	s0 =	sadd.s32 @!p0 $0x100, s0;
	s3 =	sadd.s32 @!p0 $0x0, s11;
	[sflag:s21] =	ssyncadd.s32 $0xFFFFC000  }
0x8f: {  	[tilespmem:s30], [sflag:$0x1] =	stream.linear.gather @!p0 [hbm4b:s0+s30], $0x400, $0x38;
	[tilespmem:$0x1D000] =	vst v63  }
0x90: {  	s31 =	simm.s32 @!p0 $0x400;
	s0 =	sadd.s32 @!p0 $0x100, s3  }
0x91: {  	[tilespmem:s31], [sflag:$0x1] =	stream.linear.gather @!p0 [hbm4b:s0+s30], $0x400, $0x38;
	[tilespmem:$0x1D000] =	vst v63  }
0x92: {  	s28 =	rddreg [dreg:$0x11]  }
0x93: {  	[tilespmem:s18], [sflag:$0x3] =	stream.indirect.gather [hbm4b:s8+s17], $0x80, s28, s17, $0xb8;
	[tilespmem:$0x1D000] =	vst v63  }
0x94: {  	_ =	swait.ge [sflag:s24], $0x4000  }
0x95: {  	[sflag:s24] =	ssyncset.done $0x0  }
0x96: {  	s4 =	rddreg [dreg:$0x12];
	[sflag:s24] =	ssyncadd.s32 $0xFFFFC000  }
0x97: {  	[spmem:s1] =	stream.indirect.scatter.add.f32 [tilespmem:s19], [sflag:$0x6], $0x80, s4, s17, $0xb8;
	[tilespmem:$0x1D000] =	vst v63  }
0x98: {  	_ =	swait.ge [sflag:s25], $0x4000  }
0x99: {  	[sflag:s25] =	ssyncset.done $0x0  }
0x9a: {  	s6 =	rddreg [dreg:$0x13];
	[sflag:s25] =	ssyncadd.s32 $0xFFFFC000  }
0x9b: {  	[tilespmem:s19], [sflag:$0x4] =	stream.indirect.gather [hbm4b:s8+s17], $0x80, s6, s17, $0xb8;
	[tilespmem:$0x1D000] =	vst v63  }
0x9c: {  	_ =	swait.ge [sflag:s20], $0x4000  }
0x9d: {  	[sflag:s20] =	ssyncset.done $0x0  }
0x9e: {  	s28 =	rddreg [dreg:$0x14];
	[sflag:s20] =	ssyncadd.s32 $0xFFFFC000  }
0x9f: {  	[spmem:s1] =	stream.indirect.scatter.add.f32 [tilespmem:s18], [sflag:$0x5], $0x80, s28, s17, $0xb8;
	[tilespmem:$0x1D000] =	vst v63  }
0xa0: {  	_ =	swait.ge [sflag:s21], $0x4000  }
0xa1: {  	[sflag:s21] =	ssyncset.done $0x0  }
0xa2: {  	s3 =	rddreg [dreg:$0x15];
	[sflag:s21] =	ssyncadd.s32 $0xFFFFC000  }
0xa3: {  	[tilespmem:s18], [sflag:$0x3] =	stream.indirect.gather [hbm4b:s8+s17], $0x80, s3, s17, $0xb8;
	[tilespmem:$0x1D000] =	vst v63  }
0xa4: {  	_ =	swait.ge [sflag:s24], $0x4000  }
0xa5: {  	[sflag:s24] =	ssyncset.done $0x0  }
0xa6: {  	s4 =	rddreg [dreg:$0x16];
	[sflag:s24] =	ssyncadd.s32 $0xFFFFC000  }
0xa7: {  	[spmem:s1] =	stream.indirect.scatter.add.f32 [tilespmem:s19], [sflag:$0x6], $0x80, s4, s17, $0xb8;
	[tilespmem:$0x1D000] =	vst v63  }
0xa8: {  	_ =	swait.ge [sflag:s25], $0x4000  }
0xa9: {  	[sflag:s25] =	ssyncset.done $0x0  }
0xaa: {  	s6 =	rddreg [dreg:$0x17];
	[sflag:s25] =	ssyncadd.s32 $0xFFFFC000  }
0xab: {  	[tilespmem:s19], [sflag:$0x4] =	stream.indirect.gather [hbm4b:s8+s17], $0x80, s6, s17, $0xb8;
	[tilespmem:$0x1D000] =	vst v63  }
0xac: {  	_ =	swait.ge [sflag:s20], $0x4000  }
0xad: {  	[sflag:s20] =	ssyncset.done $0x0  }
0xae: {  	s28 =	rddreg [dreg:$0x18];
	[sflag:s20] =	ssyncadd.s32 $0xFFFFC000  }
0xaf: {  	[spmem:s1] =	stream.indirect.scatter.add.f32 [tilespmem:s18], [sflag:$0x5], $0x80, s28, s17, $0xb8;
	[tilespmem:$0x1D000] =	vst v63  }
0xb0: {  	_ =	swait.ge [sflag:s21], $0x4000  }
0xb1: {  	[sflag:s21] =	ssyncset.done $0x0  }
0xb2: {  	s3 =	rddreg [dreg:$0x19];
	[sflag:s21] =	ssyncadd.s32 $0xFFFFC000  }
0xb3: {  	[tilespmem:s18], [sflag:$0x3] =	stream.indirect.gather [hbm4b:s8+s17], $0x80, s3, s17, $0xb8;
	[tilespmem:$0x1D000] =	vst v63  }
0xb4: {  	_ =	swait.ge [sflag:s24], $0x4000  }
0xb5: {  	[sflag:s24] =	ssyncset.done $0x0  }
0xb6: {  	s4 =	rddreg [dreg:$0x1a];
	[sflag:s24] =	ssyncadd.s32 $0xFFFFC000  }
0xb7: {  	[spmem:s1] =	stream.indirect.scatter.add.f32 [tilespmem:s19], [sflag:$0x6], $0x80, s4, s17, $0xb8;
	[tilespmem:$0x1D000] =	vst v63  }
0xb8: {  	_ =	swait.ge [sflag:s25], $0x4000  }
0xb9: {  	[sflag:s25] =	ssyncset.done $0x0  }
0xba: {  	s6 =	rddreg [dreg:$0x1b];
	[sflag:s25] =	ssyncadd.s32 $0xFFFFC000  }
0xbb: {  	[tilespmem:s19], [sflag:$0x4] =	stream.indirect.gather [hbm4b:s8+s17], $0x80, s6, s17, $0xb8;
	[tilespmem:$0x1D000] =	vst v63  }
0xbc: {  	_ =	swait.ge [sflag:s20], $0x4000  }
0xbd: {  	[sflag:s20] =	ssyncset.done $0x0  }
0xbe: {  	s28 =	rddreg [dreg:$0x1c];
	[sflag:s20] =	ssyncadd.s32 $0xFFFFC000  }
0xbf: {  	[spmem:s1] =	stream.indirect.scatter.add.f32 [tilespmem:s18], [sflag:$0x5], $0x80, s28, s17, $0xb8;
	[tilespmem:$0x1D000] =	vst v63  }
0xc0: {  	s30 =	simm.s32 $0xFFFFFFF0;
	s31 =	simm.s32 $0x100;
	_ =	swait.ge [sflag:s21], $0x4000  }
.LBB2_2:
0xc1: {  	[sflag:s21] =	ssyncset.done $0x0  }
0xc2: {  	[sflag:s21] =	ssyncadd.s32 $0xFFFFC000  }
0xc3: {  	_ =	swait.ge [sflag:s16], $0x400  }
0xc4: {  	[sflag:s16] =	ssyncset.done $0x0  }
0xc5: {  	[sflag:s16] =	ssyncadd.s32 $0xFFFFFC00  }
0xc6: {  	s30 =	sadd.s32 $0x10, s30;
	_ =	swait.ge [sflag:s16], $0x400  }
0xc7: {  	p1 =	sgt.u32 s30, $0x9F;
	[sflag:s16] =	ssyncset.done $0x0  }
0xc8: {  	s3 =	simm.s32 @!p1 $0x4;
	[sflag:s16] =	ssyncadd.s32 $0xFFFFFC00  }
0xc9: {  	[tilespmem:s18], [sflag:$0x3] =	stream.indirect.gather [hbm4b:s8+s17], $0x80, s2, s17, $0xb8;
	[tilespmem:$0x1D000] =	vst v63  }
0xca: {  	_ =	swait.ge @!p1 [sflag:s3], $0x4000  }
0xcb: {  	s28 =	simm.s32 @!p1 $0x5000;
	s4 =	simm.s32 @!p1 $0x80;
	[sflag:s3] =	ssyncset.done @!p1 $0x0  }
0xcc: {  	s6 =	simm.s32 @!p1 $0xF80;
	[sflag:s3] =	ssyncadd.s32 @!p1 $0xFFFFC000;
	s3 =	simm.s32 @!p1 $0x6  }
0xcd: {  	[spmem:s1] =	stream.indirect.scatter.add.f32 @!p1 [tilespmem:s28], [sflag:$0x6], $0x80, s6, s4, $0xb8;
	[tilespmem:$0x1D000] =	vst v63  }
0xce: {  	_ =	swait.ge @!p1 [sflag:s3], $0x4000  }
0xcf: {  	[sflag:s3] =	ssyncset.done @!p1 $0x0  }
0xd0: {  	[sflag:s3] =	ssyncadd.s32 @!p1 $0xFFFFC000  }
0xd1: {  	[tilespmem:s19], [sflag:$0x4] =	stream.indirect.gather [hbm4b:s8+s17], $0x80, s17, s17, $0xb8;
	[tilespmem:$0x1D000] =	vst v63  }
0xd2: {  	_ =	swait.ge [sflag:s20], $0x4000  }
0xd3: {  	[sflag:s20] =	ssyncset.done $0x0  }
0xd4: {  	[sflag:s20] =	ssyncadd.s32 $0xFFFFC000  }
0xd5: {  	[spmem:s1] =	stream.indirect.scatter.add.f32 [tilespmem:s18], [sflag:$0x5], $0x80, s15, s17, $0xb8;
	[tilespmem:$0x1D000] =	vst v63  }
0xd6: {  	s0 =	smov.u32 s31;
	_ =	swait.ge [sflag:s21], $0x4000  }
0xd7: {  	s4 =	sadd.s32 s0, s12;
	[sflag:s21] =	ssyncset.done $0x0  }
0xd8: {  	s6 =	sadd.s32 s0, s11;
	s3 =	sadd.s32 $0x80, s4;
	[sflag:s21] =	ssyncadd.s32 $0xFFFFC000  }
0xd9: {  	[tilespmem:s22], [sflag:$0x2] =	stream.linear.gather [hbm4b:s3+s2], $0x400, $0x38;
	[tilespmem:$0x1D000] =	vst v63  }
0xda: {  	s4 =	sadd.s32 $0x80, s6  }
0xdb: {  	[tilespmem:s23], [sflag:$0x2] =	stream.linear.gather [hbm4b:s4+s2], $0x400, $0x38;
	[tilespmem:$0x1D000] =	vst v63  }
0xdc: {  	s28 =	rddreg [dreg:$0x3]  }
0xdd: {  	[tilespmem:s18], [sflag:$0x3] =	stream.indirect.gather [hbm4b:s8+s17], $0x80, s28, s17, $0xb8;
	[tilespmem:$0x1D000] =	vst v63  }
0xde: {  	_ =	swait.ge [sflag:s24], $0x4000  }
0xdf: {  	[sflag:s24] =	ssyncset.done $0x0  }
0xe0: {  	s6 =	rddreg [dreg:$0x4];
	[sflag:s24] =	ssyncadd.s32 $0xFFFFC000  }
0xe1: {  	[spmem:s1] =	stream.indirect.scatter.add.f32 [tilespmem:s19], [sflag:$0x6], $0x80, s6, s17, $0xb8;
	[tilespmem:$0x1D000] =	vst v63  }
0xe2: {  	_ =	swait.ge [sflag:s25], $0x4000  }
0xe3: {  	[sflag:s25] =	ssyncset.done $0x0  }
0xe4: {  	s28 =	rddreg [dreg:$0x5];
	[sflag:s25] =	ssyncadd.s32 $0xFFFFC000  }
0xe5: {  	[tilespmem:s19], [sflag:$0x4] =	stream.indirect.gather [hbm4b:s8+s17], $0x80, s28, s17, $0xb8;
	[tilespmem:$0x1D000] =	vst v63  }
0xe6: {  	_ =	swait.ge [sflag:s20], $0x4000  }
0xe7: {  	[sflag:s20] =	ssyncset.done $0x0  }
0xe8: {  	s4 =	rddreg [dreg:$0x6];
	[sflag:s20] =	ssyncadd.s32 $0xFFFFC000  }
0xe9: {  	[spmem:s1] =	stream.indirect.scatter.add.f32 [tilespmem:s18], [sflag:$0x5], $0x80, s4, s17, $0xb8;
	[tilespmem:$0x1D000] =	vst v63  }
0xea: {  	_ =	swait.ge [sflag:s21], $0x4000  }
0xeb: {  	[sflag:s21] =	ssyncset.done $0x0  }
0xec: {  	s6 =	rddreg [dreg:$0x7];
	[sflag:s21] =	ssyncadd.s32 $0xFFFFC000  }
0xed: {  	[tilespmem:s18], [sflag:$0x3] =	stream.indirect.gather [hbm4b:s8+s17], $0x80, s6, s17, $0xb8;
	[tilespmem:$0x1D000] =	vst v63  }
0xee: {  	_ =	swait.ge [sflag:s24], $0x4000  }
0xef: {  	[sflag:s24] =	ssyncset.done $0x0  }
0xf0: {  	s28 =	rddreg [dreg:$0x8];
	[sflag:s24] =	ssyncadd.s32 $0xFFFFC000  }
0xf1: {  	[spmem:s1] =	stream.indirect.scatter.add.f32 [tilespmem:s19], [sflag:$0x6], $0x80, s28, s17, $0xb8;
	[tilespmem:$0x1D000] =	vst v63  }
0xf2: {  	_ =	swait.ge [sflag:s25], $0x4000  }
0xf3: {  	[sflag:s25] =	ssyncset.done $0x0  }
0xf4: {  	s4 =	rddreg [dreg:$0x9];
	[sflag:s25] =	ssyncadd.s32 $0xFFFFC000  }
0xf5: {  	[tilespmem:s19], [sflag:$0x4] =	stream.indirect.gather [hbm4b:s8+s17], $0x80, s4, s17, $0xb8;
	[tilespmem:$0x1D000] =	vst v63  }
0xf6: {  	_ =	swait.ge [sflag:s20], $0x4000  }
0xf7: {  	[sflag:s20] =	ssyncset.done $0x0  }
0xf8: {  	s6 =	rddreg [dreg:$0xa];
	[sflag:s20] =	ssyncadd.s32 $0xFFFFC000  }
0xf9: {  	[spmem:s1] =	stream.indirect.scatter.add.f32 [tilespmem:s18], [sflag:$0x5], $0x80, s6, s17, $0xb8;
	[tilespmem:$0x1D000] =	vst v63  }
0xfa: {  	_ =	swait.ge [sflag:s21], $0x4000  }
0xfb: {  	[sflag:s21] =	ssyncset.done $0x0  }
0xfc: {  	s28 =	rddreg [dreg:$0xb];
	[sflag:s21] =	ssyncadd.s32 $0xFFFFC000  }
0xfd: {  	[tilespmem:s18], [sflag:$0x3] =	stream.indirect.gather [hbm4b:s8+s17], $0x80, s28, s17, $0xb8;
	[tilespmem:$0x1D000] =	vst v63  }
0xfe: {  	_ =	swait.ge [sflag:s24], $0x4000  }
0xff: {  	[sflag:s24] =	ssyncset.done $0x0  }
0x100: {  	s4 =	rddreg [dreg:$0xc];
	[sflag:s24] =	ssyncadd.s32 $0xFFFFC000  }
0x101: {  	[spmem:s1] =	stream.indirect.scatter.add.f32 [tilespmem:s19], [sflag:$0x6], $0x80, s4, s17, $0xb8;
	[tilespmem:$0x1D000] =	vst v63  }
0x102: {  	_ =	swait.ge [sflag:s25], $0x4000  }
0x103: {  	[sflag:s25] =	ssyncset.done $0x0  }
0x104: {  	s6 =	rddreg [dreg:$0xd];
	[sflag:s25] =	ssyncadd.s32 $0xFFFFC000  }
0x105: {  	[tilespmem:s19], [sflag:$0x4] =	stream.indirect.gather [hbm4b:s8+s17], $0x80, s6, s17, $0xb8;
	[tilespmem:$0x1D000] =	vst v63  }
0x106: {  	_ =	swait.ge [sflag:s20], $0x4000  }
0x107: {  	[sflag:s20] =	ssyncset.done $0x0  }
0x108: {  	s28 =	rddreg [dreg:$0xe];
	[sflag:s20] =	ssyncadd.s32 $0xFFFFC000  }
0x109: {  	[spmem:s1] =	stream.indirect.scatter.add.f32 [tilespmem:s18], [sflag:$0x5], $0x80, s28, s17, $0xb8;
	[tilespmem:$0x1D000] =	vst v63  }
0x10a: {  	_ =	swait.ge [sflag:s21], $0x4000  }
0x10b: {  	[sflag:s21] =	ssyncset.done $0x0  }
0x10c: {  	[sflag:s21] =	ssyncadd.s32 $0xFFFFC000  }
0x10d: {  	_ =	swait.ge [sflag:s26], $0x400  }
0x10e: {  	[sflag:s26] =	ssyncset.done $0x0  }
0x10f: {  	[sflag:s26] =	ssyncadd.s32 $0xFFFFFC00  }
0x110: {  	_ =	swait.ge [sflag:s26], $0x400  }
0x111: {  	[sflag:s26] =	ssyncset.done $0x0  }
0x112: {  	[sflag:s26] =	ssyncadd.s32 $0xFFFFFC00  }
0x113: {  	[tilespmem:s18], [sflag:$0x3] =	stream.indirect.gather [hbm4b:s8+s17], $0x80, s22, s17, $0xb8;
	[tilespmem:$0x1D000] =	vst v63  }
0x114: {  	_ =	swait.ge [sflag:s24], $0x4000  }
0x115: {  	[sflag:s24] =	ssyncset.done $0x0  }
0x116: {  	s4 =	rddreg [dreg:$0xf];
	[sflag:s24] =	ssyncadd.s32 $0xFFFFC000  }
0x117: {  	[spmem:s1] =	stream.indirect.scatter.add.f32 [tilespmem:s19], [sflag:$0x6], $0x80, s4, s17, $0xb8;
	[tilespmem:$0x1D000] =	vst v63  }
0x118: {  	_ =	swait.ge [sflag:s25], $0x4000  }
0x119: {  	[sflag:s25] =	ssyncset.done $0x0  }
0x11a: {  	s6 =	rddreg [dreg:$0x10];
	[sflag:s25] =	ssyncadd.s32 $0xFFFFC000  }
0x11b: {  	[tilespmem:s19], [sflag:$0x4] =	stream.indirect.gather [hbm4b:s8+s17], $0x80, s6, s17, $0xb8;
	[tilespmem:$0x1D000] =	vst v63  }
0x11c: {  	_ =	swait.ge [sflag:s20], $0x4000  }
0x11d: {  	[sflag:s20] =	ssyncset.done $0x0  }
0x11e: {  	[sflag:s20] =	ssyncadd.s32 $0xFFFFC000  }
0x11f: {  	[spmem:s1] =	stream.indirect.scatter.add.f32 [tilespmem:s18], [sflag:$0x5], $0x80, s23, s17, $0xb8;
	[tilespmem:$0x1D000] =	vst v63  }
0x120: {  	p1 =	seq.s32 s0, $0x900;
	_ =	swait.ge [sflag:s21], $0x4000  }
0x121: {  	s3 =	sadd.s32 @!p1 s0, s12;
	s0 =	sadd.s32 @!p1 s0, s11;
	[sflag:s21] =	ssyncset.done $0x0  }
0x122: {  	s3 =	sadd.s32 @!p1 $0x100, s3;
	s4 =	simm.s32 @!p1 $0x0;
	[sflag:s21] =	ssyncadd.s32 $0xFFFFC000  }
0x123: {  	[tilespmem:s4], [sflag:$0x1] =	stream.linear.gather @!p1 [hbm4b:s3+s4], $0x400, $0x38;
	[tilespmem:$0x1D000] =	vst v63  }
0x124: {  	s0 =	sadd.s32 @!p1 $0x100, s0;
	s3 =	simm.s32 @!p1 $0x400  }
0x125: {  	[tilespmem:s3], [sflag:$0x1] =	stream.linear.gather @!p1 [hbm4b:s0+s4], $0x400, $0x38;
	[tilespmem:$0x1D000] =	vst v63  }
0x126: {  	s28 =	rddreg [dreg:$0x11]  }
0x127: {  	[tilespmem:s18], [sflag:$0x3] =	stream.indirect.gather [hbm4b:s8+s17], $0x80, s28, s17, $0xb8;
	[tilespmem:$0x1D000] =	vst v63  }
0x128: {  	_ =	swait.ge [sflag:s24], $0x4000  }
0x129: {  	[sflag:s24] =	ssyncset.done $0x0  }
0x12a: {  	s4 =	rddreg [dreg:$0x12];
	[sflag:s24] =	ssyncadd.s32 $0xFFFFC000  }
0x12b: {  	[spmem:s1] =	stream.indirect.scatter.add.f32 [tilespmem:s19], [sflag:$0x6], $0x80, s4, s17, $0xb8;
	[tilespmem:$0x1D000] =	vst v63  }
0x12c: {  	_ =	swait.ge [sflag:s25], $0x4000  }
0x12d: {  	[sflag:s25] =	ssyncset.done $0x0  }
0x12e: {  	s6 =	rddreg [dreg:$0x13];
	[sflag:s25] =	ssyncadd.s32 $0xFFFFC000  }
0x12f: {  	[tilespmem:s19], [sflag:$0x4] =	stream.indirect.gather [hbm4b:s8+s17], $0x80, s6, s17, $0xb8;
	[tilespmem:$0x1D000] =	vst v63  }
0x130: {  	_ =	swait.ge [sflag:s20], $0x4000  }
0x131: {  	[sflag:s20] =	ssyncset.done $0x0  }
0x132: {  	s28 =	rddreg [dreg:$0x14];
	[sflag:s20] =	ssyncadd.s32 $0xFFFFC000  }
0x133: {  	[spmem:s1] =	stream.indirect.scatter.add.f32 [tilespmem:s18], [sflag:$0x5], $0x80, s28, s17, $0xb8;
	[tilespmem:$0x1D000] =	vst v63  }
0x134: {  	_ =	swait.ge [sflag:s21], $0x4000  }
0x135: {  	[sflag:s21] =	ssyncset.done $0x0  }
0x136: {  	s3 =	rddreg [dreg:$0x15];
	[sflag:s21] =	ssyncadd.s32 $0xFFFFC000  }
0x137: {  	[tilespmem:s18], [sflag:$0x3] =	stream.indirect.gather [hbm4b:s8+s17], $0x80, s3, s17, $0xb8;
	[tilespmem:$0x1D000] =	vst v63  }
0x138: {  	_ =	swait.ge [sflag:s24], $0x4000  }
0x139: {  	[sflag:s24] =	ssyncset.done $0x0  }
0x13a: {  	s4 =	rddreg [dreg:$0x16];
	[sflag:s24] =	ssyncadd.s32 $0xFFFFC000  }
0x13b: {  	[spmem:s1] =	stream.indirect.scatter.add.f32 [tilespmem:s19], [sflag:$0x6], $0x80, s4, s17, $0xb8;
	[tilespmem:$0x1D000] =	vst v63  }
0x13c: {  	_ =	swait.ge [sflag:s25], $0x4000  }
0x13d: {  	[sflag:s25] =	ssyncset.done $0x0  }
0x13e: {  	s6 =	rddreg [dreg:$0x17];
	[sflag:s25] =	ssyncadd.s32 $0xFFFFC000  }
0x13f: {  	[tilespmem:s19], [sflag:$0x4] =	stream.indirect.gather [hbm4b:s8+s17], $0x80, s6, s17, $0xb8;
	[tilespmem:$0x1D000] =	vst v63  }
0x140: {  	_ =	swait.ge [sflag:s20], $0x4000  }
0x141: {  	[sflag:s20] =	ssyncset.done $0x0  }
0x142: {  	s28 =	rddreg [dreg:$0x18];
	[sflag:s20] =	ssyncadd.s32 $0xFFFFC000  }
0x143: {  	[spmem:s1] =	stream.indirect.scatter.add.f32 [tilespmem:s18], [sflag:$0x5], $0x80, s28, s17, $0xb8;
	[tilespmem:$0x1D000] =	vst v63  }
0x144: {  	_ =	swait.ge [sflag:s21], $0x4000  }
0x145: {  	[sflag:s21] =	ssyncset.done $0x0  }
0x146: {  	s3 =	rddreg [dreg:$0x19];
	[sflag:s21] =	ssyncadd.s32 $0xFFFFC000  }
0x147: {  	[tilespmem:s18], [sflag:$0x3] =	stream.indirect.gather [hbm4b:s8+s17], $0x80, s3, s17, $0xb8;
	[tilespmem:$0x1D000] =	vst v63  }
0x148: {  	_ =	swait.ge [sflag:s24], $0x4000  }
0x149: {  	[sflag:s24] =	ssyncset.done $0x0  }
0x14a: {  	s4 =	rddreg [dreg:$0x1a];
	[sflag:s24] =	ssyncadd.s32 $0xFFFFC000  }
0x14b: {  	[spmem:s1] =	stream.indirect.scatter.add.f32 [tilespmem:s19], [sflag:$0x6], $0x80, s4, s17, $0xb8;
	[tilespmem:$0x1D000] =	vst v63  }
0x14c: {  	_ =	swait.ge [sflag:s25], $0x4000  }
0x14d: {  	s31 =	sadd.s32 $0x100, s31;
	[sflag:s25] =	ssyncset.done $0x0  }
0x14e: {  	p0 =	sne.s32 s31, $0xA00;
	s6 =	rddreg [dreg:$0x1b];
	[sflag:s25] =	ssyncadd.s32 $0xFFFFC000  }
0x14f: {  	[tilespmem:s19], [sflag:$0x4] =	stream.indirect.gather [hbm4b:s8+s17], $0x80, s6, s17, $0xb8;
	[tilespmem:$0x1D000] =	vst v63  }
.Ltmp0:
0x150: {  	_ =	swait.ge [sflag:s20], $0x4000;
	(pc) =	sbr.rel @p0 .LBB2_2-.Ltmp0, $4  }
0x151: {  	[sflag:s20] =	ssyncset.done $0x0  }
0x152: {  	s28 =	rddreg [dreg:$0x1c];
	[sflag:s20] =	ssyncadd.s32 $0xFFFFC000  }
0x153: {  	[spmem:s1] =	stream.indirect.scatter.add.f32 [tilespmem:s18], [sflag:$0x5], $0x80, s28, s17, $0xb8;
	[tilespmem:$0x1D000] =	vst v63  }
0x154: {  	_ =	swait.ge [sflag:s21], $0x4000  }
0x155: {  	[sflag:s21] =	ssyncset.done $0x0  }
0x156: {  	[sflag:s21] =	ssyncadd.s32 $0xFFFFC000  }
0x157: {  	_ =	swait.ge [sflag:s24], $0x4000  }
0x158: {  	[sflag:s24] =	ssyncset.done $0x0  }
0x159: {  	s0 =	simm.s32 $0xF80;
	[sflag:s24] =	ssyncadd.s32 $0xFFFFC000  }
0x15a: {  	[spmem:s1] =	stream.indirect.scatter.add.f32 [tilespmem:s19], [sflag:$0x6], $0x80, s0, s17, $0xb8;
	[tilespmem:$0x1D000] =	vst v63  }
0x15b: {  	_ =	swait.ge [sflag:s25], $0x4000  }
0x15c: {  	s29 =	sadd.s32 $0x1, s29;
	[sflag:s25] =	ssyncset.done $0x0  }
0x15d: {  	p0 =	sne.s32 s29, s10;
	[sflag:s25] =	ssyncadd.s32 $0xFFFFC000  }
.Ltmp1:
0x15e: {  	[bflag:$0x0] =	sbarrier.arrive $0xFFFF;
	(pc) =	sbr.rel @p0 .LBB2_1-.Ltmp1, $4  }
0x15f: {  	[hbm:s9], [sflag:s5] =	dma.local [spmem:s13], $0x2800  }
0x160: {  	_ =	swait.ge [sflag:s14], $0x2800  }
0x161: {  	[sflag:s14] =	ssyncset.done $0x0  }
0x162: {  	[sflag:s14] =	ssyncadd.s32 $0xFFFFD800  }
0x163: {  	_ =	sfence.sel $0x180000  }
0x164: {  	[bflag:$0x0] =	sbarrier.arrive $0xFFFF  }
0x165: {  	_ =	strace $0x9000004A  }
0x166: {  	s0 =	stileid.u32;
	[bflag:$0x2] =	sbarrier.arrive $0xFFFF  }
0x167: {  	p0 =	sne.s32 s0, $0x0;
	s0 =	rddreg [dreg:$0x2]  }
0x168: {  	s0 =	sadd.s32 @!p0 $0x100000, s0  }
0x169: {  	[sflag:s0] =	ssyncadd.tile.s32 @!p0 $0x1;
	_ =	shalt  }
.Lfunc_end2:
_tile_overlayer_lowered:
.L_overlay_start_2:
0x16a: {  	(tag) =	ssettag $0x2  }
0x16b: {  	s0 =	rddreg [dreg:$0x0];
	s2 =	stileid.u32  }
0x16c: {  	s1 =	rddreg [dreg:$0x1];
	p0 =	sne.s32 s2, $0x0  }
0x16d: {  	s3 =	rddreg [dreg:$0x2];
	[bflag:$0x3] =	sbarrier.arrive $0xFFFF;
	s2 =	simm.s32 @!p0 $0x1C07  }
0x16e: {  	[timem:s3], [sflag:s2] =	dma.local @!p0 [hbm:s0], s1  }
0x16f: {  	s0 =	simm.s32 @!p0 $0x7  }
0x170: {  	_ =	swait.ge @!p0 [sflag:s0], s1  }
0x171: {  	s1 =	ssub.s32 @!p0 $0x0, s1;
	[sflag:s0] =	ssyncset.done @!p0 $0x0  }
0x172: {  	[sflag:s0] =	ssyncadd.s32 @!p0 s1  }
0x173: {  	[bflag:$0x3] =	sbarrier.arrive $0xFFFF  }
0x174: {  	_ =	shalt  }

// kernel: kernel.14.cloned.1.call-start
scs
__scs_entry_jumppad:
0x0: {  	(pc) =	sbr.rel $0x88, $3  }
0x1: {  	(tag) =	ssettag $0x0;
	lr =	simm.s32 $0x1  }
0x2: {  	[smem:$0x3F9B] =	sst lr;
	_ =	strace $0xD0000000  }
0x3: {  	_ = 	snop  }
0x4: {  	_ = 	snop  }
0x5: {  	_ = 	snop  }
0x6: {  	_ = 	snop  }
0x7: {  	_ = 	snop  }
__scs_overlays_trampoline_lowered:
0x8: {  	[smem:$0x3FAA] =	sst s0  }
0x9: {  	[smem:$0x3FAB] =	sst s1  }
0xa: {  	[smem:$0x3FAC] =	sst s2  }
0xb: {  	[smem:$0x3FAD] =	sst s3  }
0xc: {  	[smem:$0x3FAE] =	sst s4  }
0xd: {  	[smem:$0x3FAF] =	sst s5  }
0xe: {  	[smem:$0x3FB0] =	sst s6  }
0xf: {  	[smem:$0x3FB1] =	sst s7  }
0x10: {  	[smem:$0x3FB2] =	sst s8  }
0x11: {  	[smem:$0x3FB3] =	sst s9;
	s0 =	simm.s32 @!p0 $0x0  }
0x12: {  	s1 =	sld [smem:$0x3F99];
	s0 =	simm.s32 @p0 $0x1  }
0x13: {  	[smem:$0x3FB4] =	sst s0;
	s0 =	simm.s32 @!p1 $0x0  }
0x14: {  	s2 =	sld [smem:$0x3F98];
	s0 =	simm.s32 @p1 $0x1  }
0x15: {  	[smem:$0x3FB5] =	sst s0;
	s0 =	simm.s32 @!p2 $0x0  }
0x16: {  	s3 =	sld [smem:$0x3FDB];
	s0 =	simm.s32 @p2 $0x1  }
0x17: {  	s4 =	simm.s32 $0x1BF5;
	[smem:$0x3FB7] =	sst s0  }
0x18: {  	s0 =	sld [smem:$0x3F9A];
	_ =	swait.ge [sflag:s4], $0x0  }
0x19: {  	s7 =	sld [smem:$0x3F9B]  }
0x1a: {  	s8 =	sadd.s32 $0xFFFFE003, lr  }
0x1b: {  	s9 =	sadd.s32 $0xFFFFFEF7, lr;
	s5 =	simm.s32 $0xFFFFFFFF;
	p2 =	slt.u32 s8, $0xFFFFF086  }
0x1c: {  	p1 =	slt.u32 s9, $0xF7A;
	s5 =	simm.s32 @!p2 $0x0  }
0x1d: {  	s5 =	simm.s32 @p1 $0x1;
	p0 =	seq.s32 s7, s2  }
0x1e: {  	s7 =	smul.u32 @!p0 $0xF7A, s2;
	p2 =	seq.s32 @!p0 s5, $0x0  }
0x1f: {  	s9 =	smul.u32 $0xF7A, s1;
	s8 =	simm.s32 @!p0 $0x1BF5;
	p2 =	por !p2, p0  }
0x20: {  	[sflag:s8] =	ssyncset.s32 @!p0 $0xFFFFF086;
	s6 =	sadd.s32 @!p0 s3, s7;
	s7 =	simm.s32 @!p0 $0x108  }
0x21: {  	s3 =	sadd.s32 s3, s9;
	s6 =	sadd.s32 @!p0 $0x88, s6;
	s7 =	simm.s32 @p2 $0x1082  }
0x22: {  	[simem:s7], [sflag:s8] =	dma.local @!p0 [hbm:s6], $0xF7A  }
0x23: {  	s9 =	sor.u32 $0xD0000000, s2;
	s6 =	simm.s32 $0x108;
	_ =	swait.ge @!p0 [sflag:s8], $0x0  }
0x24: {  	s3 =	sadd.s32 $0x88, s3;
	s6 =	simm.s32 @!p1 $0x1082;
	[sflag:s4] =	ssyncset.s32 $0xFFFFF086  }
0x25: {  	[simem:s6], [sflag:s4] =	dma.local [hbm:s3], $0xF7A  }
0x26: {  	[smem:$0x3F9B] =	sst s1;
	(tag) =	ssettag s2;
	_ =	strace s9  }
0x27: {  	s1 =	sld [smem:$0x3FAB]  }
0x28: {  	s2 =	sld [smem:$0x3FAC]  }
0x29: {  	s4 =	sld [smem:$0x3FAE]  }
0x2a: {  	p0 =	seq.s32 s5, $0x0;
	s5 =	sld [smem:$0x3FAF]  }
0x2b: {  	s6 =	sld [smem:$0x3FB0]  }
0x2c: {  	s7 =	sld [smem:$0x3FB1]  }
0x2d: {  	s3 =	simm.s32 $0x108;
	s8 =	sld [smem:$0x3FB2]  }
0x2e: {  	s3 =	simm.s32 @!p0 $0x1082;
	s9 =	sld [smem:$0x3FB3]  }
0x2f: {  	lr =	sadd.s32 s0, s3;
	s0 =	sld [smem:$0x3FAA]  }
0x30: {  	s3 =	sld [smem:$0x3FAD]  }
0x31: {  	[smem:$0x3FB6] =	sst s10  }
0x32: {  	s10 =	sld [smem:$0x3FB4];
	_ =	sdelay $0x3  }
0x33: {  	p0 =	seq.s32 s10, $0x1;
	s10 =	sld [smem:$0x3FB6];
	_ =	sdelay $0x3  }
0x34: {  	[smem:$0x3FB6] =	sst s10  }
0x35: {  	s10 =	sld [smem:$0x3FB5];
	_ =	sdelay $0x3  }
0x36: {  	p1 =	seq.s32 s10, $0x1;
	s10 =	sld [smem:$0x3FB6];
	_ =	sdelay $0x3  }
0x37: {  	[smem:$0x3FB6] =	sst s10  }
0x38: {  	s10 =	sld [smem:$0x3FB7]  }
0x39: {  	_ = 	snop;
	(pc) =	sbr.ind lr, $3  }
0x3a: {  	_ = 	snop  }
0x3b: {  	_ = 	snop  }
0x3c: {  	p2 =	seq.s32 s10, $0x1;
	s10 =	sld [smem:$0x3FB6]  }
0x3d: {  	_ =	shalt  }
0x3e: {  	_ =	shalt  }
0x3f: {  	_ =	shalt  }
0x40: {  	_ =	shalt  }
0x41: {  	_ =	shalt  }
0x42: {  	_ =	shalt  }
0x43: {  	_ =	shalt  }
0x44: {  	_ =	shalt  }
0x45: {  	_ =	shalt  }
0x46: {  	_ =	shalt  }
0x47: {  	_ =	shalt  }
0x48: {  	_ =	shalt  }
0x49: {  	_ =	shalt  }
0x4a: {  	_ =	shalt  }
0x4b: {  	_ =	shalt  }
0x4c: {  	_ =	shalt  }
0x4d: {  	_ =	shalt  }
0x4e: {  	_ =	shalt  }
0x4f: {  	_ =	shalt  }
0x50: {  	_ =	shalt  }
0x51: {  	_ =	shalt  }
0x52: {  	_ =	shalt  }
0x53: {  	_ =	shalt  }
0x54: {  	_ =	shalt  }
0x55: {  	_ =	shalt  }
0x56: {  	_ =	shalt  }
0x57: {  	_ =	shalt  }
0x58: {  	_ =	shalt  }
0x59: {  	_ =	shalt  }
0x5a: {  	_ =	shalt  }
0x5b: {  	_ =	shalt  }
0x5c: {  	_ =	shalt  }
0x5d: {  	_ =	shalt  }
0x5e: {  	_ =	shalt  }
0x5f: {  	_ =	shalt  }
0x60: {  	_ =	shalt  }
0x61: {  	_ =	shalt  }
0x62: {  	_ =	shalt  }
0x63: {  	_ =	shalt  }
0x64: {  	_ =	shalt  }
0x65: {  	_ =	shalt  }
0x66: {  	_ =	shalt  }
0x67: {  	_ =	shalt  }
0x68: {  	_ =	shalt  }
0x69: {  	_ =	shalt  }
0x6a: {  	_ =	shalt  }
0x6b: {  	_ =	shalt  }
0x6c: {  	_ =	shalt  }
0x6d: {  	_ =	shalt  }
0x6e: {  	_ =	shalt  }
0x6f: {  	_ =	shalt  }
0x70: {  	_ =	shalt  }
0x71: {  	_ =	shalt  }
0x72: {  	_ =	shalt  }
0x73: {  	_ =	shalt  }
0x74: {  	_ =	shalt  }
0x75: {  	_ =	shalt  }
0x76: {  	_ =	shalt  }
0x77: {  	_ =	shalt  }
0x78: {  	_ =	shalt  }
0x79: {  	_ =	shalt  }
0x7a: {  	_ =	shalt  }
0x7b: {  	_ =	shalt  }
0x7c: {  	_ =	shalt  }
0x7d: {  	_ =	shalt  }
0x7e: {  	_ =	shalt  }
0x7f: {  	_ =	shalt  }
0x80: {  	_ =	shalt  }
0x81: {  	_ =	shalt  }
0x82: {  	_ =	shalt  }
0x83: {  	_ =	shalt  }
0x84: {  	_ =	shalt  }
0x85: {  	_ =	shalt  }
0x86: {  	_ =	shalt  }
0x87: {  	_ =	shalt  }
.Lfunc_end0:
.L_simem_size_0:
called_computation.2_lowered:
.L_overlay_start_0:
0x88: {  	s2 =	sld [smem:$0x3FD9]  }
0x89: {  	s3 =	sld [smem:$0x3FFE];
	_ =	sdelay $0x1  }
0x8a: {  	s1 =	srdreg.scid  }
0x8b: {  	s0 =	sand.u32 $0x1, s1  }
0x8c: {  	s17 =	sshll.u32 s0, $0xA;
	s2 =	sadd.s32 s3, s2  }
0x8d: {  	s2 =	sadd.s32 s2, s17  }
0x8e: {  	[smem:$0x3FC2] =	sst s2  }
0x8f: {  	_ = 	snop  }
0x90: {  	s2 =	sld [smem:$0x3FD0];
	(tm) =	ssettm $0x1  }
0x91: {  	s18 =	sld [smem:$0x3FFB];
	_ =	sdelay $0x3  }
0x92: {  	_ =	strace s18  }
0x93: {  	s3 =	sld [smem:$0x3FFC];
	_ =	sdelay $0x3  }
0x94: {  	_ =	strace s3  }
0x95: {  	s3 =	sld [smem:$0x3FFD];
	_ =	sdelay $0x3  }
0x96: {  	_ =	strace s3  }
0x97: {  	_ =	strace $0x8FFFFFFF  }
0x98: {  	s19 =	sld [smem:$0x3FDB];
	_ =	sdelay $0x1  }
0x99: {  	s4 =	simm.s32 $_scs_section_size  }
0x9a: {  	s5 =	simm.s32 $_size__tile_overlayer_lowered;
	s6 =	simm.s32 $_tile_overlayer_lowered  }
0x9b: {  	s22 =	simm.s32 $0x1BFF;
	s21 =	sshll.u32 s6, $0x1;
	s3 =	sadd.s32 s4, s19  }
0x9c: {  	s7 =	simm.s32 $0x0;
	s20 =	sshll.u32 s5, $0x1;
	s5 =	sadd.s32 s21, s3  }
0x9d: {  	[timem:s7], [sflag:s22] =	dma.local [hbm:s5], s20  }
0x9e: {  	_ =	swait.ge [sflag:s22], s20  }
0x9f: {  	s4 =	ssub.s32 $0x0, s20;
	[sflag:s22] =	ssyncset.done $0x0  }
0xa0: {  	[sflag:s22] =	ssyncadd.s32 s4;
	_ =	sdelay $0x1  }
0xa1: {  	s23 =	simm.s32 $0x1B8B  }
0xa2: {  	_ =	swait.ge [sflag:s23], $0x1  }
0xa3: {  	[sflag:s23] =	ssyncset.done $0x0  }
0xa4: {  	s25 =	simm.s32 $0x1B8E;
	s24 =	sld [smem:$0x3FFE];
	[sflag:s23] =	ssyncadd.s32 $0xFFFFFFFF  }
0xa5: {  	s26 =	simm.s32 $execute0_lowered;
	[smem:$0x3FD2] =	sst s25  }
0xa6: {  	s5 =	sshll.u32 s26, $0x1;
	_ =	strace $0x8000004C;
	[dreg:$0x1] =	wrdreg $0xFFFFFFFF  }
0xa7: {  	s28 =	simm.s32 $_size_execute0_lowered;
	s3 =	sadd.s32 s3, s5;
	[dreg:$0x0] =	wrdreg $0x0  }
0xa8: {  	s5 =	sshll.u32 s28, $0x1;
	[dreg:$0x2] =	wrdreg s3  }
0xa9: {  	[dreg:$0x3] =	wrdreg s5  }
0xaa: {  	[dreg:$0x4] =	wrdreg $0xC0  }
0xab: {  	_ =	task [dreg:s7], $0x5FFFF  }
0xac: {  	[dreg:$0x1] =	wrdreg $0xFFFFFFFF  }
0xad: {  	[dreg:$0x0] =	wrdreg $0x60  }
0xae: {  	[dreg:$0x2] =	wrdreg s24  }
0xaf: {  	[dreg:$0x3] =	wrdreg s2  }
0xb0: {  	[dreg:$0x4] =	wrdreg $0x90000  }
0xb1: {  	[dreg:$0x5] =	wrdreg $0x9  }
0xb2: {  	_ =	task.clear_ibuf [dreg:s7], $0x6FFFF;
	_ =	strace $0x9000004C  }
0xb3: {  	s29 =	simm.s32 $0x9;
	_ =	strace $0x8000004E  }
0xb4: {  	_ =	swait.ge [sflag:s29], $0x1  }
0xb5: {  	[sflag:s29] =	ssyncadd.s32 $0xFFFFFFFF  }
0xb6: {  	_ =	strace $0x9000004E  }
0xb7: {  	_ =	sfence  }
0xb8: {  	s30 =	sld [smem:$0x0];
	_ =	sdelay $0x2  }
0xb9: {  	s31 =	sshll.u32 s1, $0xD;
	s1 =	sshrl.u32 s1, $0x2  }
0xba: {  	s3 =	sand.u32 $0x4000, s31;
	s1 =	sadd.s32 s1, s30  }
0xbb: {  	s0 =	sor.u32 s3, s0;
	s1 =	sshll.u32 s1, $0x11  }
0xbc: {  	s0 =	sor.u32 s1, s0  }
0xbd: {  	s0 =	sadd.s32 $0x8F2B, s0  }
0xbe: {  	[sflag:s0] =	ssyncadd.remote.s32 $0x1  }
0xbf: {  	_ =	sfence.sel $0xFFFF  }
0xc0: {  	[dreg:$0x0] =	wrdreg $0xFFFFFFFF;
	(pc) =	sbr.abs _section_cstart, $3  }
0xc1: {  	[dreg:$0x1] =	wrdreg $0xFFFFFFFF  }
0xc2: {  	_ =	task.clear_ibuf [dreg:s7], $0x2FFFF;
	_ =	strace $0x9FFFFFFF  }
0xc3: {  	(tm) =	ssettm $0x7FFFFFFF  }
tec
execute0_lowered:
.L_overlay_start_1:
0x0: {  	(tag) =	ssettag $0x1  }
0x1: {  	s0 =	rddreg [dreg:$0x0]  }
0x2: {  	s2 =	rddreg [dreg:$0x1];
	s16 =	stileid.u32  }
0x3: {  	s1 =	srdreg.scid;
	s3 =	rddreg [dreg:$0x2];
	s4 =	simm.s32 $0x0  }
0x4: {  	s15 =	simm.s32 $0x100;
	s18 =	simm.s32 $0x480;
	[smem:$0x7FF] =	sst s4  }
0x5: {  	s19 =	simm.s32 $0x180;
	_ =	strace $0x8000004D;
	[dreg:$0x6] =	wrdreg s15  }
0x6: {  	s20 =	simm.s32 $0x500;
	s22 =	simm.s32 $0x200;
	[dreg:$0x7] =	wrdreg s18  }
0x7: {  	s23 =	simm.s32 $0x580;
	s24 =	simm.s32 $0x280;
	[dreg:$0x8] =	wrdreg s19  }
0x8: {  	s25 =	simm.s32 $0x600;
	s26 =	simm.s32 $0x300;
	[dreg:$0x9] =	wrdreg s20  }
0x9: {  	s29 =	simm.s32 $0x680;
	s28 =	simm.s32 $0x2;
	[dreg:$0xa] =	wrdreg s22  }
0xa: {  	s30 =	simm.s32 $0x0;
	s7 =	smul.u32 $0x2800, s16;
	[dreg:$0xb] =	wrdreg s23  }
0xb: {  	s1 =	sand.u32 $0x1, s1;
	s6 =	sadd.s32 $0xDE600, s0;
	[dreg:$0xc] =	wrdreg s24  }
0xc: {  	s12 =	smul.u32 $0x50000, s16;
	s21 =	sshll.u32 s16, $0x6;
	[dreg:$0xd] =	wrdreg s25  }
0xd: {  	s5 =	smul.u32 $0x28000, s1;
	s9 =	ssub.s32 $0x2, s1;
	[dreg:$0xe] =	wrdreg s26  }
0xe: {  	s1 =	sshll.u32 s1, $0x4;
	[dreg:$0xf] =	wrdreg s29;
	s18 =	simm.s32 $0xC80  }
0xf: {  	s19 =	simm.s32 $0x980;
	s20 =	simm.s32 $0xD00;
	[dreg:$0x15] =	wrdreg s18  }
0x10: {  	s22 =	simm.s32 $0xD80;
	s23 =	simm.s32 $0xA80;
	[dreg:$0x16] =	wrdreg s19  }
0x11: {  	s24 =	simm.s32 $0xE00;
	s25 =	simm.s32 $0xB00;
	[dreg:$0x17] =	wrdreg s20  }
0x12: {  	s26 =	simm.s32 $0xE80;
	s29 =	simm.s32 $0xB80;
	[dreg:$0x19] =	wrdreg s22  }
0x13: {  	s10 =	sshrl.u32 s9, $0x1;
	s17 =	sshrl.u32 s12, $0x2;
	[dreg:$0x1a] =	wrdreg s23  }
0x14: {  	s1 =	sor.u32 s16, s1;
	s16 =	simm.s32 $0x880;
	[dreg:$0x1b] =	wrdreg s24  }
0x15: {  	s18 =	simm.s32 $0x80;
	s19 =	simm.s32 $0x1000;
	[dreg:$0x1c] =	wrdreg s25  }
0x16: {  	s20 =	simm.s32 $0x5000;
	s22 =	simm.s32 $0x5;
	[dreg:$0x1d] =	wrdreg s26  }
0x17: {  	s23 =	simm.s32 $0x800;
	s24 =	simm.s32 $0xC00;
	[dreg:$0x1e] =	wrdreg s29  }
0x18: {  	s25 =	simm.s32 $0x4;
	s26 =	simm.s32 $0x6;
	s13 =	sadd.s32 s7, s5  }
0x19: {  	s5 =	sadd.s32 $0x8E600, s0;
	s7 =	sadd.s32 s7, s0;
	s14 =	ssub.s32 s9, s10  }
0x1a: {  	s15 =	sadd.s32 s17, s3;
	s9 =	simm.s32 $0x380;
	[dreg:$0x13] =	wrdreg s16  }
0x1b: {  	s1 =	smul.u32 $0x2800, s1;
	s10 =	simm.s32 $0x700;
	[dreg:$0x10] =	wrdreg s9  }
0x1c: {  	s17 =	simm.s32 $0x900;
	s8 =	sor.u32 $0x400, s13;
	[dreg:$0x11] =	wrdreg s10  }
0x1d: {  	s0 =	sadd.s32 s13, s0;
	s7 =	sadd.s32 $0x66600, s7;
	[dreg:$0x14] =	wrdreg s17  }
0x1e: {  	s8 =	sshrl.u32 s8, $0x3;
	[smem:$0x7FA] =	sst s7;
	s0 =	sadd.s32 $0x2600, s0  }
0x1f: {  	s16 =	simm.s32 $0x400;
	s11 =	sadd.s32 s8, s6;
	[smem:$0x7FD] =	sst s0  }
0x20: {  	s1 =	sshrl.u32 s1, $0x3;
	s8 =	sadd.s32 s8, s2;
	[dreg:$0x4] =	wrdreg s11  }
0x21: {  	s12 =	smax.u32 s14, $0x1;
	s31 =	sadd.s32 s2, s1;
	[dreg:$0x5] =	wrdreg s8  }
0x22: {  	s13 =	sadd.s32 $0x800, s13;
	s1 =	sadd.s32 s6, s1;
	[smem:$0x7FB] =	sst s31  }
0x23: {  	s14 =	sshrl.u32 s15, $0x3;
	[smem:$0x7FC] =	sst s1;
	s11 =	simm.s32 $0x780  }
0x24: {  	s8 =	sor.u32 $0x1C07, s21;
	s21 =	simm.s32 $0xA00;
	[dreg:$0x12] =	wrdreg s11  }
0x25: {  	s15 =	simm.s32 $0x7;
	s31 =	simm.s32 $0xF00;
	[dreg:$0x18] =	wrdreg s21  }
0x26: {  	s17 =	simm.s32 $0x1;
	s21 =	simm.s32 $0x3;
	[dreg:$0x1f] =	wrdreg s31  }
.LBB2_1:
0x27: {  	s0 =	sld [smem:$0x7FA];
	_ =	sdelay $0x2  }
0x28: {  	[spmem:s14], [sflag:s8] =	dma.local [hbm:s0], $0x2800  }
0x29: {  	_ =	swait.ge [sflag:s15], $0x2800  }
0x2a: {  	[sflag:s15] =	ssyncset.done $0x0  }
0x2b: {  	[sflag:s15] =	ssyncadd.s32 $0xFFFFD800  }
0x2c: {  	[bflag:$0x0] =	sbarrier.arrive $0xFFFF  }
0x2d: {  	s7 =	sld [smem:$0x7FB];
	_ =	sdelay $0x1  }
0x2e: {  	s9 =	sld [smem:$0x7FC]  }
0x2f: {  	[tilespmem:s4], [sflag:$0x1] =	stream.linear.gather [hbm4b:s7+s4], $0x400, $0x38;
	[tilespmem:$0x1D000] =	vst v63  }
0x30: {  	_ = 	snop  }
0x31: {  	[tilespmem:s16], [sflag:$0x1] =	stream.linear.gather [hbm4b:s9+s4], $0x400, $0x38;
	[tilespmem:$0x1D000] =	vst v63  }
0x32: {  	_ =	swait.ge [sflag:s17], $0x400  }
0x33: {  	[sflag:s17] =	ssyncset.done $0x0  }
0x34: {  	[sflag:s17] =	ssyncadd.s32 $0xFFFFFC00  }
0x35: {  	_ =	swait.ge [sflag:s17], $0x400  }
0x36: {  	p0 =	por $0x1, $0x1;
	[sflag:s17] =	ssyncset.done $0x0  }
0x37: {  	s0 =	simm.s32 @!p0 $0x4;
	[sflag:s17] =	ssyncadd.s32 $0xFFFFFC00  }
0x38: {  	[tilespmem:s19], [sflag:$0x3] =	stream.indirect.gather [hbm4b:s5+s18], $0x80, s4, s18, $0xb8;
	[tilespmem:$0x1D000] =	vst v63  }
0x39: {  	_ =	swait.ge @!p0 [sflag:s0], $0x4000  }
0x3a: {  	s1 =	simm.s32 @!p0 $0x5000;
	s29 =	simm.s32 @!p0 $0x80;
	[sflag:s0] =	ssyncset.done @!p0 $0x0  }
0x3b: {  	s31 =	simm.s32 @!p0 $0xF80;
	[sflag:s0] =	ssyncadd.s32 @!p0 $0xFFFFC000;
	s0 =	simm.s32 @!p0 $0x6  }
0x3c: {  	[spmem:s3] =	stream.indirect.scatter.add.f32 @!p0 [tilespmem:s1], [sflag:$0x6], $0x80, s31, s29, $0xb8;
	[tilespmem:$0x1D000] =	vst v63  }
0x3d: {  	_ =	swait.ge @!p0 [sflag:s0], $0x4000  }
0x3e: {  	[sflag:s0] =	ssyncset.done @!p0 $0x0  }
0x3f: {  	[sflag:s0] =	ssyncadd.s32 @!p0 $0xFFFFC000  }
0x40: {  	[tilespmem:s20], [sflag:$0x4] =	stream.indirect.gather [hbm4b:s5+s18], $0x80, s18, s18, $0xb8;
	[tilespmem:$0x1D000] =	vst v63  }
0x41: {  	_ =	swait.ge [sflag:s21], $0x4000  }
0x42: {  	[sflag:s21] =	ssyncset.done $0x0  }
0x43: {  	[sflag:s21] =	ssyncadd.s32 $0xFFFFC000  }
0x44: {  	[spmem:s3] =	stream.indirect.scatter.add.f32 [tilespmem:s19], [sflag:$0x5], $0x80, s16, s18, $0xb8;
	[tilespmem:$0x1D000] =	vst v63  }
0x45: {  	_ =	swait.ge [sflag:s22], $0x4000  }
0x46: {  	s10 =	rddreg [dreg:$0x5];
	[sflag:s22] =	ssyncset.done $0x0  }
0x47: {  	s11 =	rddreg [dreg:$0x4];
	[sflag:s22] =	ssyncadd.s32 $0xFFFFC000;
	s0 =	sadd.s32 $0x0, s10  }
0x48: {  	[tilespmem:s23], [sflag:$0x2] =	stream.linear.gather [hbm4b:s0+s4], $0x400, $0x38;
	[tilespmem:$0x1D000] =	vst v63  }
0x49: {  	s1 =	sadd.s32 $0x0, s11  }
0x4a: {  	[tilespmem:s24], [sflag:$0x2] =	stream.linear.gather [hbm4b:s1+s4], $0x400, $0x38;
	[tilespmem:$0x1D000] =	vst v63  }
0x4b: {  	s29 =	rddreg [dreg:$0x6]  }
0x4c: {  	[tilespmem:s19], [sflag:$0x3] =	stream.indirect.gather [hbm4b:s5+s18], $0x80, s29, s18, $0xb8;
	[tilespmem:$0x1D000] =	vst v63  }
0x4d: {  	_ =	swait.ge [sflag:s25], $0x4000  }
0x4e: {  	[sflag:s25] =	ssyncset.done $0x0  }
0x4f: {  	s1 =	rddreg [dreg:$0x7];
	[sflag:s25] =	ssyncadd.s32 $0xFFFFC000  }
0x50: {  	[spmem:s3] =	stream.indirect.scatter.add.f32 [tilespmem:s20], [sflag:$0x6], $0x80, s1, s18, $0xb8;
	[tilespmem:$0x1D000] =	vst v63  }
0x51: {  	_ =	swait.ge [sflag:s26], $0x4000  }
0x52: {  	[sflag:s26] =	ssyncset.done $0x0  }
0x53: {  	s7 =	rddreg [dreg:$0x8];
	[sflag:s26] =	ssyncadd.s32 $0xFFFFC000  }
0x54: {  	[tilespmem:s20], [sflag:$0x4] =	stream.indirect.gather [hbm4b:s5+s18], $0x80, s7, s18, $0xb8;
	[tilespmem:$0x1D000] =	vst v63  }
0x55: {  	_ =	swait.ge [sflag:s21], $0x4000  }
0x56: {  	[sflag:s21] =	ssyncset.done $0x0  }
0x57: {  	s9 =	rddreg [dreg:$0x9];
	[sflag:s21] =	ssyncadd.s32 $0xFFFFC000  }
0x58: {  	[spmem:s3] =	stream.indirect.scatter.add.f32 [tilespmem:s19], [sflag:$0x5], $0x80, s9, s18, $0xb8;
	[tilespmem:$0x1D000] =	vst v63  }
0x59: {  	_ =	swait.ge [sflag:s22], $0x4000  }
0x5a: {  	[sflag:s22] =	ssyncset.done $0x0  }
0x5b: {  	s10 =	rddreg [dreg:$0xa];
	[sflag:s22] =	ssyncadd.s32 $0xFFFFC000  }
0x5c: {  	[tilespmem:s19], [sflag:$0x3] =	stream.indirect.gather [hbm4b:s5+s18], $0x80, s10, s18, $0xb8;
	[tilespmem:$0x1D000] =	vst v63  }
0x5d: {  	_ =	swait.ge [sflag:s25], $0x4000  }
0x5e: {  	[sflag:s25] =	ssyncset.done $0x0  }
0x5f: {  	s11 =	rddreg [dreg:$0xb];
	[sflag:s25] =	ssyncadd.s32 $0xFFFFC000  }
0x60: {  	[spmem:s3] =	stream.indirect.scatter.add.f32 [tilespmem:s20], [sflag:$0x6], $0x80, s11, s18, $0xb8;
	[tilespmem:$0x1D000] =	vst v63  }
0x61: {  	_ =	swait.ge [sflag:s26], $0x4000  }
0x62: {  	[sflag:s26] =	ssyncset.done $0x0  }
0x63: {  	s29 =	rddreg [dreg:$0xc];
	[sflag:s26] =	ssyncadd.s32 $0xFFFFC000  }
0x64: {  	[tilespmem:s20], [sflag:$0x4] =	stream.indirect.gather [hbm4b:s5+s18], $0x80, s29, s18, $0xb8;
	[tilespmem:$0x1D000] =	vst v63  }
0x65: {  	_ =	swait.ge [sflag:s21], $0x4000  }
0x66: {  	[sflag:s21] =	ssyncset.done $0x0  }
0x67: {  	s1 =	rddreg [dreg:$0xd];
	[sflag:s21] =	ssyncadd.s32 $0xFFFFC000  }
0x68: {  	[spmem:s3] =	stream.indirect.scatter.add.f32 [tilespmem:s19], [sflag:$0x5], $0x80, s1, s18, $0xb8;
	[tilespmem:$0x1D000] =	vst v63  }
0x69: {  	_ =	swait.ge [sflag:s22], $0x4000  }
0x6a: {  	[sflag:s22] =	ssyncset.done $0x0  }
0x6b: {  	s7 =	rddreg [dreg:$0xe];
	[sflag:s22] =	ssyncadd.s32 $0xFFFFC000  }
0x6c: {  	[tilespmem:s19], [sflag:$0x3] =	stream.indirect.gather [hbm4b:s5+s18], $0x80, s7, s18, $0xb8;
	[tilespmem:$0x1D000] =	vst v63  }
0x6d: {  	_ =	swait.ge [sflag:s25], $0x4000  }
0x6e: {  	[sflag:s25] =	ssyncset.done $0x0  }
0x6f: {  	s9 =	rddreg [dreg:$0xf];
	[sflag:s25] =	ssyncadd.s32 $0xFFFFC000  }
0x70: {  	[spmem:s3] =	stream.indirect.scatter.add.f32 [tilespmem:s20], [sflag:$0x6], $0x80, s9, s18, $0xb8;
	[tilespmem:$0x1D000] =	vst v63  }
0x71: {  	_ =	swait.ge [sflag:s26], $0x4000  }
0x72: {  	[sflag:s26] =	ssyncset.done $0x0  }
0x73: {  	s10 =	rddreg [dreg:$0x10];
	[sflag:s26] =	ssyncadd.s32 $0xFFFFC000  }
0x74: {  	[tilespmem:s20], [sflag:$0x4] =	stream.indirect.gather [hbm4b:s5+s18], $0x80, s10, s18, $0xb8;
	[tilespmem:$0x1D000] =	vst v63  }
0x75: {  	_ =	swait.ge [sflag:s21], $0x4000  }
0x76: {  	[sflag:s21] =	ssyncset.done $0x0  }
0x77: {  	s11 =	rddreg [dreg:$0x11];
	[sflag:s21] =	ssyncadd.s32 $0xFFFFC000  }
0x78: {  	[spmem:s3] =	stream.indirect.scatter.add.f32 [tilespmem:s19], [sflag:$0x5], $0x80, s11, s18, $0xb8;
	[tilespmem:$0x1D000] =	vst v63  }
0x79: {  	_ =	swait.ge [sflag:s22], $0x4000  }
0x7a: {  	[sflag:s22] =	ssyncset.done $0x0  }
0x7b: {  	[sflag:s22] =	ssyncadd.s32 $0xFFFFC000  }
0x7c: {  	_ =	swait.ge [sflag:s28], $0x400  }
0x7d: {  	[sflag:s28] =	ssyncset.done $0x0  }
0x7e: {  	[sflag:s28] =	ssyncadd.s32 $0xFFFFFC00  }
0x7f: {  	_ =	swait.ge [sflag:s28], $0x400  }
0x80: {  	[sflag:s28] =	ssyncset.done $0x0  }
0x81: {  	[sflag:s28] =	ssyncadd.s32 $0xFFFFFC00  }
0x82: {  	[tilespmem:s19], [sflag:$0x3] =	stream.indirect.gather [hbm4b:s5+s18], $0x80, s23, s18, $0xb8;
	[tilespmem:$0x1D000] =	vst v63  }
0x83: {  	_ =	swait.ge [sflag:s25], $0x4000  }
0x84: {  	[sflag:s25] =	ssyncset.done $0x0  }
0x85: {  	s29 =	rddreg [dreg:$0x12];
	[sflag:s25] =	ssyncadd.s32 $0xFFFFC000  }
0x86: {  	[spmem:s3] =	stream.indirect.scatter.add.f32 [tilespmem:s20], [sflag:$0x6], $0x80, s29, s18, $0xb8;
	[tilespmem:$0x1D000] =	vst v63  }
0x87: {  	_ =	swait.ge [sflag:s26], $0x4000  }
0x88: {  	[sflag:s26] =	ssyncset.done $0x0  }
0x89: {  	s1 =	rddreg [dreg:$0x13];
	[sflag:s26] =	ssyncadd.s32 $0xFFFFC000  }
0x8a: {  	[tilespmem:s20], [sflag:$0x4] =	stream.indirect.gather [hbm4b:s5+s18], $0x80, s1, s18, $0xb8;
	[tilespmem:$0x1D000] =	vst v63  }
0x8b: {  	_ =	swait.ge [sflag:s21], $0x4000  }
0x8c: {  	[sflag:s21] =	ssyncset.done $0x0  }
0x8d: {  	[sflag:s21] =	ssyncadd.s32 $0xFFFFC000  }
0x8e: {  	[spmem:s3] =	stream.indirect.scatter.add.f32 [tilespmem:s19], [sflag:$0x5], $0x80, s24, s18, $0xb8;
	[tilespmem:$0x1D000] =	vst v63  }
0x8f: {  	p0 =	por $0x0, $0x0;
	_ =	swait.ge [sflag:s22], $0x4000  }
0x90: {  	s0 =	sshrl.u32 @!p0 s13, $0x3;
	[sflag:s22] =	ssyncset.done $0x0  }
0x91: {  	s29 =	simm.s32 @!p0 $0x0;
	s1 =	sadd.s32 @!p0 s2, s0;
	[sflag:s22] =	ssyncadd.s32 $0xFFFFC000  }
0x92: {  	[tilespmem:s29], [sflag:$0x1] =	stream.linear.gather @!p0 [hbm4b:s1+s29], $0x400, $0x38;
	[tilespmem:$0x1D000] =	vst v63  }
0x93: {  	s0 =	sadd.s32 @!p0 s6, s0;
	s1 =	simm.s32 @!p0 $0x400  }
0x94: {  	[tilespmem:s1], [sflag:$0x1] =	stream.linear.gather @!p0 [hbm4b:s0+s29], $0x400, $0x38;
	[tilespmem:$0x1D000] =	vst v63  }
0x95: {  	s31 =	rddreg [dreg:$0x14]  }
0x96: {  	[tilespmem:s19], [sflag:$0x3] =	stream.indirect.gather [hbm4b:s5+s18], $0x80, s31, s18, $0xb8;
	[tilespmem:$0x1D000] =	vst v63  }
0x97: {  	_ =	swait.ge [sflag:s25], $0x4000  }
0x98: {  	[sflag:s25] =	ssyncset.done $0x0  }
0x99: {  	s7 =	rddreg [dreg:$0x15];
	[sflag:s25] =	ssyncadd.s32 $0xFFFFC000  }
0x9a: {  	[spmem:s3] =	stream.indirect.scatter.add.f32 [tilespmem:s20], [sflag:$0x6], $0x80, s7, s18, $0xb8;
	[tilespmem:$0x1D000] =	vst v63  }
0x9b: {  	_ =	swait.ge [sflag:s26], $0x4000  }
0x9c: {  	[sflag:s26] =	ssyncset.done $0x0  }
0x9d: {  	s9 =	rddreg [dreg:$0x16];
	[sflag:s26] =	ssyncadd.s32 $0xFFFFC000  }
0x9e: {  	[tilespmem:s20], [sflag:$0x4] =	stream.indirect.gather [hbm4b:s5+s18], $0x80, s9, s18, $0xb8;
	[tilespmem:$0x1D000] =	vst v63  }
0x9f: {  	_ =	swait.ge [sflag:s21], $0x4000  }
0xa0: {  	[sflag:s21] =	ssyncset.done $0x0  }
0xa1: {  	s10 =	rddreg [dreg:$0x17];
	[sflag:s21] =	ssyncadd.s32 $0xFFFFC000  }
0xa2: {  	[spmem:s3] =	stream.indirect.scatter.add.f32 [tilespmem:s19], [sflag:$0x5], $0x80, s10, s18, $0xb8;
	[tilespmem:$0x1D000] =	vst v63  }
0xa3: {  	_ =	swait.ge [sflag:s22], $0x4000  }
0xa4: {  	[sflag:s22] =	ssyncset.done $0x0  }
0xa5: {  	s11 =	rddreg [dreg:$0x18];
	[sflag:s22] =	ssyncadd.s32 $0xFFFFC000  }
0xa6: {  	[tilespmem:s19], [sflag:$0x3] =	stream.indirect.gather [hbm4b:s5+s18], $0x80, s11, s18, $0xb8;
	[tilespmem:$0x1D000] =	vst v63  }
0xa7: {  	_ =	swait.ge [sflag:s25], $0x4000  }
0xa8: {  	[sflag:s25] =	ssyncset.done $0x0  }
0xa9: {  	s29 =	rddreg [dreg:$0x19];
	[sflag:s25] =	ssyncadd.s32 $0xFFFFC000  }
0xaa: {  	[spmem:s3] =	stream.indirect.scatter.add.f32 [tilespmem:s20], [sflag:$0x6], $0x80, s29, s18, $0xb8;
	[tilespmem:$0x1D000] =	vst v63  }
0xab: {  	_ =	swait.ge [sflag:s26], $0x4000  }
0xac: {  	[sflag:s26] =	ssyncset.done $0x0  }
0xad: {  	s1 =	rddreg [dreg:$0x1a];
	[sflag:s26] =	ssyncadd.s32 $0xFFFFC000  }
0xae: {  	[tilespmem:s20], [sflag:$0x4] =	stream.indirect.gather [hbm4b:s5+s18], $0x80, s1, s18, $0xb8;
	[tilespmem:$0x1D000] =	vst v63  }
0xaf: {  	_ =	swait.ge [sflag:s21], $0x4000  }
0xb0: {  	[sflag:s21] =	ssyncset.done $0x0  }
0xb1: {  	s7 =	rddreg [dreg:$0x1b];
	[sflag:s21] =	ssyncadd.s32 $0xFFFFC000  }
0xb2: {  	[spmem:s3] =	stream.indirect.scatter.add.f32 [tilespmem:s19], [sflag:$0x5], $0x80, s7, s18, $0xb8;
	[tilespmem:$0x1D000] =	vst v63  }
0xb3: {  	_ =	swait.ge [sflag:s22], $0x4000  }
0xb4: {  	[sflag:s22] =	ssyncset.done $0x0  }
0xb5: {  	s9 =	rddreg [dreg:$0x1c];
	[sflag:s22] =	ssyncadd.s32 $0xFFFFC000  }
0xb6: {  	[tilespmem:s19], [sflag:$0x3] =	stream.indirect.gather [hbm4b:s5+s18], $0x80, s9, s18, $0xb8;
	[tilespmem:$0x1D000] =	vst v63  }
0xb7: {  	_ =	swait.ge [sflag:s25], $0x4000  }
0xb8: {  	[sflag:s25] =	ssyncset.done $0x0  }
0xb9: {  	s10 =	rddreg [dreg:$0x1d];
	[sflag:s25] =	ssyncadd.s32 $0xFFFFC000  }
0xba: {  	[spmem:s3] =	stream.indirect.scatter.add.f32 [tilespmem:s20], [sflag:$0x6], $0x80, s10, s18, $0xb8;
	[tilespmem:$0x1D000] =	vst v63  }
0xbb: {  	_ =	swait.ge [sflag:s26], $0x4000  }
0xbc: {  	[sflag:s26] =	ssyncset.done $0x0  }
0xbd: {  	s11 =	rddreg [dreg:$0x1e];
	[sflag:s26] =	ssyncadd.s32 $0xFFFFC000  }
0xbe: {  	[tilespmem:s20], [sflag:$0x4] =	stream.indirect.gather [hbm4b:s5+s18], $0x80, s11, s18, $0xb8;
	[tilespmem:$0x1D000] =	vst v63  }
0xbf: {  	_ =	swait.ge [sflag:s21], $0x4000  }
0xc0: {  	[sflag:s21] =	ssyncset.done $0x0  }
0xc1: {  	s0 =	sadd.s32 $0x800, s13;
	s29 =	rddreg [dreg:$0x1f];
	[sflag:s21] =	ssyncadd.s32 $0xFFFFC000  }
0xc2: {  	[spmem:s3] =	stream.indirect.scatter.add.f32 [tilespmem:s19], [sflag:$0x5], $0x80, s29, s18, $0xb8;
	[tilespmem:$0x1D000] =	vst v63  }
0xc3: {  	s31 =	simm.s32 $0xFFFFFFF0;
	s1 =	simm.s32 $0x100;
	_ =	swait.ge [sflag:s22], $0x4000  }
.LBB2_2:
0xc4: {  	[sflag:s22] =	ssyncset.done $0x0  }
0xc5: {  	[sflag:s22] =	ssyncadd.s32 $0xFFFFC000  }
0xc6: {  	_ =	swait.ge [sflag:s17], $0x400  }
0xc7: {  	[sflag:s17] =	ssyncset.done $0x0  }
0xc8: {  	[sflag:s17] =	ssyncadd.s32 $0xFFFFFC00  }
0xc9: {  	s31 =	sadd.s32 $0x10, s31;
	_ =	swait.ge [sflag:s17], $0x400  }
0xca: {  	p1 =	sgt.u32 s31, $0x4F;
	[sflag:s17] =	ssyncset.done $0x0  }
0xcb: {  	s7 =	simm.s32 @!p1 $0x4;
	[sflag:s17] =	ssyncadd.s32 $0xFFFFFC00  }
0xcc: {  	[tilespmem:s19], [sflag:$0x3] =	stream.indirect.gather [hbm4b:s5+s18], $0x80, s4, s18, $0xb8;
	[tilespmem:$0x1D000] =	vst v63  }
0xcd: {  	_ =	swait.ge @!p1 [sflag:s7], $0x4000  }
0xce: {  	s9 =	simm.s32 @!p1 $0x5000;
	s10 =	simm.s32 @!p1 $0x80;
	[sflag:s7] =	ssyncset.done @!p1 $0x0  }
0xcf: {  	s11 =	simm.s32 @!p1 $0xF80;
	[sflag:s7] =	ssyncadd.s32 @!p1 $0xFFFFC000;
	s7 =	simm.s32 @!p1 $0x6  }
0xd0: {  	[spmem:s3] =	stream.indirect.scatter.add.f32 @!p1 [tilespmem:s9], [sflag:$0x6], $0x80, s11, s10, $0xb8;
	[tilespmem:$0x1D000] =	vst v63  }
0xd1: {  	_ =	swait.ge @!p1 [sflag:s7], $0x4000  }
0xd2: {  	[sflag:s7] =	ssyncset.done @!p1 $0x0  }
0xd3: {  	[sflag:s7] =	ssyncadd.s32 @!p1 $0xFFFFC000  }
0xd4: {  	[tilespmem:s20], [sflag:$0x4] =	stream.indirect.gather [hbm4b:s5+s18], $0x80, s18, s18, $0xb8;
	[tilespmem:$0x1D000] =	vst v63  }
0xd5: {  	_ =	swait.ge [sflag:s21], $0x4000  }
0xd6: {  	[sflag:s21] =	ssyncset.done $0x0  }
0xd7: {  	[sflag:s21] =	ssyncadd.s32 $0xFFFFC000  }
0xd8: {  	[spmem:s3] =	stream.indirect.scatter.add.f32 [tilespmem:s19], [sflag:$0x5], $0x80, s16, s18, $0xb8;
	[tilespmem:$0x1D000] =	vst v63  }
0xd9: {  	_ =	swait.ge [sflag:s22], $0x4000  }
0xda: {  	s29 =	smov.u32 s1;
	s10 =	rddreg [dreg:$0x5];
	[sflag:s22] =	ssyncset.done $0x0  }
0xdb: {  	s11 =	rddreg [dreg:$0x4];
	[sflag:s22] =	ssyncadd.s32 $0xFFFFC000;
	s7 =	sadd.s32 s29, s10  }
0xdc: {  	[tilespmem:s23], [sflag:$0x2] =	stream.linear.gather [hbm4b:s7+s4], $0x400, $0x38;
	[tilespmem:$0x1D000] =	vst v63  }
0xdd: {  	s11 =	sadd.s32 s29, s11  }
0xde: {  	[tilespmem:s24], [sflag:$0x2] =	stream.linear.gather [hbm4b:s11+s4], $0x400, $0x38;
	[tilespmem:$0x1D000] =	vst v63  }
0xdf: {  	s10 =	rddreg [dreg:$0x6]  }
0xe0: {  	[tilespmem:s19], [sflag:$0x3] =	stream.indirect.gather [hbm4b:s5+s18], $0x80, s10, s18, $0xb8;
	[tilespmem:$0x1D000] =	vst v63  }
0xe1: {  	_ =	swait.ge [sflag:s25], $0x4000  }
0xe2: {  	[sflag:s25] =	ssyncset.done $0x0  }
0xe3: {  	s9 =	rddreg [dreg:$0x7];
	[sflag:s25] =	ssyncadd.s32 $0xFFFFC000  }
0xe4: {  	[spmem:s3] =	stream.indirect.scatter.add.f32 [tilespmem:s20], [sflag:$0x6], $0x80, s9, s18, $0xb8;
	[tilespmem:$0x1D000] =	vst v63  }
0xe5: {  	_ =	swait.ge [sflag:s26], $0x4000  }
0xe6: {  	[sflag:s26] =	ssyncset.done $0x0  }
0xe7: {  	s10 =	rddreg [dreg:$0x8];
	[sflag:s26] =	ssyncadd.s32 $0xFFFFC000  }
0xe8: {  	[tilespmem:s20], [sflag:$0x4] =	stream.indirect.gather [hbm4b:s5+s18], $0x80, s10, s18, $0xb8;
	[tilespmem:$0x1D000] =	vst v63  }
0xe9: {  	_ =	swait.ge [sflag:s21], $0x4000  }
0xea: {  	[sflag:s21] =	ssyncset.done $0x0  }
0xeb: {  	s11 =	rddreg [dreg:$0x9];
	[sflag:s21] =	ssyncadd.s32 $0xFFFFC000  }
0xec: {  	[spmem:s3] =	stream.indirect.scatter.add.f32 [tilespmem:s19], [sflag:$0x5], $0x80, s11, s18, $0xb8;
	[tilespmem:$0x1D000] =	vst v63  }
0xed: {  	_ =	swait.ge [sflag:s22], $0x4000  }
0xee: {  	[sflag:s22] =	ssyncset.done $0x0  }
0xef: {  	s9 =	rddreg [dreg:$0xa];
	[sflag:s22] =	ssyncadd.s32 $0xFFFFC000  }
0xf0: {  	[tilespmem:s19], [sflag:$0x3] =	stream.indirect.gather [hbm4b:s5+s18], $0x80, s9, s18, $0xb8;
	[tilespmem:$0x1D000] =	vst v63  }
0xf1: {  	_ =	swait.ge [sflag:s25], $0x4000  }
0xf2: {  	[sflag:s25] =	ssyncset.done $0x0  }
0xf3: {  	s10 =	rddreg [dreg:$0xb];
	[sflag:s25] =	ssyncadd.s32 $0xFFFFC000  }
0xf4: {  	[spmem:s3] =	stream.indirect.scatter.add.f32 [tilespmem:s20], [sflag:$0x6], $0x80, s10, s18, $0xb8;
	[tilespmem:$0x1D000] =	vst v63  }
0xf5: {  	_ =	swait.ge [sflag:s26], $0x4000  }
0xf6: {  	[sflag:s26] =	ssyncset.done $0x0  }
0xf7: {  	s11 =	rddreg [dreg:$0xc];
	[sflag:s26] =	ssyncadd.s32 $0xFFFFC000  }
0xf8: {  	[tilespmem:s20], [sflag:$0x4] =	stream.indirect.gather [hbm4b:s5+s18], $0x80, s11, s18, $0xb8;
	[tilespmem:$0x1D000] =	vst v63  }
0xf9: {  	_ =	swait.ge [sflag:s21], $0x4000  }
0xfa: {  	[sflag:s21] =	ssyncset.done $0x0  }
0xfb: {  	s9 =	rddreg [dreg:$0xd];
	[sflag:s21] =	ssyncadd.s32 $0xFFFFC000  }
0xfc: {  	[spmem:s3] =	stream.indirect.scatter.add.f32 [tilespmem:s19], [sflag:$0x5], $0x80, s9, s18, $0xb8;
	[tilespmem:$0x1D000] =	vst v63  }
0xfd: {  	_ =	swait.ge [sflag:s22], $0x4000  }
0xfe: {  	[sflag:s22] =	ssyncset.done $0x0  }
0xff: {  	s10 =	rddreg [dreg:$0xe];
	[sflag:s22] =	ssyncadd.s32 $0xFFFFC000  }
0x100: {  	[tilespmem:s19], [sflag:$0x3] =	stream.indirect.gather [hbm4b:s5+s18], $0x80, s10, s18, $0xb8;
	[tilespmem:$0x1D000] =	vst v63  }
0x101: {  	_ =	swait.ge [sflag:s25], $0x4000  }
0x102: {  	[sflag:s25] =	ssyncset.done $0x0  }
0x103: {  	s11 =	rddreg [dreg:$0xf];
	[sflag:s25] =	ssyncadd.s32 $0xFFFFC000  }
0x104: {  	[spmem:s3] =	stream.indirect.scatter.add.f32 [tilespmem:s20], [sflag:$0x6], $0x80, s11, s18, $0xb8;
	[tilespmem:$0x1D000] =	vst v63  }
0x105: {  	_ =	swait.ge [sflag:s26], $0x4000  }
0x106: {  	[sflag:s26] =	ssyncset.done $0x0  }
0x107: {  	s9 =	rddreg [dreg:$0x10];
	[sflag:s26] =	ssyncadd.s32 $0xFFFFC000  }
0x108: {  	[tilespmem:s20], [sflag:$0x4] =	stream.indirect.gather [hbm4b:s5+s18], $0x80, s9, s18, $0xb8;
	[tilespmem:$0x1D000] =	vst v63  }
0x109: {  	_ =	swait.ge [sflag:s21], $0x4000  }
0x10a: {  	[sflag:s21] =	ssyncset.done $0x0  }
0x10b: {  	s10 =	rddreg [dreg:$0x11];
	[sflag:s21] =	ssyncadd.s32 $0xFFFFC000  }
0x10c: {  	[spmem:s3] =	stream.indirect.scatter.add.f32 [tilespmem:s19], [sflag:$0x5], $0x80, s10, s18, $0xb8;
	[tilespmem:$0x1D000] =	vst v63  }
0x10d: {  	_ =	swait.ge [sflag:s22], $0x4000  }
0x10e: {  	[sflag:s22] =	ssyncset.done $0x0  }
0x10f: {  	[sflag:s22] =	ssyncadd.s32 $0xFFFFC000  }
0x110: {  	_ =	swait.ge [sflag:s28], $0x400  }
0x111: {  	[sflag:s28] =	ssyncset.done $0x0  }
0x112: {  	[sflag:s28] =	ssyncadd.s32 $0xFFFFFC00  }
0x113: {  	_ =	swait.ge [sflag:s28], $0x400  }
0x114: {  	[sflag:s28] =	ssyncset.done $0x0  }
0x115: {  	[sflag:s28] =	ssyncadd.s32 $0xFFFFFC00  }
0x116: {  	[tilespmem:s19], [sflag:$0x3] =	stream.indirect.gather [hbm4b:s5+s18], $0x80, s23, s18, $0xb8;
	[tilespmem:$0x1D000] =	vst v63  }
0x117: {  	_ =	swait.ge [sflag:s25], $0x4000  }
0x118: {  	[sflag:s25] =	ssyncset.done $0x0  }
0x119: {  	s11 =	rddreg [dreg:$0x12];
	[sflag:s25] =	ssyncadd.s32 $0xFFFFC000  }
0x11a: {  	[spmem:s3] =	stream.indirect.scatter.add.f32 [tilespmem:s20], [sflag:$0x6], $0x80, s11, s18, $0xb8;
	[tilespmem:$0x1D000] =	vst v63  }
0x11b: {  	_ =	swait.ge [sflag:s26], $0x4000  }
0x11c: {  	[sflag:s26] =	ssyncset.done $0x0  }
0x11d: {  	s9 =	rddreg [dreg:$0x13];
	[sflag:s26] =	ssyncadd.s32 $0xFFFFC000  }
0x11e: {  	[tilespmem:s20], [sflag:$0x4] =	stream.indirect.gather [hbm4b:s5+s18], $0x80, s9, s18, $0xb8;
	[tilespmem:$0x1D000] =	vst v63  }
0x11f: {  	_ =	swait.ge [sflag:s21], $0x4000  }
0x120: {  	[sflag:s21] =	ssyncset.done $0x0  }
0x121: {  	[sflag:s21] =	ssyncadd.s32 $0xFFFFC000  }
0x122: {  	[spmem:s3] =	stream.indirect.scatter.add.f32 [tilespmem:s19], [sflag:$0x5], $0x80, s24, s18, $0xb8;
	[tilespmem:$0x1D000] =	vst v63  }
0x123: {  	p1 =	seq.s32 s29, $0x400;
	_ =	swait.ge [sflag:s22], $0x4000  }
0x124: {  	s7 =	sshrl.u32 @!p1 s0, $0x3;
	[sflag:s22] =	ssyncset.done $0x0  }
0x125: {  	s10 =	sadd.s32 @!p1 s2, s7;
	s11 =	simm.s32 @!p1 $0x0;
	[sflag:s22] =	ssyncadd.s32 $0xFFFFC000  }
0x126: {  	[tilespmem:s11], [sflag:$0x1] =	stream.linear.gather @!p1 [hbm4b:s10+s11], $0x400, $0x38;
	[tilespmem:$0x1D000] =	vst v63  }
0x127: {  	s7 =	sadd.s32 @!p1 s6, s7;
	s9 =	simm.s32 @!p1 $0x400  }
0x128: {  	[tilespmem:s9], [sflag:$0x1] =	stream.linear.gather @!p1 [hbm4b:s7+s11], $0x400, $0x38;
	[tilespmem:$0x1D000] =	vst v63  }
0x129: {  	s29 =	rddreg [dreg:$0x14]  }
0x12a: {  	[tilespmem:s19], [sflag:$0x3] =	stream.indirect.gather [hbm4b:s5+s18], $0x80, s29, s18, $0xb8;
	[tilespmem:$0x1D000] =	vst v63  }
0x12b: {  	_ =	swait.ge [sflag:s25], $0x4000  }
0x12c: {  	[sflag:s25] =	ssyncset.done $0x0  }
0x12d: {  	s10 =	rddreg [dreg:$0x15];
	[sflag:s25] =	ssyncadd.s32 $0xFFFFC000  }
0x12e: {  	[spmem:s3] =	stream.indirect.scatter.add.f32 [tilespmem:s20], [sflag:$0x6], $0x80, s10, s18, $0xb8;
	[tilespmem:$0x1D000] =	vst v63  }
0x12f: {  	_ =	swait.ge [sflag:s26], $0x4000  }
0x130: {  	[sflag:s26] =	ssyncset.done $0x0  }
0x131: {  	s11 =	rddreg [dreg:$0x16];
	[sflag:s26] =	ssyncadd.s32 $0xFFFFC000  }
0x132: {  	[tilespmem:s20], [sflag:$0x4] =	stream.indirect.gather [hbm4b:s5+s18], $0x80, s11, s18, $0xb8;
	[tilespmem:$0x1D000] =	vst v63  }
0x133: {  	_ =	swait.ge [sflag:s21], $0x4000  }
0x134: {  	[sflag:s21] =	ssyncset.done $0x0  }
0x135: {  	s29 =	rddreg [dreg:$0x17];
	[sflag:s21] =	ssyncadd.s32 $0xFFFFC000  }
0x136: {  	[spmem:s3] =	stream.indirect.scatter.add.f32 [tilespmem:s19], [sflag:$0x5], $0x80, s29, s18, $0xb8;
	[tilespmem:$0x1D000] =	vst v63  }
0x137: {  	_ =	swait.ge [sflag:s22], $0x4000  }
0x138: {  	[sflag:s22] =	ssyncset.done $0x0  }
0x139: {  	s9 =	rddreg [dreg:$0x18];
	[sflag:s22] =	ssyncadd.s32 $0xFFFFC000  }
0x13a: {  	[tilespmem:s19], [sflag:$0x3] =	stream.indirect.gather [hbm4b:s5+s18], $0x80, s9, s18, $0xb8;
	[tilespmem:$0x1D000] =	vst v63  }
0x13b: {  	_ =	swait.ge [sflag:s25], $0x4000  }
0x13c: {  	[sflag:s25] =	ssyncset.done $0x0  }
0x13d: {  	s10 =	rddreg [dreg:$0x19];
	[sflag:s25] =	ssyncadd.s32 $0xFFFFC000  }
0x13e: {  	[spmem:s3] =	stream.indirect.scatter.add.f32 [tilespmem:s20], [sflag:$0x6], $0x80, s10, s18, $0xb8;
	[tilespmem:$0x1D000] =	vst v63  }
0x13f: {  	_ =	swait.ge [sflag:s26], $0x4000  }
0x140: {  	[sflag:s26] =	ssyncset.done $0x0  }
0x141: {  	s11 =	rddreg [dreg:$0x1a];
	[sflag:s26] =	ssyncadd.s32 $0xFFFFC000  }
0x142: {  	[tilespmem:s20], [sflag:$0x4] =	stream.indirect.gather [hbm4b:s5+s18], $0x80, s11, s18, $0xb8;
	[tilespmem:$0x1D000] =	vst v63  }
0x143: {  	_ =	swait.ge [sflag:s21], $0x4000  }
0x144: {  	[sflag:s21] =	ssyncset.done $0x0  }
0x145: {  	s29 =	rddreg [dreg:$0x1b];
	[sflag:s21] =	ssyncadd.s32 $0xFFFFC000  }
0x146: {  	[spmem:s3] =	stream.indirect.scatter.add.f32 [tilespmem:s19], [sflag:$0x5], $0x80, s29, s18, $0xb8;
	[tilespmem:$0x1D000] =	vst v63  }
0x147: {  	_ =	swait.ge [sflag:s22], $0x4000  }
0x148: {  	[sflag:s22] =	ssyncset.done $0x0  }
0x149: {  	s9 =	rddreg [dreg:$0x1c];
	[sflag:s22] =	ssyncadd.s32 $0xFFFFC000  }
0x14a: {  	[tilespmem:s19], [sflag:$0x3] =	stream.indirect.gather [hbm4b:s5+s18], $0x80, s9, s18, $0xb8;
	[tilespmem:$0x1D000] =	vst v63  }
0x14b: {  	_ =	swait.ge [sflag:s25], $0x4000  }
0x14c: {  	[sflag:s25] =	ssyncset.done $0x0  }
0x14d: {  	s10 =	rddreg [dreg:$0x1d];
	[sflag:s25] =	ssyncadd.s32 $0xFFFFC000  }
0x14e: {  	[spmem:s3] =	stream.indirect.scatter.add.f32 [tilespmem:s20], [sflag:$0x6], $0x80, s10, s18, $0xb8;
	[tilespmem:$0x1D000] =	vst v63  }
0x14f: {  	_ =	swait.ge [sflag:s26], $0x4000  }
0x150: {  	s1 =	sadd.s32 $0x100, s1;
	[sflag:s26] =	ssyncset.done $0x0  }
0x151: {  	p0 =	sne.s32 s1, $0x500;
	s11 =	rddreg [dreg:$0x1e];
	[sflag:s26] =	ssyncadd.s32 $0xFFFFC000  }
0x152: {  	[tilespmem:s20], [sflag:$0x4] =	stream.indirect.gather [hbm4b:s5+s18], $0x80, s11, s18, $0xb8;
	[tilespmem:$0x1D000] =	vst v63  }
.Ltmp0:
0x153: {  	_ =	swait.ge [sflag:s21], $0x4000;
	(pc) =	sbr.rel @p0 .LBB2_2-.Ltmp0, $4  }
0x154: {  	[sflag:s21] =	ssyncset.done $0x0  }
0x155: {  	s29 =	rddreg [dreg:$0x1f];
	[sflag:s21] =	ssyncadd.s32 $0xFFFFC000  }
0x156: {  	[spmem:s3] =	stream.indirect.scatter.add.f32 [tilespmem:s19], [sflag:$0x5], $0x80, s29, s18, $0xb8;
	[tilespmem:$0x1D000] =	vst v63  }
0x157: {  	s0 =	sadd.s32 $0x800, s0;
	_ =	swait.ge [sflag:s22], $0x4000  }
0x158: {  	[sflag:s22] =	ssyncset.done $0x0  }
0x159: {  	[sflag:s22] =	ssyncadd.s32 $0xFFFFC000  }
0x15a: {  	_ =	swait.ge [sflag:s25], $0x4000  }
0x15b: {  	[sflag:s25] =	ssyncset.done $0x0  }
0x15c: {  	s0 =	simm.s32 $0xF80;
	[sflag:s25] =	ssyncadd.s32 $0xFFFFC000  }
0x15d: {  	[spmem:s3] =	stream.indirect.scatter.add.f32 [tilespmem:s20], [sflag:$0x6], $0x80, s0, s18, $0xb8;
	[tilespmem:$0x1D000] =	vst v63  }
0x15e: {  	_ =	swait.ge [sflag:s26], $0x4000  }
0x15f: {  	[sflag:s26] =	ssyncset.done $0x0  }
0x160: {  	[sflag:s26] =	ssyncadd.s32 $0xFFFFC000  }
0x161: {  	[bflag:$0x0] =	sbarrier.arrive $0xFFFF  }
0x162: {  	s30 =	sadd.s32 $0x1, s30;
	s31 =	sld [smem:$0x7FD]  }
0x163: {  	p0 =	sne.s32 s30, s12  }
.Ltmp1:
0x164: {  	_ = 	snop;
	(pc) =	sbr.rel @p0 .LBB2_1-.Ltmp1, $4  }
0x165: {  	[hbm:s31], [sflag:s8] =	dma.local [spmem:s14], $0x2800  }
0x166: {  	_ =	swait.ge [sflag:s15], $0x2800  }
0x167: {  	[sflag:s15] =	ssyncset.done $0x0  }
0x168: {  	[sflag:s15] =	ssyncadd.s32 $0xFFFFD800  }
0x169: {  	_ =	sfence.sel $0x180000  }
0x16a: {  	[bflag:$0x0] =	sbarrier.arrive $0xFFFF  }
0x16b: {  	_ =	strace $0x9000004D  }
0x16c: {  	s0 =	stileid.u32;
	[bflag:$0x2] =	sbarrier.arrive $0xFFFF  }
0x16d: {  	p0 =	sne.s32 s0, $0x0;
	s0 =	rddreg [dreg:$0x3]  }
0x16e: {  	s0 =	sadd.s32 @!p0 $0x100000, s0  }
0x16f: {  	[sflag:s0] =	ssyncadd.tile.s32 @!p0 $0x1;
	_ =	shalt  }
.Lfunc_end2:
_tile_overlayer_lowered:
.L_overlay_start_2:
0x170: {  	(tag) =	ssettag $0x2  }
0x171: {  	s0 =	rddreg [dreg:$0x0];
	s2 =	stileid.u32  }
0x172: {  	s1 =	rddreg [dreg:$0x1];
	p0 =	sne.s32 s2, $0x0  }
0x173: {  	s3 =	rddreg [dreg:$0x2];
	[bflag:$0x3] =	sbarrier.arrive $0xFFFF;
	s2 =	simm.s32 @!p0 $0x1C07  }
0x174: {  	[timem:s3], [sflag:s2] =	dma.local @!p0 [hbm:s0], s1  }
0x175: {  	s0 =	simm.s32 @!p0 $0x7  }
0x176: {  	_ =	swait.ge @!p0 [sflag:s0], s1  }
0x177: {  	s1 =	ssub.s32 @!p0 $0x0, s1;
	[sflag:s0] =	ssyncset.done @!p0 $0x0  }
0x178: {  	[sflag:s0] =	ssyncadd.s32 @!p0 s1  }
0x179: {  	[bflag:$0x3] =	sbarrier.arrive $0xFFFF  }
0x17a: {  	_ =	shalt  }

// kernel: kernel.8.cloned.1.call-start
scs
__scs_entry_jumppad:
0x0: {  	(pc) =	sbr.rel $0x88, $3  }
0x1: {  	(tag) =	ssettag $0x0;
	lr =	simm.s32 $0x1  }
0x2: {  	[smem:$0x3F9B] =	sst lr;
	_ =	strace $0xD0000000  }
0x3: {  	_ = 	snop  }
0x4: {  	_ = 	snop  }
0x5: {  	_ = 	snop  }
0x6: {  	_ = 	snop  }
0x7: {  	_ = 	snop  }
__scs_overlays_trampoline_lowered:
0x8: {  	[smem:$0x3FAA] =	sst s0  }
0x9: {  	[smem:$0x3FAB] =	sst s1  }
0xa: {  	[smem:$0x3FAC] =	sst s2  }
0xb: {  	[smem:$0x3FAD] =	sst s3  }
0xc: {  	[smem:$0x3FAE] =	sst s4  }
0xd: {  	[smem:$0x3FAF] =	sst s5  }
0xe: {  	[smem:$0x3FB0] =	sst s6  }
0xf: {  	[smem:$0x3FB1] =	sst s7  }
0x10: {  	[smem:$0x3FB2] =	sst s8  }
0x11: {  	[smem:$0x3FB3] =	sst s9;
	s0 =	simm.s32 @!p0 $0x0  }
0x12: {  	s1 =	sld [smem:$0x3F99];
	s0 =	simm.s32 @p0 $0x1  }
0x13: {  	[smem:$0x3FB4] =	sst s0;
	s0 =	simm.s32 @!p1 $0x0  }
0x14: {  	s2 =	sld [smem:$0x3F98];
	s0 =	simm.s32 @p1 $0x1  }
0x15: {  	[smem:$0x3FB5] =	sst s0;
	s0 =	simm.s32 @!p2 $0x0  }
0x16: {  	s3 =	sld [smem:$0x3FDB];
	s0 =	simm.s32 @p2 $0x1  }
0x17: {  	s4 =	simm.s32 $0x1BF5;
	[smem:$0x3FB7] =	sst s0  }
0x18: {  	s0 =	sld [smem:$0x3F9A];
	_ =	swait.ge [sflag:s4], $0x0  }
0x19: {  	s7 =	sld [smem:$0x3F9B]  }
0x1a: {  	s8 =	sadd.s32 $0xFFFFE003, lr  }
0x1b: {  	s9 =	sadd.s32 $0xFFFFFEF7, lr;
	s5 =	simm.s32 $0xFFFFFFFF;
	p2 =	slt.u32 s8, $0xFFFFF086  }
0x1c: {  	p1 =	slt.u32 s9, $0xF7A;
	s5 =	simm.s32 @!p2 $0x0  }
0x1d: {  	s5 =	simm.s32 @p1 $0x1;
	p0 =	seq.s32 s7, s2  }
0x1e: {  	s7 =	smul.u32 @!p0 $0xF7A, s2;
	p2 =	seq.s32 @!p0 s5, $0x0  }
0x1f: {  	s9 =	smul.u32 $0xF7A, s1;
	s8 =	simm.s32 @!p0 $0x1BF5;
	p2 =	por !p2, p0  }
0x20: {  	[sflag:s8] =	ssyncset.s32 @!p0 $0xFFFFF086;
	s6 =	sadd.s32 @!p0 s3, s7;
	s7 =	simm.s32 @!p0 $0x108  }
0x21: {  	s3 =	sadd.s32 s3, s9;
	s6 =	sadd.s32 @!p0 $0x88, s6;
	s7 =	simm.s32 @p2 $0x1082  }
0x22: {  	[simem:s7], [sflag:s8] =	dma.local @!p0 [hbm:s6], $0xF7A  }
0x23: {  	s9 =	sor.u32 $0xD0000000, s2;
	s6 =	simm.s32 $0x108;
	_ =	swait.ge @!p0 [sflag:s8], $0x0  }
0x24: {  	s3 =	sadd.s32 $0x88, s3;
	s6 =	simm.s32 @!p1 $0x1082;
	[sflag:s4] =	ssyncset.s32 $0xFFFFF086  }
0x25: {  	[simem:s6], [sflag:s4] =	dma.local [hbm:s3], $0xF7A  }
0x26: {  	[smem:$0x3F9B] =	sst s1;
	(tag) =	ssettag s2;
	_ =	strace s9  }
0x27: {  	s1 =	sld [smem:$0x3FAB]  }
0x28: {  	s2 =	sld [smem:$0x3FAC]  }
0x29: {  	s4 =	sld [smem:$0x3FAE]  }
0x2a: {  	p0 =	seq.s32 s5, $0x0;
	s5 =	sld [smem:$0x3FAF]  }
0x2b: {  	s6 =	sld [smem:$0x3FB0]  }
0x2c: {  	s7 =	sld [smem:$0x3FB1]  }
0x2d: {  	s3 =	simm.s32 $0x108;
	s8 =	sld [smem:$0x3FB2]  }
0x2e: {  	s3 =	simm.s32 @!p0 $0x1082;
	s9 =	sld [smem:$0x3FB3]  }
0x2f: {  	lr =	sadd.s32 s0, s3;
	s0 =	sld [smem:$0x3FAA]  }
0x30: {  	s3 =	sld [smem:$0x3FAD]  }
0x31: {  	[smem:$0x3FB6] =	sst s10  }
0x32: {  	s10 =	sld [smem:$0x3FB4];
	_ =	sdelay $0x3  }
0x33: {  	p0 =	seq.s32 s10, $0x1;
	s10 =	sld [smem:$0x3FB6];
	_ =	sdelay $0x3  }
0x34: {  	[smem:$0x3FB6] =	sst s10  }
0x35: {  	s10 =	sld [smem:$0x3FB5];
	_ =	sdelay $0x3  }
0x36: {  	p1 =	seq.s32 s10, $0x1;
	s10 =	sld [smem:$0x3FB6];
	_ =	sdelay $0x3  }
0x37: {  	[smem:$0x3FB6] =	sst s10  }
0x38: {  	s10 =	sld [smem:$0x3FB7]  }
0x39: {  	_ = 	snop;
	(pc) =	sbr.ind lr, $3  }
0x3a: {  	_ = 	snop  }
0x3b: {  	_ = 	snop  }
0x3c: {  	p2 =	seq.s32 s10, $0x1;
	s10 =	sld [smem:$0x3FB6]  }
0x3d: {  	_ =	shalt  }
0x3e: {  	_ =	shalt  }
0x3f: {  	_ =	shalt  }
0x40: {  	_ =	shalt  }
0x41: {  	_ =	shalt  }
0x42: {  	_ =	shalt  }
0x43: {  	_ =	shalt  }
0x44: {  	_ =	shalt  }
0x45: {  	_ =	shalt  }
0x46: {  	_ =	shalt  }
0x47: {  	_ =	shalt  }
0x48: {  	_ =	shalt  }
0x49: {  	_ =	shalt  }
0x4a: {  	_ =	shalt  }
0x4b: {  	_ =	shalt  }
0x4c: {  	_ =	shalt  }
0x4d: {  	_ =	shalt  }
0x4e: {  	_ =	shalt  }
0x4f: {  	_ =	shalt  }
0x50: {  	_ =	shalt  }
0x51: {  	_ =	shalt  }
0x52: {  	_ =	shalt  }
0x53: {  	_ =	shalt  }
0x54: {  	_ =	shalt  }
0x55: {  	_ =	shalt  }
0x56: {  	_ =	shalt  }
0x57: {  	_ =	shalt  }
0x58: {  	_ =	shalt  }
0x59: {  	_ =	shalt  }
0x5a: {  	_ =	shalt  }
0x5b: {  	_ =	shalt  }
0x5c: {  	_ =	shalt  }
0x5d: {  	_ =	shalt  }
0x5e: {  	_ =	shalt  }
0x5f: {  	_ =	shalt  }
0x60: {  	_ =	shalt  }
0x61: {  	_ =	shalt  }
0x62: {  	_ =	shalt  }
0x63: {  	_ =	shalt  }
0x64: {  	_ =	shalt  }
0x65: {  	_ =	shalt  }
0x66: {  	_ =	shalt  }
0x67: {  	_ =	shalt  }
0x68: {  	_ =	shalt  }
0x69: {  	_ =	shalt  }
0x6a: {  	_ =	shalt  }
0x6b: {  	_ =	shalt  }
0x6c: {  	_ =	shalt  }
0x6d: {  	_ =	shalt  }
0x6e: {  	_ =	shalt  }
0x6f: {  	_ =	shalt  }
0x70: {  	_ =	shalt  }
0x71: {  	_ =	shalt  }
0x72: {  	_ =	shalt  }
0x73: {  	_ =	shalt  }
0x74: {  	_ =	shalt  }
0x75: {  	_ =	shalt  }
0x76: {  	_ =	shalt  }
0x77: {  	_ =	shalt  }
0x78: {  	_ =	shalt  }
0x79: {  	_ =	shalt  }
0x7a: {  	_ =	shalt  }
0x7b: {  	_ =	shalt  }
0x7c: {  	_ =	shalt  }
0x7d: {  	_ =	shalt  }
0x7e: {  	_ =	shalt  }
0x7f: {  	_ =	shalt  }
0x80: {  	_ =	shalt  }
0x81: {  	_ =	shalt  }
0x82: {  	_ =	shalt  }
0x83: {  	_ =	shalt  }
0x84: {  	_ =	shalt  }
0x85: {  	_ =	shalt  }
0x86: {  	_ =	shalt  }
0x87: {  	_ =	shalt  }
.Lfunc_end0:
.L_simem_size_0:
called_computation_lowered:
.L_overlay_start_0:
0x88: {  	s2 =	sld [smem:$0x3FD9]  }
0x89: {  	s3 =	sld [smem:$0x3FFE];
	_ =	sdelay $0x1  }
0x8a: {  	s1 =	srdreg.scid  }
0x8b: {  	s0 =	sand.u32 $0x1, s1  }
0x8c: {  	s17 =	sshll.u32 s0, $0xA;
	s2 =	sadd.s32 s3, s2  }
0x8d: {  	s2 =	sadd.s32 s2, s17  }
0x8e: {  	[smem:$0x3FC2] =	sst s2  }
0x8f: {  	_ = 	snop  }
0x90: {  	s2 =	sld [smem:$0x3FD0];
	(tm) =	ssettm $0x1  }
0x91: {  	s18 =	sld [smem:$0x3FFB];
	_ =	sdelay $0x3  }
0x92: {  	_ =	strace s18  }
0x93: {  	s3 =	sld [smem:$0x3FFC];
	_ =	sdelay $0x3  }
0x94: {  	_ =	strace s3  }
0x95: {  	s3 =	sld [smem:$0x3FFD];
	_ =	sdelay $0x3  }
0x96: {  	_ =	strace s3  }
0x97: {  	_ =	strace $0x8FFFFFFF  }
0x98: {  	s19 =	sld [smem:$0x3FDB];
	_ =	sdelay $0x1  }
0x99: {  	s4 =	simm.s32 $_scs_section_size  }
0x9a: {  	s5 =	simm.s32 $_size__tile_overlayer_lowered;
	s6 =	simm.s32 $_tile_overlayer_lowered  }
0x9b: {  	s22 =	simm.s32 $0x1BFF;
	s21 =	sshll.u32 s6, $0x1;
	s3 =	sadd.s32 s4, s19  }
0x9c: {  	s7 =	simm.s32 $0x0;
	s20 =	sshll.u32 s5, $0x1;
	s5 =	sadd.s32 s21, s3  }
0x9d: {  	[timem:s7], [sflag:s22] =	dma.local [hbm:s5], s20  }
0x9e: {  	_ =	swait.ge [sflag:s22], s20  }
0x9f: {  	s4 =	ssub.s32 $0x0, s20;
	[sflag:s22] =	ssyncset.done $0x0  }
0xa0: {  	[sflag:s22] =	ssyncadd.s32 s4;
	_ =	sdelay $0x1  }
0xa1: {  	s23 =	simm.s32 $0x1B8B  }
0xa2: {  	_ =	swait.ge [sflag:s23], $0x1  }
0xa3: {  	[sflag:s23] =	ssyncset.done $0x0  }
0xa4: {  	s25 =	simm.s32 $0x1B8E;
	s24 =	sld [smem:$0x3FFE];
	[sflag:s23] =	ssyncadd.s32 $0xFFFFFFFF  }
0xa5: {  	s26 =	simm.s32 $execute0_lowered;
	[smem:$0x3FD2] =	sst s25  }
0xa6: {  	s5 =	sshll.u32 s26, $0x1;
	_ =	strace $0x80000046;
	[dreg:$0x1] =	wrdreg $0xFFFFFFFF  }
0xa7: {  	s28 =	simm.s32 $_size_execute0_lowered;
	s3 =	sadd.s32 s3, s5;
	[dreg:$0x0] =	wrdreg $0x0  }
0xa8: {  	s5 =	sshll.u32 s28, $0x1;
	[dreg:$0x2] =	wrdreg s3  }
0xa9: {  	[dreg:$0x3] =	wrdreg s5  }
0xaa: {  	[dreg:$0x4] =	wrdreg $0xC0  }
0xab: {  	_ =	task [dreg:s7], $0x5FFFF  }
0xac: {  	[dreg:$0x1] =	wrdreg $0xFFFFFFFF  }
0xad: {  	[dreg:$0x0] =	wrdreg $0x60  }
0xae: {  	[dreg:$0x2] =	wrdreg s2  }
0xaf: {  	[dreg:$0x3] =	wrdreg s24  }
0xb0: {  	[dreg:$0x4] =	wrdreg $0x15000  }
0xb1: {  	[dreg:$0x5] =	wrdreg $0x17800  }
0xb2: {  	[dreg:$0x6] =	wrdreg $0x1A000  }
0xb3: {  	[dreg:$0x7] =	wrdreg $0x1C800  }
0xb4: {  	[dreg:$0x8] =	wrdreg $0x9  }
0xb5: {  	_ =	task.clear_ibuf [dreg:s7], $0x9FFFF;
	_ =	strace $0x90000046  }
0xb6: {  	s29 =	simm.s32 $0x9;
	_ =	strace $0x80000048  }
0xb7: {  	_ =	swait.ge [sflag:s29], $0x1  }
0xb8: {  	[sflag:s29] =	ssyncadd.s32 $0xFFFFFFFF  }
0xb9: {  	_ =	strace $0x90000048  }
0xba: {  	_ =	sfence  }
0xbb: {  	s30 =	sld [smem:$0x0];
	_ =	sdelay $0x2  }
0xbc: {  	s31 =	sshll.u32 s1, $0xD;
	s1 =	sshrl.u32 s1, $0x2  }
0xbd: {  	s3 =	sand.u32 $0x4000, s31;
	s1 =	sadd.s32 s1, s30  }
0xbe: {  	s0 =	sor.u32 s3, s0;
	s1 =	sshll.u32 s1, $0x11  }
0xbf: {  	s0 =	sor.u32 s1, s0  }
0xc0: {  	s0 =	sadd.s32 $0x8F2B, s0  }
0xc1: {  	[sflag:s0] =	ssyncadd.remote.s32 $0x1  }
0xc2: {  	_ =	sfence.sel $0xFFFF  }
0xc3: {  	[dreg:$0x0] =	wrdreg $0xFFFFFFFF;
	(pc) =	sbr.abs _section_cstart, $3  }
0xc4: {  	[dreg:$0x1] =	wrdreg $0xFFFFFFFF  }
0xc5: {  	_ =	task.clear_ibuf [dreg:s7], $0x2FFFF;
	_ =	strace $0x9FFFFFFF  }
0xc6: {  	(tm) =	ssettm $0x7FFFFFFF  }
0xc7: {  	_ =	shalt  }
tec
execute0_lowered:
.L_overlay_start_1:
0x0: {  	(tag) =	ssettag $0x1  }
0x1: {  	s0 =	rddreg [dreg:$0x0]  }
0x2: {  	s2 =	rddreg [dreg:$0x1]  }
0x3: {  	s1 =	rddreg [dreg:$0x2]  }
0x4: {  	s3 =	rddreg [dreg:$0x3]  }
0x5: {  	s4 =	rddreg [dreg:$0x4]  }
0x6: {  	s5 =	rddreg [dreg:$0x5]  }
0x7: {  	s15 =	stileid.u32;
	s7 =	srdreg.scid  }
0x8: {  	s6 =	simm.s32 $0x0;
	s23 =	simm.s32 $0x180;
	s25 =	simm.s32 $0x200  }
0x9: {  	s28 =	simm.s32 $0x280;
	s30 =	simm.s32 $0x300;
	[smem:$0x7FF] =	sst s6  }
0xa: {  	s17 =	simm.s32 $0x500;
	_ =	strace $0x80000047;
	[dreg:$0x7] =	wrdreg s23  }
0xb: {  	s12 =	smul.u32 $0x280, s15;
	s7 =	sand.u32 $0x1, s7;
	[dreg:$0x8] =	wrdreg s25  }
0xc: {  	s13 =	smul.u32 $0x5000, s15;
	s20 =	sshll.u32 s15, $0x6;
	[dreg:$0x9] =	wrdreg s28  }
0xd: {  	s15 =	simm.s32 $0x480;
	s9 =	smul.u32 $0x2800, s7;
	[dreg:$0xa] =	wrdreg s30  }
0xe: {  	s10 =	ssub.s32 $0x2, s7;
	s11 =	smul.u32 $0x50000, s7;
	[dreg:$0xc] =	wrdreg s15  }
0xf: {  	[dreg:$0xd] =	wrdreg s17;
	s23 =	simm.s32 $0x680;
	s7 =	sadd.s32 s12, s1  }
0x10: {  	s8 =	sshrl.u32 s12, $0x3;
	[dreg:$0x10] =	wrdreg s23;
	s24 =	sadd.s32 $0x80, s7  }
0x11: {  	s19 =	sshrl.u32 s10, $0x1;
	s26 =	sadd.s32 $0x100, s7;
	[dreg:$0x14] =	wrdreg s24  }
0x12: {  	s9 =	sadd.s32 s12, s9;
	s29 =	sadd.s32 $0x180, s7;
	[dreg:$0x15] =	wrdreg s26  }
0x13: {  	s14 =	ssub.s32 s10, s19;
	s31 =	sadd.s32 $0x200, s7;
	[dreg:$0x16] =	wrdreg s29  }
0x14: {  	s11 =	sadd.s32 s13, s11;
	s19 =	simm.s32 $0x580;
	[dreg:$0x17] =	wrdreg s31  }
0x15: {  	s10 =	sadd.s32 s12, s3;
	s22 =	smax.u32 s14, $0x1;
	[dreg:$0xe] =	wrdreg s19  }
0x16: {  	s18 =	sshrl.u32 s9, $0x3;
	s14 =	sadd.s32 $0x80, s10;
	[dreg:$0x13] =	wrdreg s22  }
0x17: {  	s9 =	sor.u32 $0x1C07, s20;
	s16 =	sadd.s32 $0x100, s10;
	[dreg:$0x18] =	wrdreg s14  }
0x18: {  	s13 =	sshrl.u32 s11, $0x3;
	s20 =	sadd.s32 $0x200, s10;
	[dreg:$0x19] =	wrdreg s16  }
0x19: {  	s8 =	sadd.s32 s8, s2;
	s0 =	sadd.s32 s0, s13;
	[dreg:$0x1b] =	wrdreg s20  }
0x1a: {  	s11 =	sadd.s32 s12, s4;
	s13 =	simm.s32 $0x380;
	[dreg:$0x11] =	wrdreg s0  }
0x1b: {  	s2 =	sadd.s32 s18, s2;
	s18 =	sadd.s32 $0x180, s10;
	[dreg:$0xb] =	wrdreg s13  }
0x1c: {  	s15 =	simm.s32 $0x80;
	s22 =	sadd.s32 $0x80, s11;
	[dreg:$0x1a] =	wrdreg s18  }
0x1d: {  	s17 =	simm.s32 $0x3;
	s24 =	sadd.s32 $0x100, s11;
	[dreg:$0x1c] =	wrdreg s22  }
0x1e: {  	s23 =	simm.s32 $0x700;
	s25 =	sadd.s32 $0x180, s11;
	[dreg:$0x1d] =	wrdreg s24  }
0x1f: {  	s12 =	sadd.s32 s12, s5;
	s26 =	sadd.s32 $0x200, s11;
	[dreg:$0x1e] =	wrdreg s25  }
0x20: {  	s8 =	sadd.s32 $0x16600, s8;
	s28 =	sadd.s32 $0x80, s12;
	[dreg:$0x1f] =	wrdreg s26  }
0x21: {  	s19 =	simm.s32 $0x4;
	s29 =	sadd.s32 $0x100, s12;
	[smem:$0x7FA] =	sst s28  }
0x22: {  	s30 =	sadd.s32 $0x180, s12;
	s31 =	sadd.s32 $0x200, s12;
	[smem:$0x7FB] =	sst s29  }
0x23: {  	s14 =	simm.s32 $0x1;
	s16 =	simm.s32 $0x800;
	[smem:$0x7FC] =	sst s30  }
0x24: {  	s20 =	simm.s32 $0x5;
	s21 =	sadd.s32 $0x16C00, s2;
	[smem:$0x7FD] =	sst s31  }
0x25: {  	s0 =	simm.s32 $0x7;
	s18 =	simm.s32 $0x400;
	s22 =	simm.s32 $0x2  }
0x26: {  	s24 =	simm.s32 $0x780;
	[dreg:$0x12] =	wrdreg s21;
	s21 =	simm.s32 $0x600  }
0x27: {  	v0 =	vimm.f32 $1.000000000e+00;
	s25 =	simm.s32 $0x0;
	[dreg:$0xf] =	wrdreg s21;
	s21 =	simm.s32 $0x6  }
.LBB2_1:
0x28: {  	[tilespmem:$0x800] =	vst v0  }
0x29: {  	[tilespmem:$0x810] =	vst v0  }
0x2a: {  	[tilespmem:$0x820] =	vst v0  }
0x2b: {  	[tilespmem:$0x830] =	vst v0  }
0x2c: {  	[tilespmem:$0x840] =	vst v0  }
0x2d: {  	[tilespmem:$0x850] =	vst v0  }
0x2e: {  	[tilespmem:$0x860] =	vst v0  }
0x2f: {  	[tilespmem:$0x870] =	vst v0;
	s26 =	sshrl.u32 s7, $0x3  }
0x30: {  	[spmem:s26], [sflag:s9] =	dma.local [hbm:s8], $0x50  }
0x31: {  	_ =	swait.ge [sflag:s0], $0x50  }
0x32: {  	[sflag:s0] =	ssyncset.done $0x0  }
0x33: {  	s13 =	sshrl.u32 s10, $0x3;
	[sflag:s0] =	ssyncadd.s32 $0xFFFFFFB0  }
0x34: {  	[spmem:s13], [sflag:s9] =	dma.local [hbm:s8], $0x50  }
0x35: {  	_ =	swait.ge [sflag:s0], $0x50  }
0x36: {  	[sflag:s0] =	ssyncset.done $0x0  }
0x37: {  	s29 =	sshrl.u32 s11, $0x3;
	[sflag:s0] =	ssyncadd.s32 $0xFFFFFFB0  }
0x38: {  	[spmem:s29], [sflag:s9] =	dma.local [hbm:s8], $0x50  }
0x39: {  	_ =	swait.ge [sflag:s0], $0x50  }
0x3a: {  	[sflag:s0] =	ssyncset.done $0x0  }
0x3b: {  	s30 =	sshrl.u32 s12, $0x3;
	[sflag:s0] =	ssyncadd.s32 $0xFFFFFFB0  }
0x3c: {  	[spmem:s30], [sflag:s9] =	dma.local [hbm:s8], $0x50  }
0x3d: {  	_ =	swait.ge [sflag:s0], $0x50  }
0x3e: {  	[sflag:s0] =	ssyncset.done $0x0  }
0x3f: {  	[sflag:s0] =	ssyncadd.s32 $0xFFFFFFB0  }
0x40: {  	[bflag:$0x0] =	sbarrier.arrive $0xFFFF  }
0x41: {  	s2 =	rddreg [dreg:$0x11]  }
0x42: {  	[tilespmem:s6], [sflag:$0x1] =	stream.linear.gather [hbm4b:s2+s6], $0x400, $0x38;
	[tilespmem:$0x1F00] =	vst v63  }
0x43: {  	_ =	swait.ge [sflag:s14], $0x400  }
0x44: {  	p0 =	por $0x0, $0x0;
	[sflag:s14] =	ssyncset.done $0x0  }
0x45: {  	s26 =	simm.s32 @p0 $0x3;
	[sflag:s14] =	ssyncadd.s32 $0xFFFFFC00  }
0x46: {  	_ =	swait.ge @p0 [sflag:s26], $0x80  }
0x47: {  	s28 =	simm.s32 @p0 $0x800;
	s29 =	simm.s32 @p0 $0x4;
	[sflag:s26] =	ssyncset.done @p0 $0x0  }
0x48: {  	s30 =	simm.s32 @p0 $0x0;
	[sflag:s26] =	ssyncadd.s32 @p0 $0xFFFFFF80;
	s26 =	simm.s32 @p0 $0x80  }
0x49: {  	[spmem:s1] =	stream.indirect.scatter.add.f32 @p0 [tilespmem:s28], [sflag:$0x3], $0x1, s30, s26, $0xb8;
	[tilespmem:$0x1F00] =	vst v63  }
0x4a: {  	_ =	swait.ge @p0 [sflag:s29], $0x80  }
0x4b: {  	[sflag:s29] =	ssyncset.done @p0 $0x0  }
0x4c: {  	[sflag:s29] =	ssyncadd.s32 @p0 $0xFFFFFF80;
	s29 =	simm.s32 @p0 $0x5  }
0x4d: {  	[spmem:s3] =	stream.indirect.scatter.add.f32 @p0 [tilespmem:s28], [sflag:$0x4], $0x1, s26, s26, $0xb8;
	[tilespmem:$0x1F00] =	vst v63  }
0x4e: {  	_ =	swait.ge @p0 [sflag:s29], $0x80  }
0x4f: {  	[sflag:s29] =	ssyncset.done @p0 $0x0  }
0x50: {  	s30 =	simm.s32 @p0 $0x6;
	[sflag:s29] =	ssyncadd.s32 @p0 $0xFFFFFF80;
	s29 =	simm.s32 @p0 $0x100  }
0x51: {  	[spmem:s4] =	stream.indirect.scatter.add.f32 @p0 [tilespmem:s28], [sflag:$0x5], $0x1, s29, s26, $0xb8;
	[tilespmem:$0x1F00] =	vst v63  }
0x52: {  	_ =	swait.ge @p0 [sflag:s30], $0x80  }
0x53: {  	s26 =	simm.s32 @!p0 $0x800;
	[sflag:s30] =	ssyncset.done @p0 $0x0  }
0x54: {  	s28 =	simm.s32 @!p0 $0x80;
	s29 =	simm.s32 @!p0 $0x0;
	[sflag:s30] =	ssyncadd.s32 @p0 $0xFFFFFF80  }
0x55: {  	[spmem:s1] =	stream.indirect.scatter.add.f32 @!p0 [tilespmem:s26], [sflag:$0x3], $0x1, s29, s28, $0xb8;
	[tilespmem:$0x1F00] =	vst v63  }
0x56: {  	_ = 	snop  }
0x57: {  	[spmem:s3] =	stream.indirect.scatter.add.f32 @!p0 [tilespmem:s26], [sflag:$0x4], $0x1, s28, s28, $0xb8;
	[tilespmem:$0x1F00] =	vst v63  }
0x58: {  	s29 =	simm.s32 @!p0 $0x100  }
0x59: {  	[spmem:s4] =	stream.indirect.scatter.add.f32 @!p0 [tilespmem:s26], [sflag:$0x5], $0x1, s29, s28, $0xb8;
	[tilespmem:$0x1F00] =	vst v63  }
0x5a: {  	s31 =	rddreg [dreg:$0x7]  }
0x5b: {  	[spmem:s5] =	stream.indirect.scatter.add.f32 [tilespmem:s16], [sflag:$0x6], $0x1, s31, s15, $0xb8;
	[tilespmem:$0x1F00] =	vst v63  }
0x5c: {  	_ =	swait.ge [sflag:s17], $0x80  }
0x5d: {  	s28 =	sadd.s32 $0x100, s2;
	[sflag:s17] =	ssyncset.done $0x0  }
0x5e: {  	s2 =	sadd.s32 $0xFFFFFF80, s28;
	[sflag:s17] =	ssyncadd.s32 $0xFFFFFF80  }
0x5f: {  	[tilespmem:s18], [sflag:$0x2] =	stream.linear.gather [hbm4b:s2+s6], $0x400, $0x38;
	[tilespmem:$0x1F00] =	vst v63  }
0x60: {  	s13 =	rddreg [dreg:$0x8]  }
0x61: {  	[spmem:s1] =	stream.indirect.scatter.add.f32 [tilespmem:s16], [sflag:$0x3], $0x1, s13, s15, $0xb8;
	[tilespmem:$0x1F00] =	vst v63  }
0x62: {  	_ =	swait.ge [sflag:s19], $0x80  }
0x63: {  	[sflag:s19] =	ssyncset.done $0x0  }
0x64: {  	s29 =	rddreg [dreg:$0x9];
	[sflag:s19] =	ssyncadd.s32 $0xFFFFFF80  }
0x65: {  	[spmem:s3] =	stream.indirect.scatter.add.f32 [tilespmem:s16], [sflag:$0x4], $0x1, s29, s15, $0xb8;
	[tilespmem:$0x1F00] =	vst v63  }
0x66: {  	_ =	swait.ge [sflag:s20], $0x80  }
0x67: {  	[sflag:s20] =	ssyncset.done $0x0  }
0x68: {  	s30 =	rddreg [dreg:$0xa];
	[sflag:s20] =	ssyncadd.s32 $0xFFFFFF80  }
0x69: {  	[spmem:s4] =	stream.indirect.scatter.add.f32 [tilespmem:s16], [sflag:$0x5], $0x1, s30, s15, $0xb8;
	[tilespmem:$0x1F00] =	vst v63  }
0x6a: {  	_ =	swait.ge [sflag:s21], $0x80  }
0x6b: {  	[sflag:s21] =	ssyncset.done $0x0  }
0x6c: {  	s31 =	rddreg [dreg:$0xb];
	[sflag:s21] =	ssyncadd.s32 $0xFFFFFF80  }
0x6d: {  	[spmem:s5] =	stream.indirect.scatter.add.f32 [tilespmem:s16], [sflag:$0x6], $0x1, s31, s15, $0xb8;
	[tilespmem:$0x1F00] =	vst v63  }
0x6e: {  	_ =	swait.ge [sflag:s17], $0x80  }
0x6f: {  	[sflag:s17] =	ssyncset.done $0x0  }
0x70: {  	[sflag:s17] =	ssyncadd.s32 $0xFFFFFF80  }
0x71: {  	_ =	swait.ge [sflag:s22], $0x400  }
0x72: {  	[sflag:s22] =	ssyncset.done $0x0  }
0x73: {  	[sflag:s22] =	ssyncadd.s32 $0xFFFFFC00  }
0x74: {  	[spmem:s1] =	stream.indirect.scatter.add.f32 [tilespmem:s16], [sflag:$0x3], $0x1, s18, s15, $0xb8;
	[tilespmem:$0x1F00] =	vst v63  }
0x75: {  	_ =	swait.ge [sflag:s19], $0x80  }
0x76: {  	[sflag:s19] =	ssyncset.done $0x0  }
0x77: {  	s2 =	rddreg [dreg:$0xc];
	[sflag:s19] =	ssyncadd.s32 $0xFFFFFF80  }
0x78: {  	[spmem:s3] =	stream.indirect.scatter.add.f32 [tilespmem:s16], [sflag:$0x4], $0x1, s2, s15, $0xb8;
	[tilespmem:$0x1F00] =	vst v63  }
0x79: {  	_ =	swait.ge [sflag:s20], $0x80  }
0x7a: {  	[sflag:s20] =	ssyncset.done $0x0  }
0x7b: {  	s13 =	rddreg [dreg:$0xd];
	[sflag:s20] =	ssyncadd.s32 $0xFFFFFF80  }
0x7c: {  	[spmem:s4] =	stream.indirect.scatter.add.f32 [tilespmem:s16], [sflag:$0x5], $0x1, s13, s15, $0xb8;
	[tilespmem:$0x1F00] =	vst v63  }
0x7d: {  	_ =	swait.ge [sflag:s21], $0x80  }
0x7e: {  	[sflag:s21] =	ssyncset.done $0x0  }
0x7f: {  	s29 =	rddreg [dreg:$0xe];
	[sflag:s21] =	ssyncadd.s32 $0xFFFFFF80  }
0x80: {  	[spmem:s5] =	stream.indirect.scatter.add.f32 [tilespmem:s16], [sflag:$0x6], $0x1, s29, s15, $0xb8;
	[tilespmem:$0x1F00] =	vst v63  }
0x81: {  	_ =	swait.ge [sflag:s17], $0x80  }
0x82: {  	p0 =	por $0x0, $0x0;
	[sflag:s17] =	ssyncset.done $0x0  }
0x83: {  	s26 =	simm.s32 @!p0 $0x0;
	[sflag:s17] =	ssyncadd.s32 $0xFFFFFF80  }
0x84: {  	[tilespmem:s26], [sflag:$0x1] =	stream.linear.gather @!p0 [hbm4b:s28+s26], $0x400, $0x38;
	[tilespmem:$0x1F00] =	vst v63  }
0x85: {  	s30 =	rddreg [dreg:$0xf]  }
0x86: {  	[spmem:s1] =	stream.indirect.scatter.add.f32 [tilespmem:s16], [sflag:$0x3], $0x1, s30, s15, $0xb8;
	[tilespmem:$0x1F00] =	vst v63  }
0x87: {  	_ =	swait.ge [sflag:s19], $0x80  }
0x88: {  	[sflag:s19] =	ssyncset.done $0x0  }
0x89: {  	s31 =	rddreg [dreg:$0x10];
	[sflag:s19] =	ssyncadd.s32 $0xFFFFFF80  }
0x8a: {  	[spmem:s3] =	stream.indirect.scatter.add.f32 [tilespmem:s16], [sflag:$0x4], $0x1, s31, s15, $0xb8;
	[tilespmem:$0x1F00] =	vst v63  }
0x8b: {  	_ =	swait.ge [sflag:s20], $0x80  }
0x8c: {  	[sflag:s20] =	ssyncset.done $0x0  }
0x8d: {  	[sflag:s20] =	ssyncadd.s32 $0xFFFFFF80  }
0x8e: {  	[spmem:s4] =	stream.indirect.scatter.add.f32 [tilespmem:s16], [sflag:$0x5], $0x1, s23, s15, $0xb8;
	[tilespmem:$0x1F00] =	vst v63  }
0x8f: {  	_ =	swait.ge [sflag:s21], $0x80  }
0x90: {  	[sflag:s21] =	ssyncset.done $0x0  }
0x91: {  	s26 =	simm.s32 $0x0;
	s28 =	sadd.s32 $0x100, s28;
	[sflag:s21] =	ssyncadd.s32 $0xFFFFFF80  }
.LBB2_2:
0x92: {  	[spmem:s5] =	stream.indirect.scatter.add.f32 [tilespmem:s16], [sflag:$0x6], $0x1, s24, s15, $0xb8;
	[tilespmem:$0x1F00] =	vst v63  }
0x93: {  	s29 =	smov.u32 s26;
	_ =	swait.ge [sflag:s14], $0x400  }
0x94: {  	p1 =	slt.u32 s29, $0xA0;
	[sflag:s14] =	ssyncset.done $0x0  }
0x95: {  	s30 =	simm.s32 @p1 $0x3;
	[sflag:s14] =	ssyncadd.s32 $0xFFFFFC00  }
0x96: {  	_ =	swait.ge @p1 [sflag:s30], $0x80  }
0x97: {  	s31 =	simm.s32 @p1 $0x800;
	s2 =	simm.s32 @p1 $0x4;
	[sflag:s30] =	ssyncset.done @p1 $0x0  }
0x98: {  	s13 =	simm.s32 @p1 $0x0;
	[sflag:s30] =	ssyncadd.s32 @p1 $0xFFFFFF80;
	s30 =	simm.s32 @p1 $0x80  }
0x99: {  	[spmem:s1] =	stream.indirect.scatter.add.f32 @p1 [tilespmem:s31], [sflag:$0x3], $0x1, s13, s30, $0xb8;
	[tilespmem:$0x1F00] =	vst v63  }
0x9a: {  	_ =	swait.ge @p1 [sflag:s2], $0x80  }
0x9b: {  	[sflag:s2] =	ssyncset.done @p1 $0x0  }
0x9c: {  	[sflag:s2] =	ssyncadd.s32 @p1 $0xFFFFFF80;
	s2 =	simm.s32 @p1 $0x5  }
0x9d: {  	[spmem:s3] =	stream.indirect.scatter.add.f32 @p1 [tilespmem:s31], [sflag:$0x4], $0x1, s30, s30, $0xb8;
	[tilespmem:$0x1F00] =	vst v63  }
0x9e: {  	_ =	swait.ge @p1 [sflag:s2], $0x80  }
0x9f: {  	[sflag:s2] =	ssyncset.done @p1 $0x0  }
0xa0: {  	s13 =	simm.s32 @p1 $0x6;
	[sflag:s2] =	ssyncadd.s32 @p1 $0xFFFFFF80;
	s2 =	simm.s32 @p1 $0x100  }
0xa1: {  	[spmem:s4] =	stream.indirect.scatter.add.f32 @p1 [tilespmem:s31], [sflag:$0x5], $0x1, s2, s30, $0xb8;
	[tilespmem:$0x1F00] =	vst v63  }
0xa2: {  	_ =	swait.ge @p1 [sflag:s13], $0x80  }
0xa3: {  	s2 =	simm.s32 @!p1 $0x800;
	[sflag:s13] =	ssyncset.done @p1 $0x0  }
0xa4: {  	s30 =	simm.s32 @!p1 $0x0;
	[sflag:s13] =	ssyncadd.s32 @p1 $0xFFFFFF80;
	s13 =	simm.s32 @!p1 $0x80  }
0xa5: {  	[spmem:s1] =	stream.indirect.scatter.add.f32 @!p1 [tilespmem:s2], [sflag:$0x3], $0x1, s30, s13, $0xb8;
	[tilespmem:$0x1F00] =	vst v63  }
0xa6: {  	_ = 	snop  }
0xa7: {  	[spmem:s3] =	stream.indirect.scatter.add.f32 @!p1 [tilespmem:s2], [sflag:$0x4], $0x1, s13, s13, $0xb8;
	[tilespmem:$0x1F00] =	vst v63  }
0xa8: {  	s30 =	simm.s32 @!p1 $0x100  }
0xa9: {  	[spmem:s4] =	stream.indirect.scatter.add.f32 @!p1 [tilespmem:s2], [sflag:$0x5], $0x1, s30, s13, $0xb8;
	[tilespmem:$0x1F00] =	vst v63  }
0xaa: {  	s31 =	rddreg [dreg:$0x7]  }
0xab: {  	[spmem:s5] =	stream.indirect.scatter.add.f32 [tilespmem:s16], [sflag:$0x6], $0x1, s31, s15, $0xb8;
	[tilespmem:$0x1F00] =	vst v63  }
0xac: {  	_ =	swait.ge [sflag:s17], $0x80  }
0xad: {  	[sflag:s17] =	ssyncset.done $0x0  }
0xae: {  	s30 =	sadd.s32 $0xFFFFFF80, s28;
	[sflag:s17] =	ssyncadd.s32 $0xFFFFFF80  }
0xaf: {  	[tilespmem:s18], [sflag:$0x2] =	stream.linear.gather [hbm4b:s30+s6], $0x400, $0x38;
	[tilespmem:$0x1F00] =	vst v63  }
0xb0: {  	s31 =	rddreg [dreg:$0x8]  }
0xb1: {  	[spmem:s1] =	stream.indirect.scatter.add.f32 [tilespmem:s16], [sflag:$0x3], $0x1, s31, s15, $0xb8;
	[tilespmem:$0x1F00] =	vst v63  }
0xb2: {  	_ =	swait.ge [sflag:s19], $0x80  }
0xb3: {  	[sflag:s19] =	ssyncset.done $0x0  }
0xb4: {  	s30 =	rddreg [dreg:$0x9];
	[sflag:s19] =	ssyncadd.s32 $0xFFFFFF80  }
0xb5: {  	[spmem:s3] =	stream.indirect.scatter.add.f32 [tilespmem:s16], [sflag:$0x4], $0x1, s30, s15, $0xb8;
	[tilespmem:$0x1F00] =	vst v63  }
0xb6: {  	_ =	swait.ge [sflag:s20], $0x80  }
0xb7: {  	[sflag:s20] =	ssyncset.done $0x0  }
0xb8: {  	s31 =	rddreg [dreg:$0xa];
	[sflag:s20] =	ssyncadd.s32 $0xFFFFFF80  }
0xb9: {  	[spmem:s4] =	stream.indirect.scatter.add.f32 [tilespmem:s16], [sflag:$0x5], $0x1, s31, s15, $0xb8;
	[tilespmem:$0x1F00] =	vst v63  }
0xba: {  	_ =	swait.ge [sflag:s21], $0x80  }
0xbb: {  	[sflag:s21] =	ssyncset.done $0x0  }
0xbc: {  	s13 =	rddreg [dreg:$0xb];
	[sflag:s21] =	ssyncadd.s32 $0xFFFFFF80  }
0xbd: {  	[spmem:s5] =	stream.indirect.scatter.add.f32 [tilespmem:s16], [sflag:$0x6], $0x1, s13, s15, $0xb8;
	[tilespmem:$0x1F00] =	vst v63  }
0xbe: {  	_ =	swait.ge [sflag:s17], $0x80  }
0xbf: {  	[sflag:s17] =	ssyncset.done $0x0  }
0xc0: {  	[sflag:s17] =	ssyncadd.s32 $0xFFFFFF80  }
0xc1: {  	_ =	swait.ge [sflag:s22], $0x400  }
0xc2: {  	[sflag:s22] =	ssyncset.done $0x0  }
0xc3: {  	[sflag:s22] =	ssyncadd.s32 $0xFFFFFC00  }
0xc4: {  	[spmem:s1] =	stream.indirect.scatter.add.f32 [tilespmem:s16], [sflag:$0x3], $0x1, s18, s15, $0xb8;
	[tilespmem:$0x1F00] =	vst v63  }
0xc5: {  	_ =	swait.ge [sflag:s19], $0x80  }
0xc6: {  	[sflag:s19] =	ssyncset.done $0x0  }
0xc7: {  	s30 =	rddreg [dreg:$0xc];
	[sflag:s19] =	ssyncadd.s32 $0xFFFFFF80  }
0xc8: {  	[spmem:s3] =	stream.indirect.scatter.add.f32 [tilespmem:s16], [sflag:$0x4], $0x1, s30, s15, $0xb8;
	[tilespmem:$0x1F00] =	vst v63  }
0xc9: {  	_ =	swait.ge [sflag:s20], $0x80  }
0xca: {  	[sflag:s20] =	ssyncset.done $0x0  }
0xcb: {  	s31 =	rddreg [dreg:$0xd];
	[sflag:s20] =	ssyncadd.s32 $0xFFFFFF80  }
0xcc: {  	[spmem:s4] =	stream.indirect.scatter.add.f32 [tilespmem:s16], [sflag:$0x5], $0x1, s31, s15, $0xb8;
	[tilespmem:$0x1F00] =	vst v63  }
0xcd: {  	_ =	swait.ge [sflag:s21], $0x80  }
0xce: {  	[sflag:s21] =	ssyncset.done $0x0  }
0xcf: {  	s13 =	rddreg [dreg:$0xe];
	[sflag:s21] =	ssyncadd.s32 $0xFFFFFF80  }
0xd0: {  	[spmem:s5] =	stream.indirect.scatter.add.f32 [tilespmem:s16], [sflag:$0x6], $0x1, s13, s15, $0xb8;
	[tilespmem:$0x1F00] =	vst v63  }
0xd1: {  	_ =	swait.ge [sflag:s17], $0x80  }
0xd2: {  	p1 =	seq.s32 s29, $0x80;
	[sflag:s17] =	ssyncset.done $0x0  }
0xd3: {  	s2 =	simm.s32 @!p1 $0x0;
	[sflag:s17] =	ssyncadd.s32 $0xFFFFFF80  }
0xd4: {  	[tilespmem:s2], [sflag:$0x1] =	stream.linear.gather @!p1 [hbm4b:s28+s2], $0x400, $0x38;
	[tilespmem:$0x1F00] =	vst v63  }
0xd5: {  	s30 =	rddreg [dreg:$0xf]  }
0xd6: {  	[spmem:s1] =	stream.indirect.scatter.add.f32 [tilespmem:s16], [sflag:$0x3], $0x1, s30, s15, $0xb8;
	[tilespmem:$0x1F00] =	vst v63  }
0xd7: {  	_ =	swait.ge [sflag:s19], $0x80  }
0xd8: {  	[sflag:s19] =	ssyncset.done $0x0  }
0xd9: {  	s31 =	rddreg [dreg:$0x10];
	[sflag:s19] =	ssyncadd.s32 $0xFFFFFF80  }
0xda: {  	[spmem:s3] =	stream.indirect.scatter.add.f32 [tilespmem:s16], [sflag:$0x4], $0x1, s31, s15, $0xb8;
	[tilespmem:$0x1F00] =	vst v63  }
0xdb: {  	s26 =	sadd.s32 $0x10, s26;
	_ =	swait.ge [sflag:s20], $0x80  }
0xdc: {  	p0 =	sne.s32 s26, $0x90;
	[sflag:s20] =	ssyncset.done $0x0  }
.Ltmp0:
0xdd: {  	[sflag:s20] =	ssyncadd.s32 $0xFFFFFF80;
	(pc) =	sbr.rel @p0 .LBB2_2-.Ltmp0, $4  }
0xde: {  	[spmem:s4] =	stream.indirect.scatter.add.f32 [tilespmem:s16], [sflag:$0x5], $0x1, s23, s15, $0xb8;
	[tilespmem:$0x1F00] =	vst v63  }
0xdf: {  	_ =	swait.ge [sflag:s21], $0x80  }
0xe0: {  	[sflag:s21] =	ssyncset.done $0x0  }
0xe1: {  	s28 =	sadd.s32 $0x100, s28;
	[sflag:s21] =	ssyncadd.s32 $0xFFFFFF80  }
0xe2: {  	[spmem:s5] =	stream.indirect.scatter.add.f32 [tilespmem:s16], [sflag:$0x6], $0x1, s24, s15, $0xb8;
	[tilespmem:$0x1F00] =	vst v63  }
0xe3: {  	_ =	swait.ge [sflag:s17], $0x80  }
0xe4: {  	[sflag:s17] =	ssyncset.done $0x0  }
0xe5: {  	[sflag:s17] =	ssyncadd.s32 $0xFFFFFF80  }
0xe6: {  	_ =	swait.ge [sflag:s19], $0x80  }
0xe7: {  	[sflag:s19] =	ssyncset.done $0x0  }
0xe8: {  	[sflag:s19] =	ssyncadd.s32 $0xFFFFFF80  }
0xe9: {  	_ =	swait.ge [sflag:s20], $0x80  }
0xea: {  	[sflag:s20] =	ssyncset.done $0x0  }
0xeb: {  	[sflag:s20] =	ssyncadd.s32 $0xFFFFFF80  }
0xec: {  	_ =	swait.ge [sflag:s21], $0x80  }
0xed: {  	[sflag:s21] =	ssyncset.done $0x0  }
0xee: {  	[sflag:s21] =	ssyncadd.s32 $0xFFFFFF80  }
0xef: {  	s2 =	simm.s32 $0x880;
	[bflag:$0x0] =	sbarrier.arrive $0xFFFF  }
0xf0: {  	[tilespmem:s2], [sflag:$0x7] =	stream.linear.gather [spmem:s7], $0x80, $0x38;
	[tilespmem:$0x1F00] =	vst v63  }
0xf1: {  	s13 =	simm.s32 $0xA80;
	s31 =	rddreg [dreg:$0x14]  }
0xf2: {  	[tilespmem:s13], [sflag:$0x7] =	stream.linear.gather [spmem:s31], $0x80, $0x38;
	[tilespmem:$0x1F00] =	vst v63  }
0xf3: {  	s26 =	rddreg [dreg:$0x15];
	s31 =	simm.s32 $0xC80  }
0xf4: {  	[tilespmem:s31], [sflag:$0x7] =	stream.linear.gather [spmem:s26], $0x80, $0x38;
	[tilespmem:$0x1F00] =	vst v63  }
0xf5: {  	s26 =	rddreg [dreg:$0x16];
	s31 =	simm.s32 $0xE80  }
0xf6: {  	[tilespmem:s31], [sflag:$0x7] =	stream.linear.gather [spmem:s26], $0x80, $0x38;
	[tilespmem:$0x1F00] =	vst v63  }
0xf7: {  	s26 =	rddreg [dreg:$0x17];
	s31 =	simm.s32 $0x1080  }
0xf8: {  	[tilespmem:s31], [sflag:$0x7] =	stream.linear.gather [spmem:s26], $0x80, $0x38;
	[tilespmem:$0x1F00] =	vst v63  }
0xf9: {  	_ =	swait.ge [sflag:s0], $0x280  }
0xfa: {  	[sflag:s0] =	ssyncset.done $0x0  }
0xfb: {  	s13 =	simm.s32 $0x900;
	[sflag:s0] =	ssyncadd.s32 $0xFFFFFD80  }
0xfc: {  	[tilespmem:s13], [sflag:$0x7] =	stream.linear.gather [spmem:s10], $0x80, $0x38;
	[tilespmem:$0x1F00] =	vst v63  }
0xfd: {  	s31 =	simm.s32 $0xB00;
	s26 =	rddreg [dreg:$0x18]  }
0xfe: {  	[tilespmem:s31], [sflag:$0x7] =	stream.linear.gather [spmem:s26], $0x80, $0x38;
	[tilespmem:$0x1F00] =	vst v63  }
0xff: {  	s26 =	rddreg [dreg:$0x19];
	s31 =	simm.s32 $0xD00  }
0x100: {  	[tilespmem:s31], [sflag:$0x7] =	stream.linear.gather [spmem:s26], $0x80, $0x38;
	[tilespmem:$0x1F00] =	vst v63  }
0x101: {  	s26 =	rddreg [dreg:$0x1a];
	s31 =	simm.s32 $0xF00  }
0x102: {  	[tilespmem:s31], [sflag:$0x7] =	stream.linear.gather [spmem:s26], $0x80, $0x38;
	[tilespmem:$0x1F00] =	vst v63  }
0x103: {  	s26 =	rddreg [dreg:$0x1b];
	s31 =	simm.s32 $0x1100  }
0x104: {  	[tilespmem:s31], [sflag:$0x7] =	stream.linear.gather [spmem:s26], $0x80, $0x38;
	[tilespmem:$0x1F00] =	vst v63  }
0x105: {  	_ =	swait.ge [sflag:s0], $0x280  }
0x106: {  	[sflag:s0] =	ssyncset.done $0x0  }
0x107: {  	s13 =	simm.s32 $0x980;
	[sflag:s0] =	ssyncadd.s32 $0xFFFFFD80  }
0x108: {  	[tilespmem:s13], [sflag:$0x7] =	stream.linear.gather [spmem:s11], $0x80, $0x38;
	[tilespmem:$0x1F00] =	vst v63  }
0x109: {  	s31 =	simm.s32 $0xB80;
	s26 =	rddreg [dreg:$0x1c]  }
0x10a: {  	[tilespmem:s31], [sflag:$0x7] =	stream.linear.gather [spmem:s26], $0x80, $0x38;
	[tilespmem:$0x1F00] =	vst v63  }
0x10b: {  	s26 =	rddreg [dreg:$0x1d];
	s31 =	simm.s32 $0xD80  }
0x10c: {  	[tilespmem:s31], [sflag:$0x7] =	stream.linear.gather [spmem:s26], $0x80, $0x38;
	[tilespmem:$0x1F00] =	vst v63  }
0x10d: {  	s26 =	rddreg [dreg:$0x1e];
	s31 =	simm.s32 $0xF80  }
0x10e: {  	[tilespmem:s31], [sflag:$0x7] =	stream.linear.gather [spmem:s26], $0x80, $0x38;
	[tilespmem:$0x1F00] =	vst v63  }
0x10f: {  	s26 =	rddreg [dreg:$0x1f];
	s31 =	simm.s32 $0x1180  }
0x110: {  	[tilespmem:s31], [sflag:$0x7] =	stream.linear.gather [spmem:s26], $0x80, $0x38;
	[tilespmem:$0x1F00] =	vst v63  }
0x111: {  	_ =	swait.ge [sflag:s0], $0x280  }
0x112: {  	[sflag:s0] =	ssyncset.done $0x0  }
0x113: {  	s13 =	simm.s32 $0xA00;
	s26 =	sld [smem:$0x7FA];
	[sflag:s0] =	ssyncadd.s32 $0xFFFFFD80  }
0x114: {  	[tilespmem:s13], [sflag:$0x7] =	stream.linear.gather [spmem:s12], $0x80, $0x38;
	[tilespmem:$0x1F00] =	vst v63  }
0x115: {  	s31 =	simm.s32 $0xC00  }
0x116: {  	[tilespmem:s31], [sflag:$0x7] =	stream.linear.gather [spmem:s26], $0x80, $0x38;
	[tilespmem:$0x1F00] =	vst v63  }
0x117: {  	s26 =	sld [smem:$0x7FB];
	_ =	sdelay $0x1  }
0x118: {  	s31 =	simm.s32 $0xE00  }
0x119: {  	[tilespmem:s31], [sflag:$0x7] =	stream.linear.gather [spmem:s26], $0x80, $0x38;
	[tilespmem:$0x1F00] =	vst v63  }
0x11a: {  	s26 =	sld [smem:$0x7FC];
	_ =	sdelay $0x1  }
0x11b: {  	s31 =	simm.s32 $0x1000  }
0x11c: {  	[tilespmem:s31], [sflag:$0x7] =	stream.linear.gather [spmem:s26], $0x80, $0x38;
	[tilespmem:$0x1F00] =	vst v63  }
0x11d: {  	s26 =	sld [smem:$0x7FD];
	_ =	sdelay $0x1  }
0x11e: {  	s31 =	simm.s32 $0x1200  }
0x11f: {  	[tilespmem:s31], [sflag:$0x7] =	stream.linear.gather [spmem:s26], $0x80, $0x38;
	[tilespmem:$0x1F00] =	vst v63  }
0x120: {  	s29 =	simm.s32 $0x10;
	s26 =	simm.s32 $0x0;
	_ =	swait.ge [sflag:s0], $0x280  }
0x121: {  	s13 =	sand.u32 $0x70, s26;
	s31 =	sand.u32 $0xE00, s26;
	[sflag:s0] =	ssyncset.done $0x0  }
0x122: {  	s28 =	simm.s32 $0x0;
	s30 =	sor.u32 s13, s31;
	[sflag:s0] =	ssyncadd.s32 $0xFFFFFD80  }
.LBB2_4:
0x123: {  	p0 =	sne.s32 s29, $0x270;
	v1 =	vld [tilespmem:s30+$0x900]  }
0x124: {  	v2 =	vld [tilespmem:s30+$0x880];
	_ =	sdelay $0x1  }
0x125: {  	v3 =	vld [tilespmem:s30+$0x980];
	_ =	sdelay $0x1  }
0x126: {  	v4 =	vld [tilespmem:s30+$0xA00]  }
0x127: {  	v1 =	vadd.f32 v1, v2;
	_ =	sdelay $0x1  }
.Ltmp1:
0x128: {  	v1 =	vadd.f32 v3, v1;
	(pc) =	sbr.rel @p0 .LBB2_4-.Ltmp1, $4  }
0x129: {  	_ = 	snop  }
0x12a: {  	s26 =	sadd.s32 $0x40, s26;
	v1 =	vadd.f32 v4, v1  }
0x12b: {  	s2 =	sand.u32 $0x70, s29;
	s28 =	sshra.s32 s28, $0x2;
	s13 =	sand.u32 $0xE00, s26  }
0x12c: {  	s29 =	sadd.s32 $0x10, s29;
	s30 =	sor.u32 s2, s13;
	[tilespmem:s28+$0x1280] =	vst v1;
	s28 =	smov.u32 s26  }
0x12d: {  	v1 =	vld [tilespmem:s30+$0x900]  }
0x12e: {  	v2 =	vld [tilespmem:s30+$0x880];
	_ =	sdelay $0x1  }
0x12f: {  	v3 =	vld [tilespmem:s30+$0x980];
	_ =	sdelay $0x1  }
0x130: {  	v4 =	vld [tilespmem:s30+$0xA00]  }
0x131: {  	v1 =	vadd.f32 v1, v2;
	_ =	sdelay $0x1  }
0x132: {  	v1 =	vadd.f32 v3, v1;
	_ =	sdelay $0x1  }
0x133: {  	v1 =	vadd.f32 v4, v1  }
0x134: {  	s2 =	sshra.s32 s28, $0x2  }
0x135: {  	s30 =	rddreg [dreg:$0x12];
	s13 =	simm.s32 $0x1280;
	[tilespmem:s2+$0x1280] =	vst v1  }
0x136: {  	[hbm4b:s30+s6] =	stream.linear.scatter [tilespmem:s13], [sflag:$0x7], $0x280, $0x38;
	[tilespmem:$0x1F00] =	vst v63  }
0x137: {  	_ =	swait.ge [sflag:s0], $0x280  }
0x138: {  	s25 =	sadd.s32 $0x1, s25;
	s31 =	rddreg [dreg:$0x13]  }
0x139: {  	p0 =	sne.s32 s25, s31  }
.Ltmp2:
0x13a: {  	_ = 	snop;
	(pc) =	sbr.rel @p0 .LBB2_1-.Ltmp2, $3  }
0x13b: {  	_ =	sdelay $0x1  }
0x13c: {  	[sflag:s0] =	ssyncset.done $0x0  }
0x13d: {  	[sflag:s0] =	ssyncadd.s32 $0xFFFFFD80  }
0x13e: {  	_ =	sfence.sel $0x180000  }
0x13f: {  	[bflag:$0x0] =	sbarrier.arrive $0xFFFF  }
0x140: {  	_ =	strace $0x90000047  }
0x141: {  	s0 =	stileid.u32;
	[bflag:$0x2] =	sbarrier.arrive $0xFFFF  }
0x142: {  	p0 =	sne.s32 s0, $0x0;
	s0 =	rddreg [dreg:$0x6]  }
0x143: {  	s0 =	sadd.s32 @!p0 $0x100000, s0  }
0x144: {  	[sflag:s0] =	ssyncadd.tile.s32 @!p0 $0x1;
	_ =	shalt  }
.Lfunc_end2:
_tile_overlayer_lowered:
.L_overlay_start_2:
0x145: {  	(tag) =	ssettag $0x2  }
0x146: {  	s0 =	rddreg [dreg:$0x0];
	s2 =	stileid.u32  }
0x147: {  	s1 =	rddreg [dreg:$0x1];
	p0 =	sne.s32 s2, $0x0  }
0x148: {  	s3 =	rddreg [dreg:$0x2];
	[bflag:$0x3] =	sbarrier.arrive $0xFFFF;
	s2 =	simm.s32 @!p0 $0x1C07  }
0x149: {  	[timem:s3], [sflag:s2] =	dma.local @!p0 [hbm:s0], s1  }
0x14a: {  	s0 =	simm.s32 @!p0 $0x7  }
0x14b: {  	_ =	swait.ge @!p0 [sflag:s0], s1  }
0x14c: {  	s1 =	ssub.s32 @!p0 $0x0, s1;
	[sflag:s0] =	ssyncset.done @!p0 $0x0  }
0x14d: {  	[sflag:s0] =	ssyncadd.s32 @!p0 s1  }
0x14e: {  	[bflag:$0x3] =	sbarrier.arrive $0xFFFF  }
0x14f: {  	_ =	shalt  }

</sc_bundles>
